<compile_context>
chip_gen: v7x
topology: tpu7x:2x2x1
jax: 0.10.2.dev20260603
libtpu: 0.0.44.dev20260713+nightly
codegen_flags: <defaults>
</compile_context>

<pallas_src>
import functools

import jax
import jax.numpy as jnp
from jax import lax
from jax.experimental import pallas as pl
from jax.experimental.pallas import tpu as pltpu
from jax.experimental.pallas import tpu_sc as plsc

N_NODES = 10000
N_EDGES = 320000
D = 128
D_EDGE = 4
G_GRAPHS = 128
NUM_TASKS = 1

NC = 2
NS = 16
L = 16

EB = 128
NBLK = 2560
E_PAD = NBLK * EB
BPT = NBLK // NS
NPAD = 10112
RPS = NPAD // NS
DUMMY_ROW = N_NODES + 8
W16 = 16

_mesh = plsc.VectorSubcoreMesh(core_axis_name="c", subcore_axis_name="s")


def _zero_rows(ref, nrows, width):
    @pl.loop(0, nrows)
    def _(r):
        for j in range(width // L):
            ref[r, pl.ds(j * L, L)] = jnp.zeros((L,), jnp.float32)


def _zero_acc_slice(zsrc, acc, base):
    for k in range(RPS // EB):
        pltpu.sync_copy(zsrc, acc.at[pl.ds(base + k * EB, EB)])
    rem = RPS % EB
    if rem:
        pltpu.sync_copy(zsrc.at[pl.ds(0, rem)],
                        acc.at[pl.ds(base + (RPS // EB) * EB, rem)])


CHUNK = 16
BPT2 = NBLK // (NC * NS)


@functools.partial(
    pl.kernel,
    out_type=jax.ShapeDtypeStruct((NC, NPAD, D), jnp.float32),
    mesh=_mesh,
    scratch_types=[
        pltpu.VMEM((CHUNK, EB), jnp.int32),
        pltpu.VMEM((EB, D), jnp.float32),
        pltpu.VMEM_SHARED((NPAD, D), jnp.float32),
    ],
)
def _deg_kernel(dst_hbm, deg_hbm, dstv, ones, acc):
    c = lax.axis_index("c")
    s = lax.axis_index("s")
    w = s * NC + c
    _zero_rows(ones, EB, D)
    _zero_acc_slice(ones, acc, s * RPS)

    @pl.loop(0, EB)
    def _(r):
        for j in range(D // L):
            ones[r, pl.ds(j * L, L)] = jnp.full((L,), 1.0, jnp.float32)

    plsc.subcore_barrier()

    @pl.loop(0, BPT2 // CHUNK)
    def _(g):
        pltpu.sync_copy(dst_hbm.at[pl.ds(w * BPT2 + g * CHUNK, CHUNK)], dstv)

        @pl.loop(0, CHUNK)
        def _(b):
            pltpu.sync_copy(ones, acc.at[dstv.at[b]], add=True)

    plsc.subcore_barrier()

    @pl.when(c == 0)
    def _():
        pltpu.sync_copy(acc.at[pl.ds(s * RPS, RPS)],
                        deg_hbm.at[0, pl.ds(s * RPS, RPS)])

    @pl.when(c == 1)
    def _():
        pltpu.sync_copy(acc.at[pl.ds(s * RPS, RPS)],
                        deg_hbm.at[1, pl.ds(s * RPS, RPS)])


@functools.partial(
    pl.kernel,
    out_type=jax.ShapeDtypeStruct((NC, NPAD, D), jnp.float32),
    mesh=_mesh,
    scratch_types=[
        pltpu.VMEM((CHUNK, EB), jnp.int32),
        pltpu.VMEM((CHUNK, EB), jnp.int32),
        pltpu.VMEM((EB, D), jnp.float32),
        pltpu.VMEM((W16, EB), jnp.float32),
        pltpu.VMEM((EB, D), jnp.float32),
        pltpu.SemaphoreType.DMA,
        pltpu.SemaphoreType.DMA,
        pltpu.VMEM_SHARED((NPAD, D), jnp.float32),
    ],
)
def _edge_agg_kernel(norm_hbm, src_hbm, dst_hbm, ea_hbm, a_hbm,
                     srcv, dstv, nr, eav, t2, gsem, ssem, acc):
    c = lax.axis_index("c")
    s = lax.axis_index("s")
    w = s * NC + c
    _zero_rows(t2, EB, D)
    _zero_acc_slice(t2, acc, s * RPS)
    plsc.subcore_barrier()

    @pl.loop(0, BPT2 // CHUNK)
    def _(g):
        base = w * BPT2 + g * CHUNK
        pltpu.sync_copy(src_hbm.at[pl.ds(base, CHUNK)], srcv)
        pltpu.sync_copy(dst_hbm.at[pl.ds(base, CHUNK)], dstv)
        pltpu.async_copy(norm_hbm.at[srcv.at[0]], nr, gsem)

        @pl.loop(0, CHUNK)
        def _(b):
            pltpu.sync_copy(ea_hbm.at[pl.ds((base + b) * W16, W16)], eav)
            pltpu.make_async_copy(norm_hbm.at[srcv.at[b]], nr, gsem).wait()

            @pl.when(b > 0)
            def _():
                pltpu.make_async_copy(t2, acc.at[dstv.at[b]], ssem).wait()

            @pl.loop(0, W16)
            def _(r):
                for q in range(EB // W16):
                    e = r * (EB // W16) + q
                    t2[e, pl.ds(0, W16)] = (
                        nr[e, pl.ds(0, W16)] * eav[r, pl.ds(q * W16, W16)])

            pltpu.async_copy(t2, acc.at[dstv.at[b]], ssem, add=True)

            @pl.when(b + 1 < CHUNK)
            def _():
                pltpu.async_copy(norm_hbm.at[srcv.at[b + 1]], nr, gsem)

        pltpu.make_async_copy(t2, acc.at[dstv.at[0]], ssem).wait()

    plsc.subcore_barrier()

    @pl.when(c == 0)
    def _():
        pltpu.sync_copy(acc.at[pl.ds(s * RPS, RPS)],
                        a_hbm.at[0, pl.ds(s * RPS, RPS)])

    @pl.when(c == 1)
    def _():
        pltpu.sync_copy(acc.at[pl.ds(s * RPS, RPS)],
                        a_hbm.at[1, pl.ds(s * RPS, RPS)])


@functools.partial(
    pl.kernel,
    out_type=jax.ShapeDtypeStruct((NC, NPAD, D), jnp.float32),
    mesh=_mesh,
    scratch_types=[
        pltpu.VMEM((CHUNK, EB), jnp.int32),
        pltpu.VMEM((CHUNK, EB), jnp.int32),
        pltpu.VMEM((EB, D), jnp.float32),
        pltpu.VMEM((EB, D), jnp.float32),
        pltpu.SemaphoreType.DMA,
        pltpu.SemaphoreType.DMA,
        pltpu.SemaphoreType.DMA,
        pltpu.SemaphoreType.DMA,
        pltpu.VMEM_SHARED((NPAD, D), jnp.float32),
    ],
)
def _spmm_kernel(u0_hbm, u1_hbm, src_hbm, dst_hbm, s_hbm,
                 srcv, dstv, rows0, rows1, gsem0, gsem1, ssem0, ssem1, acc):
    c = lax.axis_index("c")
    s = lax.axis_index("s")
    _zero_rows(rows0, EB, D)
    _zero_acc_slice(rows0, acc, s * RPS)
    plsc.subcore_barrier()

    def run(u_hbm):
        @pl.loop(0, BPT // CHUNK)
        def _(g):
            base = s * BPT + g * CHUNK
            pltpu.sync_copy(src_hbm.at[pl.ds(base, CHUNK)], srcv)
            pltpu.sync_copy(dst_hbm.at[pl.ds(base, CHUNK)], dstv)
            pltpu.async_copy(u_hbm.at[srcv.at[0]], rows0, gsem0)

            @pl.loop(0, CHUNK, step=2)
            def _(b):
                @pl.when(b > 0)
                def _():
                    pltpu.make_async_copy(
                        rows1, acc.at[dstv.at[b]], ssem1).wait()
                pltpu.async_copy(u_hbm.at[srcv.at[b + 1]], rows1, gsem1)
                pltpu.make_async_copy(
                    u_hbm.at[srcv.at[b]], rows0, gsem0).wait()
                pltpu.async_copy(rows0, acc.at[dstv.at[b]], ssem0, add=True)

                @pl.when(b + 2 < CHUNK)
                def _():
                    pltpu.make_async_copy(
                        rows0, acc.at[dstv.at[b]], ssem0).wait()
                    pltpu.async_copy(u_hbm.at[srcv.at[b + 2]], rows0, gsem0)
                pltpu.make_async_copy(
                    u_hbm.at[srcv.at[b + 1]], rows1, gsem1).wait()
                pltpu.async_copy(rows1, acc.at[dstv.at[b + 1]], ssem1, add=True)

            pltpu.make_async_copy(rows0, acc.at[dstv.at[0]], ssem0).wait()
            pltpu.make_async_copy(rows1, acc.at[dstv.at[1]], ssem1).wait()

    @pl.when(c == 0)
    def _():
        run(u0_hbm)

    @pl.when(c == 1)
    def _():
        run(u1_hbm)

    plsc.subcore_barrier()

    @pl.when(c == 0)
    def _():
        pltpu.sync_copy(acc.at[pl.ds(s * RPS, RPS)],
                        s_hbm.at[0, pl.ds(s * RPS, RPS)])

    @pl.when(c == 1)
    def _():
        pltpu.sync_copy(acc.at[pl.ds(s * RPS, RPS)],
                        s_hbm.at[1, pl.ds(s * RPS, RPS)])


_RB = 1000


def _prep_body(x_ref, we_ref, be_ref, deg_ref, wc0_ref, wc1_ref,
               norm_ref, u0_ref, u1_ref):
    deg = deg_ref[0][:, 0:1] + deg_ref[1][:, 0:1]
    norm = lax.rsqrt(jnp.maximum(deg, 1.0))
    norm_ref[...] = jnp.broadcast_to(norm, (_RB, D))
    h0 = jnp.dot(x_ref[...], we_ref[...],
                 preferred_element_type=jnp.float32) + be_ref[...]
    hn = h0 * norm
    u0_ref[...] = jnp.dot(hn, wc0_ref[...], preferred_element_type=jnp.float32)
    u1_ref[...] = jnp.dot(hn, wc1_ref[...], preferred_element_type=jnp.float32)


def _tc_prep(x, w_enc, b_enc, deg16, wc0, wc1):
    grid = (N_NODES // _RB,)
    call = pl.pallas_call(
        _prep_body,
        grid=grid,
        in_specs=[
            pl.BlockSpec((_RB, D), lambda i: (i, 0)),
            pl.BlockSpec((D, D), lambda i: (0, 0)),
            pl.BlockSpec((1, D), lambda i: (0, 0)),
            pl.BlockSpec((2, _RB, D), lambda i: (0, i, 0)),
            pl.BlockSpec((D, D), lambda i: (0, 0)),
            pl.BlockSpec((D, D), lambda i: (0, 0)),
        ],
        out_specs=[
            pl.BlockSpec((_RB, D), lambda i: (i, 0)),
            pl.BlockSpec((_RB, D), lambda i: (i, 0)),
            pl.BlockSpec((_RB, D), lambda i: (i, 0)),
        ],
        out_shape=[
            jax.ShapeDtypeStruct((N_NODES, D), jnp.float32),
            jax.ShapeDtypeStruct((N_NODES, D), jnp.float32),
            jax.ShapeDtypeStruct((N_NODES, D), jnp.float32),
        ],
    )
    return call(x, w_enc, b_enc, deg16, wc0, wc1)


def _mid_body(s_ref, a_ref, norm_ref, wep_ref, bc_ref, wc_ref,
              u0_ref, u1_ref):
    nc = norm_ref[...][:, 0:1]
    a16 = a_ref[0] + a_ref[1]
    outs = (u0_ref, u1_ref)
    for i in range(2):
        agg = nc * (s_ref[i] + jnp.dot(a16, wep_ref[i],
                                       preferred_element_type=jnp.float32))
        h = jax.nn.relu(agg + bc_ref[i])
        outs[i][...] = jnp.dot(h * nc, wc_ref[i],
                               preferred_element_type=jnp.float32)


def _tc_mid(s2, a16, norm16, wep, bc, wc):
    grid = (N_NODES // _RB,)
    return pl.pallas_call(
        _mid_body,
        grid=grid,
        in_specs=[
            pl.BlockSpec((2, _RB, D), lambda i: (0, i, 0)),
            pl.BlockSpec((2, _RB, D), lambda i: (0, i, 0)),
            pl.BlockSpec((_RB, D), lambda i: (i, 0)),
            pl.BlockSpec((2, D, D), lambda i: (0, 0, 0)),
            pl.BlockSpec((2, 1, D), lambda i: (0, 0, 0)),
            pl.BlockSpec((2, D, D), lambda i: (0, 0, 0)),
        ],
        out_specs=[
            pl.BlockSpec((_RB, D), lambda i: (i, 0)),
            pl.BlockSpec((_RB, D), lambda i: (i, 0)),
        ],
        out_shape=[
            jax.ShapeDtypeStruct((N_NODES, D), jnp.float32),
            jax.ShapeDtypeStruct((N_NODES, D), jnp.float32),
        ],
    )(s2, a16, norm16, wep, bc, wc)


def _final_body(s_ref, a_ref, norm_ref, wep_ref, bc_ref, batch_ref,
                wpred_ref, bpred_ref, out_ref):
    nc = norm_ref[...][:, 0:1]
    a16 = a_ref[0] + a_ref[1]
    hsum = jnp.zeros((N_NODES, D), jnp.float32)
    for i in range(2):
        agg = nc * (s_ref[i] + jnp.dot(a16, wep_ref[i],
                                       preferred_element_type=jnp.float32))
        hsum = hsum + jax.nn.relu(agg + bc_ref[i])
    gids = lax.broadcasted_iota(jnp.int32, (G_GRAPHS, N_NODES), 0)
    m = (gids == batch_ref[...]).astype(jnp.float32)
    sums = jnp.dot(m, hsum, preferred_element_type=jnp.float32)
    counts = jnp.sum(m, axis=1, keepdims=True)
    readout = sums / jnp.maximum(counts, 1.0)
    out_ref[...] = jnp.dot(readout, wpred_ref[...],
                           preferred_element_type=jnp.float32) + bpred_ref[...]


def _tc_final(s2, a16, norm16, wep, bc, batch2d, wpred_p, bpred_p):
    return pl.pallas_call(
        _final_body,
        out_shape=jax.ShapeDtypeStruct((G_GRAPHS, D), jnp.float32),
    )(s2, a16, norm16, wep, bc, batch2d, wpred_p, bpred_p)


def kernel(x, edge_index, edge_attr, batch,
           W_enc, b_enc, W_conv, b_conv, W_edge, W_pred, b_pred):
    src = edge_index[0]
    dst = edge_index[1]
    pad = E_PAD - N_EDGES
    src_p = jnp.concatenate(
        [src, jnp.zeros((pad,), jnp.int32)]).reshape(NBLK, EB)
    dst_p = jnp.concatenate(
        [dst, jnp.full((pad,), DUMMY_ROW, jnp.int32)]).reshape(NBLK, EB)
    ea_r = jnp.zeros((E_PAD, W16), jnp.float32).at[:N_EDGES, :D_EDGE].set(
        edge_attr).reshape(NBLK * W16, EB)

    deg2 = _deg_kernel(dst_p)[:, :N_NODES]
    norm128, u0, u1 = _tc_prep(x, W_enc, b_enc.reshape(1, D), deg2,
                               W_conv[0, 0], W_conv[1, 0])

    a2 = _edge_agg_kernel(norm128, src_p, dst_p, ea_r)[:, :N_NODES]

    wep = jnp.zeros((2, 2, D, D), jnp.float32).at[:, :, :D_EDGE, :].set(W_edge)
    bc = b_conv.reshape(2, 2, 1, D)

    s2 = _spmm_kernel(u0, u1, src_p, dst_p)[:, :N_NODES]
    u0n, u1n = _tc_mid(s2, a2, norm128, wep[:, 0], bc[:, 0],
                       jnp.stack([W_conv[0, 1], W_conv[1, 1]]))

    s2b = _spmm_kernel(u0n, u1n, src_p, dst_p)[:, :N_NODES]

    wpred_p = jnp.zeros((D, D), jnp.float32).at[:, :NUM_TASKS].set(W_pred)
    bpred_p = jnp.zeros((1, D), jnp.float32).at[0, :NUM_TASKS].set(b_pred)
    out = _tc_final(s2b, a2, norm128, wep[:, 1], bc[:, 1],
                    batch.reshape(1, N_NODES), wpred_p, bpred_p)
    return out[:, :NUM_TASKS]

# --- scband reference (transcript-rebuilt; emitter-appended) ---
"""Pipeline reference for scband-hierarchical-model-4166118277898 (READ-ONLY COPY).

The authoritative reference and input builder live on the scoring server;
editing this copy changes nothing except your own understanding.
"""

import jax, jax.numpy as jnp
import numpy as np

N = 10000
E = 320000
D_IN = 128
D = 128
D_EDGE = 4
G = 128
POOL_NUM = 2
NUM_LAYER = 2
NUM_TASKS = 1


def setup_inputs(seed: int = 0) -> dict:
    key = jax.random.key(seed)
    ks = jax.random.split(key, 12)
    x = jax.random.normal(ks[0], (N, D_IN), dtype=jnp.float32)
    edge_index = jax.random.randint(ks[1], (2, E), 0, N, dtype=jnp.int32)
    edge_attr = jax.random.normal(ks[2], (E, D_EDGE), dtype=jnp.float32)
    batch = jnp.sort(jax.random.randint(ks[3], (N,), 0, G, dtype=jnp.int32))
    W_enc = jax.random.normal(ks[4], (D_IN, D), dtype=jnp.float32) * 0.05
    b_enc = jnp.zeros((D,), dtype=jnp.float32)
    W_conv = jax.random.normal(ks[5], (POOL_NUM, NUM_LAYER, D, D), dtype=jnp.float32) * 0.05
    b_conv = jnp.zeros((POOL_NUM, NUM_LAYER, D), dtype=jnp.float32)
    W_edge = jax.random.normal(ks[6], (POOL_NUM, NUM_LAYER, D_EDGE, D), dtype=jnp.float32) * 0.05
    W_pred = jax.random.normal(ks[7], (D, NUM_TASKS), dtype=jnp.float32) * 0.05
    b_pred = jnp.zeros((NUM_TASKS,), dtype=jnp.float32)
    return {
        'x': x,
        'edge_index': edge_index,
        'edge_attr': edge_attr,
        'batch': batch,
        'W_enc': W_enc,
        'b_enc': b_enc,
        'W_conv': W_conv,
        'b_conv': b_conv,
        'W_edge': W_edge,
        'W_pred': W_pred,
        'b_pred': b_pred,
    }


def reference(x, edge_index, edge_attr, batch, W_enc, b_enc, W_conv, b_conv, W_edge, W_pred, b_pred):
    src = edge_index[0]
    dst = edge_index[1]
    # GCN symmetric degree normalization
    deg = jnp.zeros((N,), jnp.float32).at[dst].add(1.0)
    norm = jax.lax.rsqrt(jnp.clip(deg, 1.0))
    coef = norm[src] * norm[dst]
    # FeatureEncoder: linear projection of raw node features
    h0 = x @ W_enc + b_enc
    counts = jnp.zeros((G,), jnp.float32).at[batch].add(1.0)
    graph_rep = jnp.zeros((G, D), jnp.float32)
    # hierarchical: each gnnLayer consumes the SAME encoded input_feature (as in source)
    for i in range(POOL_NUM):
        h = h0
        for l in range(NUM_LAYER):
            msg = h[src] @ W_conv[i, l] + edge_attr @ W_edge[i, l]
            agg = jnp.zeros((N, D), jnp.float32).at[dst].add(msg * coef[:, None]) + b_conv[i, l]
            h = jax.nn.relu(agg)
        # PoolingLayer: mean readout per graph via batch segment ids
        sums = jnp.zeros((G, D), jnp.float32).at[batch].add(h)
        readout = sums / jnp.clip(counts, 1.0)[:, None]
        graph_rep = graph_rep + readout
    return graph_rep @ W_pred + b_pred

if __name__ == "__main__":
    import jax
    _d = setup_inputs()
    print(jax.jit(kernel)(*tuple(_d.values())))

</pallas_src>

<mosaic_0001>
#map = affine_map<(d0, d1) -> (0, 0)>
#map1 = affine_map<(d0, d1) -> (0, 0, 0)>
module attributes {stable_mosaic.version = 14 : i64} {
  func.func @_spmm_kernel(%arg0: i32, %arg1: i32, %arg2: memref<10000x128xf32, #tpu.memory_space<hbm>>, %arg3: memref<10000x128xf32, #tpu.memory_space<hbm>>, %arg4: memref<2560x128xi32, #tpu.memory_space<hbm>>, %arg5: memref<2560x128xi32, #tpu.memory_space<hbm>>, %arg6: memref<2x10112x128xf32, #tpu.memory_space<hbm>>, %arg7: memref<16x128xi32, #tpu.memory_space<vmem>>, %arg8: memref<16x128xi32, #tpu.memory_space<vmem>>, %arg9: memref<128x128xf32, #tpu.memory_space<vmem>>, %arg10: memref<128x128xf32, #tpu.memory_space<vmem>>, %arg11: memref<!tpu.dma_semaphore, #tpu.memory_space<semaphore_mem>>, %arg12: memref<!tpu.dma_semaphore, #tpu.memory_space<semaphore_mem>>, %arg13: memref<!tpu.dma_semaphore, #tpu.memory_space<semaphore_mem>>, %arg14: memref<!tpu.dma_semaphore, #tpu.memory_space<semaphore_mem>>, %arg15: memref<10112x128xf32, #tpu.memory_space<vmem_shared>>) attributes {dimension_semantics = [#tpu.dimension_semantics<core_parallel>, #tpu.dimension_semantics<subcore_parallel>], iteration_bounds = array<i64: 2, 16>, scalar_prefetch = 0 : i64, scratch_operands = 9 : i64, tpu.core_type = #tpu.core_type<sc_vector_subcore>, window_params = [{transform_indices = #map}, {transform_indices = #map}, {transform_indices = #map}, {transform_indices = #map}, {transform_indices = #map1}]} {
    %scan3A = arith.constant 0 : i32
    %scan3A_0 = arith.constant 128 : i32
    %scan3A_1 = arith.addi %scan3A, %scan3A_0 : i32
    %scan3A_2 = arith.constant 1 : i32
    scf.for %scan3A_32 = %scan3A to %scan3A_1 step %scan3A_2  : i32 {
      %mul3A_33 = arith.constant 1 : i32
      %mul3A_34 = arith.muli %scan3A_32, %mul3A_33 : i32
      %add3A_35 = arith.constant 0 : i32
      %add3A_36 = arith.addi %add3A_35, %mul3A_34 : i32
      %broadcast_in_dim3A = arith.constant 0.000000e+00 : f32
      %broadcast_in_dim3A_37 = vector.broadcast %broadcast_in_dim3A : f32 to vector<16xf32>
      %swap3A = arith.index_cast %add3A_36 : i32 to index
      %swap3A_38 = arith.constant 0 : index
      %swap3A_39 = tpu.vector_load %arg9[%swap3A, %swap3A_38] {strides = array<i32>} : memref<128x128xf32, #tpu.memory_space<vmem>>, vector<1x16xf32>,
      %swap3A_40 = vector.shape_cast %swap3A_39 : vector<1x16xf32> to vector<16xf32>
      %swap3A_41 = vector.shape_cast %broadcast_in_dim3A_37 : vector<16xf32> to vector<1x16xf32>
      tpu.vector_store %arg9[%swap3A, %swap3A_38], %swap3A_41 {strides = array<i32>} : memref<128x128xf32, #tpu.memory_space<vmem>>, vector<1x16xf32>,
      %broadcast_in_dim3A_42 = arith.constant 0.000000e+00 : f32
      %broadcast_in_dim3A_43 = vector.broadcast %broadcast_in_dim3A_42 : f32 to vector<16xf32>
      %swap3A_44 = arith.index_cast %add3A_36 : i32 to index
      %swap3A_45 = arith.constant 16 : index
      %swap3A_46 = tpu.vector_load %arg9[%swap3A_44, %swap3A_45] {strides = array<i32>} : memref<128x128xf32, #tpu.memory_space<vmem>>, vector<1x16xf32>,
      %swap3A_47 = vector.shape_cast %swap3A_46 : vector<1x16xf32> to vector<16xf32>
      %swap3A_48 = vector.shape_cast %broadcast_in_dim3A_43 : vector<16xf32> to vector<1x16xf32>
      tpu.vector_store %arg9[%swap3A_44, %swap3A_45], %swap3A_48 {strides = array<i32>} : memref<128x128xf32, #tpu.memory_space<vmem>>, vector<1x16xf32>,
      %broadcast_in_dim3A_49 = arith.constant 0.000000e+00 : f32
      %broadcast_in_dim3A_50 = vector.broadcast %broadcast_in_dim3A_49 : f32 to vector<16xf32>
      %swap3A_51 = arith.index_cast %add3A_36 : i32 to index
      %swap3A_52 = arith.constant 32 : index
      %swap3A_53 = tpu.vector_load %arg9[%swap3A_51, %swap3A_52] {strides = array<i32>} : memref<128x128xf32, #tpu.memory_space<vmem>>, vector<1x16xf32>,
      %swap3A_54 = vector.shape_cast %swap3A_53 : vector<1x16xf32> to vector<16xf32>
      %swap3A_55 = vector.shape_cast %broadcast_in_dim3A_50 : vector<16xf32> to vector<1x16xf32>
      tpu.vector_store %arg9[%swap3A_51, %swap3A_52], %swap3A_55 {strides = array<i32>} : memref<128x128xf32, #tpu.memory_space<vmem>>, vector<1x16xf32>,
      %broadcast_in_dim3A_56 = arith.constant 0.000000e+00 : f32
      %broadcast_in_dim3A_57 = vector.broadcast %broadcast_in_dim3A_56 : f32 to vector<16xf32>
      %swap3A_58 = arith.index_cast %add3A_36 : i32 to index
      %swap3A_59 = arith.constant 48 : index
      %swap3A_60 = tpu.vector_load %arg9[%swap3A_58, %swap3A_59] {strides = array<i32>} : memref<128x128xf32, #tpu.memory_space<vmem>>, vector<1x16xf32>,
      %swap3A_61 = vector.shape_cast %swap3A_60 : vector<1x16xf32> to vector<16xf32>
      %swap3A_62 = vector.shape_cast %broadcast_in_dim3A_57 : vector<16xf32> to vector<1x16xf32>
      tpu.vector_store %arg9[%swap3A_58, %swap3A_59], %swap3A_62 {strides = array<i32>} : memref<128x128xf32, #tpu.memory_space<vmem>>, vector<1x16xf32>,
      %broadcast_in_dim3A_63 = arith.constant 0.000000e+00 : f32
      %broadcast_in_dim3A_64 = vector.broadcast %broadcast_in_dim3A_63 : f32 to vector<16xf32>
      %swap3A_65 = arith.index_cast %add3A_36 : i32 to index
      %swap3A_66 = arith.constant 64 : index
      %swap3A_67 = tpu.vector_load %arg9[%swap3A_65, %swap3A_66] {strides = array<i32>} : memref<128x128xf32, #tpu.memory_space<vmem>>, vector<1x16xf32>,
      %swap3A_68 = vector.shape_cast %swap3A_67 : vector<1x16xf32> to vector<16xf32>
      %swap3A_69 = vector.shape_cast %broadcast_in_dim3A_64 : vector<16xf32> to vector<1x16xf32>
      tpu.vector_store %arg9[%swap3A_65, %swap3A_66], %swap3A_69 {strides = array<i32>} : memref<128x128xf32, #tpu.memory_space<vmem>>, vector<1x16xf32>,
      %broadcast_in_dim3A_70 = arith.constant 0.000000e+00 : f32
      %broadcast_in_dim3A_71 = vector.broadcast %broadcast_in_dim3A_70 : f32 to vector<16xf32>
      %swap3A_72 = arith.index_cast %add3A_36 : i32 to index
      %swap3A_73 = arith.constant 80 : index
      %swap3A_74 = tpu.vector_load %arg9[%swap3A_72, %swap3A_73] {strides = array<i32>} : memref<128x128xf32, #tpu.memory_space<vmem>>, vector<1x16xf32>,
      %swap3A_75 = vector.shape_cast %swap3A_74 : vector<1x16xf32> to vector<16xf32>
      %swap3A_76 = vector.shape_cast %broadcast_in_dim3A_71 : vector<16xf32> to vector<1x16xf32>
      tpu.vector_store %arg9[%swap3A_72, %swap3A_73], %swap3A_76 {strides = array<i32>} : memref<128x128xf32, #tpu.memory_space<vmem>>, vector<1x16xf32>,
      %broadcast_in_dim3A_77 = arith.constant 0.000000e+00 : f32
      %broadcast_in_dim3A_78 = vector.broadcast %broadcast_in_dim3A_77 : f32 to vector<16xf32>
      %swap3A_79 = arith.index_cast %add3A_36 : i32 to index
      %swap3A_80 = arith.constant 96 : index
      %swap3A_81 = tpu.vector_load %arg9[%swap3A_79, %swap3A_80] {strides = array<i32>} : memref<128x128xf32, #tpu.memory_space<vmem>>, vector<1x16xf32>,
      %swap3A_82 = vector.shape_cast %swap3A_81 : vector<1x16xf32> to vector<16xf32>
      %swap3A_83 = vector.shape_cast %broadcast_in_dim3A_78 : vector<16xf32> to vector<1x16xf32>
      tpu.vector_store %arg9[%swap3A_79, %swap3A_80], %swap3A_83 {strides = array<i32>} : memref<128x128xf32, #tpu.memory_space<vmem>>, vector<1x16xf32>,
      %broadcast_in_dim3A_84 = arith.constant 0.000000e+00 : f32
      %broadcast_in_dim3A_85 = vector.broadcast %broadcast_in_dim3A_84 : f32 to vector<16xf32>
      %swap3A_86 = arith.index_cast %add3A_36 : i32 to index
      %swap3A_87 = arith.constant 112 : index
      %swap3A_88 = tpu.vector_load %arg9[%swap3A_86, %swap3A_87] {strides = array<i32>} : memref<128x128xf32, #tpu.memory_space<vmem>>, vector<1x16xf32>,
      %swap3A_89 = vector.shape_cast %swap3A_88 : vector<1x16xf32> to vector<16xf32>
      %swap3A_90 = vector.shape_cast %broadcast_in_dim3A_85 : vector<16xf32> to vector<1x16xf32>
      tpu.vector_store %arg9[%swap3A_86, %swap3A_87], %swap3A_90 {strides = array<i32>} : memref<128x128xf32, #tpu.memory_space<vmem>>, vector<1x16xf32>,
    }
    %scan3A_3 = arith.constant 128 : i32
    %mul3A = arith.constant 632 : i32
    %mul3A_4 = arith.muli %arg1, %mul3A : i32
    %add3A = arith.constant 0 : i32
    %add3A_5 = arith.addi %mul3A_4, %add3A : i32
    "tpu.region"() ({
      %run_scoped3A = tpu.sem_alloc : memref<!tpu.dma_semaphore, #tpu.memory_space<semaphore_mem>>
      %dma_start3A = arith.constant 0 : i32
      %dma_start3A_32 = tpu.memref_slice %arg15[%add3A_5, %dma_start3A] : memref<10112x128xf32, #tpu.memory_space<vmem_shared>> -> memref<128x128xf32, #tpu.memory_space<vmem_shared>>
      %dma_start3A_33 = arith.constant 0 : i32
      %dma_start3A_34 = tpu.memref_slice %arg15[%add3A_5, %dma_start3A_33] : memref<10112x128xf32, #tpu.memory_space<vmem_shared>> -> memref<128x128xf32, #tpu.memory_space<vmem_shared>>
      tpu.enqueue_dma source(%arg9 : memref<128x128xf32, #tpu.memory_space<vmem>>) target(%dma_start3A_34 : memref<128x128xf32, #tpu.memory_space<vmem_shared>>) target_semaphore(%run_scoped3A : memref<!tpu.dma_semaphore, #tpu.memory_space<semaphore_mem>>)
      %dma_wait3A = arith.constant 0 : i32
      %dma_wait3A_35 = tpu.memref_slice %arg15[%add3A_5, %dma_wait3A] : memref<10112x128xf32, #tpu.memory_space<vmem_shared>> -> memref<128x128xf32, #tpu.memory_space<vmem_shared>>
      %dma_wait3A_36 = arith.constant 0 : i32
      %dma_wait3A_37 = tpu.memref_slice %arg15[%add3A_5, %dma_wait3A_36] : memref<10112x128xf32, #tpu.memory_space<vmem_shared>> -> memref<128x128xf32, #tpu.memory_space<vmem_shared>>
      tpu.wait_dma2 semaphore(%run_scoped3A : memref<!tpu.dma_semaphore, #tpu.memory_space<semaphore_mem>>) src(%arg9 : memref<128x128xf32, #tpu.memory_space<vmem>>) dst(%dma_wait3A_37 : memref<128x128xf32, #tpu.memory_space<vmem_shared>>)
      tpu.yield
    }) : () -> ()
    %add3A_6 = arith.constant 128 : i32
    %add3A_7 = arith.addi %mul3A_4, %add3A_6 : i32
    "tpu.region"() ({
      %run_scoped3A = tpu.sem_alloc : memref<!tpu.dma_semaphore, #tpu.memory_space<semaphore_mem>>
      %dma_start3A = arith.constant 0 : i32
      %dma_start3A_32 = tpu.memref_slice %arg15[%add3A_7, %dma_start3A] : memref<10112x128xf32, #tpu.memory_space<vmem_shared>> -> memref<128x128xf32, #tpu.memory_space<vmem_shared>>
      %dma_start3A_33 = arith.constant 0 : i32
      %dma_start3A_34 = tpu.memref_slice %arg15[%add3A_7, %dma_start3A_33] : memref<10112x128xf32, #tpu.memory_space<vmem_shared>> -> memref<128x128xf32, #tpu.memory_space<vmem_shared>>
      tpu.enqueue_dma source(%arg9 : memref<128x128xf32, #tpu.memory_space<vmem>>) target(%dma_start3A_34 : memref<128x128xf32, #tpu.memory_space<vmem_shared>>) target_semaphore(%run_scoped3A : memref<!tpu.dma_semaphore, #tpu.memory_space<semaphore_mem>>)
      %dma_wait3A = arith.constant 0 : i32
      %dma_wait3A_35 = tpu.memref_slice %arg15[%add3A_7, %dma_wait3A] : memref<10112x128xf32, #tpu.memory_space<vmem_shared>> -> memref<128x128xf32, #tpu.memory_space<vmem_shared>>
      %dma_wait3A_36 = arith.constant 0 : i32
      %dma_wait3A_37 = tpu.memref_slice %arg15[%add3A_7, %dma_wait3A_36] : memref<10112x128xf32, #tpu.memory_space<vmem_shared>> -> memref<128x128xf32, #tpu.memory_space<vmem_shared>>
      tpu.wait_dma2 semaphore(%run_scoped3A : memref<!tpu.dma_semaphore, #tpu.memory_space<semaphore_mem>>) src(%arg9 : memref<128x128xf32, #tpu.memory_space<vmem>>) dst(%dma_wait3A_37 : memref<128x128xf32, #tpu.memory_space<vmem_shared>>)
      tpu.yield
    }) : () -> ()
    %add3A_8 = arith.constant 256 : i32
    %add3A_9 = arith.addi %mul3A_4, %add3A_8 : i32
    "tpu.region"() ({
      %run_scoped3A = tpu.sem_alloc : memref<!tpu.dma_semaphore, #tpu.memory_space<semaphore_mem>>
      %dma_start3A = arith.constant 0 : i32
      %dma_start3A_32 = tpu.memref_slice %arg15[%add3A_9, %dma_start3A] : memref<10112x128xf32, #tpu.memory_space<vmem_shared>> -> memref<128x128xf32, #tpu.memory_space<vmem_shared>>
      %dma_start3A_33 = arith.constant 0 : i32
      %dma_start3A_34 = tpu.memref_slice %arg15[%add3A_9, %dma_start3A_33] : memref<10112x128xf32, #tpu.memory_space<vmem_shared>> -> memref<128x128xf32, #tpu.memory_space<vmem_shared>>
      tpu.enqueue_dma source(%arg9 : memref<128x128xf32, #tpu.memory_space<vmem>>) target(%dma_start3A_34 : memref<128x128xf32, #tpu.memory_space<vmem_shared>>) target_semaphore(%run_scoped3A : memref<!tpu.dma_semaphore, #tpu.memory_space<semaphore_mem>>)
      %dma_wait3A = arith.constant 0 : i32
      %dma_wait3A_35 = tpu.memref_slice %arg15[%add3A_9, %dma_wait3A] : memref<10112x128xf32, #tpu.memory_space<vmem_shared>> -> memref<128x128xf32, #tpu.memory_space<vmem_shared>>
      %dma_wait3A_36 = arith.constant 0 : i32
      %dma_wait3A_37 = tpu.memref_slice %arg15[%add3A_9, %dma_wait3A_36] : memref<10112x128xf32, #tpu.memory_space<vmem_shared>> -> memref<128x128xf32, #tpu.memory_space<vmem_shared>>
      tpu.wait_dma2 semaphore(%run_scoped3A : memref<!tpu.dma_semaphore, #tpu.memory_space<semaphore_mem>>) src(%arg9 : memref<128x128xf32, #tpu.memory_space<vmem>>) dst(%dma_wait3A_37 : memref<128x128xf32, #tpu.memory_space<vmem_shared>>)
      tpu.yield
    }) : () -> ()
    %add3A_10 = arith.constant 384 : i32
    %add3A_11 = arith.addi %mul3A_4, %add3A_10 : i32
    "tpu.region"() ({
      %run_scoped3A = tpu.sem_alloc : memref<!tpu.dma_semaphore, #tpu.memory_space<semaphore_mem>>
      %dma_start3A = arith.constant 0 : i32
      %dma_start3A_32 = tpu.memref_slice %arg15[%add3A_11, %dma_start3A] : memref<10112x128xf32, #tpu.memory_space<vmem_shared>> -> memref<128x128xf32, #tpu.memory_space<vmem_shared>>
      %dma_start3A_33 = arith.constant 0 : i32
      %dma_start3A_34 = tpu.memref_slice %arg15[%add3A_11, %dma_start3A_33] : memref<10112x128xf32, #tpu.memory_space<vmem_shared>> -> memref<128x128xf32, #tpu.memory_space<vmem_shared>>
      tpu.enqueue_dma source(%arg9 : memref<128x128xf32, #tpu.memory_space<vmem>>) target(%dma_start3A_34 : memref<128x128xf32, #tpu.memory_space<vmem_shared>>) target_semaphore(%run_scoped3A : memref<!tpu.dma_semaphore, #tpu.memory_space<semaphore_mem>>)
      %dma_wait3A = arith.constant 0 : i32
      %dma_wait3A_35 = tpu.memref_slice %arg15[%add3A_11, %dma_wait3A] : memref<10112x128xf32, #tpu.memory_space<vmem_shared>> -> memref<128x128xf32, #tpu.memory_space<vmem_shared>>
      %dma_wait3A_36 = arith.constant 0 : i32
      %dma_wait3A_37 = tpu.memref_slice %arg15[%add3A_11, %dma_wait3A_36] : memref<10112x128xf32, #tpu.memory_space<vmem_shared>> -> memref<128x128xf32, #tpu.memory_space<vmem_shared>>
      tpu.wait_dma2 semaphore(%run_scoped3A : memref<!tpu.dma_semaphore, #tpu.memory_space<semaphore_mem>>) src(%arg9 : memref<128x128xf32, #tpu.memory_space<vmem>>) dst(%dma_wait3A_37 : memref<128x128xf32, #tpu.memory_space<vmem_shared>>)
      tpu.yield
    }) : () -> ()
    %add3A_12 = arith.constant 512 : i32
    %add3A_13 = arith.addi %mul3A_4, %add3A_12 : i32
    "tpu.region"() ({
      %run_scoped3A = tpu.sem_alloc : memref<!tpu.dma_semaphore, #tpu.memory_space<semaphore_mem>>
      %dma_start3A = arith.constant 0 : i32
      %dma_start3A_32 = arith.constant 0 : i32
      %dma_start3A_33 = tpu.memref_slice %arg9[%dma_start3A, %dma_start3A_32] : memref<128x128xf32, #tpu.memory_space<vmem>> -> memref<120x128xf32, #tpu.memory_space<vmem>>
      %dma_start3A_34 = arith.constant 0 : i32
      %dma_start3A_35 = tpu.memref_slice %arg15[%add3A_13, %dma_start3A_34] : memref<10112x128xf32, #tpu.memory_space<vmem_shared>> -> memref<120x128xf32, #tpu.memory_space<vmem_shared>>
      %dma_start3A_36 = arith.constant 0 : i32
      %dma_start3A_37 = tpu.memref_slice %arg15[%add3A_13, %dma_start3A_36] : memref<10112x128xf32, #tpu.memory_space<vmem_shared>> -> memref<120x128xf32, #tpu.memory_space<vmem_shared>>
      %dma_start3A_38 = arith.constant 0 : i32
      %dma_start3A_39 = arith.constant 0 : i32
      %dma_start3A_40 = tpu.memref_slice %arg9[%dma_start3A_38, %dma_start3A_39] : memref<128x128xf32, #tpu.memory_space<vmem>> -> memref<120x128xf32, #tpu.memory_space<vmem>>
      tpu.enqueue_dma source(%dma_start3A_40 : memref<120x128xf32, #tpu.memory_space<vmem>>) target(%dma_start3A_37 : memref<120x128xf32, #tpu.memory_space<vmem_shared>>) target_semaphore(%run_scoped3A : memref<!tpu.dma_semaphore, #tpu.memory_space<semaphore_mem>>)
      %dma_wait3A = arith.constant 0 : i32
      %dma_wait3A_41 = arith.constant 0 : i32
      %dma_wait3A_42 = tpu.memref_slice %arg9[%dma_wait3A, %dma_wait3A_41] : memref<128x128xf32, #tpu.memory_space<vmem>> -> memref<120x128xf32, #tpu.memory_space<vmem>>
      %dma_wait3A_43 = arith.constant 0 : i32
      %dma_wait3A_44 = tpu.memref_slice %arg15[%add3A_13, %dma_wait3A_43] : memref<10112x128xf32, #tpu.memory_space<vmem_shared>> -> memref<120x128xf32, #tpu.memory_space<vmem_shared>>
      %dma_wait3A_45 = arith.constant 0 : i32
      %dma_wait3A_46 = tpu.memref_slice %arg15[%add3A_13, %dma_wait3A_45] : memref<10112x128xf32, #tpu.memory_space<vmem_shared>> -> memref<120x128xf32, #tpu.memory_space<vmem_shared>>
      %dma_wait3A_47 = arith.constant 0 : i32
      %dma_wait3A_48 = arith.constant 0 : i32
      %dma_wait3A_49 = tpu.memref_slice %arg9[%dma_wait3A_47, %dma_wait3A_48] : memref<128x128xf32, #tpu.memory_space<vmem>> -> memref<120x128xf32, #tpu.memory_space<vmem>>
      tpu.wait_dma2 semaphore(%run_scoped3A : memref<!tpu.dma_semaphore, #tpu.memory_space<semaphore_mem>>) src(%dma_wait3A_49 : memref<120x128xf32, #tpu.memory_space<vmem>>) dst(%dma_wait3A_46 : memref<120x128xf32, #tpu.memory_space<vmem_shared>>)
      tpu.yield
    }) : () -> ()
    %barrier3A = arith.constant 0 : index
    tpu.barrier barrier_id(%barrier3A)
    %eq3A = arith.constant 0 : i32
    %eq3A_14 = arith.cmpi eq, %arg0, %eq3A : i32
    %convert_element_type3A = arith.extui %eq3A_14 : i1 to i32
    %cond3A = arith.constant 0 : i32
    %cond3A_15 = arith.cmpi ne, %convert_element_type3A, %cond3A : i32
    scf.if %cond3A_15 {
      %scan3A_32 = arith.constant 0 : i32
      %scan3A_33 = arith.constant 10 : i32
      %scan3A_34 = arith.addi %scan3A_32, %scan3A_33 : i32
      %scan3A_35 = arith.constant 1 : i32
      scf.for %scan3A_37 = %scan3A_32 to %scan3A_34 step %scan3A_35  : i32 {
        %mul3A_38 = arith.constant 1 : i32
        %mul3A_39 = arith.muli %scan3A_37, %mul3A_38 : i32
        %add3A_40 = arith.constant 0 : i32
        %add3A_41 = arith.addi %add3A_40, %mul3A_39 : i32
        %mul3A_42 = arith.constant 160 : i32
        %mul3A_43 = arith.muli %arg1, %mul3A_42 : i32
        %mul3A_44 = arith.constant 16 : i32
        %mul3A_45 = arith.muli %add3A_41, %mul3A_44 : i32
        %add3A_46 = arith.addi %mul3A_43, %mul3A_45 : i32
        "tpu.region"() ({
          %run_scoped3A = tpu.sem_alloc : memref<!tpu.dma_semaphore, #tpu.memory_space<semaphore_mem>>
          %dma_start3A_71 = arith.constant 0 : i32
          %dma_start3A_72 = tpu.memref_slice %arg4[%add3A_46, %dma_start3A_71] : memref<2560x128xi32, #tpu.memory_space<hbm>> -> memref<16x128xi32, #tpu.memory_space<hbm>>
          %dma_start3A_73 = arith.constant 0 : i32
          %dma_start3A_74 = tpu.memref_slice %arg4[%add3A_46, %dma_start3A_73] : memref<2560x128xi32, #tpu.memory_space<hbm>> -> memref<16x128xi32, #tpu.memory_space<hbm>>
          tpu.enqueue_dma source(%dma_start3A_74 : memref<16x128xi32, #tpu.memory_space<hbm>>) target(%arg7 : memref<16x128xi32, #tpu.memory_space<vmem>>) target_semaphore(%run_scoped3A : memref<!tpu.dma_semaphore, #tpu.memory_space<semaphore_mem>>)
          %dma_wait3A_75 = arith.constant 0 : i32
          %dma_wait3A_76 = tpu.memref_slice %arg4[%add3A_46, %dma_wait3A_75] : memref<2560x128xi32, #tpu.memory_space<hbm>> -> memref<16x128xi32, #tpu.memory_space<hbm>>
          %dma_wait3A_77 = arith.constant 0 : i32
          %dma_wait3A_78 = tpu.memref_slice %arg4[%add3A_46, %dma_wait3A_77] : memref<2560x128xi32, #tpu.memory_space<hbm>> -> memref<16x128xi32, #tpu.memory_space<hbm>>
          tpu.wait_dma2 semaphore(%run_scoped3A : memref<!tpu.dma_semaphore, #tpu.memory_space<semaphore_mem>>) src(%dma_wait3A_78 : memref<16x128xi32, #tpu.memory_space<hbm>>) dst(%arg7 : memref<16x128xi32, #tpu.memory_space<vmem>>)
          tpu.yield
        }) : () -> ()
        "tpu.region"() ({
          %run_scoped3A = tpu.sem_alloc : memref<!tpu.dma_semaphore, #tpu.memory_space<semaphore_mem>>
          %dma_start3A_71 = arith.constant 0 : i32
          %dma_start3A_72 = tpu.memref_slice %arg5[%add3A_46, %dma_start3A_71] : memref<2560x128xi32, #tpu.memory_space<hbm>> -> memref<16x128xi32, #tpu.memory_space<hbm>>
          %dma_start3A_73 = arith.constant 0 : i32
          %dma_start3A_74 = tpu.memref_slice %arg5[%add3A_46, %dma_start3A_73] : memref<2560x128xi32, #tpu.memory_space<hbm>> -> memref<16x128xi32, #tpu.memory_space<hbm>>
          tpu.enqueue_dma source(%dma_start3A_74 : memref<16x128xi32, #tpu.memory_space<hbm>>) target(%arg8 : memref<16x128xi32, #tpu.memory_space<vmem>>) target_semaphore(%run_scoped3A : memref<!tpu.dma_semaphore, #tpu.memory_space<semaphore_mem>>)
          %dma_wait3A_75 = arith.constant 0 : i32
          %dma_wait3A_76 = tpu.memref_slice %arg5[%add3A_46, %dma_wait3A_75] : memref<2560x128xi32, #tpu.memory_space<hbm>> -> memref<16x128xi32, #tpu.memory_space<hbm>>
          %dma_wait3A_77 = arith.constant 0 : i32
          %dma_wait3A_78 = tpu.memref_slice %arg5[%add3A_46, %dma_wait3A_77] : memref<2560x128xi32, #tpu.memory_space<hbm>> -> memref<16x128xi32, #tpu.memory_space<hbm>>
          tpu.wait_dma2 semaphore(%run_scoped3A : memref<!tpu.dma_semaphore, #tpu.memory_space<semaphore_mem>>) src(%dma_wait3A_78 : memref<16x128xi32, #tpu.memory_space<hbm>>) dst(%arg8 : memref<16x128xi32, #tpu.memory_space<vmem>>)
          tpu.yield
        }) : () -> ()
        %dma_start3A = arith.constant 0 : i32
        %dma_start3A_47 = arith.constant 0 : i32
        %dma_start3A_48 = tpu.memref_slice %arg7[%dma_start3A, %dma_start3A_47] : memref<16x128xi32, #tpu.memory_space<vmem>> -> memref<1x128xi32, #tpu.memory_space<vmem>>
        %dma_start3A_49 = tpu.memref_squeeze %dma_start3A_48 : memref<1x128xi32, #tpu.memory_space<vmem>> -> memref<128xi32, #tpu.memory_space<vmem>>
        %dma_start3A_50 = arith.constant 0 : i32
        %dma_start3A_51 = arith.constant 0 : i32
        %dma_start3A_52 = tpu.memref_slice %arg2[%dma_start3A_50, %dma_start3A_51] : memref<10000x128xf32, #tpu.memory_space<hbm>> -> memref<10000x128xf32, #tpu.memory_space<hbm>>
        tpu.enqueue_indirect_dma source(%dma_start3A_52 : memref<10000x128xf32, #tpu.memory_space<hbm>>) target(%arg9 : memref<128x128xf32, #tpu.memory_space<vmem>>) offsets(%dma_start3A_49 : memref<128xi32, #tpu.memory_space<vmem>>) semaphore(%arg11 : memref<!tpu.dma_semaphore, #tpu.memory_space<semaphore_mem>>)
        %scan3A_53 = arith.constant 0 : i32
        %scan3A_54 = arith.constant 8 : i32
        %scan3A_55 = arith.addi %scan3A_53, %scan3A_54 : i32
        %scan3A_56 = arith.constant 1 : i32
        scf.for %scan3A_71 = %scan3A_53 to %scan3A_55 step %scan3A_56  : i32 {
          %mul3A_72 = arith.constant 2 : i32
          %mul3A_73 = arith.muli %scan3A_71, %mul3A_72 : i32
          %add3A_74 = arith.constant 0 : i32
          %add3A_75 = arith.addi %add3A_74, %mul3A_73 : i32
          %gt3A = arith.constant 0 : i32
          %gt3A_76 = arith.cmpi sgt, %add3A_75, %gt3A : i32
          %convert_element_type3A_77 = arith.extui %gt3A_76 : i1 to i32
          %cond3A_78 = arith.constant 0 : i32
          %cond3A_79 = arith.cmpi ne, %convert_element_type3A_77, %cond3A_78 : i32
          scf.if %cond3A_79 {
            %dma_wait3A_122 = arith.constant 0 : i32
            %dma_wait3A_123 = tpu.memref_slice %arg8[%add3A_75, %dma_wait3A_122] : memref<16x128xi32, #tpu.memory_space<vmem>> -> memref<1x128xi32, #tpu.memory_space<vmem>>
            %dma_wait3A_124 = tpu.memref_squeeze %dma_wait3A_123 : memref<1x128xi32, #tpu.memory_space<vmem>> -> memref<128xi32, #tpu.memory_space<vmem>>
            %dma_wait3A_125 = arith.constant 0 : i32
            %dma_wait3A_126 = arith.constant 0 : i32
            %dma_wait3A_127 = tpu.memref_slice %arg15[%dma_wait3A_125, %dma_wait3A_126] : memref<10112x128xf32, #tpu.memory_space<vmem_shared>> -> memref<10112x128xf32, #tpu.memory_space<vmem_shared>>
            tpu.wait_indirect_dma semaphore(%arg14 : memref<!tpu.dma_semaphore, #tpu.memory_space<semaphore_mem>>) src(%arg10 : memref<128x128xf32, #tpu.memory_space<vmem>>) dst(%dma_wait3A_127 : memref<10112x128xf32, #tpu.memory_space<vmem_shared>>)
          } else {
          }
          %add3A_80 = arith.constant 1 : i32
          %add3A_81 = arith.addi %add3A_75, %add3A_80 : i32
          %dma_start3A_82 = arith.constant 0 : i32
          %dma_start3A_83 = tpu.memref_slice %arg7[%add3A_81, %dma_start3A_82] : memref<16x128xi32, #tpu.memory_space<vmem>> -> memref<1x128xi32, #tpu.memory_space<vmem>>
          %dma_start3A_84 = tpu.memref_squeeze %dma_start3A_83 : memref<1x128xi32, #tpu.memory_space<vmem>> -> memref<128xi32, #tpu.memory_space<vmem>>
          %dma_start3A_85 = arith.constant 0 : i32
          %dma_start3A_86 = arith.constant 0 : i32
          %dma_start3A_87 = tpu.memref_slice %arg2[%dma_start3A_85, %dma_start3A_86] : memref<10000x128xf32, #tpu.memory_space<hbm>> -> memref<10000x128xf32, #tpu.memory_space<hbm>>
          tpu.enqueue_indirect_dma source(%dma_start3A_87 : memref<10000x128xf32, #tpu.memory_space<hbm>>) target(%arg10 : memref<128x128xf32, #tpu.memory_space<vmem>>) offsets(%dma_start3A_84 : memref<128xi32, #tpu.memory_space<vmem>>) semaphore(%arg12 : memref<!tpu.dma_semaphore, #tpu.memory_space<semaphore_mem>>)
          %dma_wait3A_88 = arith.constant 0 : i32
          %dma_wait3A_89 = tpu.memref_slice %arg7[%add3A_75, %dma_wait3A_88] : memref<16x128xi32, #tpu.memory_space<vmem>> -> memref<1x128xi32, #tpu.memory_space<vmem>>
          %dma_wait3A_90 = tpu.memref_squeeze %dma_wait3A_89 : memref<1x128xi32, #tpu.memory_space<vmem>> -> memref<128xi32, #tpu.memory_space<vmem>>
          %dma_wait3A_91 = arith.constant 0 : i32
          %dma_wait3A_92 = arith.constant 0 : i32
          %dma_wait3A_93 = tpu.memref_slice %arg2[%dma_wait3A_91, %dma_wait3A_92] : memref<10000x128xf32, #tpu.memory_space<hbm>> -> memref<10000x128xf32, #tpu.memory_space<hbm>>
          tpu.wait_indirect_dma semaphore(%arg11 : memref<!tpu.dma_semaphore, #tpu.memory_space<semaphore_mem>>) src(%dma_wait3A_93 : memref<10000x128xf32, #tpu.memory_space<hbm>>) dst(%arg9 : memref<128x128xf32, #tpu.memory_space<vmem>>)
          %dma_start3A_94 = arith.constant 0 : i32
          %dma_start3A_95 = tpu.memref_slice %arg8[%add3A_75, %dma_start3A_94] : memref<16x128xi32, #tpu.memory_space<vmem>> -> memref<1x128xi32, #tpu.memory_space<vmem>>
          %dma_start3A_96 = tpu.memref_squeeze %dma_start3A_95 : memref<1x128xi32, #tpu.memory_space<vmem>> -> memref<128xi32, #tpu.memory_space<vmem>>
          %dma_start3A_97 = arith.constant 0 : i32
          %dma_start3A_98 = arith.constant 0 : i32
          %dma_start3A_99 = tpu.memref_slice %arg15[%dma_start3A_97, %dma_start3A_98] : memref<10112x128xf32, #tpu.memory_space<vmem_shared>> -> memref<10112x128xf32, #tpu.memory_space<vmem_shared>>
          tpu.enqueue_indirect_dma source(%arg9 : memref<128x128xf32, #tpu.memory_space<vmem>>) target(%dma_start3A_99 : memref<10112x128xf32, #tpu.memory_space<vmem_shared>>) offsets(%dma_start3A_96 : memref<128xi32, #tpu.memory_space<vmem>>) semaphore(%arg13 : memref<!tpu.dma_semaphore, #tpu.memory_space<semaphore_mem>>) {add = true}
          %add3A_100 = arith.constant 2 : i32
          %add3A_101 = arith.addi %add3A_75, %add3A_100 : i32
          %lt3A = arith.constant 16 : i32
          %lt3A_102 = arith.cmpi slt, %add3A_101, %lt3A : i32
          %convert_element_type3A_103 = arith.extui %lt3A_102 : i1 to i32
          %cond3A_104 = arith.constant 0 : i32
          %cond3A_105 = arith.cmpi ne, %convert_element_type3A_103, %cond3A_104 : i32
          scf.if %cond3A_105 {
            %dma_wait3A_122 = arith.constant 0 : i32
            %dma_wait3A_123 = tpu.memref_slice %arg8[%add3A_75, %dma_wait3A_122] : memref<16x128xi32, #tpu.memory_space<vmem>> -> memref<1x128xi32, #tpu.memory_space<vmem>>
            %dma_wait3A_124 = tpu.memref_squeeze %dma_wait3A_123 : memref<1x128xi32, #tpu.memory_space<vmem>> -> memref<128xi32, #tpu.memory_space<vmem>>
            %dma_wait3A_125 = arith.constant 0 : i32
            %dma_wait3A_126 = arith.constant 0 : i32
            %dma_wait3A_127 = tpu.memref_slice %arg15[%dma_wait3A_125, %dma_wait3A_126] : memref<10112x128xf32, #tpu.memory_space<vmem_shared>> -> memref<10112x128xf32, #tpu.memory_space<vmem_shared>>
            tpu.wait_indirect_dma semaphore(%arg13 : memref<!tpu.dma_semaphore, #tpu.memory_space<semaphore_mem>>) src(%arg9 : memref<128x128xf32, #tpu.memory_space<vmem>>) dst(%dma_wait3A_127 : memref<10112x128xf32, #tpu.memory_space<vmem_shared>>)
            %add3A_128 = arith.constant 2 : i32
            %add3A_129 = arith.addi %add3A_75, %add3A_128 : i32
            %dma_start3A_130 = arith.constant 0 : i32
            %dma_start3A_131 = tpu.memref_slice %arg7[%add3A_129, %dma_start3A_130] : memref<16x128xi32, #tpu.memory_space<vmem>> -> memref<1x128xi32, #tpu.memory_space<vmem>>
            %dma_start3A_132 = tpu.memref_squeeze %dma_start3A_131 : memref<1x128xi32, #tpu.memory_space<vmem>> -> memref<128xi32, #tpu.memory_space<vmem>>
            %dma_start3A_133 = arith.constant 0 : i32
            %dma_start3A_134 = arith.constant 0 : i32
            %dma_start3A_135 = tpu.memref_slice %arg2[%dma_start3A_133, %dma_start3A_134] : memref<10000x128xf32, #tpu.memory_space<hbm>> -> memref<10000x128xf32, #tpu.memory_space<hbm>>
            tpu.enqueue_indirect_dma source(%dma_start3A_135 : memref<10000x128xf32, #tpu.memory_space<hbm>>) target(%arg9 : memref<128x128xf32, #tpu.memory_space<vmem>>) offsets(%dma_start3A_132 : memref<128xi32, #tpu.memory_space<vmem>>) semaphore(%arg11 : memref<!tpu.dma_semaphore, #tpu.memory_space<semaphore_mem>>)
          } else {
          }
          %add3A_106 = arith.constant 1 : i32
          %add3A_107 = arith.addi %add3A_75, %add3A_106 : i32
          %dma_wait3A_108 = arith.constant 0 : i32
          %dma_wait3A_109 = tpu.memref_slice %arg7[%add3A_107, %dma_wait3A_108] : memref<16x128xi32, #tpu.memory_space<vmem>> -> memref<1x128xi32, #tpu.memory_space<vmem>>
          %dma_wait3A_110 = tpu.memref_squeeze %dma_wait3A_109 : memref<1x128xi32, #tpu.memory_space<vmem>> -> memref<128xi32, #tpu.memory_space<vmem>>
          %dma_wait3A_111 = arith.constant 0 : i32
          %dma_wait3A_112 = arith.constant 0 : i32
          %dma_wait3A_113 = tpu.memref_slice %arg2[%dma_wait3A_111, %dma_wait3A_112] : memref<10000x128xf32, #tpu.memory_space<hbm>> -> memref<10000x128xf32, #tpu.memory_space<hbm>>
          tpu.wait_indirect_dma semaphore(%arg12 : memref<!tpu.dma_semaphore, #tpu.memory_space<semaphore_mem>>) src(%dma_wait3A_113 : memref<10000x128xf32, #tpu.memory_space<hbm>>) dst(%arg10 : memref<128x128xf32, #tpu.memory_space<vmem>>)
          %add3A_114 = arith.constant 1 : i32
          %add3A_115 = arith.addi %add3A_75, %add3A_114 : i32
          %dma_start3A_116 = arith.constant 0 : i32
          %dma_start3A_117 = tpu.memref_slice %arg8[%add3A_115, %dma_start3A_116] : memref<16x128xi32, #tpu.memory_space<vmem>> -> memref<1x128xi32, #tpu.memory_space<vmem>>
          %dma_start3A_118 = tpu.memref_squeeze %dma_start3A_117 : memref<1x128xi32, #tpu.memory_space<vmem>> -> memref<128xi32, #tpu.memory_space<vmem>>
          %dma_start3A_119 = arith.constant 0 : i32
          %dma_start3A_120 = arith.constant 0 : i32
          %dma_start3A_121 = tpu.memref_slice %arg15[%dma_start3A_119, %dma_start3A_120] : memref<10112x128xf32, #tpu.memory_space<vmem_shared>> -> memref<10112x128xf32, #tpu.memory_space<vmem_shared>>
          tpu.enqueue_indirect_dma source(%arg10 : memref<128x128xf32, #tpu.memory_space<vmem>>) target(%dma_start3A_121 : memref<10112x128xf32, #tpu.memory_space<vmem_shared>>) offsets(%dma_start3A_118 : memref<128xi32, #tpu.memory_space<vmem>>) semaphore(%arg14 : memref<!tpu.dma_semaphore, #tpu.memory_space<semaphore_mem>>) {add = true}
        }
        %scan3A_57 = arith.constant 8 : i32
        %dma_wait3A = arith.constant 0 : i32
        %dma_wait3A_58 = arith.constant 0 : i32
        %dma_wait3A_59 = tpu.memref_slice %arg8[%dma_wait3A, %dma_wait3A_58] : memref<16x128xi32, #tpu.memory_space<vmem>> -> memref<1x128xi32, #tpu.memory_space<vmem>>
        %dma_wait3A_60 = tpu.memref_squeeze %dma_wait3A_59 : memref<1x128xi32, #tpu.memory_space<vmem>> -> memref<128xi32, #tpu.memory_space<vmem>>
        %dma_wait3A_61 = arith.constant 0 : i32
        %dma_wait3A_62 = arith.constant 0 : i32
        %dma_wait3A_63 = tpu.memref_slice %arg15[%dma_wait3A_61, %dma_wait3A_62] : memref<10112x128xf32, #tpu.memory_space<vmem_shared>> -> memref<10112x128xf32, #tpu.memory_space<vmem_shared>>
        tpu.wait_indirect_dma semaphore(%arg13 : memref<!tpu.dma_semaphore, #tpu.memory_space<semaphore_mem>>) src(%arg9 : memref<128x128xf32, #tpu.memory_space<vmem>>) dst(%dma_wait3A_63 : memref<10112x128xf32, #tpu.memory_space<vmem_shared>>)
        %dma_wait3A_64 = arith.constant 1 : i32
        %dma_wait3A_65 = arith.constant 0 : i32
        %dma_wait3A_66 = tpu.memref_slice %arg8[%dma_wait3A_64, %dma_wait3A_65] : memref<16x128xi32, #tpu.memory_space<vmem>> -> memref<1x128xi32, #tpu.memory_space<vmem>>
        %dma_wait3A_67 = tpu.memref_squeeze %dma_wait3A_66 : memref<1x128xi32, #tpu.memory_space<vmem>> -> memref<128xi32, #tpu.memory_space<vmem>>
        %dma_wait3A_68 = arith.constant 0 : i32
        %dma_wait3A_69 = arith.constant 0 : i32
        %dma_wait3A_70 = tpu.memref_slice %arg15[%dma_wait3A_68, %dma_wait3A_69] : memref<10112x128xf32, #tpu.memory_space<vmem_shared>> -> memref<10112x128xf32, #tpu.memory_space<vmem_shared>>
        tpu.wait_indirect_dma semaphore(%arg14 : memref<!tpu.dma_semaphore, #tpu.memory_space<semaphore_mem>>) src(%arg10 : memref<128x128xf32, #tpu.memory_space<vmem>>) dst(%dma_wait3A_70 : memref<10112x128xf32, #tpu.memory_space<vmem_shared>>)
      }
      %scan3A_36 = arith.constant 10 : i32
    } else {
    }
    %eq3A_16 = arith.constant 1 : i32
    %eq3A_17 = arith.cmpi eq, %arg0, %eq3A_16 : i32
    %convert_element_type3A_18 = arith.extui %eq3A_17 : i1 to i32
    %cond3A_19 = arith.constant 0 : i32
    %cond3A_20 = arith.cmpi ne, %convert_element_type3A_18, %cond3A_19 : i32
    scf.if %cond3A_20 {
      %scan3A_32 = arith.constant 0 : i32
      %scan3A_33 = arith.constant 10 : i32
      %scan3A_34 = arith.addi %scan3A_32, %scan3A_33 : i32
      %scan3A_35 = arith.constant 1 : i32
      scf.for %scan3A_37 = %scan3A_32 to %scan3A_34 step %scan3A_35  : i32 {
        %mul3A_38 = arith.constant 1 : i32
        %mul3A_39 = arith.muli %scan3A_37, %mul3A_38 : i32
        %add3A_40 = arith.constant 0 : i32
        %add3A_41 = arith.addi %add3A_40, %mul3A_39 : i32
        %mul3A_42 = arith.constant 160 : i32
        %mul3A_43 = arith.muli %arg1, %mul3A_42 : i32
        %mul3A_44 = arith.constant 16 : i32
        %mul3A_45 = arith.muli %add3A_41, %mul3A_44 : i32
        %add3A_46 = arith.addi %mul3A_43, %mul3A_45 : i32
        "tpu.region"() ({
          %run_scoped3A = tpu.sem_alloc : memref<!tpu.dma_semaphore, #tpu.memory_space<semaphore_mem>>
          %dma_start3A_71 = arith.constant 0 : i32
          %dma_start3A_72 = tpu.memref_slice %arg4[%add3A_46, %dma_start3A_71] : memref<2560x128xi32, #tpu.memory_space<hbm>> -> memref<16x128xi32, #tpu.memory_space<hbm>>
          %dma_start3A_73 = arith.constant 0 : i32
          %dma_start3A_74 = tpu.memref_slice %arg4[%add3A_46, %dma_start3A_73] : memref<2560x128xi32, #tpu.memory_space<hbm>> -> memref<16x128xi32, #tpu.memory_space<hbm>>
          tpu.enqueue_dma source(%dma_start3A_74 : memref<16x128xi32, #tpu.memory_space<hbm>>) target(%arg7 : memref<16x128xi32, #tpu.memory_space<vmem>>) target_semaphore(%run_scoped3A : memref<!tpu.dma_semaphore, #tpu.memory_space<semaphore_mem>>)
          %dma_wait3A_75 = arith.constant 0 : i32
          %dma_wait3A_76 = tpu.memref_slice %arg4[%add3A_46, %dma_wait3A_75] : memref<2560x128xi32, #tpu.memory_space<hbm>> -> memref<16x128xi32, #tpu.memory_space<hbm>>
          %dma_wait3A_77 = arith.constant 0 : i32
          %dma_wait3A_78 = tpu.memref_slice %arg4[%add3A_46, %dma_wait3A_77] : memref<2560x128xi32, #tpu.memory_space<hbm>> -> memref<16x128xi32, #tpu.memory_space<hbm>>
          tpu.wait_dma2 semaphore(%run_scoped3A : memref<!tpu.dma_semaphore, #tpu.memory_space<semaphore_mem>>) src(%dma_wait3A_78 : memref<16x128xi32, #tpu.memory_space<hbm>>) dst(%arg7 : memref<16x128xi32, #tpu.memory_space<vmem>>)
          tpu.yield
        }) : () -> ()
        "tpu.region"() ({
          %run_scoped3A = tpu.sem_alloc : memref<!tpu.dma_semaphore, #tpu.memory_space<semaphore_mem>>
          %dma_start3A_71 = arith.constant 0 : i32
          %dma_start3A_72 = tpu.memref_slice %arg5[%add3A_46, %dma_start3A_71] : memref<2560x128xi32, #tpu.memory_space<hbm>> -> memref<16x128xi32, #tpu.memory_space<hbm>>
          %dma_start3A_73 = arith.constant 0 : i32
          %dma_start3A_74 = tpu.memref_slice %arg5[%add3A_46, %dma_start3A_73] : memref<2560x128xi32, #tpu.memory_space<hbm>> -> memref<16x128xi32, #tpu.memory_space<hbm>>
          tpu.enqueue_dma source(%dma_start3A_74 : memref<16x128xi32, #tpu.memory_space<hbm>>) target(%arg8 : memref<16x128xi32, #tpu.memory_space<vmem>>) target_semaphore(%run_scoped3A : memref<!tpu.dma_semaphore, #tpu.memory_space<semaphore_mem>>)
          %dma_wait3A_75 = arith.constant 0 : i32
          %dma_wait3A_76 = tpu.memref_slice %arg5[%add3A_46, %dma_wait3A_75] : memref<2560x128xi32, #tpu.memory_space<hbm>> -> memref<16x128xi32, #tpu.memory_space<hbm>>
          %dma_wait3A_77 = arith.constant 0 : i32
          %dma_wait3A_78 = tpu.memref_slice %arg5[%add3A_46, %dma_wait3A_77] : memref<2560x128xi32, #tpu.memory_space<hbm>> -> memref<16x128xi32, #tpu.memory_space<hbm>>
          tpu.wait_dma2 semaphore(%run_scoped3A : memref<!tpu.dma_semaphore, #tpu.memory_space<semaphore_mem>>) src(%dma_wait3A_78 : memref<16x128xi32, #tpu.memory_space<hbm>>) dst(%arg8 : memref<16x128xi32, #tpu.memory_space<vmem>>)
          tpu.yield
        }) : () -> ()
        %dma_start3A = arith.constant 0 : i32
        %dma_start3A_47 = arith.constant 0 : i32
        %dma_start3A_48 = tpu.memref_slice %arg7[%dma_start3A, %dma_start3A_47] : memref<16x128xi32, #tpu.memory_space<vmem>> -> memref<1x128xi32, #tpu.memory_space<vmem>>
        %dma_start3A_49 = tpu.memref_squeeze %dma_start3A_48 : memref<1x128xi32, #tpu.memory_space<vmem>> -> memref<128xi32, #tpu.memory_space<vmem>>
        %dma_start3A_50 = arith.constant 0 : i32
        %dma_start3A_51 = arith.constant 0 : i32
        %dma_start3A_52 = tpu.memref_slice %arg3[%dma_start3A_50, %dma_start3A_51] : memref<10000x128xf32, #tpu.memory_space<hbm>> -> memref<10000x128xf32, #tpu.memory_space<hbm>>
        tpu.enqueue_indirect_dma source(%dma_start3A_52 : memref<10000x128xf32, #tpu.memory_space<hbm>>) target(%arg9 : memref<128x128xf32, #tpu.memory_space<vmem>>) offsets(%dma_start3A_49 : memref<128xi32, #tpu.memory_space<vmem>>) semaphore(%arg11 : memref<!tpu.dma_semaphore, #tpu.memory_space<semaphore_mem>>)
        %scan3A_53 = arith.constant 0 : i32
        %scan3A_54 = arith.constant 8 : i32
        %scan3A_55 = arith.addi %scan3A_53, %scan3A_54 : i32
        %scan3A_56 = arith.constant 1 : i32
        scf.for %scan3A_71 = %scan3A_53 to %scan3A_55 step %scan3A_56  : i32 {
          %mul3A_72 = arith.constant 2 : i32
          %mul3A_73 = arith.muli %scan3A_71, %mul3A_72 : i32
          %add3A_74 = arith.constant 0 : i32
          %add3A_75 = arith.addi %add3A_74, %mul3A_73 : i32
          %gt3A = arith.constant 0 : i32
          %gt3A_76 = arith.cmpi sgt, %add3A_75, %gt3A : i32
          %convert_element_type3A_77 = arith.extui %gt3A_76 : i1 to i32
          %cond3A_78 = arith.constant 0 : i32
          %cond3A_79 = arith.cmpi ne, %convert_element_type3A_77, %cond3A_78 : i32
          scf.if %cond3A_79 {
            %dma_wait3A_122 = arith.constant 0 : i32
            %dma_wait3A_123 = tpu.memref_slice %arg8[%add3A_75, %dma_wait3A_122] : memref<16x128xi32, #tpu.memory_space<vmem>> -> memref<1x128xi32, #tpu.memory_space<vmem>>
            %dma_wait3A_124 = tpu.memref_squeeze %dma_wait3A_123 : memref<1x128xi32, #tpu.memory_space<vmem>> -> memref<128xi32, #tpu.memory_space<vmem>>
            %dma_wait3A_125 = arith.constant 0 : i32
            %dma_wait3A_126 = arith.constant 0 : i32
            %dma_wait3A_127 = tpu.memref_slice %arg15[%dma_wait3A_125, %dma_wait3A_126] : memref<10112x128xf32, #tpu.memory_space<vmem_shared>> -> memref<10112x128xf32, #tpu.memory_space<vmem_shared>>
            tpu.wait_indirect_dma semaphore(%arg14 : memref<!tpu.dma_semaphore, #tpu.memory_space<semaphore_mem>>) src(%arg10 : memref<128x128xf32, #tpu.memory_space<vmem>>) dst(%dma_wait3A_127 : memref<10112x128xf32, #tpu.memory_space<vmem_shared>>)
          } else {
          }
          %add3A_80 = arith.constant 1 : i32
          %add3A_81 = arith.addi %add3A_75, %add3A_80 : i32
          %dma_start3A_82 = arith.constant 0 : i32
          %dma_start3A_83 = tpu.memref_slice %arg7[%add3A_81, %dma_start3A_82] : memref<16x128xi32, #tpu.memory_space<vmem>> -> memref<1x128xi32, #tpu.memory_space<vmem>>
          %dma_start3A_84 = tpu.memref_squeeze %dma_start3A_83 : memref<1x128xi32, #tpu.memory_space<vmem>> -> memref<128xi32, #tpu.memory_space<vmem>>
          %dma_start3A_85 = arith.constant 0 : i32
          %dma_start3A_86 = arith.constant 0 : i32
          %dma_start3A_87 = tpu.memref_slice %arg3[%dma_start3A_85, %dma_start3A_86] : memref<10000x128xf32, #tpu.memory_space<hbm>> -> memref<10000x128xf32, #tpu.memory_space<hbm>>
          tpu.enqueue_indirect_dma source(%dma_start3A_87 : memref<10000x128xf32, #tpu.memory_space<hbm>>) target(%arg10 : memref<128x128xf32, #tpu.memory_space<vmem>>) offsets(%dma_start3A_84 : memref<128xi32, #tpu.memory_space<vmem>>) semaphore(%arg12 : memref<!tpu.dma_semaphore, #tpu.memory_space<semaphore_mem>>)
          %dma_wait3A_88 = arith.constant 0 : i32
          %dma_wait3A_89 = tpu.memref_slice %arg7[%add3A_75, %dma_wait3A_88] : memref<16x128xi32, #tpu.memory_space<vmem>> -> memref<1x128xi32, #tpu.memory_space<vmem>>
          %dma_wait3A_90 = tpu.memref_squeeze %dma_wait3A_89 : memref<1x128xi32, #tpu.memory_space<vmem>> -> memref<128xi32, #tpu.memory_space<vmem>>
          %dma_wait3A_91 = arith.constant 0 : i32
          %dma_wait3A_92 = arith.constant 0 : i32
          %dma_wait3A_93 = tpu.memref_slice %arg3[%dma_wait3A_91, %dma_wait3A_92] : memref<10000x128xf32, #tpu.memory_space<hbm>> -> memref<10000x128xf32, #tpu.memory_space<hbm>>
          tpu.wait_indirect_dma semaphore(%arg11 : memref<!tpu.dma_semaphore, #tpu.memory_space<semaphore_mem>>) src(%dma_wait3A_93 : memref<10000x128xf32, #tpu.memory_space<hbm>>) dst(%arg9 : memref<128x128xf32, #tpu.memory_space<vmem>>)
          %dma_start3A_94 = arith.constant 0 : i32
          %dma_start3A_95 = tpu.memref_slice %arg8[%add3A_75, %dma_start3A_94] : memref<16x128xi32, #tpu.memory_space<vmem>> -> memref<1x128xi32, #tpu.memory_space<vmem>>
          %dma_start3A_96 = tpu.memref_squeeze %dma_start3A_95 : memref<1x128xi32, #tpu.memory_space<vmem>> -> memref<128xi32, #tpu.memory_space<vmem>>
          %dma_start3A_97 = arith.constant 0 : i32
          %dma_start3A_98 = arith.constant 0 : i32
          %dma_start3A_99 = tpu.memref_slice %arg15[%dma_start3A_97, %dma_start3A_98] : memref<10112x128xf32, #tpu.memory_space<vmem_shared>> -> memref<10112x128xf32, #tpu.memory_space<vmem_shared>>
          tpu.enqueue_indirect_dma source(%arg9 : memref<128x128xf32, #tpu.memory_space<vmem>>) target(%dma_start3A_99 : memref<10112x128xf32, #tpu.memory_space<vmem_shared>>) offsets(%dma_start3A_96 : memref<128xi32, #tpu.memory_space<vmem>>) semaphore(%arg13 : memref<!tpu.dma_semaphore, #tpu.memory_space<semaphore_mem>>) {add = true}
          %add3A_100 = arith.constant 2 : i32
          %add3A_101 = arith.addi %add3A_75, %add3A_100 : i32
          %lt3A = arith.constant 16 : i32
          %lt3A_102 = arith.cmpi slt, %add3A_101, %lt3A : i32
          %convert_element_type3A_103 = arith.extui %lt3A_102 : i1 to i32
          %cond3A_104 = arith.constant 0 : i32
          %cond3A_105 = arith.cmpi ne, %convert_element_type3A_103, %cond3A_104 : i32
          scf.if %cond3A_105 {
            %dma_wait3A_122 = arith.constant 0 : i32
            %dma_wait3A_123 = tpu.memref_slice %arg8[%add3A_75, %dma_wait3A_122] : memref<16x128xi32, #tpu.memory_space<vmem>> -> memref<1x128xi32, #tpu.memory_space<vmem>>
            %dma_wait3A_124 = tpu.memref_squeeze %dma_wait3A_123 : memref<1x128xi32, #tpu.memory_space<vmem>> -> memref<128xi32, #tpu.memory_space<vmem>>
            %dma_wait3A_125 = arith.constant 0 : i32
            %dma_wait3A_126 = arith.constant 0 : i32
            %dma_wait3A_127 = tpu.memref_slice %arg15[%dma_wait3A_125, %dma_wait3A_126] : memref<10112x128xf32, #tpu.memory_space<vmem_shared>> -> memref<10112x128xf32, #tpu.memory_space<vmem_shared>>
            tpu.wait_indirect_dma semaphore(%arg13 : memref<!tpu.dma_semaphore, #tpu.memory_space<semaphore_mem>>) src(%arg9 : memref<128x128xf32, #tpu.memory_space<vmem>>) dst(%dma_wait3A_127 : memref<10112x128xf32, #tpu.memory_space<vmem_shared>>)
            %add3A_128 = arith.constant 2 : i32
            %add3A_129 = arith.addi %add3A_75, %add3A_128 : i32
            %dma_start3A_130 = arith.constant 0 : i32
            %dma_start3A_131 = tpu.memref_slice %arg7[%add3A_129, %dma_start3A_130] : memref<16x128xi32, #tpu.memory_space<vmem>> -> memref<1x128xi32, #tpu.memory_space<vmem>>
            %dma_start3A_132 = tpu.memref_squeeze %dma_start3A_131 : memref<1x128xi32, #tpu.memory_space<vmem>> -> memref<128xi32, #tpu.memory_space<vmem>>
            %dma_start3A_133 = arith.constant 0 : i32
            %dma_start3A_134 = arith.constant 0 : i32
            %dma_start3A_135 = tpu.memref_slice %arg3[%dma_start3A_133, %dma_start3A_134] : memref<10000x128xf32, #tpu.memory_space<hbm>> -> memref<10000x128xf32, #tpu.memory_space<hbm>>
            tpu.enqueue_indirect_dma source(%dma_start3A_135 : memref<10000x128xf32, #tpu.memory_space<hbm>>) target(%arg9 : memref<128x128xf32, #tpu.memory_space<vmem>>) offsets(%dma_start3A_132 : memref<128xi32, #tpu.memory_space<vmem>>) semaphore(%arg11 : memref<!tpu.dma_semaphore, #tpu.memory_space<semaphore_mem>>)
          } else {
          }
          %add3A_106 = arith.constant 1 : i32
          %add3A_107 = arith.addi %add3A_75, %add3A_106 : i32
          %dma_wait3A_108 = arith.constant 0 : i32
          %dma_wait3A_109 = tpu.memref_slice %arg7[%add3A_107, %dma_wait3A_108] : memref<16x128xi32, #tpu.memory_space<vmem>> -> memref<1x128xi32, #tpu.memory_space<vmem>>
          %dma_wait3A_110 = tpu.memref_squeeze %dma_wait3A_109 : memref<1x128xi32, #tpu.memory_space<vmem>> -> memref<128xi32, #tpu.memory_space<vmem>>
          %dma_wait3A_111 = arith.constant 0 : i32
          %dma_wait3A_112 = arith.constant 0 : i32
          %dma_wait3A_113 = tpu.memref_slice %arg3[%dma_wait3A_111, %dma_wait3A_112] : memref<10000x128xf32, #tpu.memory_space<hbm>> -> memref<10000x128xf32, #tpu.memory_space<hbm>>
          tpu.wait_indirect_dma semaphore(%arg12 : memref<!tpu.dma_semaphore, #tpu.memory_space<semaphore_mem>>) src(%dma_wait3A_113 : memref<10000x128xf32, #tpu.memory_space<hbm>>) dst(%arg10 : memref<128x128xf32, #tpu.memory_space<vmem>>)
          %add3A_114 = arith.constant 1 : i32
          %add3A_115 = arith.addi %add3A_75, %add3A_114 : i32
          %dma_start3A_116 = arith.constant 0 : i32
          %dma_start3A_117 = tpu.memref_slice %arg8[%add3A_115, %dma_start3A_116] : memref<16x128xi32, #tpu.memory_space<vmem>> -> memref<1x128xi32, #tpu.memory_space<vmem>>
          %dma_start3A_118 = tpu.memref_squeeze %dma_start3A_117 : memref<1x128xi32, #tpu.memory_space<vmem>> -> memref<128xi32, #tpu.memory_space<vmem>>
          %dma_start3A_119 = arith.constant 0 : i32
          %dma_start3A_120 = arith.constant 0 : i32
          %dma_start3A_121 = tpu.memref_slice %arg15[%dma_start3A_119, %dma_start3A_120] : memref<10112x128xf32, #tpu.memory_space<vmem_shared>> -> memref<10112x128xf32, #tpu.memory_space<vmem_shared>>
          tpu.enqueue_indirect_dma source(%arg10 : memref<128x128xf32, #tpu.memory_space<vmem>>) target(%dma_start3A_121 : memref<10112x128xf32, #tpu.memory_space<vmem_shared>>) offsets(%dma_start3A_118 : memref<128xi32, #tpu.memory_space<vmem>>) semaphore(%arg14 : memref<!tpu.dma_semaphore, #tpu.memory_space<semaphore_mem>>) {add = true}
        }
        %scan3A_57 = arith.constant 8 : i32
        %dma_wait3A = arith.constant 0 : i32
        %dma_wait3A_58 = arith.constant 0 : i32
        %dma_wait3A_59 = tpu.memref_slice %arg8[%dma_wait3A, %dma_wait3A_58] : memref<16x128xi32, #tpu.memory_space<vmem>> -> memref<1x128xi32, #tpu.memory_space<vmem>>
        %dma_wait3A_60 = tpu.memref_squeeze %dma_wait3A_59 : memref<1x128xi32, #tpu.memory_space<vmem>> -> memref<128xi32, #tpu.memory_space<vmem>>
        %dma_wait3A_61 = arith.constant 0 : i32
        %dma_wait3A_62 = arith.constant 0 : i32
        %dma_wait3A_63 = tpu.memref_slice %arg15[%dma_wait3A_61, %dma_wait3A_62] : memref<10112x128xf32, #tpu.memory_space<vmem_shared>> -> memref<10112x128xf32, #tpu.memory_space<vmem_shared>>
        tpu.wait_indirect_dma semaphore(%arg13 : memref<!tpu.dma_semaphore, #tpu.memory_space<semaphore_mem>>) src(%arg9 : memref<128x128xf32, #tpu.memory_space<vmem>>) dst(%dma_wait3A_63 : memref<10112x128xf32, #tpu.memory_space<vmem_shared>>)
        %dma_wait3A_64 = arith.constant 1 : i32
        %dma_wait3A_65 = arith.constant 0 : i32
        %dma_wait3A_66 = tpu.memref_slice %arg8[%dma_wait3A_64, %dma_wait3A_65] : memref<16x128xi32, #tpu.memory_space<vmem>> -> memref<1x128xi32, #tpu.memory_space<vmem>>
        %dma_wait3A_67 = tpu.memref_squeeze %dma_wait3A_66 : memref<1x128xi32, #tpu.memory_space<vmem>> -> memref<128xi32, #tpu.memory_space<vmem>>
        %dma_wait3A_68 = arith.constant 0 : i32
        %dma_wait3A_69 = arith.constant 0 : i32
        %dma_wait3A_70 = tpu.memref_slice %arg15[%dma_wait3A_68, %dma_wait3A_69] : memref<10112x128xf32, #tpu.memory_space<vmem_shared>> -> memref<10112x128xf32, #tpu.memory_space<vmem_shared>>
        tpu.wait_indirect_dma semaphore(%arg14 : memref<!tpu.dma_semaphore, #tpu.memory_space<semaphore_mem>>) src(%arg10 : memref<128x128xf32, #tpu.memory_space<vmem>>) dst(%dma_wait3A_70 : memref<10112x128xf32, #tpu.memory_space<vmem_shared>>)
      }
      %scan3A_36 = arith.constant 10 : i32
    } else {
    }
    %barrier3A_21 = arith.constant 0 : index
    tpu.barrier barrier_id(%barrier3A_21)
    %eq3A_22 = arith.constant 0 : i32
    %eq3A_23 = arith.cmpi eq, %arg0, %eq3A_22 : i32
    %convert_element_type3A_24 = arith.extui %eq3A_23 : i1 to i32
    %cond3A_25 = arith.constant 0 : i32
    %cond3A_26 = arith.cmpi ne, %convert_element_type3A_24, %cond3A_25 : i32
    scf.if %cond3A_26 {
      %mul3A_32 = arith.constant 632 : i32
      %mul3A_33 = arith.muli %arg1, %mul3A_32 : i32
      %mul3A_34 = arith.constant 632 : i32
      %mul3A_35 = arith.muli %arg1, %mul3A_34 : i32
      %run_scoped3A = arith.constant 0 : i32
      "tpu.region"() ({
        %run_scoped3A_36 = tpu.sem_alloc : memref<!tpu.dma_semaphore, #tpu.memory_space<semaphore_mem>>
        %dma_start3A = arith.constant 0 : i32
        %dma_start3A_37 = tpu.memref_slice %arg6[%run_scoped3A, %mul3A_35, %dma_start3A] : memref<2x10112x128xf32, #tpu.memory_space<hbm>> -> memref<1x632x128xf32, #tpu.memory_space<hbm>>
        %dma_start3A_38 = tpu.memref_squeeze %dma_start3A_37 : memref<1x632x128xf32, #tpu.memory_space<hbm>> -> memref<632x128xf32, #tpu.memory_space<hbm>>
        %dma_start3A_39 = arith.constant 0 : i32
        %dma_start3A_40 = tpu.memref_slice %arg15[%mul3A_33, %dma_start3A_39] : memref<10112x128xf32, #tpu.memory_space<vmem_shared>> -> memref<632x128xf32, #tpu.memory_space<vmem_shared>>
        tpu.enqueue_dma source(%dma_start3A_40 : memref<632x128xf32, #tpu.memory_space<vmem_shared>>) target(%dma_start3A_38 : memref<632x128xf32, #tpu.memory_space<hbm>>) target_semaphore(%run_scoped3A_36 : memref<!tpu.dma_semaphore, #tpu.memory_space<semaphore_mem>>)
        %dma_wait3A = arith.constant 0 : i32
        %dma_wait3A_41 = tpu.memref_slice %arg6[%run_scoped3A, %mul3A_35, %dma_wait3A] : memref<2x10112x128xf32, #tpu.memory_space<hbm>> -> memref<1x632x128xf32, #tpu.memory_space<hbm>>
        %dma_wait3A_42 = tpu.memref_squeeze %dma_wait3A_41 : memref<1x632x128xf32, #tpu.memory_space<hbm>> -> memref<632x128xf32, #tpu.memory_space<hbm>>
        %dma_wait3A_43 = arith.constant 0 : i32
        %dma_wait3A_44 = tpu.memref_slice %arg15[%mul3A_33, %dma_wait3A_43] : memref<10112x128xf32, #tpu.memory_space<vmem_shared>> -> memref<632x128xf32, #tpu.memory_space<vmem_shared>>
        tpu.wait_dma2 semaphore(%run_scoped3A_36 : memref<!tpu.dma_semaphore, #tpu.memory_space<semaphore_mem>>) src(%dma_wait3A_44 : memref<632x128xf32, #tpu.memory_space<vmem_shared>>) dst(%dma_wait3A_42 : memref<632x128xf32, #tpu.memory_space<hbm>>)
        tpu.yield
      }) : () -> ()
    } else {
    }
    %eq3A_27 = arith.constant 1 : i32
    %eq3A_28 = arith.cmpi eq, %arg0, %eq3A_27 : i32
    %convert_element_type3A_29 = arith.extui %eq3A_28 : i1 to i32
    %cond3A_30 = arith.constant 0 : i32
    %cond3A_31 = arith.cmpi ne, %convert_element_type3A_29, %cond3A_30 : i32
    scf.if %cond3A_31 {
      %mul3A_32 = arith.constant 632 : i32
      %mul3A_33 = arith.muli %arg1, %mul3A_32 : i32
      %mul3A_34 = arith.constant 632 : i32
      %mul3A_35 = arith.muli %arg1, %mul3A_34 : i32
      %run_scoped3A = arith.constant 1 : i32
      "tpu.region"() ({
        %run_scoped3A_36 = tpu.sem_alloc : memref<!tpu.dma_semaphore, #tpu.memory_space<semaphore_mem>>
        %dma_start3A = arith.constant 0 : i32
        %dma_start3A_37 = tpu.memref_slice %arg6[%run_scoped3A, %mul3A_35, %dma_start3A] : memref<2x10112x128xf32, #tpu.memory_space<hbm>> -> memref<1x632x128xf32, #tpu.memory_space<hbm>>
        %dma_start3A_38 = tpu.memref_squeeze %dma_start3A_37 : memref<1x632x128xf32, #tpu.memory_space<hbm>> -> memref<632x128xf32, #tpu.memory_space<hbm>>
        %dma_start3A_39 = arith.constant 0 : i32
        %dma_start3A_40 = tpu.memref_slice %arg15[%mul3A_33, %dma_start3A_39] : memref<10112x128xf32, #tpu.memory_space<vmem_shared>> -> memref<632x128xf32, #tpu.memory_space<vmem_shared>>
        tpu.enqueue_dma source(%dma_start3A_40 : memref<632x128xf32, #tpu.memory_space<vmem_shared>>) target(%dma_start3A_38 : memref<632x128xf32, #tpu.memory_space<hbm>>) target_semaphore(%run_scoped3A_36 : memref<!tpu.dma_semaphore, #tpu.memory_space<semaphore_mem>>)
        %dma_wait3A = arith.constant 0 : i32
        %dma_wait3A_41 = tpu.memref_slice %arg6[%run_scoped3A, %mul3A_35, %dma_wait3A] : memref<2x10112x128xf32, #tpu.memory_space<hbm>> -> memref<1x632x128xf32, #tpu.memory_space<hbm>>
        %dma_wait3A_42 = tpu.memref_squeeze %dma_wait3A_41 : memref<1x632x128xf32, #tpu.memory_space<hbm>> -> memref<632x128xf32, #tpu.memory_space<hbm>>
        %dma_wait3A_43 = arith.constant 0 : i32
        %dma_wait3A_44 = tpu.memref_slice %arg15[%mul3A_33, %dma_wait3A_43] : memref<10112x128xf32, #tpu.memory_space<vmem_shared>> -> memref<632x128xf32, #tpu.memory_space<vmem_shared>>
        tpu.wait_dma2 semaphore(%run_scoped3A_36 : memref<!tpu.dma_semaphore, #tpu.memory_space<semaphore_mem>>) src(%dma_wait3A_44 : memref<632x128xf32, #tpu.memory_space<vmem_shared>>) dst(%dma_wait3A_42 : memref<632x128xf32, #tpu.memory_space<hbm>>)
        tpu.yield
      }) : () -> ()
    } else {
    }
    return
  }
}

#map = affine_map<(d0, d1) -> (0, 0)>
#map1 = affine_map<(d0, d1) -> (0, 0, 0)>
module attributes {stable_mosaic.version = 14 : i64} {
  func.func @_deg_kernel(%arg0: i32, %arg1: i32, %arg2: memref<2560x128xi32, #tpu.memory_space<hbm>>, %arg3: memref<2x10112x128xf32, #tpu.memory_space<hbm>>, %arg4: memref<16x128xi32, #tpu.memory_space<vmem>>, %arg5: memref<128x128xf32, #tpu.memory_space<vmem>>, %arg6: memref<10112x128xf32, #tpu.memory_space<vmem_shared>>) attributes {dimension_semantics = [#tpu.dimension_semantics<core_parallel>, #tpu.dimension_semantics<subcore_parallel>], iteration_bounds = array<i64: 2, 16>, scalar_prefetch = 0 : i64, scratch_operands = 3 : i64, tpu.core_type = #tpu.core_type<sc_vector_subcore>, window_params = [{transform_indices = #map}, {transform_indices = #map1}]} {
    %mul3A = arith.constant 2 : i32
    %mul3A_0 = arith.muli %arg1, %mul3A : i32
    %add3A = arith.addi %mul3A_0, %arg0 : i32
    %scan3A = arith.constant 0 : i32
    %scan3A_1 = arith.constant 128 : i32
    %scan3A_2 = arith.addi %scan3A, %scan3A_1 : i32
    %scan3A_3 = arith.constant 1 : i32
    scf.for %scan3A_35 = %scan3A to %scan3A_2 step %scan3A_3  : i32 {
      %mul3A_36 = arith.constant 1 : i32
      %mul3A_37 = arith.muli %scan3A_35, %mul3A_36 : i32
      %add3A_38 = arith.constant 0 : i32
      %add3A_39 = arith.addi %add3A_38, %mul3A_37 : i32
      %broadcast_in_dim3A = arith.constant 0.000000e+00 : f32
      %broadcast_in_dim3A_40 = vector.broadcast %broadcast_in_dim3A : f32 to vector<16xf32>
      %swap3A = arith.index_cast %add3A_39 : i32 to index
      %swap3A_41 = arith.constant 0 : index
      %swap3A_42 = tpu.vector_load %arg5[%swap3A, %swap3A_41] {strides = array<i32>} : memref<128x128xf32, #tpu.memory_space<vmem>>, vector<1x16xf32>,
      %swap3A_43 = vector.shape_cast %swap3A_42 : vector<1x16xf32> to vector<16xf32>
      %swap3A_44 = vector.shape_cast %broadcast_in_dim3A_40 : vector<16xf32> to vector<1x16xf32>
      tpu.vector_store %arg5[%swap3A, %swap3A_41], %swap3A_44 {strides = array<i32>} : memref<128x128xf32, #tpu.memory_space<vmem>>, vector<1x16xf32>,
      %broadcast_in_dim3A_45 = arith.constant 0.000000e+00 : f32
      %broadcast_in_dim3A_46 = vector.broadcast %broadcast_in_dim3A_45 : f32 to vector<16xf32>
      %swap3A_47 = arith.index_cast %add3A_39 : i32 to index
      %swap3A_48 = arith.constant 16 : index
      %swap3A_49 = tpu.vector_load %arg5[%swap3A_47, %swap3A_48] {strides = array<i32>} : memref<128x128xf32, #tpu.memory_space<vmem>>, vector<1x16xf32>,
      %swap3A_50 = vector.shape_cast %swap3A_49 : vector<1x16xf32> to vector<16xf32>
      %swap3A_51 = vector.shape_cast %broadcast_in_dim3A_46 : vector<16xf32> to vector<1x16xf32>
      tpu.vector_store %arg5[%swap3A_47, %swap3A_48], %swap3A_51 {strides = array<i32>} : memref<128x128xf32, #tpu.memory_space<vmem>>, vector<1x16xf32>,
      %broadcast_in_dim3A_52 = arith.constant 0.000000e+00 : f32
      %broadcast_in_dim3A_53 = vector.broadcast %broadcast_in_dim3A_52 : f32 to vector<16xf32>
      %swap3A_54 = arith.index_cast %add3A_39 : i32 to index
      %swap3A_55 = arith.constant 32 : index
      %swap3A_56 = tpu.vector_load %arg5[%swap3A_54, %swap3A_55] {strides = array<i32>} : memref<128x128xf32, #tpu.memory_space<vmem>>, vector<1x16xf32>,
      %swap3A_57 = vector.shape_cast %swap3A_56 : vector<1x16xf32> to vector<16xf32>
      %swap3A_58 = vector.shape_cast %broadcast_in_dim3A_53 : vector<16xf32> to vector<1x16xf32>
      tpu.vector_store %arg5[%swap3A_54, %swap3A_55], %swap3A_58 {strides = array<i32>} : memref<128x128xf32, #tpu.memory_space<vmem>>, vector<1x16xf32>,
      %broadcast_in_dim3A_59 = arith.constant 0.000000e+00 : f32
      %broadcast_in_dim3A_60 = vector.broadcast %broadcast_in_dim3A_59 : f32 to vector<16xf32>
      %swap3A_61 = arith.index_cast %add3A_39 : i32 to index
      %swap3A_62 = arith.constant 48 : index
      %swap3A_63 = tpu.vector_load %arg5[%swap3A_61, %swap3A_62] {strides = array<i32>} : memref<128x128xf32, #tpu.memory_space<vmem>>, vector<1x16xf32>,
      %swap3A_64 = vector.shape_cast %swap3A_63 : vector<1x16xf32> to vector<16xf32>
      %swap3A_65 = vector.shape_cast %broadcast_in_dim3A_60 : vector<16xf32> to vector<1x16xf32>
      tpu.vector_store %arg5[%swap3A_61, %swap3A_62], %swap3A_65 {strides = array<i32>} : memref<128x128xf32, #tpu.memory_space<vmem>>, vector<1x16xf32>,
      %broadcast_in_dim3A_66 = arith.constant 0.000000e+00 : f32
      %broadcast_in_dim3A_67 = vector.broadcast %broadcast_in_dim3A_66 : f32 to vector<16xf32>
      %swap3A_68 = arith.index_cast %add3A_39 : i32 to index
      %swap3A_69 = arith.constant 64 : index
      %swap3A_70 = tpu.vector_load %arg5[%swap3A_68, %swap3A_69] {strides = array<i32>} : memref<128x128xf32, #tpu.memory_space<vmem>>, vector<1x16xf32>,
      %swap3A_71 = vector.shape_cast %swap3A_70 : vector<1x16xf32> to vector<16xf32>
      %swap3A_72 = vector.shape_cast %broadcast_in_dim3A_67 : vector<16xf32> to vector<1x16xf32>
      tpu.vector_store %arg5[%swap3A_68, %swap3A_69], %swap3A_72 {strides = array<i32>} : memref<128x128xf32, #tpu.memory_space<vmem>>, vector<1x16xf32>,
      %broadcast_in_dim3A_73 = arith.constant 0.000000e+00 : f32
      %broadcast_in_dim3A_74 = vector.broadcast %broadcast_in_dim3A_73 : f32 to vector<16xf32>
      %swap3A_75 = arith.index_cast %add3A_39 : i32 to index
      %swap3A_76 = arith.constant 80 : index
      %swap3A_77 = tpu.vector_load %arg5[%swap3A_75, %swap3A_76] {strides = array<i32>} : memref<128x128xf32, #tpu.memory_space<vmem>>, vector<1x16xf32>,
      %swap3A_78 = vector.shape_cast %swap3A_77 : vector<1x16xf32> to vector<16xf32>
      %swap3A_79 = vector.shape_cast %broadcast_in_dim3A_74 : vector<16xf32> to vector<1x16xf32>
      tpu.vector_store %arg5[%swap3A_75, %swap3A_76], %swap3A_79 {strides = array<i32>} : memref<128x128xf32, #tpu.memory_space<vmem>>, vector<1x16xf32>,
      %broadcast_in_dim3A_80 = arith.constant 0.000000e+00 : f32
      %broadcast_in_dim3A_81 = vector.broadcast %broadcast_in_dim3A_80 : f32 to vector<16xf32>
      %swap3A_82 = arith.index_cast %add3A_39 : i32 to index
      %swap3A_83 = arith.constant 96 : index
      %swap3A_84 = tpu.vector_load %arg5[%swap3A_82, %swap3A_83] {strides = array<i32>} : memref<128x128xf32, #tpu.memory_space<vmem>>, vector<1x16xf32>,
      %swap3A_85 = vector.shape_cast %swap3A_84 : vector<1x16xf32> to vector<16xf32>
      %swap3A_86 = vector.shape_cast %broadcast_in_dim3A_81 : vector<16xf32> to vector<1x16xf32>
      tpu.vector_store %arg5[%swap3A_82, %swap3A_83], %swap3A_86 {strides = array<i32>} : memref<128x128xf32, #tpu.memory_space<vmem>>, vector<1x16xf32>,
      %broadcast_in_dim3A_87 = arith.constant 0.000000e+00 : f32
      %broadcast_in_dim3A_88 = vector.broadcast %broadcast_in_dim3A_87 : f32 to vector<16xf32>
      %swap3A_89 = arith.index_cast %add3A_39 : i32 to index
      %swap3A_90 = arith.constant 112 : index
      %swap3A_91 = tpu.vector_load %arg5[%swap3A_89, %swap3A_90] {strides = array<i32>} : memref<128x128xf32, #tpu.memory_space<vmem>>, vector<1x16xf32>,
      %swap3A_92 = vector.shape_cast %swap3A_91 : vector<1x16xf32> to vector<16xf32>
      %swap3A_93 = vector.shape_cast %broadcast_in_dim3A_88 : vector<16xf32> to vector<1x16xf32>
      tpu.vector_store %arg5[%swap3A_89, %swap3A_90], %swap3A_93 {strides = array<i32>} : memref<128x128xf32, #tpu.memory_space<vmem>>, vector<1x16xf32>,
    }
    %scan3A_4 = arith.constant 128 : i32
    %mul3A_5 = arith.constant 632 : i32
    %mul3A_6 = arith.muli %arg1, %mul3A_5 : i32
    %add3A_7 = arith.constant 0 : i32
    %add3A_8 = arith.addi %mul3A_6, %add3A_7 : i32
    "tpu.region"() ({
      %run_scoped3A = tpu.sem_alloc : memref<!tpu.dma_semaphore, #tpu.memory_space<semaphore_mem>>
      %dma_start3A = arith.constant 0 : i32
      %dma_start3A_35 = tpu.memref_slice %arg6[%add3A_8, %dma_start3A] : memref<10112x128xf32, #tpu.memory_space<vmem_shared>> -> memref<128x128xf32, #tpu.memory_space<vmem_shared>>
      %dma_start3A_36 = arith.constant 0 : i32
      %dma_start3A_37 = tpu.memref_slice %arg6[%add3A_8, %dma_start3A_36] : memref<10112x128xf32, #tpu.memory_space<vmem_shared>> -> memref<128x128xf32, #tpu.memory_space<vmem_shared>>
      tpu.enqueue_dma source(%arg5 : memref<128x128xf32, #tpu.memory_space<vmem>>) target(%dma_start3A_37 : memref<128x128xf32, #tpu.memory_space<vmem_shared>>) target_semaphore(%run_scoped3A : memref<!tpu.dma_semaphore, #tpu.memory_space<semaphore_mem>>)
      %dma_wait3A = arith.constant 0 : i32
      %dma_wait3A_38 = tpu.memref_slice %arg6[%add3A_8, %dma_wait3A] : memref<10112x128xf32, #tpu.memory_space<vmem_shared>> -> memref<128x128xf32, #tpu.memory_space<vmem_shared>>
      %dma_wait3A_39 = arith.constant 0 : i32
      %dma_wait3A_40 = tpu.memref_slice %arg6[%add3A_8, %dma_wait3A_39] : memref<10112x128xf32, #tpu.memory_space<vmem_shared>> -> memref<128x128xf32, #tpu.memory_space<vmem_shared>>
      tpu.wait_dma2 semaphore(%run_scoped3A : memref<!tpu.dma_semaphore, #tpu.memory_space<semaphore_mem>>) src(%arg5 : memref<128x128xf32, #tpu.memory_space<vmem>>) dst(%dma_wait3A_40 : memref<128x128xf32, #tpu.memory_space<vmem_shared>>)
      tpu.yield
    }) : () -> ()
    %add3A_9 = arith.constant 128 : i32
    %add3A_10 = arith.addi %mul3A_6, %add3A_9 : i32
    "tpu.region"() ({
      %run_scoped3A = tpu.sem_alloc : memref<!tpu.dma_semaphore, #tpu.memory_space<semaphore_mem>>
      %dma_start3A = arith.constant 0 : i32
      %dma_start3A_35 = tpu.memref_slice %arg6[%add3A_10, %dma_start3A] : memref<10112x128xf32, #tpu.memory_space<vmem_shared>> -> memref<128x128xf32, #tpu.memory_space<vmem_shared>>
      %dma_start3A_36 = arith.constant 0 : i32
      %dma_start3A_37 = tpu.memref_slice %arg6[%add3A_10, %dma_start3A_36] : memref<10112x128xf32, #tpu.memory_space<vmem_shared>> -> memref<128x128xf32, #tpu.memory_space<vmem_shared>>
      tpu.enqueue_dma source(%arg5 : memref<128x128xf32, #tpu.memory_space<vmem>>) target(%dma_start3A_37 : memref<128x128xf32, #tpu.memory_space<vmem_shared>>) target_semaphore(%run_scoped3A : memref<!tpu.dma_semaphore, #tpu.memory_space<semaphore_mem>>)
      %dma_wait3A = arith.constant 0 : i32
      %dma_wait3A_38 = tpu.memref_slice %arg6[%add3A_10, %dma_wait3A] : memref<10112x128xf32, #tpu.memory_space<vmem_shared>> -> memref<128x128xf32, #tpu.memory_space<vmem_shared>>
      %dma_wait3A_39 = arith.constant 0 : i32
      %dma_wait3A_40 = tpu.memref_slice %arg6[%add3A_10, %dma_wait3A_39] : memref<10112x128xf32, #tpu.memory_space<vmem_shared>> -> memref<128x128xf32, #tpu.memory_space<vmem_shared>>
      tpu.wait_dma2 semaphore(%run_scoped3A : memref<!tpu.dma_semaphore, #tpu.memory_space<semaphore_mem>>) src(%arg5 : memref<128x128xf32, #tpu.memory_space<vmem>>) dst(%dma_wait3A_40 : memref<128x128xf32, #tpu.memory_space<vmem_shared>>)
      tpu.yield
    }) : () -> ()
    %add3A_11 = arith.constant 256 : i32
    %add3A_12 = arith.addi %mul3A_6, %add3A_11 : i32
    "tpu.region"() ({
      %run_scoped3A = tpu.sem_alloc : memref<!tpu.dma_semaphore, #tpu.memory_space<semaphore_mem>>
      %dma_start3A = arith.constant 0 : i32
      %dma_start3A_35 = tpu.memref_slice %arg6[%add3A_12, %dma_start3A] : memref<10112x128xf32, #tpu.memory_space<vmem_shared>> -> memref<128x128xf32, #tpu.memory_space<vmem_shared>>
      %dma_start3A_36 = arith.constant 0 : i32
      %dma_start3A_37 = tpu.memref_slice %arg6[%add3A_12, %dma_start3A_36] : memref<10112x128xf32, #tpu.memory_space<vmem_shared>> -> memref<128x128xf32, #tpu.memory_space<vmem_shared>>
      tpu.enqueue_dma source(%arg5 : memref<128x128xf32, #tpu.memory_space<vmem>>) target(%dma_start3A_37 : memref<128x128xf32, #tpu.memory_space<vmem_shared>>) target_semaphore(%run_scoped3A : memref<!tpu.dma_semaphore, #tpu.memory_space<semaphore_mem>>)
      %dma_wait3A = arith.constant 0 : i32
      %dma_wait3A_38 = tpu.memref_slice %arg6[%add3A_12, %dma_wait3A] : memref<10112x128xf32, #tpu.memory_space<vmem_shared>> -> memref<128x128xf32, #tpu.memory_space<vmem_shared>>
      %dma_wait3A_39 = arith.constant 0 : i32
      %dma_wait3A_40 = tpu.memref_slice %arg6[%add3A_12, %dma_wait3A_39] : memref<10112x128xf32, #tpu.memory_space<vmem_shared>> -> memref<128x128xf32, #tpu.memory_space<vmem_shared>>
      tpu.wait_dma2 semaphore(%run_scoped3A : memref<!tpu.dma_semaphore, #tpu.memory_space<semaphore_mem>>) src(%arg5 : memref<128x128xf32, #tpu.memory_space<vmem>>) dst(%dma_wait3A_40 : memref<128x128xf32, #tpu.memory_space<vmem_shared>>)
      tpu.yield
    }) : () -> ()
    %add3A_13 = arith.constant 384 : i32
    %add3A_14 = arith.addi %mul3A_6, %add3A_13 : i32
    "tpu.region"() ({
      %run_scoped3A = tpu.sem_alloc : memref<!tpu.dma_semaphore, #tpu.memory_space<semaphore_mem>>
      %dma_start3A = arith.constant 0 : i32
      %dma_start3A_35 = tpu.memref_slice %arg6[%add3A_14, %dma_start3A] : memref<10112x128xf32, #tpu.memory_space<vmem_shared>> -> memref<128x128xf32, #tpu.memory_space<vmem_shared>>
      %dma_start3A_36 = arith.constant 0 : i32
      %dma_start3A_37 = tpu.memref_slice %arg6[%add3A_14, %dma_start3A_36] : memref<10112x128xf32, #tpu.memory_space<vmem_shared>> -> memref<128x128xf32, #tpu.memory_space<vmem_shared>>
      tpu.enqueue_dma source(%arg5 : memref<128x128xf32, #tpu.memory_space<vmem>>) target(%dma_start3A_37 : memref<128x128xf32, #tpu.memory_space<vmem_shared>>) target_semaphore(%run_scoped3A : memref<!tpu.dma_semaphore, #tpu.memory_space<semaphore_mem>>)
      %dma_wait3A = arith.constant 0 : i32
      %dma_wait3A_38 = tpu.memref_slice %arg6[%add3A_14, %dma_wait3A] : memref<10112x128xf32, #tpu.memory_space<vmem_shared>> -> memref<128x128xf32, #tpu.memory_space<vmem_shared>>
      %dma_wait3A_39 = arith.constant 0 : i32
      %dma_wait3A_40 = tpu.memref_slice %arg6[%add3A_14, %dma_wait3A_39] : memref<10112x128xf32, #tpu.memory_space<vmem_shared>> -> memref<128x128xf32, #tpu.memory_space<vmem_shared>>
      tpu.wait_dma2 semaphore(%run_scoped3A : memref<!tpu.dma_semaphore, #tpu.memory_space<semaphore_mem>>) src(%arg5 : memref<128x128xf32, #tpu.memory_space<vmem>>) dst(%dma_wait3A_40 : memref<128x128xf32, #tpu.memory_space<vmem_shared>>)
      tpu.yield
    }) : () -> ()
    %add3A_15 = arith.constant 512 : i32
    %add3A_16 = arith.addi %mul3A_6, %add3A_15 : i32
    "tpu.region"() ({
      %run_scoped3A = tpu.sem_alloc : memref<!tpu.dma_semaphore, #tpu.memory_space<semaphore_mem>>
      %dma_start3A = arith.constant 0 : i32
      %dma_start3A_35 = arith.constant 0 : i32
      %dma_start3A_36 = tpu.memref_slice %arg5[%dma_start3A, %dma_start3A_35] : memref<128x128xf32, #tpu.memory_space<vmem>> -> memref<120x128xf32, #tpu.memory_space<vmem>>
      %dma_start3A_37 = arith.constant 0 : i32
      %dma_start3A_38 = tpu.memref_slice %arg6[%add3A_16, %dma_start3A_37] : memref<10112x128xf32, #tpu.memory_space<vmem_shared>> -> memref<120x128xf32, #tpu.memory_space<vmem_shared>>
      %dma_start3A_39 = arith.constant 0 : i32
      %dma_start3A_40 = tpu.memref_slice %arg6[%add3A_16, %dma_start3A_39] : memref<10112x128xf32, #tpu.memory_space<vmem_shared>> -> memref<120x128xf32, #tpu.memory_space<vmem_shared>>
      %dma_start3A_41 = arith.constant 0 : i32
      %dma_start3A_42 = arith.constant 0 : i32
      %dma_start3A_43 = tpu.memref_slice %arg5[%dma_start3A_41, %dma_start3A_42] : memref<128x128xf32, #tpu.memory_space<vmem>> -> memref<120x128xf32, #tpu.memory_space<vmem>>
      tpu.enqueue_dma source(%dma_start3A_43 : memref<120x128xf32, #tpu.memory_space<vmem>>) target(%dma_start3A_40 : memref<120x128xf32, #tpu.memory_space<vmem_shared>>) target_semaphore(%run_scoped3A : memref<!tpu.dma_semaphore, #tpu.memory_space<semaphore_mem>>)
      %dma_wait3A = arith.constant 0 : i32
      %dma_wait3A_44 = arith.constant 0 : i32
      %dma_wait3A_45 = tpu.memref_slice %arg5[%dma_wait3A, %dma_wait3A_44] : memref<128x128xf32, #tpu.memory_space<vmem>> -> memref<120x128xf32, #tpu.memory_space<vmem>>
      %dma_wait3A_46 = arith.constant 0 : i32
      %dma_wait3A_47 = tpu.memref_slice %arg6[%add3A_16, %dma_wait3A_46] : memref<10112x128xf32, #tpu.memory_space<vmem_shared>> -> memref<120x128xf32, #tpu.memory_space<vmem_shared>>
      %dma_wait3A_48 = arith.constant 0 : i32
      %dma_wait3A_49 = tpu.memref_slice %arg6[%add3A_16, %dma_wait3A_48] : memref<10112x128xf32, #tpu.memory_space<vmem_shared>> -> memref<120x128xf32, #tpu.memory_space<vmem_shared>>
      %dma_wait3A_50 = arith.constant 0 : i32
      %dma_wait3A_51 = arith.constant 0 : i32
      %dma_wait3A_52 = tpu.memref_slice %arg5[%dma_wait3A_50, %dma_wait3A_51] : memref<128x128xf32, #tpu.memory_space<vmem>> -> memref<120x128xf32, #tpu.memory_space<vmem>>
      tpu.wait_dma2 semaphore(%run_scoped3A : memref<!tpu.dma_semaphore, #tpu.memory_space<semaphore_mem>>) src(%dma_wait3A_52 : memref<120x128xf32, #tpu.memory_space<vmem>>) dst(%dma_wait3A_49 : memref<120x128xf32, #tpu.memory_space<vmem_shared>>)
      tpu.yield
    }) : () -> ()
    %scan3A_17 = arith.constant 0 : i32
    %scan3A_18 = arith.constant 128 : i32
    %scan3A_19 = arith.addi %scan3A_17, %scan3A_18 : i32
    %scan3A_20 = arith.constant 1 : i32
    scf.for %scan3A_35 = %scan3A_17 to %scan3A_19 step %scan3A_20  : i32 {
      %mul3A_36 = arith.constant 1 : i32
      %mul3A_37 = arith.muli %scan3A_35, %mul3A_36 : i32
      %add3A_38 = arith.constant 0 : i32
      %add3A_39 = arith.addi %add3A_38, %mul3A_37 : i32
      %broadcast_in_dim3A = arith.constant 1.000000e+00 : f32
      %broadcast_in_dim3A_40 = vector.broadcast %broadcast_in_dim3A : f32 to vector<16xf32>
      %swap3A = arith.index_cast %add3A_39 : i32 to index
      %swap3A_41 = arith.constant 0 : index
      %swap3A_42 = tpu.vector_load %arg5[%swap3A, %swap3A_41] {strides = array<i32>} : memref<128x128xf32, #tpu.memory_space<vmem>>, vector<1x16xf32>,
      %swap3A_43 = vector.shape_cast %swap3A_42 : vector<1x16xf32> to vector<16xf32>
      %swap3A_44 = vector.shape_cast %broadcast_in_dim3A_40 : vector<16xf32> to vector<1x16xf32>
      tpu.vector_store %arg5[%swap3A, %swap3A_41], %swap3A_44 {strides = array<i32>} : memref<128x128xf32, #tpu.memory_space<vmem>>, vector<1x16xf32>,
      %broadcast_in_dim3A_45 = arith.constant 1.000000e+00 : f32
      %broadcast_in_dim3A_46 = vector.broadcast %broadcast_in_dim3A_45 : f32 to vector<16xf32>
      %swap3A_47 = arith.index_cast %add3A_39 : i32 to index
      %swap3A_48 = arith.constant 16 : index
      %swap3A_49 = tpu.vector_load %arg5[%swap3A_47, %swap3A_48] {strides = array<i32>} : memref<128x128xf32, #tpu.memory_space<vmem>>, vector<1x16xf32>,
      %swap3A_50 = vector.shape_cast %swap3A_49 : vector<1x16xf32> to vector<16xf32>
      %swap3A_51 = vector.shape_cast %broadcast_in_dim3A_46 : vector<16xf32> to vector<1x16xf32>
      tpu.vector_store %arg5[%swap3A_47, %swap3A_48], %swap3A_51 {strides = array<i32>} : memref<128x128xf32, #tpu.memory_space<vmem>>, vector<1x16xf32>,
      %broadcast_in_dim3A_52 = arith.constant 1.000000e+00 : f32
      %broadcast_in_dim3A_53 = vector.broadcast %broadcast_in_dim3A_52 : f32 to vector<16xf32>
      %swap3A_54 = arith.index_cast %add3A_39 : i32 to index
      %swap3A_55 = arith.constant 32 : index
      %swap3A_56 = tpu.vector_load %arg5[%swap3A_54, %swap3A_55] {strides = array<i32>} : memref<128x128xf32, #tpu.memory_space<vmem>>, vector<1x16xf32>,
      %swap3A_57 = vector.shape_cast %swap3A_56 : vector<1x16xf32> to vector<16xf32>
      %swap3A_58 = vector.shape_cast %broadcast_in_dim3A_53 : vector<16xf32> to vector<1x16xf32>
      tpu.vector_store %arg5[%swap3A_54, %swap3A_55], %swap3A_58 {strides = array<i32>} : memref<128x128xf32, #tpu.memory_space<vmem>>, vector<1x16xf32>,
      %broadcast_in_dim3A_59 = arith.constant 1.000000e+00 : f32
      %broadcast_in_dim3A_60 = vector.broadcast %broadcast_in_dim3A_59 : f32 to vector<16xf32>
      %swap3A_61 = arith.index_cast %add3A_39 : i32 to index
      %swap3A_62 = arith.constant 48 : index
      %swap3A_63 = tpu.vector_load %arg5[%swap3A_61, %swap3A_62] {strides = array<i32>} : memref<128x128xf32, #tpu.memory_space<vmem>>, vector<1x16xf32>,
      %swap3A_64 = vector.shape_cast %swap3A_63 : vector<1x16xf32> to vector<16xf32>
      %swap3A_65 = vector.shape_cast %broadcast_in_dim3A_60 : vector<16xf32> to vector<1x16xf32>
      tpu.vector_store %arg5[%swap3A_61, %swap3A_62], %swap3A_65 {strides = array<i32>} : memref<128x128xf32, #tpu.memory_space<vmem>>, vector<1x16xf32>,
      %broadcast_in_dim3A_66 = arith.constant 1.000000e+00 : f32
      %broadcast_in_dim3A_67 = vector.broadcast %broadcast_in_dim3A_66 : f32 to vector<16xf32>
      %swap3A_68 = arith.index_cast %add3A_39 : i32 to index
      %swap3A_69 = arith.constant 64 : index
      %swap3A_70 = tpu.vector_load %arg5[%swap3A_68, %swap3A_69] {strides = array<i32>} : memref<128x128xf32, #tpu.memory_space<vmem>>, vector<1x16xf32>,
      %swap3A_71 = vector.shape_cast %swap3A_70 : vector<1x16xf32> to vector<16xf32>
      %swap3A_72 = vector.shape_cast %broadcast_in_dim3A_67 : vector<16xf32> to vector<1x16xf32>
      tpu.vector_store %arg5[%swap3A_68, %swap3A_69], %swap3A_72 {strides = array<i32>} : memref<128x128xf32, #tpu.memory_space<vmem>>, vector<1x16xf32>,
      %broadcast_in_dim3A_73 = arith.constant 1.000000e+00 : f32
      %broadcast_in_dim3A_74 = vector.broadcast %broadcast_in_dim3A_73 : f32 to vector<16xf32>
      %swap3A_75 = arith.index_cast %add3A_39 : i32 to index
      %swap3A_76 = arith.constant 80 : index
      %swap3A_77 = tpu.vector_load %arg5[%swap3A_75, %swap3A_76] {strides = array<i32>} : memref<128x128xf32, #tpu.memory_space<vmem>>, vector<1x16xf32>,
      %swap3A_78 = vector.shape_cast %swap3A_77 : vector<1x16xf32> to vector<16xf32>
      %swap3A_79 = vector.shape_cast %broadcast_in_dim3A_74 : vector<16xf32> to vector<1x16xf32>
      tpu.vector_store %arg5[%swap3A_75, %swap3A_76], %swap3A_79 {strides = array<i32>} : memref<128x128xf32, #tpu.memory_space<vmem>>, vector<1x16xf32>,
      %broadcast_in_dim3A_80 = arith.constant 1.000000e+00 : f32
      %broadcast_in_dim3A_81 = vector.broadcast %broadcast_in_dim3A_80 : f32 to vector<16xf32>
      %swap3A_82 = arith.index_cast %add3A_39 : i32 to index
      %swap3A_83 = arith.constant 96 : index
      %swap3A_84 = tpu.vector_load %arg5[%swap3A_82, %swap3A_83] {strides = array<i32>} : memref<128x128xf32, #tpu.memory_space<vmem>>, vector<1x16xf32>,
      %swap3A_85 = vector.shape_cast %swap3A_84 : vector<1x16xf32> to vector<16xf32>
      %swap3A_86 = vector.shape_cast %broadcast_in_dim3A_81 : vector<16xf32> to vector<1x16xf32>
      tpu.vector_store %arg5[%swap3A_82, %swap3A_83], %swap3A_86 {strides = array<i32>} : memref<128x128xf32, #tpu.memory_space<vmem>>, vector<1x16xf32>,
      %broadcast_in_dim3A_87 = arith.constant 1.000000e+00 : f32
      %broadcast_in_dim3A_88 = vector.broadcast %broadcast_in_dim3A_87 : f32 to vector<16xf32>
      %swap3A_89 = arith.index_cast %add3A_39 : i32 to index
      %swap3A_90 = arith.constant 112 : index
      %swap3A_91 = tpu.vector_load %arg5[%swap3A_89, %swap3A_90] {strides = array<i32>} : memref<128x128xf32, #tpu.memory_space<vmem>>, vector<1x16xf32>,
      %swap3A_92 = vector.shape_cast %swap3A_91 : vector<1x16xf32> to vector<16xf32>
      %swap3A_93 = vector.shape_cast %broadcast_in_dim3A_88 : vector<16xf32> to vector<1x16xf32>
      tpu.vector_store %arg5[%swap3A_89, %swap3A_90], %swap3A_93 {strides = array<i32>} : memref<128x128xf32, #tpu.memory_space<vmem>>, vector<1x16xf32>,
    }
    %scan3A_21 = arith.constant 128 : i32
    %barrier3A = arith.constant 0 : index
    tpu.barrier barrier_id(%barrier3A)
    %scan3A_22 = arith.constant 0 : i32
    %scan3A_23 = arith.constant 5 : i32
    %scan3A_24 = arith.addi %scan3A_22, %scan3A_23 : i32
    %scan3A_25 = arith.constant 1 : i32
    scf.for %scan3A_35 = %scan3A_22 to %scan3A_24 step %scan3A_25  : i32 {
      %mul3A_36 = arith.constant 1 : i32
      %mul3A_37 = arith.muli %scan3A_35, %mul3A_36 : i32
      %add3A_38 = arith.constant 0 : i32
      %add3A_39 = arith.addi %add3A_38, %mul3A_37 : i32
      %mul3A_40 = arith.constant 80 : i32
      %mul3A_41 = arith.muli %add3A, %mul3A_40 : i32
      %mul3A_42 = arith.constant 16 : i32
      %mul3A_43 = arith.muli %add3A_39, %mul3A_42 : i32
      %add3A_44 = arith.addi %mul3A_41, %mul3A_43 : i32
      "tpu.region"() ({
        %run_scoped3A = tpu.sem_alloc : memref<!tpu.dma_semaphore, #tpu.memory_space<semaphore_mem>>
        %dma_start3A = arith.constant 0 : i32
        %dma_start3A_50 = tpu.memref_slice %arg2[%add3A_44, %dma_start3A] : memref<2560x128xi32, #tpu.memory_space<hbm>> -> memref<16x128xi32, #tpu.memory_space<hbm>>
        %dma_start3A_51 = arith.constant 0 : i32
        %dma_start3A_52 = tpu.memref_slice %arg2[%add3A_44, %dma_start3A_51] : memref<2560x128xi32, #tpu.memory_space<hbm>> -> memref<16x128xi32, #tpu.memory_space<hbm>>
        tpu.enqueue_dma source(%dma_start3A_52 : memref<16x128xi32, #tpu.memory_space<hbm>>) target(%arg4 : memref<16x128xi32, #tpu.memory_space<vmem>>) target_semaphore(%run_scoped3A : memref<!tpu.dma_semaphore, #tpu.memory_space<semaphore_mem>>)
        %dma_wait3A = arith.constant 0 : i32
        %dma_wait3A_53 = tpu.memref_slice %arg2[%add3A_44, %dma_wait3A] : memref<2560x128xi32, #tpu.memory_space<hbm>> -> memref<16x128xi32, #tpu.memory_space<hbm>>
        %dma_wait3A_54 = arith.constant 0 : i32
        %dma_wait3A_55 = tpu.memref_slice %arg2[%add3A_44, %dma_wait3A_54] : memref<2560x128xi32, #tpu.memory_space<hbm>> -> memref<16x128xi32, #tpu.memory_space<hbm>>
        tpu.wait_dma2 semaphore(%run_scoped3A : memref<!tpu.dma_semaphore, #tpu.memory_space<semaphore_mem>>) src(%dma_wait3A_55 : memref<16x128xi32, #tpu.memory_space<hbm>>) dst(%arg4 : memref<16x128xi32, #tpu.memory_space<vmem>>)
        tpu.yield
      }) : () -> ()
      %scan3A_45 = arith.constant 0 : i32
      %scan3A_46 = arith.constant 16 : i32
      %scan3A_47 = arith.addi %scan3A_45, %scan3A_46 : i32
      %scan3A_48 = arith.constant 1 : i32
      scf.for %scan3A_50 = %scan3A_45 to %scan3A_47 step %scan3A_48  : i32 {
        %mul3A_51 = arith.constant 1 : i32
        %mul3A_52 = arith.muli %scan3A_50, %mul3A_51 : i32
        %add3A_53 = arith.constant 0 : i32
        %add3A_54 = arith.addi %add3A_53, %mul3A_52 : i32
        "tpu.region"() ({
          %run_scoped3A = tpu.sem_alloc : memref<!tpu.dma_semaphore, #tpu.memory_space<semaphore_mem>>
          %dma_start3A = arith.constant 0 : i32
          %dma_start3A_55 = tpu.memref_slice %arg4[%add3A_54, %dma_start3A] : memref<16x128xi32, #tpu.memory_space<vmem>> -> memref<1x128xi32, #tpu.memory_space<vmem>>
          %dma_start3A_56 = tpu.memref_squeeze %dma_start3A_55 : memref<1x128xi32, #tpu.memory_space<vmem>> -> memref<128xi32, #tpu.memory_space<vmem>>
          %dma_start3A_57 = arith.constant 0 : i32
          %dma_start3A_58 = arith.constant 0 : i32
          %dma_start3A_59 = tpu.memref_slice %arg6[%dma_start3A_57, %dma_start3A_58] : memref<10112x128xf32, #tpu.memory_space<vmem_shared>> -> memref<10112x128xf32, #tpu.memory_space<vmem_shared>>
          tpu.enqueue_indirect_dma source(%arg5 : memref<128x128xf32, #tpu.memory_space<vmem>>) target(%dma_start3A_59 : memref<10112x128xf32, #tpu.memory_space<vmem_shared>>) offsets(%dma_start3A_56 : memref<128xi32, #tpu.memory_space<vmem>>) semaphore(%run_scoped3A : memref<!tpu.dma_semaphore, #tpu.memory_space<semaphore_mem>>) {add = true}
          %dma_wait3A = arith.constant 0 : i32
          %dma_wait3A_60 = tpu.memref_slice %arg4[%add3A_54, %dma_wait3A] : memref<16x128xi32, #tpu.memory_space<vmem>> -> memref<1x128xi32, #tpu.memory_space<vmem>>
          %dma_wait3A_61 = tpu.memref_squeeze %dma_wait3A_60 : memref<1x128xi32, #tpu.memory_space<vmem>> -> memref<128xi32, #tpu.memory_space<vmem>>
          %dma_wait3A_62 = arith.constant 0 : i32
          %dma_wait3A_63 = arith.constant 0 : i32
          %dma_wait3A_64 = tpu.memref_slice %arg6[%dma_wait3A_62, %dma_wait3A_63] : memref<10112x128xf32, #tpu.memory_space<vmem_shared>> -> memref<10112x128xf32, #tpu.memory_space<vmem_shared>>
          tpu.wait_indirect_dma semaphore(%run_scoped3A : memref<!tpu.dma_semaphore, #tpu.memory_space<semaphore_mem>>) src(%arg5 : memref<128x128xf32, #tpu.memory_space<vmem>>) dst(%dma_wait3A_64 : memref<10112x128xf32, #tpu.memory_space<vmem_shared>>)
          tpu.yield
        }) : () -> ()
      }
      %scan3A_49 = arith.constant 16 : i32
    }
    %scan3A_26 = arith.constant 5 : i32
    %barrier3A_27 = arith.constant 0 : index
    tpu.barrier barrier_id(%barrier3A_27)
    %eq3A = arith.constant 0 : i32
    %eq3A_28 = arith.cmpi eq, %arg0, %eq3A : i32
    %convert_element_type3A = arith.extui %eq3A_28 : i1 to i32
    %cond3A = arith.constant 0 : i32
    %cond3A_29 = arith.cmpi ne, %convert_element_type3A, %cond3A : i32
    scf.if %cond3A_29 {
      %mul3A_35 = arith.constant 632 : i32
      %mul3A_36 = arith.muli %arg1, %mul3A_35 : i32
      %mul3A_37 = arith.constant 632 : i32
      %mul3A_38 = arith.muli %arg1, %mul3A_37 : i32
      %run_scoped3A = arith.constant 0 : i32
      "tpu.region"() ({
        %run_scoped3A_39 = tpu.sem_alloc : memref<!tpu.dma_semaphore, #tpu.memory_space<semaphore_mem>>
        %dma_start3A = arith.constant 0 : i32
        %dma_start3A_40 = tpu.memref_slice %arg3[%run_scoped3A, %mul3A_38, %dma_start3A] : memref<2x10112x128xf32, #tpu.memory_space<hbm>> -> memref<1x632x128xf32, #tpu.memory_space<hbm>>
        %dma_start3A_41 = tpu.memref_squeeze %dma_start3A_40 : memref<1x632x128xf32, #tpu.memory_space<hbm>> -> memref<632x128xf32, #tpu.memory_space<hbm>>
        %dma_start3A_42 = arith.constant 0 : i32
        %dma_start3A_43 = tpu.memref_slice %arg6[%mul3A_36, %dma_start3A_42] : memref<10112x128xf32, #tpu.memory_space<vmem_shared>> -> memref<632x128xf32, #tpu.memory_space<vmem_shared>>
        tpu.enqueue_dma source(%dma_start3A_43 : memref<632x128xf32, #tpu.memory_space<vmem_shared>>) target(%dma_start3A_41 : memref<632x128xf32, #tpu.memory_space<hbm>>) target_semaphore(%run_scoped3A_39 : memref<!tpu.dma_semaphore, #tpu.memory_space<semaphore_mem>>)
        %dma_wait3A = arith.constant 0 : i32
        %dma_wait3A_44 = tpu.memref_slice %arg3[%run_scoped3A, %mul3A_38, %dma_wait3A] : memref<2x10112x128xf32, #tpu.memory_space<hbm>> -> memref<1x632x128xf32, #tpu.memory_space<hbm>>
        %dma_wait3A_45 = tpu.memref_squeeze %dma_wait3A_44 : memref<1x632x128xf32, #tpu.memory_space<hbm>> -> memref<632x128xf32, #tpu.memory_space<hbm>>
        %dma_wait3A_46 = arith.constant 0 : i32
        %dma_wait3A_47 = tpu.memref_slice %arg6[%mul3A_36, %dma_wait3A_46] : memref<10112x128xf32, #tpu.memory_space<vmem_shared>> -> memref<632x128xf32, #tpu.memory_space<vmem_shared>>
        tpu.wait_dma2 semaphore(%run_scoped3A_39 : memref<!tpu.dma_semaphore, #tpu.memory_space<semaphore_mem>>) src(%dma_wait3A_47 : memref<632x128xf32, #tpu.memory_space<vmem_shared>>) dst(%dma_wait3A_45 : memref<632x128xf32, #tpu.memory_space<hbm>>)
        tpu.yield
      }) : () -> ()
    } else {
    }
    %eq3A_30 = arith.constant 1 : i32
    %eq3A_31 = arith.cmpi eq, %arg0, %eq3A_30 : i32
    %convert_element_type3A_32 = arith.extui %eq3A_31 : i1 to i32
    %cond3A_33 = arith.constant 0 : i32
    %cond3A_34 = arith.cmpi ne, %convert_element_type3A_32, %cond3A_33 : i32
    scf.if %cond3A_34 {
      %mul3A_35 = arith.constant 632 : i32
      %mul3A_36 = arith.muli %arg1, %mul3A_35 : i32
      %mul3A_37 = arith.constant 632 : i32
      %mul3A_38 = arith.muli %arg1, %mul3A_37 : i32
      %run_scoped3A = arith.constant 1 : i32
      "tpu.region"() ({
        %run_scoped3A_39 = tpu.sem_alloc : memref<!tpu.dma_semaphore, #tpu.memory_space<semaphore_mem>>
        %dma_start3A = arith.constant 0 : i32
        %dma_start3A_40 = tpu.memref_slice %arg3[%run_scoped3A, %mul3A_38, %dma_start3A] : memref<2x10112x128xf32, #tpu.memory_space<hbm>> -> memref<1x632x128xf32, #tpu.memory_space<hbm>>
        %dma_start3A_41 = tpu.memref_squeeze %dma_start3A_40 : memref<1x632x128xf32, #tpu.memory_space<hbm>> -> memref<632x128xf32, #tpu.memory_space<hbm>>
        %dma_start3A_42 = arith.constant 0 : i32
        %dma_start3A_43 = tpu.memref_slice %arg6[%mul3A_36, %dma_start3A_42] : memref<10112x128xf32, #tpu.memory_space<vmem_shared>> -> memref<632x128xf32, #tpu.memory_space<vmem_shared>>
        tpu.enqueue_dma source(%dma_start3A_43 : memref<632x128xf32, #tpu.memory_space<vmem_shared>>) target(%dma_start3A_41 : memref<632x128xf32, #tpu.memory_space<hbm>>) target_semaphore(%run_scoped3A_39 : memref<!tpu.dma_semaphore, #tpu.memory_space<semaphore_mem>>)
        %dma_wait3A = arith.constant 0 : i32
        %dma_wait3A_44 = tpu.memref_slice %arg3[%run_scoped3A, %mul3A_38, %dma_wait3A] : memref<2x10112x128xf32, #tpu.memory_space<hbm>> -> memref<1x632x128xf32, #tpu.memory_space<hbm>>
        %dma_wait3A_45 = tpu.memref_squeeze %dma_wait3A_44 : memref<1x632x128xf32, #tpu.memory_space<hbm>> -> memref<632x128xf32, #tpu.memory_space<hbm>>
        %dma_wait3A_46 = arith.constant 0 : i32
        %dma_wait3A_47 = tpu.memref_slice %arg6[%mul3A_36, %dma_wait3A_46] : memref<10112x128xf32, #tpu.memory_space<vmem_shared>> -> memref<632x128xf32, #tpu.memory_space<vmem_shared>>
        tpu.wait_dma2 semaphore(%run_scoped3A_39 : memref<!tpu.dma_semaphore, #tpu.memory_space<semaphore_mem>>) src(%dma_wait3A_47 : memref<632x128xf32, #tpu.memory_space<vmem_shared>>) dst(%dma_wait3A_45 : memref<632x128xf32, #tpu.memory_space<hbm>>)
        tpu.yield
      }) : () -> ()
    } else {
    }
    return
  }
}

#map = affine_map<(d0, d1) -> (0, 0)>
#map1 = affine_map<(d0, d1) -> (0, 0, 0)>
module attributes {stable_mosaic.version = 14 : i64} {
  func.func @_edge_agg_kernel(%arg0: i32, %arg1: i32, %arg2: memref<10000x128xf32, #tpu.memory_space<hbm>>, %arg3: memref<2560x128xi32, #tpu.memory_space<hbm>>, %arg4: memref<2560x128xi32, #tpu.memory_space<hbm>>, %arg5: memref<40960x128xf32, #tpu.memory_space<hbm>>, %arg6: memref<2x10112x128xf32, #tpu.memory_space<hbm>>, %arg7: memref<16x128xi32, #tpu.memory_space<vmem>>, %arg8: memref<16x128xi32, #tpu.memory_space<vmem>>, %arg9: memref<128x128xf32, #tpu.memory_space<vmem>>, %arg10: memref<16x128xf32, #tpu.memory_space<vmem>>, %arg11: memref<128x128xf32, #tpu.memory_space<vmem>>, %arg12: memref<!tpu.dma_semaphore, #tpu.memory_space<semaphore_mem>>, %arg13: memref<!tpu.dma_semaphore, #tpu.memory_space<semaphore_mem>>, %arg14: memref<10112x128xf32, #tpu.memory_space<vmem_shared>>) attributes {dimension_semantics = [#tpu.dimension_semantics<core_parallel>, #tpu.dimension_semantics<subcore_parallel>], iteration_bounds = array<i64: 2, 16>, scalar_prefetch = 0 : i64, scratch_operands = 8 : i64, tpu.core_type = #tpu.core_type<sc_vector_subcore>, window_params = [{transform_indices = #map}, {transform_indices = #map}, {transform_indices = #map}, {transform_indices = #map}, {transform_indices = #map1}]} {
    %mul3A = arith.constant 2 : i32
    %mul3A_0 = arith.muli %arg1, %mul3A : i32
    %add3A = arith.addi %mul3A_0, %arg0 : i32
    %scan3A = arith.constant 0 : i32
    %scan3A_1 = arith.constant 128 : i32
    %scan3A_2 = arith.addi %scan3A, %scan3A_1 : i32
    %scan3A_3 = arith.constant 1 : i32
    scf.for %scan3A_30 = %scan3A to %scan3A_2 step %scan3A_3  : i32 {
      %mul3A_31 = arith.constant 1 : i32
      %mul3A_32 = arith.muli %scan3A_30, %mul3A_31 : i32
      %add3A_33 = arith.constant 0 : i32
      %add3A_34 = arith.addi %add3A_33, %mul3A_32 : i32
      %broadcast_in_dim3A = arith.constant 0.000000e+00 : f32
      %broadcast_in_dim3A_35 = vector.broadcast %broadcast_in_dim3A : f32 to vector<16xf32>
      %swap3A = arith.index_cast %add3A_34 : i32 to index
      %swap3A_36 = arith.constant 0 : index
      %swap3A_37 = tpu.vector_load %arg11[%swap3A, %swap3A_36] {strides = array<i32>} : memref<128x128xf32, #tpu.memory_space<vmem>>, vector<1x16xf32>,
      %swap3A_38 = vector.shape_cast %swap3A_37 : vector<1x16xf32> to vector<16xf32>
      %swap3A_39 = vector.shape_cast %broadcast_in_dim3A_35 : vector<16xf32> to vector<1x16xf32>
      tpu.vector_store %arg11[%swap3A, %swap3A_36], %swap3A_39 {strides = array<i32>} : memref<128x128xf32, #tpu.memory_space<vmem>>, vector<1x16xf32>,
      %broadcast_in_dim3A_40 = arith.constant 0.000000e+00 : f32
      %broadcast_in_dim3A_41 = vector.broadcast %broadcast_in_dim3A_40 : f32 to vector<16xf32>
      %swap3A_42 = arith.index_cast %add3A_34 : i32 to index
      %swap3A_43 = arith.constant 16 : index
      %swap3A_44 = tpu.vector_load %arg11[%swap3A_42, %swap3A_43] {strides = array<i32>} : memref<128x128xf32, #tpu.memory_space<vmem>>, vector<1x16xf32>,
      %swap3A_45 = vector.shape_cast %swap3A_44 : vector<1x16xf32> to vector<16xf32>
      %swap3A_46 = vector.shape_cast %broadcast_in_dim3A_41 : vector<16xf32> to vector<1x16xf32>
      tpu.vector_store %arg11[%swap3A_42, %swap3A_43], %swap3A_46 {strides = array<i32>} : memref<128x128xf32, #tpu.memory_space<vmem>>, vector<1x16xf32>,
      %broadcast_in_dim3A_47 = arith.constant 0.000000e+00 : f32
      %broadcast_in_dim3A_48 = vector.broadcast %broadcast_in_dim3A_47 : f32 to vector<16xf32>
      %swap3A_49 = arith.index_cast %add3A_34 : i32 to index
      %swap3A_50 = arith.constant 32 : index
      %swap3A_51 = tpu.vector_load %arg11[%swap3A_49, %swap3A_50] {strides = array<i32>} : memref<128x128xf32, #tpu.memory_space<vmem>>, vector<1x16xf32>,
      %swap3A_52 = vector.shape_cast %swap3A_51 : vector<1x16xf32> to vector<16xf32>
      %swap3A_53 = vector.shape_cast %broadcast_in_dim3A_48 : vector<16xf32> to vector<1x16xf32>
      tpu.vector_store %arg11[%swap3A_49, %swap3A_50], %swap3A_53 {strides = array<i32>} : memref<128x128xf32, #tpu.memory_space<vmem>>, vector<1x16xf32>,
      %broadcast_in_dim3A_54 = arith.constant 0.000000e+00 : f32
      %broadcast_in_dim3A_55 = vector.broadcast %broadcast_in_dim3A_54 : f32 to vector<16xf32>
      %swap3A_56 = arith.index_cast %add3A_34 : i32 to index
      %swap3A_57 = arith.constant 48 : index
      %swap3A_58 = tpu.vector_load %arg11[%swap3A_56, %swap3A_57] {strides = array<i32>} : memref<128x128xf32, #tpu.memory_space<vmem>>, vector<1x16xf32>,
      %swap3A_59 = vector.shape_cast %swap3A_58 : vector<1x16xf32> to vector<16xf32>
      %swap3A_60 = vector.shape_cast %broadcast_in_dim3A_55 : vector<16xf32> to vector<1x16xf32>
      tpu.vector_store %arg11[%swap3A_56, %swap3A_57], %swap3A_60 {strides = array<i32>} : memref<128x128xf32, #tpu.memory_space<vmem>>, vector<1x16xf32>,
      %broadcast_in_dim3A_61 = arith.constant 0.000000e+00 : f32
      %broadcast_in_dim3A_62 = vector.broadcast %broadcast_in_dim3A_61 : f32 to vector<16xf32>
      %swap3A_63 = arith.index_cast %add3A_34 : i32 to index
      %swap3A_64 = arith.constant 64 : index
      %swap3A_65 = tpu.vector_load %arg11[%swap3A_63, %swap3A_64] {strides = array<i32>} : memref<128x128xf32, #tpu.memory_space<vmem>>, vector<1x16xf32>,
      %swap3A_66 = vector.shape_cast %swap3A_65 : vector<1x16xf32> to vector<16xf32>
      %swap3A_67 = vector.shape_cast %broadcast_in_dim3A_62 : vector<16xf32> to vector<1x16xf32>
      tpu.vector_store %arg11[%swap3A_63, %swap3A_64], %swap3A_67 {strides = array<i32>} : memref<128x128xf32, #tpu.memory_space<vmem>>, vector<1x16xf32>,
      %broadcast_in_dim3A_68 = arith.constant 0.000000e+00 : f32
      %broadcast_in_dim3A_69 = vector.broadcast %broadcast_in_dim3A_68 : f32 to vector<16xf32>
      %swap3A_70 = arith.index_cast %add3A_34 : i32 to index
      %swap3A_71 = arith.constant 80 : index
      %swap3A_72 = tpu.vector_load %arg11[%swap3A_70, %swap3A_71] {strides = array<i32>} : memref<128x128xf32, #tpu.memory_space<vmem>>, vector<1x16xf32>,
      %swap3A_73 = vector.shape_cast %swap3A_72 : vector<1x16xf32> to vector<16xf32>
      %swap3A_74 = vector.shape_cast %broadcast_in_dim3A_69 : vector<16xf32> to vector<1x16xf32>
      tpu.vector_store %arg11[%swap3A_70, %swap3A_71], %swap3A_74 {strides = array<i32>} : memref<128x128xf32, #tpu.memory_space<vmem>>, vector<1x16xf32>,
      %broadcast_in_dim3A_75 = arith.constant 0.000000e+00 : f32
      %broadcast_in_dim3A_76 = vector.broadcast %broadcast_in_dim3A_75 : f32 to vector<16xf32>
      %swap3A_77 = arith.index_cast %add3A_34 : i32 to index
      %swap3A_78 = arith.constant 96 : index
      %swap3A_79 = tpu.vector_load %arg11[%swap3A_77, %swap3A_78] {strides = array<i32>} : memref<128x128xf32, #tpu.memory_space<vmem>>, vector<1x16xf32>,
      %swap3A_80 = vector.shape_cast %swap3A_79 : vector<1x16xf32> to vector<16xf32>
      %swap3A_81 = vector.shape_cast %broadcast_in_dim3A_76 : vector<16xf32> to vector<1x16xf32>
      tpu.vector_store %arg11[%swap3A_77, %swap3A_78], %swap3A_81 {strides = array<i32>} : memref<128x128xf32, #tpu.memory_space<vmem>>, vector<1x16xf32>,
      %broadcast_in_dim3A_82 = arith.constant 0.000000e+00 : f32
      %broadcast_in_dim3A_83 = vector.broadcast %broadcast_in_dim3A_82 : f32 to vector<16xf32>
      %swap3A_84 = arith.index_cast %add3A_34 : i32 to index
      %swap3A_85 = arith.constant 112 : index
      %swap3A_86 = tpu.vector_load %arg11[%swap3A_84, %swap3A_85] {strides = array<i32>} : memref<128x128xf32, #tpu.memory_space<vmem>>, vector<1x16xf32>,
      %swap3A_87 = vector.shape_cast %swap3A_86 : vector<1x16xf32> to vector<16xf32>
      %swap3A_88 = vector.shape_cast %broadcast_in_dim3A_83 : vector<16xf32> to vector<1x16xf32>
      tpu.vector_store %arg11[%swap3A_84, %swap3A_85], %swap3A_88 {strides = array<i32>} : memref<128x128xf32, #tpu.memory_space<vmem>>, vector<1x16xf32>,
    }
    %scan3A_4 = arith.constant 128 : i32
    %mul3A_5 = arith.constant 632 : i32
    %mul3A_6 = arith.muli %arg1, %mul3A_5 : i32
    %add3A_7 = arith.constant 0 : i32
    %add3A_8 = arith.addi %mul3A_6, %add3A_7 : i32
    "tpu.region"() ({
      %run_scoped3A = tpu.sem_alloc : memref<!tpu.dma_semaphore, #tpu.memory_space<semaphore_mem>>
      %dma_start3A = arith.constant 0 : i32
      %dma_start3A_30 = tpu.memref_slice %arg14[%add3A_8, %dma_start3A] : memref<10112x128xf32, #tpu.memory_space<vmem_shared>> -> memref<128x128xf32, #tpu.memory_space<vmem_shared>>
      %dma_start3A_31 = arith.constant 0 : i32
      %dma_start3A_32 = tpu.memref_slice %arg14[%add3A_8, %dma_start3A_31] : memref<10112x128xf32, #tpu.memory_space<vmem_shared>> -> memref<128x128xf32, #tpu.memory_space<vmem_shared>>
      tpu.enqueue_dma source(%arg11 : memref<128x128xf32, #tpu.memory_space<vmem>>) target(%dma_start3A_32 : memref<128x128xf32, #tpu.memory_space<vmem_shared>>) target_semaphore(%run_scoped3A : memref<!tpu.dma_semaphore, #tpu.memory_space<semaphore_mem>>)
      %dma_wait3A = arith.constant 0 : i32
      %dma_wait3A_33 = tpu.memref_slice %arg14[%add3A_8, %dma_wait3A] : memref<10112x128xf32, #tpu.memory_space<vmem_shared>> -> memref<128x128xf32, #tpu.memory_space<vmem_shared>>
      %dma_wait3A_34 = arith.constant 0 : i32
      %dma_wait3A_35 = tpu.memref_slice %arg14[%add3A_8, %dma_wait3A_34] : memref<10112x128xf32, #tpu.memory_space<vmem_shared>> -> memref<128x128xf32, #tpu.memory_space<vmem_shared>>
      tpu.wait_dma2 semaphore(%run_scoped3A : memref<!tpu.dma_semaphore, #tpu.memory_space<semaphore_mem>>) src(%arg11 : memref<128x128xf32, #tpu.memory_space<vmem>>) dst(%dma_wait3A_35 : memref<128x128xf32, #tpu.memory_space<vmem_shared>>)
      tpu.yield
    }) : () -> ()
    %add3A_9 = arith.constant 128 : i32
    %add3A_10 = arith.addi %mul3A_6, %add3A_9 : i32
    "tpu.region"() ({
      %run_scoped3A = tpu.sem_alloc : memref<!tpu.dma_semaphore, #tpu.memory_space<semaphore_mem>>
      %dma_start3A = arith.constant 0 : i32
      %dma_start3A_30 = tpu.memref_slice %arg14[%add3A_10, %dma_start3A] : memref<10112x128xf32, #tpu.memory_space<vmem_shared>> -> memref<128x128xf32, #tpu.memory_space<vmem_shared>>
      %dma_start3A_31 = arith.constant 0 : i32
      %dma_start3A_32 = tpu.memref_slice %arg14[%add3A_10, %dma_start3A_31] : memref<10112x128xf32, #tpu.memory_space<vmem_shared>> -> memref<128x128xf32, #tpu.memory_space<vmem_shared>>
      tpu.enqueue_dma source(%arg11 : memref<128x128xf32, #tpu.memory_space<vmem>>) target(%dma_start3A_32 : memref<128x128xf32, #tpu.memory_space<vmem_shared>>) target_semaphore(%run_scoped3A : memref<!tpu.dma_semaphore, #tpu.memory_space<semaphore_mem>>)
      %dma_wait3A = arith.constant 0 : i32
      %dma_wait3A_33 = tpu.memref_slice %arg14[%add3A_10, %dma_wait3A] : memref<10112x128xf32, #tpu.memory_space<vmem_shared>> -> memref<128x128xf32, #tpu.memory_space<vmem_shared>>
      %dma_wait3A_34 = arith.constant 0 : i32
      %dma_wait3A_35 = tpu.memref_slice %arg14[%add3A_10, %dma_wait3A_34] : memref<10112x128xf32, #tpu.memory_space<vmem_shared>> -> memref<128x128xf32, #tpu.memory_space<vmem_shared>>
      tpu.wait_dma2 semaphore(%run_scoped3A : memref<!tpu.dma_semaphore, #tpu.memory_space<semaphore_mem>>) src(%arg11 : memref<128x128xf32, #tpu.memory_space<vmem>>) dst(%dma_wait3A_35 : memref<128x128xf32, #tpu.memory_space<vmem_shared>>)
      tpu.yield
    }) : () -> ()
    %add3A_11 = arith.constant 256 : i32
    %add3A_12 = arith.addi %mul3A_6, %add3A_11 : i32
    "tpu.region"() ({
      %run_scoped3A = tpu.sem_alloc : memref<!tpu.dma_semaphore, #tpu.memory_space<semaphore_mem>>
      %dma_start3A = arith.constant 0 : i32
      %dma_start3A_30 = tpu.memref_slice %arg14[%add3A_12, %dma_start3A] : memref<10112x128xf32, #tpu.memory_space<vmem_shared>> -> memref<128x128xf32, #tpu.memory_space<vmem_shared>>
      %dma_start3A_31 = arith.constant 0 : i32
      %dma_start3A_32 = tpu.memref_slice %arg14[%add3A_12, %dma_start3A_31] : memref<10112x128xf32, #tpu.memory_space<vmem_shared>> -> memref<128x128xf32, #tpu.memory_space<vmem_shared>>
      tpu.enqueue_dma source(%arg11 : memref<128x128xf32, #tpu.memory_space<vmem>>) target(%dma_start3A_32 : memref<128x128xf32, #tpu.memory_space<vmem_shared>>) target_semaphore(%run_scoped3A : memref<!tpu.dma_semaphore, #tpu.memory_space<semaphore_mem>>)
      %dma_wait3A = arith.constant 0 : i32
      %dma_wait3A_33 = tpu.memref_slice %arg14[%add3A_12, %dma_wait3A] : memref<10112x128xf32, #tpu.memory_space<vmem_shared>> -> memref<128x128xf32, #tpu.memory_space<vmem_shared>>
      %dma_wait3A_34 = arith.constant 0 : i32
      %dma_wait3A_35 = tpu.memref_slice %arg14[%add3A_12, %dma_wait3A_34] : memref<10112x128xf32, #tpu.memory_space<vmem_shared>> -> memref<128x128xf32, #tpu.memory_space<vmem_shared>>
      tpu.wait_dma2 semaphore(%run_scoped3A : memref<!tpu.dma_semaphore, #tpu.memory_space<semaphore_mem>>) src(%arg11 : memref<128x128xf32, #tpu.memory_space<vmem>>) dst(%dma_wait3A_35 : memref<128x128xf32, #tpu.memory_space<vmem_shared>>)
      tpu.yield
    }) : () -> ()
    %add3A_13 = arith.constant 384 : i32
    %add3A_14 = arith.addi %mul3A_6, %add3A_13 : i32
    "tpu.region"() ({
      %run_scoped3A = tpu.sem_alloc : memref<!tpu.dma_semaphore, #tpu.memory_space<semaphore_mem>>
      %dma_start3A = arith.constant 0 : i32
      %dma_start3A_30 = tpu.memref_slice %arg14[%add3A_14, %dma_start3A] : memref<10112x128xf32, #tpu.memory_space<vmem_shared>> -> memref<128x128xf32, #tpu.memory_space<vmem_shared>>
      %dma_start3A_31 = arith.constant 0 : i32
      %dma_start3A_32 = tpu.memref_slice %arg14[%add3A_14, %dma_start3A_31] : memref<10112x128xf32, #tpu.memory_space<vmem_shared>> -> memref<128x128xf32, #tpu.memory_space<vmem_shared>>
      tpu.enqueue_dma source(%arg11 : memref<128x128xf32, #tpu.memory_space<vmem>>) target(%dma_start3A_32 : memref<128x128xf32, #tpu.memory_space<vmem_shared>>) target_semaphore(%run_scoped3A : memref<!tpu.dma_semaphore, #tpu.memory_space<semaphore_mem>>)
      %dma_wait3A = arith.constant 0 : i32
      %dma_wait3A_33 = tpu.memref_slice %arg14[%add3A_14, %dma_wait3A] : memref<10112x128xf32, #tpu.memory_space<vmem_shared>> -> memref<128x128xf32, #tpu.memory_space<vmem_shared>>
      %dma_wait3A_34 = arith.constant 0 : i32
      %dma_wait3A_35 = tpu.memref_slice %arg14[%add3A_14, %dma_wait3A_34] : memref<10112x128xf32, #tpu.memory_space<vmem_shared>> -> memref<128x128xf32, #tpu.memory_space<vmem_shared>>
      tpu.wait_dma2 semaphore(%run_scoped3A : memref<!tpu.dma_semaphore, #tpu.memory_space<semaphore_mem>>) src(%arg11 : memref<128x128xf32, #tpu.memory_space<vmem>>) dst(%dma_wait3A_35 : memref<128x128xf32, #tpu.memory_space<vmem_shared>>)
      tpu.yield
    }) : () -> ()
    %add3A_15 = arith.constant 512 : i32
    %add3A_16 = arith.addi %mul3A_6, %add3A_15 : i32
    "tpu.region"() ({
      %run_scoped3A = tpu.sem_alloc : memref<!tpu.dma_semaphore, #tpu.memory_space<semaphore_mem>>
      %dma_start3A = arith.constant 0 : i32
      %dma_start3A_30 = arith.constant 0 : i32
      %dma_start3A_31 = tpu.memref_slice %arg11[%dma_start3A, %dma_start3A_30] : memref<128x128xf32, #tpu.memory_space<vmem>> -> memref<120x128xf32, #tpu.memory_space<vmem>>
      %dma_start3A_32 = arith.constant 0 : i32
      %dma_start3A_33 = tpu.memref_slice %arg14[%add3A_16, %dma_start3A_32] : memref<10112x128xf32, #tpu.memory_space<vmem_shared>> -> memref<120x128xf32, #tpu.memory_space<vmem_shared>>
      %dma_start3A_34 = arith.constant 0 : i32
      %dma_start3A_35 = tpu.memref_slice %arg14[%add3A_16, %dma_start3A_34] : memref<10112x128xf32, #tpu.memory_space<vmem_shared>> -> memref<120x128xf32, #tpu.memory_space<vmem_shared>>
      %dma_start3A_36 = arith.constant 0 : i32
      %dma_start3A_37 = arith.constant 0 : i32
      %dma_start3A_38 = tpu.memref_slice %arg11[%dma_start3A_36, %dma_start3A_37] : memref<128x128xf32, #tpu.memory_space<vmem>> -> memref<120x128xf32, #tpu.memory_space<vmem>>
      tpu.enqueue_dma source(%dma_start3A_38 : memref<120x128xf32, #tpu.memory_space<vmem>>) target(%dma_start3A_35 : memref<120x128xf32, #tpu.memory_space<vmem_shared>>) target_semaphore(%run_scoped3A : memref<!tpu.dma_semaphore, #tpu.memory_space<semaphore_mem>>)
      %dma_wait3A = arith.constant 0 : i32
      %dma_wait3A_39 = arith.constant 0 : i32
      %dma_wait3A_40 = tpu.memref_slice %arg11[%dma_wait3A, %dma_wait3A_39] : memref<128x128xf32, #tpu.memory_space<vmem>> -> memref<120x128xf32, #tpu.memory_space<vmem>>
      %dma_wait3A_41 = arith.constant 0 : i32
      %dma_wait3A_42 = tpu.memref_slice %arg14[%add3A_16, %dma_wait3A_41] : memref<10112x128xf32, #tpu.memory_space<vmem_shared>> -> memref<120x128xf32, #tpu.memory_space<vmem_shared>>
      %dma_wait3A_43 = arith.constant 0 : i32
      %dma_wait3A_44 = tpu.memref_slice %arg14[%add3A_16, %dma_wait3A_43] : memref<10112x128xf32, #tpu.memory_space<vmem_shared>> -> memref<120x128xf32, #tpu.memory_space<vmem_shared>>
      %dma_wait3A_45 = arith.constant 0 : i32
      %dma_wait3A_46 = arith.constant 0 : i32
      %dma_wait3A_47 = tpu.memref_slice %arg11[%dma_wait3A_45, %dma_wait3A_46] : memref<128x128xf32, #tpu.memory_space<vmem>> -> memref<120x128xf32, #tpu.memory_space<vmem>>
      tpu.wait_dma2 semaphore(%run_scoped3A : memref<!tpu.dma_semaphore, #tpu.memory_space<semaphore_mem>>) src(%dma_wait3A_47 : memref<120x128xf32, #tpu.memory_space<vmem>>) dst(%dma_wait3A_44 : memref<120x128xf32, #tpu.memory_space<vmem_shared>>)
      tpu.yield
    }) : () -> ()
    %barrier3A = arith.constant 0 : index
    tpu.barrier barrier_id(%barrier3A)
    %scan3A_17 = arith.constant 0 : i32
    %scan3A_18 = arith.constant 5 : i32
    %scan3A_19 = arith.addi %scan3A_17, %scan3A_18 : i32
    %scan3A_20 = arith.constant 1 : i32
    scf.for %scan3A_30 = %scan3A_17 to %scan3A_19 step %scan3A_20  : i32 {
      %mul3A_31 = arith.constant 1 : i32
      %mul3A_32 = arith.muli %scan3A_30, %mul3A_31 : i32
      %add3A_33 = arith.constant 0 : i32
      %add3A_34 = arith.addi %add3A_33, %mul3A_32 : i32
      %mul3A_35 = arith.constant 80 : i32
      %mul3A_36 = arith.muli %add3A, %mul3A_35 : i32
      %mul3A_37 = arith.constant 16 : i32
      %mul3A_38 = arith.muli %add3A_34, %mul3A_37 : i32
      %add3A_39 = arith.addi %mul3A_36, %mul3A_38 : i32
      "tpu.region"() ({
        %run_scoped3A = tpu.sem_alloc : memref<!tpu.dma_semaphore, #tpu.memory_space<semaphore_mem>>
        %dma_start3A_57 = arith.constant 0 : i32
        %dma_start3A_58 = tpu.memref_slice %arg3[%add3A_39, %dma_start3A_57] : memref<2560x128xi32, #tpu.memory_space<hbm>> -> memref<16x128xi32, #tpu.memory_space<hbm>>
        %dma_start3A_59 = arith.constant 0 : i32
        %dma_start3A_60 = tpu.memref_slice %arg3[%add3A_39, %dma_start3A_59] : memref<2560x128xi32, #tpu.memory_space<hbm>> -> memref<16x128xi32, #tpu.memory_space<hbm>>
        tpu.enqueue_dma source(%dma_start3A_60 : memref<16x128xi32, #tpu.memory_space<hbm>>) target(%arg7 : memref<16x128xi32, #tpu.memory_space<vmem>>) target_semaphore(%run_scoped3A : memref<!tpu.dma_semaphore, #tpu.memory_space<semaphore_mem>>)
        %dma_wait3A_61 = arith.constant 0 : i32
        %dma_wait3A_62 = tpu.memref_slice %arg3[%add3A_39, %dma_wait3A_61] : memref<2560x128xi32, #tpu.memory_space<hbm>> -> memref<16x128xi32, #tpu.memory_space<hbm>>
        %dma_wait3A_63 = arith.constant 0 : i32
        %dma_wait3A_64 = tpu.memref_slice %arg3[%add3A_39, %dma_wait3A_63] : memref<2560x128xi32, #tpu.memory_space<hbm>> -> memref<16x128xi32, #tpu.memory_space<hbm>>
        tpu.wait_dma2 semaphore(%run_scoped3A : memref<!tpu.dma_semaphore, #tpu.memory_space<semaphore_mem>>) src(%dma_wait3A_64 : memref<16x128xi32, #tpu.memory_space<hbm>>) dst(%arg7 : memref<16x128xi32, #tpu.memory_space<vmem>>)
        tpu.yield
      }) : () -> ()
      "tpu.region"() ({
        %run_scoped3A = tpu.sem_alloc : memref<!tpu.dma_semaphore, #tpu.memory_space<semaphore_mem>>
        %dma_start3A_57 = arith.constant 0 : i32
        %dma_start3A_58 = tpu.memref_slice %arg4[%add3A_39, %dma_start3A_57] : memref<2560x128xi32, #tpu.memory_space<hbm>> -> memref<16x128xi32, #tpu.memory_space<hbm>>
        %dma_start3A_59 = arith.constant 0 : i32
        %dma_start3A_60 = tpu.memref_slice %arg4[%add3A_39, %dma_start3A_59] : memref<2560x128xi32, #tpu.memory_space<hbm>> -> memref<16x128xi32, #tpu.memory_space<hbm>>
        tpu.enqueue_dma source(%dma_start3A_60 : memref<16x128xi32, #tpu.memory_space<hbm>>) target(%arg8 : memref<16x128xi32, #tpu.memory_space<vmem>>) target_semaphore(%run_scoped3A : memref<!tpu.dma_semaphore, #tpu.memory_space<semaphore_mem>>)
        %dma_wait3A_61 = arith.constant 0 : i32
        %dma_wait3A_62 = tpu.memref_slice %arg4[%add3A_39, %dma_wait3A_61] : memref<2560x128xi32, #tpu.memory_space<hbm>> -> memref<16x128xi32, #tpu.memory_space<hbm>>
        %dma_wait3A_63 = arith.constant 0 : i32
        %dma_wait3A_64 = tpu.memref_slice %arg4[%add3A_39, %dma_wait3A_63] : memref<2560x128xi32, #tpu.memory_space<hbm>> -> memref<16x128xi32, #tpu.memory_space<hbm>>
        tpu.wait_dma2 semaphore(%run_scoped3A : memref<!tpu.dma_semaphore, #tpu.memory_space<semaphore_mem>>) src(%dma_wait3A_64 : memref<16x128xi32, #tpu.memory_space<hbm>>) dst(%arg8 : memref<16x128xi32, #tpu.memory_space<vmem>>)
        tpu.yield
      }) : () -> ()
      %dma_start3A = arith.constant 0 : i32
      %dma_start3A_40 = arith.constant 0 : i32
      %dma_start3A_41 = tpu.memref_slice %arg7[%dma_start3A, %dma_start3A_40] : memref<16x128xi32, #tpu.memory_space<vmem>> -> memref<1x128xi32, #tpu.memory_space<vmem>>
      %dma_start3A_42 = tpu.memref_squeeze %dma_start3A_41 : memref<1x128xi32, #tpu.memory_space<vmem>> -> memref<128xi32, #tpu.memory_space<vmem>>
      %dma_start3A_43 = arith.constant 0 : i32
      %dma_start3A_44 = arith.constant 0 : i32
      %dma_start3A_45 = tpu.memref_slice %arg2[%dma_start3A_43, %dma_start3A_44] : memref<10000x128xf32, #tpu.memory_space<hbm>> -> memref<10000x128xf32, #tpu.memory_space<hbm>>
      tpu.enqueue_indirect_dma source(%dma_start3A_45 : memref<10000x128xf32, #tpu.memory_space<hbm>>) target(%arg9 : memref<128x128xf32, #tpu.memory_space<vmem>>) offsets(%dma_start3A_42 : memref<128xi32, #tpu.memory_space<vmem>>) semaphore(%arg12 : memref<!tpu.dma_semaphore, #tpu.memory_space<semaphore_mem>>)
      %scan3A_46 = arith.constant 0 : i32
      %scan3A_47 = arith.constant 16 : i32
      %scan3A_48 = arith.addi %scan3A_46, %scan3A_47 : i32
      %scan3A_49 = arith.constant 1 : i32
      scf.for %scan3A_57 = %scan3A_46 to %scan3A_48 step %scan3A_49  : i32 {
        %mul3A_58 = arith.constant 1 : i32
        %mul3A_59 = arith.muli %scan3A_57, %mul3A_58 : i32
        %add3A_60 = arith.constant 0 : i32
        %add3A_61 = arith.addi %add3A_60, %mul3A_59 : i32
        %add3A_62 = arith.addi %add3A_39, %add3A_61 : i32
        %mul3A_63 = arith.constant 16 : i32
        %mul3A_64 = arith.muli %add3A_62, %mul3A_63 : i32
        "tpu.region"() ({
          %run_scoped3A = tpu.sem_alloc : memref<!tpu.dma_semaphore, #tpu.memory_space<semaphore_mem>>
          %dma_start3A_92 = arith.constant 0 : i32
          %dma_start3A_93 = tpu.memref_slice %arg5[%mul3A_64, %dma_start3A_92] : memref<40960x128xf32, #tpu.memory_space<hbm>> -> memref<16x128xf32, #tpu.memory_space<hbm>>
          %dma_start3A_94 = arith.constant 0 : i32
          %dma_start3A_95 = tpu.memref_slice %arg5[%mul3A_64, %dma_start3A_94] : memref<40960x128xf32, #tpu.memory_space<hbm>> -> memref<16x128xf32, #tpu.memory_space<hbm>>
          tpu.enqueue_dma source(%dma_start3A_95 : memref<16x128xf32, #tpu.memory_space<hbm>>) target(%arg10 : memref<16x128xf32, #tpu.memory_space<vmem>>) target_semaphore(%run_scoped3A : memref<!tpu.dma_semaphore, #tpu.memory_space<semaphore_mem>>)
          %dma_wait3A_96 = arith.constant 0 : i32
          %dma_wait3A_97 = tpu.memref_slice %arg5[%mul3A_64, %dma_wait3A_96] : memref<40960x128xf32, #tpu.memory_space<hbm>> -> memref<16x128xf32, #tpu.memory_space<hbm>>
          %dma_wait3A_98 = arith.constant 0 : i32
          %dma_wait3A_99 = tpu.memref_slice %arg5[%mul3A_64, %dma_wait3A_98] : memref<40960x128xf32, #tpu.memory_space<hbm>> -> memref<16x128xf32, #tpu.memory_space<hbm>>
          tpu.wait_dma2 semaphore(%run_scoped3A : memref<!tpu.dma_semaphore, #tpu.memory_space<semaphore_mem>>) src(%dma_wait3A_99 : memref<16x128xf32, #tpu.memory_space<hbm>>) dst(%arg10 : memref<16x128xf32, #tpu.memory_space<vmem>>)
          tpu.yield
        }) : () -> ()
        %dma_wait3A_65 = arith.constant 0 : i32
        %dma_wait3A_66 = tpu.memref_slice %arg7[%add3A_61, %dma_wait3A_65] : memref<16x128xi32, #tpu.memory_space<vmem>> -> memref<1x128xi32, #tpu.memory_space<vmem>>
        %dma_wait3A_67 = tpu.memref_squeeze %dma_wait3A_66 : memref<1x128xi32, #tpu.memory_space<vmem>> -> memref<128xi32, #tpu.memory_space<vmem>>
        %dma_wait3A_68 = arith.constant 0 : i32
        %dma_wait3A_69 = arith.constant 0 : i32
        %dma_wait3A_70 = tpu.memref_slice %arg2[%dma_wait3A_68, %dma_wait3A_69] : memref<10000x128xf32, #tpu.memory_space<hbm>> -> memref<10000x128xf32, #tpu.memory_space<hbm>>
        tpu.wait_indirect_dma semaphore(%arg12 : memref<!tpu.dma_semaphore, #tpu.memory_space<semaphore_mem>>) src(%dma_wait3A_70 : memref<10000x128xf32, #tpu.memory_space<hbm>>) dst(%arg9 : memref<128x128xf32, #tpu.memory_space<vmem>>)
        %gt3A = arith.constant 0 : i32
        %gt3A_71 = arith.cmpi sgt, %add3A_61, %gt3A : i32
        %convert_element_type3A_72 = arith.extui %gt3A_71 : i1 to i32
        %cond3A_73 = arith.constant 0 : i32
        %cond3A_74 = arith.cmpi ne, %convert_element_type3A_72, %cond3A_73 : i32
        scf.if %cond3A_74 {
          %dma_wait3A_92 = arith.constant 0 : i32
          %dma_wait3A_93 = tpu.memref_slice %arg8[%add3A_61, %dma_wait3A_92] : memref<16x128xi32, #tpu.memory_space<vmem>> -> memref<1x128xi32, #tpu.memory_space<vmem>>
          %dma_wait3A_94 = tpu.memref_squeeze %dma_wait3A_93 : memref<1x128xi32, #tpu.memory_space<vmem>> -> memref<128xi32, #tpu.memory_space<vmem>>
          %dma_wait3A_95 = arith.constant 0 : i32
          %dma_wait3A_96 = arith.constant 0 : i32
          %dma_wait3A_97 = tpu.memref_slice %arg14[%dma_wait3A_95, %dma_wait3A_96] : memref<10112x128xf32, #tpu.memory_space<vmem_shared>> -> memref<10112x128xf32, #tpu.memory_space<vmem_shared>>
          tpu.wait_indirect_dma semaphore(%arg13 : memref<!tpu.dma_semaphore, #tpu.memory_space<semaphore_mem>>) src(%arg11 : memref<128x128xf32, #tpu.memory_space<vmem>>) dst(%dma_wait3A_97 : memref<10112x128xf32, #tpu.memory_space<vmem_shared>>)
        } else {
        }
        %scan3A_75 = arith.constant 0 : i32
        %scan3A_76 = arith.constant 16 : i32
        %scan3A_77 = arith.addi %scan3A_75, %scan3A_76 : i32
        %scan3A_78 = arith.constant 1 : i32
        scf.for %scan3A_92 = %scan3A_75 to %scan3A_77 step %scan3A_78  : i32 {
          %mul3A_93 = arith.constant 1 : i32
          %mul3A_94 = arith.muli %scan3A_92, %mul3A_93 : i32
          %add3A_95 = arith.constant 0 : i32
          %add3A_96 = arith.addi %add3A_95, %mul3A_94 : i32
          %mul3A_97 = arith.constant 8 : i32
          %mul3A_98 = arith.muli %add3A_96, %mul3A_97 : i32
          %add3A_99 = arith.constant 0 : i32
          %add3A_100 = arith.addi %mul3A_98, %add3A_99 : i32
          %get3A = arith.index_cast %add3A_100 : i32 to index
          %get3A_101 = arith.constant 0 : index
          %get3A_102 = tpu.vector_load %arg9[%get3A, %get3A_101] {strides = array<i32>} : memref<128x128xf32, #tpu.memory_space<vmem>>, vector<1x16xf32>,
          %get3A_103 = vector.shape_cast %get3A_102 : vector<1x16xf32> to vector<16xf32>
          %get3A_104 = arith.index_cast %add3A_96 : i32 to index
          %get3A_105 = arith.constant 0 : index
          %get3A_106 = tpu.vector_load %arg10[%get3A_104, %get3A_105] {strides = array<i32>} : memref<16x128xf32, #tpu.memory_space<vmem>>, vector<1x16xf32>,
          %get3A_107 = vector.shape_cast %get3A_106 : vector<1x16xf32> to vector<16xf32>
          %mul3A_108 = arith.mulf %get3A_103, %get3A_107 : vector<16xf32>
          %swap3A = arith.index_cast %add3A_100 : i32 to index
          %swap3A_109 = arith.constant 0 : index
          %swap3A_110 = tpu.vector_load %arg11[%swap3A, %swap3A_109] {strides = array<i32>} : memref<128x128xf32, #tpu.memory_space<vmem>>, vector<1x16xf32>,
          %swap3A_111 = vector.shape_cast %swap3A_110 : vector<1x16xf32> to vector<16xf32>
          %swap3A_112 = vector.shape_cast %mul3A_108 : vector<16xf32> to vector<1x16xf32>
          tpu.vector_store %arg11[%swap3A, %swap3A_109], %swap3A_112 {strides = array<i32>} : memref<128x128xf32, #tpu.memory_space<vmem>>, vector<1x16xf32>,
          %mul3A_113 = arith.constant 8 : i32
          %mul3A_114 = arith.muli %add3A_96, %mul3A_113 : i32
          %add3A_115 = arith.constant 1 : i32
          %add3A_116 = arith.addi %mul3A_114, %add3A_115 : i32
          %get3A_117 = arith.index_cast %add3A_116 : i32 to index
          %get3A_118 = arith.constant 0 : index
          %get3A_119 = tpu.vector_load %arg9[%get3A_117, %get3A_118] {strides = array<i32>} : memref<128x128xf32, #tpu.memory_space<vmem>>, vector<1x16xf32>,
          %get3A_120 = vector.shape_cast %get3A_119 : vector<1x16xf32> to vector<16xf32>
          %get3A_121 = arith.index_cast %add3A_96 : i32 to index
          %get3A_122 = arith.constant 16 : index
          %get3A_123 = tpu.vector_load %arg10[%get3A_121, %get3A_122] {strides = array<i32>} : memref<16x128xf32, #tpu.memory_space<vmem>>, vector<1x16xf32>,
          %get3A_124 = vector.shape_cast %get3A_123 : vector<1x16xf32> to vector<16xf32>
          %mul3A_125 = arith.mulf %get3A_120, %get3A_124 : vector<16xf32>
          %swap3A_126 = arith.index_cast %add3A_116 : i32 to index
          %swap3A_127 = arith.constant 0 : index
          %swap3A_128 = tpu.vector_load %arg11[%swap3A_126, %swap3A_127] {strides = array<i32>} : memref<128x128xf32, #tpu.memory_space<vmem>>, vector<1x16xf32>,
          %swap3A_129 = vector.shape_cast %swap3A_128 : vector<1x16xf32> to vector<16xf32>
          %swap3A_130 = vector.shape_cast %mul3A_125 : vector<16xf32> to vector<1x16xf32>
          tpu.vector_store %arg11[%swap3A_126, %swap3A_127], %swap3A_130 {strides = array<i32>} : memref<128x128xf32, #tpu.memory_space<vmem>>, vector<1x16xf32>,
          %mul3A_131 = arith.constant 8 : i32
          %mul3A_132 = arith.muli %add3A_96, %mul3A_131 : i32
          %add3A_133 = arith.constant 2 : i32
          %add3A_134 = arith.addi %mul3A_132, %add3A_133 : i32
          %get3A_135 = arith.index_cast %add3A_134 : i32 to index
          %get3A_136 = arith.constant 0 : index
          %get3A_137 = tpu.vector_load %arg9[%get3A_135, %get3A_136] {strides = array<i32>} : memref<128x128xf32, #tpu.memory_space<vmem>>, vector<1x16xf32>,
          %get3A_138 = vector.shape_cast %get3A_137 : vector<1x16xf32> to vector<16xf32>
          %get3A_139 = arith.index_cast %add3A_96 : i32 to index
          %get3A_140 = arith.constant 32 : index
          %get3A_141 = tpu.vector_load %arg10[%get3A_139, %get3A_140] {strides = array<i32>} : memref<16x128xf32, #tpu.memory_space<vmem>>, vector<1x16xf32>,
          %get3A_142 = vector.shape_cast %get3A_141 : vector<1x16xf32> to vector<16xf32>
          %mul3A_143 = arith.mulf %get3A_138, %get3A_142 : vector<16xf32>
          %swap3A_144 = arith.index_cast %add3A_134 : i32 to index
          %swap3A_145 = arith.constant 0 : index
          %swap3A_146 = tpu.vector_load %arg11[%swap3A_144, %swap3A_145] {strides = array<i32>} : memref<128x128xf32, #tpu.memory_space<vmem>>, vector<1x16xf32>,
          %swap3A_147 = vector.shape_cast %swap3A_146 : vector<1x16xf32> to vector<16xf32>
          %swap3A_148 = vector.shape_cast %mul3A_143 : vector<16xf32> to vector<1x16xf32>
          tpu.vector_store %arg11[%swap3A_144, %swap3A_145], %swap3A_148 {strides = array<i32>} : memref<128x128xf32, #tpu.memory_space<vmem>>, vector<1x16xf32>,
          %mul3A_149 = arith.constant 8 : i32
          %mul3A_150 = arith.muli %add3A_96, %mul3A_149 : i32
          %add3A_151 = arith.constant 3 : i32
          %add3A_152 = arith.addi %mul3A_150, %add3A_151 : i32
          %get3A_153 = arith.index_cast %add3A_152 : i32 to index
          %get3A_154 = arith.constant 0 : index
          %get3A_155 = tpu.vector_load %arg9[%get3A_153, %get3A_154] {strides = array<i32>} : memref<128x128xf32, #tpu.memory_space<vmem>>, vector<1x16xf32>,
          %get3A_156 = vector.shape_cast %get3A_155 : vector<1x16xf32> to vector<16xf32>
          %get3A_157 = arith.index_cast %add3A_96 : i32 to index
          %get3A_158 = arith.constant 48 : index
          %get3A_159 = tpu.vector_load %arg10[%get3A_157, %get3A_158] {strides = array<i32>} : memref<16x128xf32, #tpu.memory_space<vmem>>, vector<1x16xf32>,
          %get3A_160 = vector.shape_cast %get3A_159 : vector<1x16xf32> to vector<16xf32>
          %mul3A_161 = arith.mulf %get3A_156, %get3A_160 : vector<16xf32>
          %swap3A_162 = arith.index_cast %add3A_152 : i32 to index
          %swap3A_163 = arith.constant 0 : index
          %swap3A_164 = tpu.vector_load %arg11[%swap3A_162, %swap3A_163] {strides = array<i32>} : memref<128x128xf32, #tpu.memory_space<vmem>>, vector<1x16xf32>,
          %swap3A_165 = vector.shape_cast %swap3A_164 : vector<1x16xf32> to vector<16xf32>
          %swap3A_166 = vector.shape_cast %mul3A_161 : vector<16xf32> to vector<1x16xf32>
          tpu.vector_store %arg11[%swap3A_162, %swap3A_163], %swap3A_166 {strides = array<i32>} : memref<128x128xf32, #tpu.memory_space<vmem>>, vector<1x16xf32>,
          %mul3A_167 = arith.constant 8 : i32
          %mul3A_168 = arith.muli %add3A_96, %mul3A_167 : i32
          %add3A_169 = arith.constant 4 : i32
          %add3A_170 = arith.addi %mul3A_168, %add3A_169 : i32
          %get3A_171 = arith.index_cast %add3A_170 : i32 to index
          %get3A_172 = arith.constant 0 : index
          %get3A_173 = tpu.vector_load %arg9[%get3A_171, %get3A_172] {strides = array<i32>} : memref<128x128xf32, #tpu.memory_space<vmem>>, vector<1x16xf32>,
          %get3A_174 = vector.shape_cast %get3A_173 : vector<1x16xf32> to vector<16xf32>
          %get3A_175 = arith.index_cast %add3A_96 : i32 to index
          %get3A_176 = arith.constant 64 : index
          %get3A_177 = tpu.vector_load %arg10[%get3A_175, %get3A_176] {strides = array<i32>} : memref<16x128xf32, #tpu.memory_space<vmem>>, vector<1x16xf32>,
          %get3A_178 = vector.shape_cast %get3A_177 : vector<1x16xf32> to vector<16xf32>
          %mul3A_179 = arith.mulf %get3A_174, %get3A_178 : vector<16xf32>
          %swap3A_180 = arith.index_cast %add3A_170 : i32 to index
          %swap3A_181 = arith.constant 0 : index
          %swap3A_182 = tpu.vector_load %arg11[%swap3A_180, %swap3A_181] {strides = array<i32>} : memref<128x128xf32, #tpu.memory_space<vmem>>, vector<1x16xf32>,
          %swap3A_183 = vector.shape_cast %swap3A_182 : vector<1x16xf32> to vector<16xf32>
          %swap3A_184 = vector.shape_cast %mul3A_179 : vector<16xf32> to vector<1x16xf32>
          tpu.vector_store %arg11[%swap3A_180, %swap3A_181], %swap3A_184 {strides = array<i32>} : memref<128x128xf32, #tpu.memory_space<vmem>>, vector<1x16xf32>,
          %mul3A_185 = arith.constant 8 : i32
          %mul3A_186 = arith.muli %add3A_96, %mul3A_185 : i32
          %add3A_187 = arith.constant 5 : i32
          %add3A_188 = arith.addi %mul3A_186, %add3A_187 : i32
          %get3A_189 = arith.index_cast %add3A_188 : i32 to index
          %get3A_190 = arith.constant 0 : index
          %get3A_191 = tpu.vector_load %arg9[%get3A_189, %get3A_190] {strides = array<i32>} : memref<128x128xf32, #tpu.memory_space<vmem>>, vector<1x16xf32>,
          %get3A_192 = vector.shape_cast %get3A_191 : vector<1x16xf32> to vector<16xf32>
          %get3A_193 = arith.index_cast %add3A_96 : i32 to index
          %get3A_194 = arith.constant 80 : index
          %get3A_195 = tpu.vector_load %arg10[%get3A_193, %get3A_194] {strides = array<i32>} : memref<16x128xf32, #tpu.memory_space<vmem>>, vector<1x16xf32>,
          %get3A_196 = vector.shape_cast %get3A_195 : vector<1x16xf32> to vector<16xf32>
          %mul3A_197 = arith.mulf %get3A_192, %get3A_196 : vector<16xf32>
          %swap3A_198 = arith.index_cast %add3A_188 : i32 to index
          %swap3A_199 = arith.constant 0 : index
          %swap3A_200 = tpu.vector_load %arg11[%swap3A_198, %swap3A_199] {strides = array<i32>} : memref<128x128xf32, #tpu.memory_space<vmem>>, vector<1x16xf32>,
          %swap3A_201 = vector.shape_cast %swap3A_200 : vector<1x16xf32> to vector<16xf32>
          %swap3A_202 = vector.shape_cast %mul3A_197 : vector<16xf32> to vector<1x16xf32>
          tpu.vector_store %arg11[%swap3A_198, %swap3A_199], %swap3A_202 {strides = array<i32>} : memref<128x128xf32, #tpu.memory_space<vmem>>, vector<1x16xf32>,
          %mul3A_203 = arith.constant 8 : i32
          %mul3A_204 = arith.muli %add3A_96, %mul3A_203 : i32
          %add3A_205 = arith.constant 6 : i32
          %add3A_206 = arith.addi %mul3A_204, %add3A_205 : i32
          %get3A_207 = arith.index_cast %add3A_206 : i32 to index
          %get3A_208 = arith.constant 0 : index
          %get3A_209 = tpu.vector_load %arg9[%get3A_207, %get3A_208] {strides = array<i32>} : memref<128x128xf32, #tpu.memory_space<vmem>>, vector<1x16xf32>,
          %get3A_210 = vector.shape_cast %get3A_209 : vector<1x16xf32> to vector<16xf32>
          %get3A_211 = arith.index_cast %add3A_96 : i32 to index
          %get3A_212 = arith.constant 96 : index
          %get3A_213 = tpu.vector_load %arg10[%get3A_211, %get3A_212] {strides = array<i32>} : memref<16x128xf32, #tpu.memory_space<vmem>>, vector<1x16xf32>,
          %get3A_214 = vector.shape_cast %get3A_213 : vector<1x16xf32> to vector<16xf32>
          %mul3A_215 = arith.mulf %get3A_210, %get3A_214 : vector<16xf32>
          %swap3A_216 = arith.index_cast %add3A_206 : i32 to index
          %swap3A_217 = arith.constant 0 : index
          %swap3A_218 = tpu.vector_load %arg11[%swap3A_216, %swap3A_217] {strides = array<i32>} : memref<128x128xf32, #tpu.memory_space<vmem>>, vector<1x16xf32>,
          %swap3A_219 = vector.shape_cast %swap3A_218 : vector<1x16xf32> to vector<16xf32>
          %swap3A_220 = vector.shape_cast %mul3A_215 : vector<16xf32> to vector<1x16xf32>
          tpu.vector_store %arg11[%swap3A_216, %swap3A_217], %swap3A_220 {strides = array<i32>} : memref<128x128xf32, #tpu.memory_space<vmem>>, vector<1x16xf32>,
          %mul3A_221 = arith.constant 8 : i32
          %mul3A_222 = arith.muli %add3A_96, %mul3A_221 : i32
          %add3A_223 = arith.constant 7 : i32
          %add3A_224 = arith.addi %mul3A_222, %add3A_223 : i32
          %get3A_225 = arith.index_cast %add3A_224 : i32 to index
          %get3A_226 = arith.constant 0 : index
          %get3A_227 = tpu.vector_load %arg9[%get3A_225, %get3A_226] {strides = array<i32>} : memref<128x128xf32, #tpu.memory_space<vmem>>, vector<1x16xf32>,
          %get3A_228 = vector.shape_cast %get3A_227 : vector<1x16xf32> to vector<16xf32>
          %get3A_229 = arith.index_cast %add3A_96 : i32 to index
          %get3A_230 = arith.constant 112 : index
          %get3A_231 = tpu.vector_load %arg10[%get3A_229, %get3A_230] {strides = array<i32>} : memref<16x128xf32, #tpu.memory_space<vmem>>, vector<1x16xf32>,
          %get3A_232 = vector.shape_cast %get3A_231 : vector<1x16xf32> to vector<16xf32>
          %mul3A_233 = arith.mulf %get3A_228, %get3A_232 : vector<16xf32>
          %swap3A_234 = arith.index_cast %add3A_224 : i32 to index
          %swap3A_235 = arith.constant 0 : index
          %swap3A_236 = tpu.vector_load %arg11[%swap3A_234, %swap3A_235] {strides = array<i32>} : memref<128x128xf32, #tpu.memory_space<vmem>>, vector<1x16xf32>,
          %swap3A_237 = vector.shape_cast %swap3A_236 : vector<1x16xf32> to vector<16xf32>
          %swap3A_238 = vector.shape_cast %mul3A_233 : vector<16xf32> to vector<1x16xf32>
          tpu.vector_store %arg11[%swap3A_234, %swap3A_235], %swap3A_238 {strides = array<i32>} : memref<128x128xf32, #tpu.memory_space<vmem>>, vector<1x16xf32>,
        }
        %scan3A_79 = arith.constant 16 : i32
        %dma_start3A_80 = arith.constant 0 : i32
        %dma_start3A_81 = tpu.memref_slice %arg8[%add3A_61, %dma_start3A_80] : memref<16x128xi32, #tpu.memory_space<vmem>> -> memref<1x128xi32, #tpu.memory_space<vmem>>
        %dma_start3A_82 = tpu.memref_squeeze %dma_start3A_81 : memref<1x128xi32, #tpu.memory_space<vmem>> -> memref<128xi32, #tpu.memory_space<vmem>>
        %dma_start3A_83 = arith.constant 0 : i32
        %dma_start3A_84 = arith.constant 0 : i32
        %dma_start3A_85 = tpu.memref_slice %arg14[%dma_start3A_83, %dma_start3A_84] : memref<10112x128xf32, #tpu.memory_space<vmem_shared>> -> memref<10112x128xf32, #tpu.memory_space<vmem_shared>>
        tpu.enqueue_indirect_dma source(%arg11 : memref<128x128xf32, #tpu.memory_space<vmem>>) target(%dma_start3A_85 : memref<10112x128xf32, #tpu.memory_space<vmem_shared>>) offsets(%dma_start3A_82 : memref<128xi32, #tpu.memory_space<vmem>>) semaphore(%arg13 : memref<!tpu.dma_semaphore, #tpu.memory_space<semaphore_mem>>) {add = true}
        %add3A_86 = arith.constant 1 : i32
        %add3A_87 = arith.addi %add3A_61, %add3A_86 : i32
        %lt3A = arith.constant 16 : i32
        %lt3A_88 = arith.cmpi slt, %add3A_87, %lt3A : i32
        %convert_element_type3A_89 = arith.extui %lt3A_88 : i1 to i32
        %cond3A_90 = arith.constant 0 : i32
        %cond3A_91 = arith.cmpi ne, %convert_element_type3A_89, %cond3A_90 : i32
        scf.if %cond3A_91 {
          %add3A_92 = arith.constant 1 : i32
          %add3A_93 = arith.addi %add3A_61, %add3A_92 : i32
          %dma_start3A_94 = arith.constant 0 : i32
          %dma_start3A_95 = tpu.memref_slice %arg7[%add3A_93, %dma_start3A_94] : memref<16x128xi32, #tpu.memory_space<vmem>> -> memref<1x128xi32, #tpu.memory_space<vmem>>
          %dma_start3A_96 = tpu.memref_squeeze %dma_start3A_95 : memref<1x128xi32, #tpu.memory_space<vmem>> -> memref<128xi32, #tpu.memory_space<vmem>>
          %dma_start3A_97 = arith.constant 0 : i32
          %dma_start3A_98 = arith.constant 0 : i32
          %dma_start3A_99 = tpu.memref_slice %arg2[%dma_start3A_97, %dma_start3A_98] : memref<10000x128xf32, #tpu.memory_space<hbm>> -> memref<10000x128xf32, #tpu.memory_space<hbm>>
          tpu.enqueue_indirect_dma source(%dma_start3A_99 : memref<10000x128xf32, #tpu.memory_space<hbm>>) target(%arg9 : memref<128x128xf32, #tpu.memory_space<vmem>>) offsets(%dma_start3A_96 : memref<128xi32, #tpu.memory_space<vmem>>) semaphore(%arg12 : memref<!tpu.dma_semaphore, #tpu.memory_space<semaphore_mem>>)
        } else {
        }
      }
      %scan3A_50 = arith.constant 16 : i32
      %dma_wait3A = arith.constant 0 : i32
      %dma_wait3A_51 = arith.constant 0 : i32
      %dma_wait3A_52 = tpu.memref_slice %arg8[%dma_wait3A, %dma_wait3A_51] : memref<16x128xi32, #tpu.memory_space<vmem>> -> memref<1x128xi32, #tpu.memory_space<vmem>>
      %dma_wait3A_53 = tpu.memref_squeeze %dma_wait3A_52 : memref<1x128xi32, #tpu.memory_space<vmem>> -> memref<128xi32, #tpu.memory_space<vmem>>
      %dma_wait3A_54 = arith.constant 0 : i32
      %dma_wait3A_55 = arith.constant 0 : i32
      %dma_wait3A_56 = tpu.memref_slice %arg14[%dma_wait3A_54, %dma_wait3A_55] : memref<10112x128xf32, #tpu.memory_space<vmem_shared>> -> memref<10112x128xf32, #tpu.memory_space<vmem_shared>>
      tpu.wait_indirect_dma semaphore(%arg13 : memref<!tpu.dma_semaphore, #tpu.memory_space<semaphore_mem>>) src(%arg11 : memref<128x128xf32, #tpu.memory_space<vmem>>) dst(%dma_wait3A_56 : memref<10112x128xf32, #tpu.memory_space<vmem_shared>>)
    }
    %scan3A_21 = arith.constant 5 : i32
    %barrier3A_22 = arith.constant 0 : index
    tpu.barrier barrier_id(%barrier3A_22)
    %eq3A = arith.constant 0 : i32
    %eq3A_23 = arith.cmpi eq, %arg0, %eq3A : i32
    %convert_element_type3A = arith.extui %eq3A_23 : i1 to i32
    %cond3A = arith.constant 0 : i32
    %cond3A_24 = arith.cmpi ne, %convert_element_type3A, %cond3A : i32
    scf.if %cond3A_24 {
      %mul3A_30 = arith.constant 632 : i32
      %mul3A_31 = arith.muli %arg1, %mul3A_30 : i32
      %mul3A_32 = arith.constant 632 : i32
      %mul3A_33 = arith.muli %arg1, %mul3A_32 : i32
      %run_scoped3A = arith.constant 0 : i32
      "tpu.region"() ({
        %run_scoped3A_34 = tpu.sem_alloc : memref<!tpu.dma_semaphore, #tpu.memory_space<semaphore_mem>>
        %dma_start3A = arith.constant 0 : i32
        %dma_start3A_35 = tpu.memref_slice %arg6[%run_scoped3A, %mul3A_33, %dma_start3A] : memref<2x10112x128xf32, #tpu.memory_space<hbm>> -> memref<1x632x128xf32, #tpu.memory_space<hbm>>
        %dma_start3A_36 = tpu.memref_squeeze %dma_start3A_35 : memref<1x632x128xf32, #tpu.memory_space<hbm>> -> memref<632x128xf32, #tpu.memory_space<hbm>>
        %dma_start3A_37 = arith.constant 0 : i32
        %dma_start3A_38 = tpu.memref_slice %arg14[%mul3A_31, %dma_start3A_37] : memref<10112x128xf32, #tpu.memory_space<vmem_shared>> -> memref<632x128xf32, #tpu.memory_space<vmem_shared>>
        tpu.enqueue_dma source(%dma_start3A_38 : memref<632x128xf32, #tpu.memory_space<vmem_shared>>) target(%dma_start3A_36 : memref<632x128xf32, #tpu.memory_space<hbm>>) target_semaphore(%run_scoped3A_34 : memref<!tpu.dma_semaphore, #tpu.memory_space<semaphore_mem>>)
        %dma_wait3A = arith.constant 0 : i32
        %dma_wait3A_39 = tpu.memref_slice %arg6[%run_scoped3A, %mul3A_33, %dma_wait3A] : memref<2x10112x128xf32, #tpu.memory_space<hbm>> -> memref<1x632x128xf32, #tpu.memory_space<hbm>>
        %dma_wait3A_40 = tpu.memref_squeeze %dma_wait3A_39 : memref<1x632x128xf32, #tpu.memory_space<hbm>> -> memref<632x128xf32, #tpu.memory_space<hbm>>
        %dma_wait3A_41 = arith.constant 0 : i32
        %dma_wait3A_42 = tpu.memref_slice %arg14[%mul3A_31, %dma_wait3A_41] : memref<10112x128xf32, #tpu.memory_space<vmem_shared>> -> memref<632x128xf32, #tpu.memory_space<vmem_shared>>
        tpu.wait_dma2 semaphore(%run_scoped3A_34 : memref<!tpu.dma_semaphore, #tpu.memory_space<semaphore_mem>>) src(%dma_wait3A_42 : memref<632x128xf32, #tpu.memory_space<vmem_shared>>) dst(%dma_wait3A_40 : memref<632x128xf32, #tpu.memory_space<hbm>>)
        tpu.yield
      }) : () -> ()
    } else {
    }
    %eq3A_25 = arith.constant 1 : i32
    %eq3A_26 = arith.cmpi eq, %arg0, %eq3A_25 : i32
    %convert_element_type3A_27 = arith.extui %eq3A_26 : i1 to i32
    %cond3A_28 = arith.constant 0 : i32
    %cond3A_29 = arith.cmpi ne, %convert_element_type3A_27, %cond3A_28 : i32
    scf.if %cond3A_29 {
      %mul3A_30 = arith.constant 632 : i32
      %mul3A_31 = arith.muli %arg1, %mul3A_30 : i32
      %mul3A_32 = arith.constant 632 : i32
      %mul3A_33 = arith.muli %arg1, %mul3A_32 : i32
      %run_scoped3A = arith.constant 1 : i32
      "tpu.region"() ({
        %run_scoped3A_34 = tpu.sem_alloc : memref<!tpu.dma_semaphore, #tpu.memory_space<semaphore_mem>>
        %dma_start3A = arith.constant 0 : i32
        %dma_start3A_35 = tpu.memref_slice %arg6[%run_scoped3A, %mul3A_33, %dma_start3A] : memref<2x10112x128xf32, #tpu.memory_space<hbm>> -> memref<1x632x128xf32, #tpu.memory_space<hbm>>
        %dma_start3A_36 = tpu.memref_squeeze %dma_start3A_35 : memref<1x632x128xf32, #tpu.memory_space<hbm>> -> memref<632x128xf32, #tpu.memory_space<hbm>>
        %dma_start3A_37 = arith.constant 0 : i32
        %dma_start3A_38 = tpu.memref_slice %arg14[%mul3A_31, %dma_start3A_37] : memref<10112x128xf32, #tpu.memory_space<vmem_shared>> -> memref<632x128xf32, #tpu.memory_space<vmem_shared>>
        tpu.enqueue_dma source(%dma_start3A_38 : memref<632x128xf32, #tpu.memory_space<vmem_shared>>) target(%dma_start3A_36 : memref<632x128xf32, #tpu.memory_space<hbm>>) target_semaphore(%run_scoped3A_34 : memref<!tpu.dma_semaphore, #tpu.memory_space<semaphore_mem>>)
        %dma_wait3A = arith.constant 0 : i32
        %dma_wait3A_39 = tpu.memref_slice %arg6[%run_scoped3A, %mul3A_33, %dma_wait3A] : memref<2x10112x128xf32, #tpu.memory_space<hbm>> -> memref<1x632x128xf32, #tpu.memory_space<hbm>>
        %dma_wait3A_40 = tpu.memref_squeeze %dma_wait3A_39 : memref<1x632x128xf32, #tpu.memory_space<hbm>> -> memref<632x128xf32, #tpu.memory_space<hbm>>
        %dma_wait3A_41 = arith.constant 0 : i32
        %dma_wait3A_42 = tpu.memref_slice %arg14[%mul3A_31, %dma_wait3A_41] : memref<10112x128xf32, #tpu.memory_space<vmem_shared>> -> memref<632x128xf32, #tpu.memory_space<vmem_shared>>
        tpu.wait_dma2 semaphore(%run_scoped3A_34 : memref<!tpu.dma_semaphore, #tpu.memory_space<semaphore_mem>>) src(%dma_wait3A_42 : memref<632x128xf32, #tpu.memory_space<vmem_shared>>) dst(%dma_wait3A_40 : memref<632x128xf32, #tpu.memory_space<hbm>>)
        tpu.yield
      }) : () -> ()
    } else {
    }
    return
  }
}

#map = affine_map<(d0, d1) -> (0, 0)>
#map1 = affine_map<(d0, d1) -> (0, 0, 0)>
module attributes {stable_mosaic.version = 14 : i64} {
  func.func @_spmm_kernel(%arg0: i32, %arg1: i32, %arg2: memref<10000x128xf32, #tpu.memory_space<hbm>>, %arg3: memref<10000x128xf32, #tpu.memory_space<hbm>>, %arg4: memref<2560x128xi32, #tpu.memory_space<hbm>>, %arg5: memref<2560x128xi32, #tpu.memory_space<hbm>>, %arg6: memref<2x10112x128xf32, #tpu.memory_space<hbm>>, %arg7: memref<16x128xi32, #tpu.memory_space<vmem>>, %arg8: memref<16x128xi32, #tpu.memory_space<vmem>>, %arg9: memref<128x128xf32, #tpu.memory_space<vmem>>, %arg10: memref<128x128xf32, #tpu.memory_space<vmem>>, %arg11: memref<!tpu.dma_semaphore, #tpu.memory_space<semaphore_mem>>, %arg12: memref<!tpu.dma_semaphore, #tpu.memory_space<semaphore_mem>>, %arg13: memref<!tpu.dma_semaphore, #tpu.memory_space<semaphore_mem>>, %arg14: memref<!tpu.dma_semaphore, #tpu.memory_space<semaphore_mem>>, %arg15: memref<10112x128xf32, #tpu.memory_space<vmem_shared>>) attributes {dimension_semantics = [#tpu.dimension_semantics<core_parallel>, #tpu.dimension_semantics<subcore_parallel>], iteration_bounds = array<i64: 2, 16>, scalar_prefetch = 0 : i64, scratch_operands = 9 : i64, tpu.core_type = #tpu.core_type<sc_vector_subcore>, window_params = [{transform_indices = #map}, {transform_indices = #map}, {transform_indices = #map}, {transform_indices = #map}, {transform_indices = #map1}]} {
    %scan3A = arith.constant 0 : i32
    %scan3A_0 = arith.constant 128 : i32
    %scan3A_1 = arith.addi %scan3A, %scan3A_0 : i32
    %scan3A_2 = arith.constant 1 : i32
    scf.for %scan3A_32 = %scan3A to %scan3A_1 step %scan3A_2  : i32 {
      %mul3A_33 = arith.constant 1 : i32
      %mul3A_34 = arith.muli %scan3A_32, %mul3A_33 : i32
      %add3A_35 = arith.constant 0 : i32
      %add3A_36 = arith.addi %add3A_35, %mul3A_34 : i32
      %broadcast_in_dim3A = arith.constant 0.000000e+00 : f32
      %broadcast_in_dim3A_37 = vector.broadcast %broadcast_in_dim3A : f32 to vector<16xf32>
      %swap3A = arith.index_cast %add3A_36 : i32 to index
      %swap3A_38 = arith.constant 0 : index
      %swap3A_39 = tpu.vector_load %arg9[%swap3A, %swap3A_38] {strides = array<i32>} : memref<128x128xf32, #tpu.memory_space<vmem>>, vector<1x16xf32>,
      %swap3A_40 = vector.shape_cast %swap3A_39 : vector<1x16xf32> to vector<16xf32>
      %swap3A_41 = vector.shape_cast %broadcast_in_dim3A_37 : vector<16xf32> to vector<1x16xf32>
      tpu.vector_store %arg9[%swap3A, %swap3A_38], %swap3A_41 {strides = array<i32>} : memref<128x128xf32, #tpu.memory_space<vmem>>, vector<1x16xf32>,
      %broadcast_in_dim3A_42 = arith.constant 0.000000e+00 : f32
      %broadcast_in_dim3A_43 = vector.broadcast %broadcast_in_dim3A_42 : f32 to vector<16xf32>
      %swap3A_44 = arith.index_cast %add3A_36 : i32 to index
      %swap3A_45 = arith.constant 16 : index
      %swap3A_46 = tpu.vector_load %arg9[%swap3A_44, %swap3A_45] {strides = array<i32>} : memref<128x128xf32, #tpu.memory_space<vmem>>, vector<1x16xf32>,
      %swap3A_47 = vector.shape_cast %swap3A_46 : vector<1x16xf32> to vector<16xf32>
      %swap3A_48 = vector.shape_cast %broadcast_in_dim3A_43 : vector<16xf32> to vector<1x16xf32>
      tpu.vector_store %arg9[%swap3A_44, %swap3A_45], %swap3A_48 {strides = array<i32>} : memref<128x128xf32, #tpu.memory_space<vmem>>, vector<1x16xf32>,
      %broadcast_in_dim3A_49 = arith.constant 0.000000e+00 : f32
      %broadcast_in_dim3A_50 = vector.broadcast %broadcast_in_dim3A_49 : f32 to vector<16xf32>
      %swap3A_51 = arith.index_cast %add3A_36 : i32 to index
      %swap3A_52 = arith.constant 32 : index
      %swap3A_53 = tpu.vector_load %arg9[%swap3A_51, %swap3A_52] {strides = array<i32>} : memref<128x128xf32, #tpu.memory_space<vmem>>, vector<1x16xf32>,
      %swap3A_54 = vector.shape_cast %swap3A_53 : vector<1x16xf32> to vector<16xf32>
      %swap3A_55 = vector.shape_cast %broadcast_in_dim3A_50 : vector<16xf32> to vector<1x16xf32>
      tpu.vector_store %arg9[%swap3A_51, %swap3A_52], %swap3A_55 {strides = array<i32>} : memref<128x128xf32, #tpu.memory_space<vmem>>, vector<1x16xf32>,
      %broadcast_in_dim3A_56 = arith.constant 0.000000e+00 : f32
      %broadcast_in_dim3A_57 = vector.broadcast %broadcast_in_dim3A_56 : f32 to vector<16xf32>
      %swap3A_58 = arith.index_cast %add3A_36 : i32 to index
      %swap3A_59 = arith.constant 48 : index
      %swap3A_60 = tpu.vector_load %arg9[%swap3A_58, %swap3A_59] {strides = array<i32>} : memref<128x128xf32, #tpu.memory_space<vmem>>, vector<1x16xf32>,
      %swap3A_61 = vector.shape_cast %swap3A_60 : vector<1x16xf32> to vector<16xf32>
      %swap3A_62 = vector.shape_cast %broadcast_in_dim3A_57 : vector<16xf32> to vector<1x16xf32>
      tpu.vector_store %arg9[%swap3A_58, %swap3A_59], %swap3A_62 {strides = array<i32>} : memref<128x128xf32, #tpu.memory_space<vmem>>, vector<1x16xf32>,
      %broadcast_in_dim3A_63 = arith.constant 0.000000e+00 : f32
      %broadcast_in_dim3A_64 = vector.broadcast %broadcast_in_dim3A_63 : f32 to vector<16xf32>
      %swap3A_65 = arith.index_cast %add3A_36 : i32 to index
      %swap3A_66 = arith.constant 64 : index
      %swap3A_67 = tpu.vector_load %arg9[%swap3A_65, %swap3A_66] {strides = array<i32>} : memref<128x128xf32, #tpu.memory_space<vmem>>, vector<1x16xf32>,
      %swap3A_68 = vector.shape_cast %swap3A_67 : vector<1x16xf32> to vector<16xf32>
      %swap3A_69 = vector.shape_cast %broadcast_in_dim3A_64 : vector<16xf32> to vector<1x16xf32>
      tpu.vector_store %arg9[%swap3A_65, %swap3A_66], %swap3A_69 {strides = array<i32>} : memref<128x128xf32, #tpu.memory_space<vmem>>, vector<1x16xf32>,
      %broadcast_in_dim3A_70 = arith.constant 0.000000e+00 : f32
      %broadcast_in_dim3A_71 = vector.broadcast %broadcast_in_dim3A_70 : f32 to vector<16xf32>
      %swap3A_72 = arith.index_cast %add3A_36 : i32 to index
      %swap3A_73 = arith.constant 80 : index
      %swap3A_74 = tpu.vector_load %arg9[%swap3A_72, %swap3A_73] {strides = array<i32>} : memref<128x128xf32, #tpu.memory_space<vmem>>, vector<1x16xf32>,
      %swap3A_75 = vector.shape_cast %swap3A_74 : vector<1x16xf32> to vector<16xf32>
      %swap3A_76 = vector.shape_cast %broadcast_in_dim3A_71 : vector<16xf32> to vector<1x16xf32>
      tpu.vector_store %arg9[%swap3A_72, %swap3A_73], %swap3A_76 {strides = array<i32>} : memref<128x128xf32, #tpu.memory_space<vmem>>, vector<1x16xf32>,
      %broadcast_in_dim3A_77 = arith.constant 0.000000e+00 : f32
      %broadcast_in_dim3A_78 = vector.broadcast %broadcast_in_dim3A_77 : f32 to vector<16xf32>
      %swap3A_79 = arith.index_cast %add3A_36 : i32 to index
      %swap3A_80 = arith.constant 96 : index
      %swap3A_81 = tpu.vector_load %arg9[%swap3A_79, %swap3A_80] {strides = array<i32>} : memref<128x128xf32, #tpu.memory_space<vmem>>, vector<1x16xf32>,
      %swap3A_82 = vector.shape_cast %swap3A_81 : vector<1x16xf32> to vector<16xf32>
      %swap3A_83 = vector.shape_cast %broadcast_in_dim3A_78 : vector<16xf32> to vector<1x16xf32>
      tpu.vector_store %arg9[%swap3A_79, %swap3A_80], %swap3A_83 {strides = array<i32>} : memref<128x128xf32, #tpu.memory_space<vmem>>, vector<1x16xf32>,
      %broadcast_in_dim3A_84 = arith.constant 0.000000e+00 : f32
      %broadcast_in_dim3A_85 = vector.broadcast %broadcast_in_dim3A_84 : f32 to vector<16xf32>
      %swap3A_86 = arith.index_cast %add3A_36 : i32 to index
      %swap3A_87 = arith.constant 112 : index
      %swap3A_88 = tpu.vector_load %arg9[%swap3A_86, %swap3A_87] {strides = array<i32>} : memref<128x128xf32, #tpu.memory_space<vmem>>, vector<1x16xf32>,
      %swap3A_89 = vector.shape_cast %swap3A_88 : vector<1x16xf32> to vector<16xf32>
      %swap3A_90 = vector.shape_cast %broadcast_in_dim3A_85 : vector<16xf32> to vector<1x16xf32>
      tpu.vector_store %arg9[%swap3A_86, %swap3A_87], %swap3A_90 {strides = array<i32>} : memref<128x128xf32, #tpu.memory_space<vmem>>, vector<1x16xf32>,
    }
    %scan3A_3 = arith.constant 128 : i32
    %mul3A = arith.constant 632 : i32
    %mul3A_4 = arith.muli %arg1, %mul3A : i32
    %add3A = arith.constant 0 : i32
    %add3A_5 = arith.addi %mul3A_4, %add3A : i32
    "tpu.region"() ({
      %run_scoped3A = tpu.sem_alloc : memref<!tpu.dma_semaphore, #tpu.memory_space<semaphore_mem>>
      %dma_start3A = arith.constant 0 : i32
      %dma_start3A_32 = tpu.memref_slice %arg15[%add3A_5, %dma_start3A] : memref<10112x128xf32, #tpu.memory_space<vmem_shared>> -> memref<128x128xf32, #tpu.memory_space<vmem_shared>>
      %dma_start3A_33 = arith.constant 0 : i32
      %dma_start3A_34 = tpu.memref_slice %arg15[%add3A_5, %dma_start3A_33] : memref<10112x128xf32, #tpu.memory_space<vmem_shared>> -> memref<128x128xf32, #tpu.memory_space<vmem_shared>>
      tpu.enqueue_dma source(%arg9 : memref<128x128xf32, #tpu.memory_space<vmem>>) target(%dma_start3A_34 : memref<128x128xf32, #tpu.memory_space<vmem_shared>>) target_semaphore(%run_scoped3A : memref<!tpu.dma_semaphore, #tpu.memory_space<semaphore_mem>>)
      %dma_wait3A = arith.constant 0 : i32
      %dma_wait3A_35 = tpu.memref_slice %arg15[%add3A_5, %dma_wait3A] : memref<10112x128xf32, #tpu.memory_space<vmem_shared>> -> memref<128x128xf32, #tpu.memory_space<vmem_shared>>
      %dma_wait3A_36 = arith.constant 0 : i32
      %dma_wait3A_37 = tpu.memref_slice %arg15[%add3A_5, %dma_wait3A_36] : memref<10112x128xf32, #tpu.memory_space<vmem_shared>> -> memref<128x128xf32, #tpu.memory_space<vmem_shared>>
      tpu.wait_dma2 semaphore(%run_scoped3A : memref<!tpu.dma_semaphore, #tpu.memory_space<semaphore_mem>>) src(%arg9 : memref<128x128xf32, #tpu.memory_space<vmem>>) dst(%dma_wait3A_37 : memref<128x128xf32, #tpu.memory_space<vmem_shared>>)
      tpu.yield
    }) : () -> ()
    %add3A_6 = arith.constant 128 : i32
    %add3A_7 = arith.addi %mul3A_4, %add3A_6 : i32
    "tpu.region"() ({
      %run_scoped3A = tpu.sem_alloc : memref<!tpu.dma_semaphore, #tpu.memory_space<semaphore_mem>>
      %dma_start3A = arith.constant 0 : i32
      %dma_start3A_32 = tpu.memref_slice %arg15[%add3A_7, %dma_start3A] : memref<10112x128xf32, #tpu.memory_space<vmem_shared>> -> memref<128x128xf32, #tpu.memory_space<vmem_shared>>
      %dma_start3A_33 = arith.constant 0 : i32
      %dma_start3A_34 = tpu.memref_slice %arg15[%add3A_7, %dma_start3A_33] : memref<10112x128xf32, #tpu.memory_space<vmem_shared>> -> memref<128x128xf32, #tpu.memory_space<vmem_shared>>
      tpu.enqueue_dma source(%arg9 : memref<128x128xf32, #tpu.memory_space<vmem>>) target(%dma_start3A_34 : memref<128x128xf32, #tpu.memory_space<vmem_shared>>) target_semaphore(%run_scoped3A : memref<!tpu.dma_semaphore, #tpu.memory_space<semaphore_mem>>)
      %dma_wait3A = arith.constant 0 : i32
      %dma_wait3A_35 = tpu.memref_slice %arg15[%add3A_7, %dma_wait3A] : memref<10112x128xf32, #tpu.memory_space<vmem_shared>> -> memref<128x128xf32, #tpu.memory_space<vmem_shared>>
      %dma_wait3A_36 = arith.constant 0 : i32
      %dma_wait3A_37 = tpu.memref_slice %arg15[%add3A_7, %dma_wait3A_36] : memref<10112x128xf32, #tpu.memory_space<vmem_shared>> -> memref<128x128xf32, #tpu.memory_space<vmem_shared>>
      tpu.wait_dma2 semaphore(%run_scoped3A : memref<!tpu.dma_semaphore, #tpu.memory_space<semaphore_mem>>) src(%arg9 : memref<128x128xf32, #tpu.memory_space<vmem>>) dst(%dma_wait3A_37 : memref<128x128xf32, #tpu.memory_space<vmem_shared>>)
      tpu.yield
    }) : () -> ()
    %add3A_8 = arith.constant 256 : i32
    %add3A_9 = arith.addi %mul3A_4, %add3A_8 : i32
    "tpu.region"() ({
      %run_scoped3A = tpu.sem_alloc : memref<!tpu.dma_semaphore, #tpu.memory_space<semaphore_mem>>
      %dma_start3A = arith.constant 0 : i32
      %dma_start3A_32 = tpu.memref_slice %arg15[%add3A_9, %dma_start3A] : memref<10112x128xf32, #tpu.memory_space<vmem_shared>> -> memref<128x128xf32, #tpu.memory_space<vmem_shared>>
      %dma_start3A_33 = arith.constant 0 : i32
      %dma_start3A_34 = tpu.memref_slice %arg15[%add3A_9, %dma_start3A_33] : memref<10112x128xf32, #tpu.memory_space<vmem_shared>> -> memref<128x128xf32, #tpu.memory_space<vmem_shared>>
      tpu.enqueue_dma source(%arg9 : memref<128x128xf32, #tpu.memory_space<vmem>>) target(%dma_start3A_34 : memref<128x128xf32, #tpu.memory_space<vmem_shared>>) target_semaphore(%run_scoped3A : memref<!tpu.dma_semaphore, #tpu.memory_space<semaphore_mem>>)
      %dma_wait3A = arith.constant 0 : i32
      %dma_wait3A_35 = tpu.memref_slice %arg15[%add3A_9, %dma_wait3A] : memref<10112x128xf32, #tpu.memory_space<vmem_shared>> -> memref<128x128xf32, #tpu.memory_space<vmem_shared>>
      %dma_wait3A_36 = arith.constant 0 : i32
      %dma_wait3A_37 = tpu.memref_slice %arg15[%add3A_9, %dma_wait3A_36] : memref<10112x128xf32, #tpu.memory_space<vmem_shared>> -> memref<128x128xf32, #tpu.memory_space<vmem_shared>>
      tpu.wait_dma2 semaphore(%run_scoped3A : memref<!tpu.dma_semaphore, #tpu.memory_space<semaphore_mem>>) src(%arg9 : memref<128x128xf32, #tpu.memory_space<vmem>>) dst(%dma_wait3A_37 : memref<128x128xf32, #tpu.memory_space<vmem_shared>>)
      tpu.yield
    }) : () -> ()
    %add3A_10 = arith.constant 384 : i32
    %add3A_11 = arith.addi %mul3A_4, %add3A_10 : i32
    "tpu.region"() ({
      %run_scoped3A = tpu.sem_alloc : memref<!tpu.dma_semaphore, #tpu.memory_space<semaphore_mem>>
      %dma_start3A = arith.constant 0 : i32
      %dma_start3A_32 = tpu.memref_slice %arg15[%add3A_11, %dma_start3A] : memref<10112x128xf32, #tpu.memory_space<vmem_shared>> -> memref<128x128xf32, #tpu.memory_space<vmem_shared>>
      %dma_start3A_33 = arith.constant 0 : i32
      %dma_start3A_34 = tpu.memref_slice %arg15[%add3A_11, %dma_start3A_33] : memref<10112x128xf32, #tpu.memory_space<vmem_shared>> -> memref<128x128xf32, #tpu.memory_space<vmem_shared>>
      tpu.enqueue_dma source(%arg9 : memref<128x128xf32, #tpu.memory_space<vmem>>) target(%dma_start3A_34 : memref<128x128xf32, #tpu.memory_space<vmem_shared>>) target_semaphore(%run_scoped3A : memref<!tpu.dma_semaphore, #tpu.memory_space<semaphore_mem>>)
      %dma_wait3A = arith.constant 0 : i32
      %dma_wait3A_35 = tpu.memref_slice %arg15[%add3A_11, %dma_wait3A] : memref<10112x128xf32, #tpu.memory_space<vmem_shared>> -> memref<128x128xf32, #tpu.memory_space<vmem_shared>>
      %dma_wait3A_36 = arith.constant 0 : i32
      %dma_wait3A_37 = tpu.memref_slice %arg15[%add3A_11, %dma_wait3A_36] : memref<10112x128xf32, #tpu.memory_space<vmem_shared>> -> memref<128x128xf32, #tpu.memory_space<vmem_shared>>
      tpu.wait_dma2 semaphore(%run_scoped3A : memref<!tpu.dma_semaphore, #tpu.memory_space<semaphore_mem>>) src(%arg9 : memref<128x128xf32, #tpu.memory_space<vmem>>) dst(%dma_wait3A_37 : memref<128x128xf32, #tpu.memory_space<vmem_shared>>)
      tpu.yield
    }) : () -> ()
    %add3A_12 = arith.constant 512 : i32
    %add3A_13 = arith.addi %mul3A_4, %add3A_12 : i32
    "tpu.region"() ({
      %run_scoped3A = tpu.sem_alloc : memref<!tpu.dma_semaphore, #tpu.memory_space<semaphore_mem>>
      %dma_start3A = arith.constant 0 : i32
      %dma_start3A_32 = arith.constant 0 : i32
      %dma_start3A_33 = tpu.memref_slice %arg9[%dma_start3A, %dma_start3A_32] : memref<128x128xf32, #tpu.memory_space<vmem>> -> memref<120x128xf32, #tpu.memory_space<vmem>>
      %dma_start3A_34 = arith.constant 0 : i32
      %dma_start3A_35 = tpu.memref_slice %arg15[%add3A_13, %dma_start3A_34] : memref<10112x128xf32, #tpu.memory_space<vmem_shared>> -> memref<120x128xf32, #tpu.memory_space<vmem_shared>>
      %dma_start3A_36 = arith.constant 0 : i32
      %dma_start3A_37 = tpu.memref_slice %arg15[%add3A_13, %dma_start3A_36] : memref<10112x128xf32, #tpu.memory_space<vmem_shared>> -> memref<120x128xf32, #tpu.memory_space<vmem_shared>>
      %dma_start3A_38 = arith.constant 0 : i32
      %dma_start3A_39 = arith.constant 0 : i32
      %dma_start3A_40 = tpu.memref_slice %arg9[%dma_start3A_38, %dma_start3A_39] : memref<128x128xf32, #tpu.memory_space<vmem>> -> memref<120x128xf32, #tpu.memory_space<vmem>>
      tpu.enqueue_dma source(%dma_start3A_40 : memref<120x128xf32, #tpu.memory_space<vmem>>) target(%dma_start3A_37 : memref<120x128xf32, #tpu.memory_space<vmem_shared>>) target_semaphore(%run_scoped3A : memref<!tpu.dma_semaphore, #tpu.memory_space<semaphore_mem>>)
      %dma_wait3A = arith.constant 0 : i32
      %dma_wait3A_41 = arith.constant 0 : i32
      %dma_wait3A_42 = tpu.memref_slice %arg9[%dma_wait3A, %dma_wait3A_41] : memref<128x128xf32, #tpu.memory_space<vmem>> -> memref<120x128xf32, #tpu.memory_space<vmem>>
      %dma_wait3A_43 = arith.constant 0 : i32
      %dma_wait3A_44 = tpu.memref_slice %arg15[%add3A_13, %dma_wait3A_43] : memref<10112x128xf32, #tpu.memory_space<vmem_shared>> -> memref<120x128xf32, #tpu.memory_space<vmem_shared>>
      %dma_wait3A_45 = arith.constant 0 : i32
      %dma_wait3A_46 = tpu.memref_slice %arg15[%add3A_13, %dma_wait3A_45] : memref<10112x128xf32, #tpu.memory_space<vmem_shared>> -> memref<120x128xf32, #tpu.memory_space<vmem_shared>>
      %dma_wait3A_47 = arith.constant 0 : i32
      %dma_wait3A_48 = arith.constant 0 : i32
      %dma_wait3A_49 = tpu.memref_slice %arg9[%dma_wait3A_47, %dma_wait3A_48] : memref<128x128xf32, #tpu.memory_space<vmem>> -> memref<120x128xf32, #tpu.memory_space<vmem>>
      tpu.wait_dma2 semaphore(%run_scoped3A : memref<!tpu.dma_semaphore, #tpu.memory_space<semaphore_mem>>) src(%dma_wait3A_49 : memref<120x128xf32, #tpu.memory_space<vmem>>) dst(%dma_wait3A_46 : memref<120x128xf32, #tpu.memory_space<vmem_shared>>)
      tpu.yield
    }) : () -> ()
    %barrier3A = arith.constant 0 : index
    tpu.barrier barrier_id(%barrier3A)
    %eq3A = arith.constant 0 : i32
    %eq3A_14 = arith.cmpi eq, %arg0, %eq3A : i32
    %convert_element_type3A = arith.extui %eq3A_14 : i1 to i32
    %cond3A = arith.constant 0 : i32
    %cond3A_15 = arith.cmpi ne, %convert_element_type3A, %cond3A : i32
    scf.if %cond3A_15 {
      %scan3A_32 = arith.constant 0 : i32
      %scan3A_33 = arith.constant 10 : i32
      %scan3A_34 = arith.addi %scan3A_32, %scan3A_33 : i32
      %scan3A_35 = arith.constant 1 : i32
      scf.for %scan3A_37 = %scan3A_32 to %scan3A_34 step %scan3A_35  : i32 {
        %mul3A_38 = arith.constant 1 : i32
        %mul3A_39 = arith.muli %scan3A_37, %mul3A_38 : i32
        %add3A_40 = arith.constant 0 : i32
        %add3A_41 = arith.addi %add3A_40, %mul3A_39 : i32
        %mul3A_42 = arith.constant 160 : i32
        %mul3A_43 = arith.muli %arg1, %mul3A_42 : i32
        %mul3A_44 = arith.constant 16 : i32
        %mul3A_45 = arith.muli %add3A_41, %mul3A_44 : i32
        %add3A_46 = arith.addi %mul3A_43, %mul3A_45 : i32
        "tpu.region"() ({
          %run_scoped3A = tpu.sem_alloc : memref<!tpu.dma_semaphore, #tpu.memory_space<semaphore_mem>>
          %dma_start3A_71 = arith.constant 0 : i32
          %dma_start3A_72 = tpu.memref_slice %arg4[%add3A_46, %dma_start3A_71] : memref<2560x128xi32, #tpu.memory_space<hbm>> -> memref<16x128xi32, #tpu.memory_space<hbm>>
          %dma_start3A_73 = arith.constant 0 : i32
          %dma_start3A_74 = tpu.memref_slice %arg4[%add3A_46, %dma_start3A_73] : memref<2560x128xi32, #tpu.memory_space<hbm>> -> memref<16x128xi32, #tpu.memory_space<hbm>>
          tpu.enqueue_dma source(%dma_start3A_74 : memref<16x128xi32, #tpu.memory_space<hbm>>) target(%arg7 : memref<16x128xi32, #tpu.memory_space<vmem>>) target_semaphore(%run_scoped3A : memref<!tpu.dma_semaphore, #tpu.memory_space<semaphore_mem>>)
          %dma_wait3A_75 = arith.constant 0 : i32
          %dma_wait3A_76 = tpu.memref_slice %arg4[%add3A_46, %dma_wait3A_75] : memref<2560x128xi32, #tpu.memory_space<hbm>> -> memref<16x128xi32, #tpu.memory_space<hbm>>
          %dma_wait3A_77 = arith.constant 0 : i32
          %dma_wait3A_78 = tpu.memref_slice %arg4[%add3A_46, %dma_wait3A_77] : memref<2560x128xi32, #tpu.memory_space<hbm>> -> memref<16x128xi32, #tpu.memory_space<hbm>>
          tpu.wait_dma2 semaphore(%run_scoped3A : memref<!tpu.dma_semaphore, #tpu.memory_space<semaphore_mem>>) src(%dma_wait3A_78 : memref<16x128xi32, #tpu.memory_space<hbm>>) dst(%arg7 : memref<16x128xi32, #tpu.memory_space<vmem>>)
          tpu.yield
        }) : () -> ()
        "tpu.region"() ({
          %run_scoped3A = tpu.sem_alloc : memref<!tpu.dma_semaphore, #tpu.memory_space<semaphore_mem>>
          %dma_start3A_71 = arith.constant 0 : i32
          %dma_start3A_72 = tpu.memref_slice %arg5[%add3A_46, %dma_start3A_71] : memref<2560x128xi32, #tpu.memory_space<hbm>> -> memref<16x128xi32, #tpu.memory_space<hbm>>
          %dma_start3A_73 = arith.constant 0 : i32
          %dma_start3A_74 = tpu.memref_slice %arg5[%add3A_46, %dma_start3A_73] : memref<2560x128xi32, #tpu.memory_space<hbm>> -> memref<16x128xi32, #tpu.memory_space<hbm>>
          tpu.enqueue_dma source(%dma_start3A_74 : memref<16x128xi32, #tpu.memory_space<hbm>>) target(%arg8 : memref<16x128xi32, #tpu.memory_space<vmem>>) target_semaphore(%run_scoped3A : memref<!tpu.dma_semaphore, #tpu.memory_space<semaphore_mem>>)
          %dma_wait3A_75 = arith.constant 0 : i32
          %dma_wait3A_76 = tpu.memref_slice %arg5[%add3A_46, %dma_wait3A_75] : memref<2560x128xi32, #tpu.memory_space<hbm>> -> memref<16x128xi32, #tpu.memory_space<hbm>>
          %dma_wait3A_77 = arith.constant 0 : i32
          %dma_wait3A_78 = tpu.memref_slice %arg5[%add3A_46, %dma_wait3A_77] : memref<2560x128xi32, #tpu.memory_space<hbm>> -> memref<16x128xi32, #tpu.memory_space<hbm>>
          tpu.wait_dma2 semaphore(%run_scoped3A : memref<!tpu.dma_semaphore, #tpu.memory_space<semaphore_mem>>) src(%dma_wait3A_78 : memref<16x128xi32, #tpu.memory_space<hbm>>) dst(%arg8 : memref<16x128xi32, #tpu.memory_space<vmem>>)
          tpu.yield
        }) : () -> ()
        %dma_start3A = arith.constant 0 : i32
        %dma_start3A_47 = arith.constant 0 : i32
        %dma_start3A_48 = tpu.memref_slice %arg7[%dma_start3A, %dma_start3A_47] : memref<16x128xi32, #tpu.memory_space<vmem>> -> memref<1x128xi32, #tpu.memory_space<vmem>>
        %dma_start3A_49 = tpu.memref_squeeze %dma_start3A_48 : memref<1x128xi32, #tpu.memory_space<vmem>> -> memref<128xi32, #tpu.memory_space<vmem>>
        %dma_start3A_50 = arith.constant 0 : i32
        %dma_start3A_51 = arith.constant 0 : i32
        %dma_start3A_52 = tpu.memref_slice %arg2[%dma_start3A_50, %dma_start3A_51] : memref<10000x128xf32, #tpu.memory_space<hbm>> -> memref<10000x128xf32, #tpu.memory_space<hbm>>
        tpu.enqueue_indirect_dma source(%dma_start3A_52 : memref<10000x128xf32, #tpu.memory_space<hbm>>) target(%arg9 : memref<128x128xf32, #tpu.memory_space<vmem>>) offsets(%dma_start3A_49 : memref<128xi32, #tpu.memory_space<vmem>>) semaphore(%arg11 : memref<!tpu.dma_semaphore, #tpu.memory_space<semaphore_mem>>)
        %scan3A_53 = arith.constant 0 : i32
        %scan3A_54 = arith.constant 8 : i32
        %scan3A_55 = arith.addi %scan3A_53, %scan3A_54 : i32
        %scan3A_56 = arith.constant 1 : i32
        scf.for %scan3A_71 = %scan3A_53 to %scan3A_55 step %scan3A_56  : i32 {
          %mul3A_72 = arith.constant 2 : i32
          %mul3A_73 = arith.muli %scan3A_71, %mul3A_72 : i32
          %add3A_74 = arith.constant 0 : i32
          %add3A_75 = arith.addi %add3A_74, %mul3A_73 : i32
          %gt3A = arith.constant 0 : i32
          %gt3A_76 = arith.cmpi sgt, %add3A_75, %gt3A : i32
          %convert_element_type3A_77 = arith.extui %gt3A_76 : i1 to i32
          %cond3A_78 = arith.constant 0 : i32
          %cond3A_79 = arith.cmpi ne, %convert_element_type3A_77, %cond3A_78 : i32
          scf.if %cond3A_79 {
            %dma_wait3A_122 = arith.constant 0 : i32
            %dma_wait3A_123 = tpu.memref_slice %arg8[%add3A_75, %dma_wait3A_122] : memref<16x128xi32, #tpu.memory_space<vmem>> -> memref<1x128xi32, #tpu.memory_space<vmem>>
            %dma_wait3A_124 = tpu.memref_squeeze %dma_wait3A_123 : memref<1x128xi32, #tpu.memory_space<vmem>> -> memref<128xi32, #tpu.memory_space<vmem>>
            %dma_wait3A_125 = arith.constant 0 : i32
            %dma_wait3A_126 = arith.constant 0 : i32
            %dma_wait3A_127 = tpu.memref_slice %arg15[%dma_wait3A_125, %dma_wait3A_126] : memref<10112x128xf32, #tpu.memory_space<vmem_shared>> -> memref<10112x128xf32, #tpu.memory_space<vmem_shared>>
            tpu.wait_indirect_dma semaphore(%arg14 : memref<!tpu.dma_semaphore, #tpu.memory_space<semaphore_mem>>) src(%arg10 : memref<128x128xf32, #tpu.memory_space<vmem>>) dst(%dma_wait3A_127 : memref<10112x128xf32, #tpu.memory_space<vmem_shared>>)
          } else {
          }
          %add3A_80 = arith.constant 1 : i32
          %add3A_81 = arith.addi %add3A_75, %add3A_80 : i32
          %dma_start3A_82 = arith.constant 0 : i32
          %dma_start3A_83 = tpu.memref_slice %arg7[%add3A_81, %dma_start3A_82] : memref<16x128xi32, #tpu.memory_space<vmem>> -> memref<1x128xi32, #tpu.memory_space<vmem>>
          %dma_start3A_84 = tpu.memref_squeeze %dma_start3A_83 : memref<1x128xi32, #tpu.memory_space<vmem>> -> memref<128xi32, #tpu.memory_space<vmem>>
          %dma_start3A_85 = arith.constant 0 : i32
          %dma_start3A_86 = arith.constant 0 : i32
          %dma_start3A_87 = tpu.memref_slice %arg2[%dma_start3A_85, %dma_start3A_86] : memref<10000x128xf32, #tpu.memory_space<hbm>> -> memref<10000x128xf32, #tpu.memory_space<hbm>>
          tpu.enqueue_indirect_dma source(%dma_start3A_87 : memref<10000x128xf32, #tpu.memory_space<hbm>>) target(%arg10 : memref<128x128xf32, #tpu.memory_space<vmem>>) offsets(%dma_start3A_84 : memref<128xi32, #tpu.memory_space<vmem>>) semaphore(%arg12 : memref<!tpu.dma_semaphore, #tpu.memory_space<semaphore_mem>>)
          %dma_wait3A_88 = arith.constant 0 : i32
          %dma_wait3A_89 = tpu.memref_slice %arg7[%add3A_75, %dma_wait3A_88] : memref<16x128xi32, #tpu.memory_space<vmem>> -> memref<1x128xi32, #tpu.memory_space<vmem>>
          %dma_wait3A_90 = tpu.memref_squeeze %dma_wait3A_89 : memref<1x128xi32, #tpu.memory_space<vmem>> -> memref<128xi32, #tpu.memory_space<vmem>>
          %dma_wait3A_91 = arith.constant 0 : i32
          %dma_wait3A_92 = arith.constant 0 : i32
          %dma_wait3A_93 = tpu.memref_slice %arg2[%dma_wait3A_91, %dma_wait3A_92] : memref<10000x128xf32, #tpu.memory_space<hbm>> -> memref<10000x128xf32, #tpu.memory_space<hbm>>
          tpu.wait_indirect_dma semaphore(%arg11 : memref<!tpu.dma_semaphore, #tpu.memory_space<semaphore_mem>>) src(%dma_wait3A_93 : memref<10000x128xf32, #tpu.memory_space<hbm>>) dst(%arg9 : memref<128x128xf32, #tpu.memory_space<vmem>>)
          %dma_start3A_94 = arith.constant 0 : i32
          %dma_start3A_95 = tpu.memref_slice %arg8[%add3A_75, %dma_start3A_94] : memref<16x128xi32, #tpu.memory_space<vmem>> -> memref<1x128xi32, #tpu.memory_space<vmem>>
          %dma_start3A_96 = tpu.memref_squeeze %dma_start3A_95 : memref<1x128xi32, #tpu.memory_space<vmem>> -> memref<128xi32, #tpu.memory_space<vmem>>
          %dma_start3A_97 = arith.constant 0 : i32
          %dma_start3A_98 = arith.constant 0 : i32
          %dma_start3A_99 = tpu.memref_slice %arg15[%dma_start3A_97, %dma_start3A_98] : memref<10112x128xf32, #tpu.memory_space<vmem_shared>> -> memref<10112x128xf32, #tpu.memory_space<vmem_shared>>
          tpu.enqueue_indirect_dma source(%arg9 : memref<128x128xf32, #tpu.memory_space<vmem>>) target(%dma_start3A_99 : memref<10112x128xf32, #tpu.memory_space<vmem_shared>>) offsets(%dma_start3A_96 : memref<128xi32, #tpu.memory_space<vmem>>) semaphore(%arg13 : memref<!tpu.dma_semaphore, #tpu.memory_space<semaphore_mem>>) {add = true}
          %add3A_100 = arith.constant 2 : i32
          %add3A_101 = arith.addi %add3A_75, %add3A_100 : i32
          %lt3A = arith.constant 16 : i32
          %lt3A_102 = arith.cmpi slt, %add3A_101, %lt3A : i32
          %convert_element_type3A_103 = arith.extui %lt3A_102 : i1 to i32
          %cond3A_104 = arith.constant 0 : i32
          %cond3A_105 = arith.cmpi ne, %convert_element_type3A_103, %cond3A_104 : i32
          scf.if %cond3A_105 {
            %dma_wait3A_122 = arith.constant 0 : i32
            %dma_wait3A_123 = tpu.memref_slice %arg8[%add3A_75, %dma_wait3A_122] : memref<16x128xi32, #tpu.memory_space<vmem>> -> memref<1x128xi32, #tpu.memory_space<vmem>>
            %dma_wait3A_124 = tpu.memref_squeeze %dma_wait3A_123 : memref<1x128xi32, #tpu.memory_space<vmem>> -> memref<128xi32, #tpu.memory_space<vmem>>
            %dma_wait3A_125 = arith.constant 0 : i32
            %dma_wait3A_126 = arith.constant 0 : i32
            %dma_wait3A_127 = tpu.memref_slice %arg15[%dma_wait3A_125, %dma_wait3A_126] : memref<10112x128xf32, #tpu.memory_space<vmem_shared>> -> memref<10112x128xf32, #tpu.memory_space<vmem_shared>>
            tpu.wait_indirect_dma semaphore(%arg13 : memref<!tpu.dma_semaphore, #tpu.memory_space<semaphore_mem>>) src(%arg9 : memref<128x128xf32, #tpu.memory_space<vmem>>) dst(%dma_wait3A_127 : memref<10112x128xf32, #tpu.memory_space<vmem_shared>>)
            %add3A_128 = arith.constant 2 : i32
            %add3A_129 = arith.addi %add3A_75, %add3A_128 : i32
            %dma_start3A_130 = arith.constant 0 : i32
            %dma_start3A_131 = tpu.memref_slice %arg7[%add3A_129, %dma_start3A_130] : memref<16x128xi32, #tpu.memory_space<vmem>> -> memref<1x128xi32, #tpu.memory_space<vmem>>
            %dma_start3A_132 = tpu.memref_squeeze %dma_start3A_131 : memref<1x128xi32, #tpu.memory_space<vmem>> -> memref<128xi32, #tpu.memory_space<vmem>>
            %dma_start3A_133 = arith.constant 0 : i32
            %dma_start3A_134 = arith.constant 0 : i32
            %dma_start3A_135 = tpu.memref_slice %arg2[%dma_start3A_133, %dma_start3A_134] : memref<10000x128xf32, #tpu.memory_space<hbm>> -> memref<10000x128xf32, #tpu.memory_space<hbm>>
            tpu.enqueue_indirect_dma source(%dma_start3A_135 : memref<10000x128xf32, #tpu.memory_space<hbm>>) target(%arg9 : memref<128x128xf32, #tpu.memory_space<vmem>>) offsets(%dma_start3A_132 : memref<128xi32, #tpu.memory_space<vmem>>) semaphore(%arg11 : memref<!tpu.dma_semaphore, #tpu.memory_space<semaphore_mem>>)
          } else {
          }
          %add3A_106 = arith.constant 1 : i32
          %add3A_107 = arith.addi %add3A_75, %add3A_106 : i32
          %dma_wait3A_108 = arith.constant 0 : i32
          %dma_wait3A_109 = tpu.memref_slice %arg7[%add3A_107, %dma_wait3A_108] : memref<16x128xi32, #tpu.memory_space<vmem>> -> memref<1x128xi32, #tpu.memory_space<vmem>>
          %dma_wait3A_110 = tpu.memref_squeeze %dma_wait3A_109 : memref<1x128xi32, #tpu.memory_space<vmem>> -> memref<128xi32, #tpu.memory_space<vmem>>
          %dma_wait3A_111 = arith.constant 0 : i32
          %dma_wait3A_112 = arith.constant 0 : i32
          %dma_wait3A_113 = tpu.memref_slice %arg2[%dma_wait3A_111, %dma_wait3A_112] : memref<10000x128xf32, #tpu.memory_space<hbm>> -> memref<10000x128xf32, #tpu.memory_space<hbm>>
          tpu.wait_indirect_dma semaphore(%arg12 : memref<!tpu.dma_semaphore, #tpu.memory_space<semaphore_mem>>) src(%dma_wait3A_113 : memref<10000x128xf32, #tpu.memory_space<hbm>>) dst(%arg10 : memref<128x128xf32, #tpu.memory_space<vmem>>)
          %add3A_114 = arith.constant 1 : i32
          %add3A_115 = arith.addi %add3A_75, %add3A_114 : i32
          %dma_start3A_116 = arith.constant 0 : i32
          %dma_start3A_117 = tpu.memref_slice %arg8[%add3A_115, %dma_start3A_116] : memref<16x128xi32, #tpu.memory_space<vmem>> -> memref<1x128xi32, #tpu.memory_space<vmem>>
          %dma_start3A_118 = tpu.memref_squeeze %dma_start3A_117 : memref<1x128xi32, #tpu.memory_space<vmem>> -> memref<128xi32, #tpu.memory_space<vmem>>
          %dma_start3A_119 = arith.constant 0 : i32
          %dma_start3A_120 = arith.constant 0 : i32
          %dma_start3A_121 = tpu.memref_slice %arg15[%dma_start3A_119, %dma_start3A_120] : memref<10112x128xf32, #tpu.memory_space<vmem_shared>> -> memref<10112x128xf32, #tpu.memory_space<vmem_shared>>
          tpu.enqueue_indirect_dma source(%arg10 : memref<128x128xf32, #tpu.memory_space<vmem>>) target(%dma_start3A_121 : memref<10112x128xf32, #tpu.memory_space<vmem_shared>>) offsets(%dma_start3A_118 : memref<128xi32, #tpu.memory_space<vmem>>) semaphore(%arg14 : memref<!tpu.dma_semaphore, #tpu.memory_space<semaphore_mem>>) {add = true}
        }
        %scan3A_57 = arith.constant 8 : i32
        %dma_wait3A = arith.constant 0 : i32
        %dma_wait3A_58 = arith.constant 0 : i32
        %dma_wait3A_59 = tpu.memref_slice %arg8[%dma_wait3A, %dma_wait3A_58] : memref<16x128xi32, #tpu.memory_space<vmem>> -> memref<1x128xi32, #tpu.memory_space<vmem>>
        %dma_wait3A_60 = tpu.memref_squeeze %dma_wait3A_59 : memref<1x128xi32, #tpu.memory_space<vmem>> -> memref<128xi32, #tpu.memory_space<vmem>>
        %dma_wait3A_61 = arith.constant 0 : i32
        %dma_wait3A_62 = arith.constant 0 : i32
        %dma_wait3A_63 = tpu.memref_slice %arg15[%dma_wait3A_61, %dma_wait3A_62] : memref<10112x128xf32, #tpu.memory_space<vmem_shared>> -> memref<10112x128xf32, #tpu.memory_space<vmem_shared>>
        tpu.wait_indirect_dma semaphore(%arg13 : memref<!tpu.dma_semaphore, #tpu.memory_space<semaphore_mem>>) src(%arg9 : memref<128x128xf32, #tpu.memory_space<vmem>>) dst(%dma_wait3A_63 : memref<10112x128xf32, #tpu.memory_space<vmem_shared>>)
        %dma_wait3A_64 = arith.constant 1 : i32
        %dma_wait3A_65 = arith.constant 0 : i32
        %dma_wait3A_66 = tpu.memref_slice %arg8[%dma_wait3A_64, %dma_wait3A_65] : memref<16x128xi32, #tpu.memory_space<vmem>> -> memref<1x128xi32, #tpu.memory_space<vmem>>
        %dma_wait3A_67 = tpu.memref_squeeze %dma_wait3A_66 : memref<1x128xi32, #tpu.memory_space<vmem>> -> memref<128xi32, #tpu.memory_space<vmem>>
        %dma_wait3A_68 = arith.constant 0 : i32
        %dma_wait3A_69 = arith.constant 0 : i32
        %dma_wait3A_70 = tpu.memref_slice %arg15[%dma_wait3A_68, %dma_wait3A_69] : memref<10112x128xf32, #tpu.memory_space<vmem_shared>> -> memref<10112x128xf32, #tpu.memory_space<vmem_shared>>
        tpu.wait_indirect_dma semaphore(%arg14 : memref<!tpu.dma_semaphore, #tpu.memory_space<semaphore_mem>>) src(%arg10 : memref<128x128xf32, #tpu.memory_space<vmem>>) dst(%dma_wait3A_70 : memref<10112x128xf32, #tpu.memory_space<vmem_shared>>)
      }
      %scan3A_36 = arith.constant 10 : i32
    } else {
    }
    %eq3A_16 = arith.constant 1 : i32
    %eq3A_17 = arith.cmpi eq, %arg0, %eq3A_16 : i32
    %convert_element_type3A_18 = arith.extui %eq3A_17 : i1 to i32
    %cond3A_19 = arith.constant 0 : i32
    %cond3A_20 = arith.cmpi ne, %convert_element_type3A_18, %cond3A_19 : i32
    scf.if %cond3A_20 {
      %scan3A_32 = arith.constant 0 : i32
      %scan3A_33 = arith.constant 10 : i32
      %scan3A_34 = arith.addi %scan3A_32, %scan3A_33 : i32
      %scan3A_35 = arith.constant 1 : i32
      scf.for %scan3A_37 = %scan3A_32 to %scan3A_34 step %scan3A_35  : i32 {
        %mul3A_38 = arith.constant 1 : i32
        %mul3A_39 = arith.muli %scan3A_37, %mul3A_38 : i32
        %add3A_40 = arith.constant 0 : i32
        %add3A_41 = arith.addi %add3A_40, %mul3A_39 : i32
        %mul3A_42 = arith.constant 160 : i32
        %mul3A_43 = arith.muli %arg1, %mul3A_42 : i32
        %mul3A_44 = arith.constant 16 : i32
        %mul3A_45 = arith.muli %add3A_41, %mul3A_44 : i32
        %add3A_46 = arith.addi %mul3A_43, %mul3A_45 : i32
        "tpu.region"() ({
          %run_scoped3A = tpu.sem_alloc : memref<!tpu.dma_semaphore, #tpu.memory_space<semaphore_mem>>
          %dma_start3A_71 = arith.constant 0 : i32
          %dma_start3A_72 = tpu.memref_slice %arg4[%add3A_46, %dma_start3A_71] : memref<2560x128xi32, #tpu.memory_space<hbm>> -> memref<16x128xi32, #tpu.memory_space<hbm>>
          %dma_start3A_73 = arith.constant 0 : i32
          %dma_start3A_74 = tpu.memref_slice %arg4[%add3A_46, %dma_start3A_73] : memref<2560x128xi32, #tpu.memory_space<hbm>> -> memref<16x128xi32, #tpu.memory_space<hbm>>
          tpu.enqueue_dma source(%dma_start3A_74 : memref<16x128xi32, #tpu.memory_space<hbm>>) target(%arg7 : memref<16x128xi32, #tpu.memory_space<vmem>>) target_semaphore(%run_scoped3A : memref<!tpu.dma_semaphore, #tpu.memory_space<semaphore_mem>>)
          %dma_wait3A_75 = arith.constant 0 : i32
          %dma_wait3A_76 = tpu.memref_slice %arg4[%add3A_46, %dma_wait3A_75] : memref<2560x128xi32, #tpu.memory_space<hbm>> -> memref<16x128xi32, #tpu.memory_space<hbm>>
          %dma_wait3A_77 = arith.constant 0 : i32
          %dma_wait3A_78 = tpu.memref_slice %arg4[%add3A_46, %dma_wait3A_77] : memref<2560x128xi32, #tpu.memory_space<hbm>> -> memref<16x128xi32, #tpu.memory_space<hbm>>
          tpu.wait_dma2 semaphore(%run_scoped3A : memref<!tpu.dma_semaphore, #tpu.memory_space<semaphore_mem>>) src(%dma_wait3A_78 : memref<16x128xi32, #tpu.memory_space<hbm>>) dst(%arg7 : memref<16x128xi32, #tpu.memory_space<vmem>>)
          tpu.yield
        }) : () -> ()
        "tpu.region"() ({
          %run_scoped3A = tpu.sem_alloc : memref<!tpu.dma_semaphore, #tpu.memory_space<semaphore_mem>>
          %dma_start3A_71 = arith.constant 0 : i32
          %dma_start3A_72 = tpu.memref_slice %arg5[%add3A_46, %dma_start3A_71] : memref<2560x128xi32, #tpu.memory_space<hbm>> -> memref<16x128xi32, #tpu.memory_space<hbm>>
          %dma_start3A_73 = arith.constant 0 : i32
          %dma_start3A_74 = tpu.memref_slice %arg5[%add3A_46, %dma_start3A_73] : memref<2560x128xi32, #tpu.memory_space<hbm>> -> memref<16x128xi32, #tpu.memory_space<hbm>>
          tpu.enqueue_dma source(%dma_start3A_74 : memref<16x128xi32, #tpu.memory_space<hbm>>) target(%arg8 : memref<16x128xi32, #tpu.memory_space<vmem>>) target_semaphore(%run_scoped3A : memref<!tpu.dma_semaphore, #tpu.memory_space<semaphore_mem>>)
          %dma_wait3A_75 = arith.constant 0 : i32
          %dma_wait3A_76 = tpu.memref_slice %arg5[%add3A_46, %dma_wait3A_75] : memref<2560x128xi32, #tpu.memory_space<hbm>> -> memref<16x128xi32, #tpu.memory_space<hbm>>
          %dma_wait3A_77 = arith.constant 0 : i32
          %dma_wait3A_78 = tpu.memref_slice %arg5[%add3A_46, %dma_wait3A_77] : memref<2560x128xi32, #tpu.memory_space<hbm>> -> memref<16x128xi32, #tpu.memory_space<hbm>>
          tpu.wait_dma2 semaphore(%run_scoped3A : memref<!tpu.dma_semaphore, #tpu.memory_space<semaphore_mem>>) src(%dma_wait3A_78 : memref<16x128xi32, #tpu.memory_space<hbm>>) dst(%arg8 : memref<16x128xi32, #tpu.memory_space<vmem>>)
          tpu.yield
        }) : () -> ()
        %dma_start3A = arith.constant 0 : i32
        %dma_start3A_47 = arith.constant 0 : i32
        %dma_start3A_48 = tpu.memref_slice %arg7[%dma_start3A, %dma_start3A_47] : memref<16x128xi32, #tpu.memory_space<vmem>> -> memref<1x128xi32, #tpu.memory_space<vmem>>
        %dma_start3A_49 = tpu.memref_squeeze %dma_start3A_48 : memref<1x128xi32, #tpu.memory_space<vmem>> -> memref<128xi32, #tpu.memory_space<vmem>>
        %dma_start3A_50 = arith.constant 0 : i32
        %dma_start3A_51 = arith.constant 0 : i32
        %dma_start3A_52 = tpu.memref_slice %arg3[%dma_start3A_50, %dma_start3A_51] : memref<10000x128xf32, #tpu.memory_space<hbm>> -> memref<10000x128xf32, #tpu.memory_space<hbm>>
        tpu.enqueue_indirect_dma source(%dma_start3A_52 : memref<10000x128xf32, #tpu.memory_space<hbm>>) target(%arg9 : memref<128x128xf32, #tpu.memory_space<vmem>>) offsets(%dma_start3A_49 : memref<128xi32, #tpu.memory_space<vmem>>) semaphore(%arg11 : memref<!tpu.dma_semaphore, #tpu.memory_space<semaphore_mem>>)
        %scan3A_53 = arith.constant 0 : i32
        %scan3A_54 = arith.constant 8 : i32
        %scan3A_55 = arith.addi %scan3A_53, %scan3A_54 : i32
        %scan3A_56 = arith.constant 1 : i32
        scf.for %scan3A_71 = %scan3A_53 to %scan3A_55 step %scan3A_56  : i32 {
          %mul3A_72 = arith.constant 2 : i32
          %mul3A_73 = arith.muli %scan3A_71, %mul3A_72 : i32
          %add3A_74 = arith.constant 0 : i32
          %add3A_75 = arith.addi %add3A_74, %mul3A_73 : i32
          %gt3A = arith.constant 0 : i32
          %gt3A_76 = arith.cmpi sgt, %add3A_75, %gt3A : i32
          %convert_element_type3A_77 = arith.extui %gt3A_76 : i1 to i32
          %cond3A_78 = arith.constant 0 : i32
          %cond3A_79 = arith.cmpi ne, %convert_element_type3A_77, %cond3A_78 : i32
          scf.if %cond3A_79 {
            %dma_wait3A_122 = arith.constant 0 : i32
            %dma_wait3A_123 = tpu.memref_slice %arg8[%add3A_75, %dma_wait3A_122] : memref<16x128xi32, #tpu.memory_space<vmem>> -> memref<1x128xi32, #tpu.memory_space<vmem>>
            %dma_wait3A_124 = tpu.memref_squeeze %dma_wait3A_123 : memref<1x128xi32, #tpu.memory_space<vmem>> -> memref<128xi32, #tpu.memory_space<vmem>>
            %dma_wait3A_125 = arith.constant 0 : i32
            %dma_wait3A_126 = arith.constant 0 : i32
            %dma_wait3A_127 = tpu.memref_slice %arg15[%dma_wait3A_125, %dma_wait3A_126] : memref<10112x128xf32, #tpu.memory_space<vmem_shared>> -> memref<10112x128xf32, #tpu.memory_space<vmem_shared>>
            tpu.wait_indirect_dma semaphore(%arg14 : memref<!tpu.dma_semaphore, #tpu.memory_space<semaphore_mem>>) src(%arg10 : memref<128x128xf32, #tpu.memory_space<vmem>>) dst(%dma_wait3A_127 : memref<10112x128xf32, #tpu.memory_space<vmem_shared>>)
          } else {
          }
          %add3A_80 = arith.constant 1 : i32
          %add3A_81 = arith.addi %add3A_75, %add3A_80 : i32
          %dma_start3A_82 = arith.constant 0 : i32
          %dma_start3A_83 = tpu.memref_slice %arg7[%add3A_81, %dma_start3A_82] : memref<16x128xi32, #tpu.memory_space<vmem>> -> memref<1x128xi32, #tpu.memory_space<vmem>>
          %dma_start3A_84 = tpu.memref_squeeze %dma_start3A_83 : memref<1x128xi32, #tpu.memory_space<vmem>> -> memref<128xi32, #tpu.memory_space<vmem>>
          %dma_start3A_85 = arith.constant 0 : i32
          %dma_start3A_86 = arith.constant 0 : i32
          %dma_start3A_87 = tpu.memref_slice %arg3[%dma_start3A_85, %dma_start3A_86] : memref<10000x128xf32, #tpu.memory_space<hbm>> -> memref<10000x128xf32, #tpu.memory_space<hbm>>
          tpu.enqueue_indirect_dma source(%dma_start3A_87 : memref<10000x128xf32, #tpu.memory_space<hbm>>) target(%arg10 : memref<128x128xf32, #tpu.memory_space<vmem>>) offsets(%dma_start3A_84 : memref<128xi32, #tpu.memory_space<vmem>>) semaphore(%arg12 : memref<!tpu.dma_semaphore, #tpu.memory_space<semaphore_mem>>)
          %dma_wait3A_88 = arith.constant 0 : i32
          %dma_wait3A_89 = tpu.memref_slice %arg7[%add3A_75, %dma_wait3A_88] : memref<16x128xi32, #tpu.memory_space<vmem>> -> memref<1x128xi32, #tpu.memory_space<vmem>>
          %dma_wait3A_90 = tpu.memref_squeeze %dma_wait3A_89 : memref<1x128xi32, #tpu.memory_space<vmem>> -> memref<128xi32, #tpu.memory_space<vmem>>
          %dma_wait3A_91 = arith.constant 0 : i32
          %dma_wait3A_92 = arith.constant 0 : i32
          %dma_wait3A_93 = tpu.memref_slice %arg3[%dma_wait3A_91, %dma_wait3A_92] : memref<10000x128xf32, #tpu.memory_space<hbm>> -> memref<10000x128xf32, #tpu.memory_space<hbm>>
          tpu.wait_indirect_dma semaphore(%arg11 : memref<!tpu.dma_semaphore, #tpu.memory_space<semaphore_mem>>) src(%dma_wait3A_93 : memref<10000x128xf32, #tpu.memory_space<hbm>>) dst(%arg9 : memref<128x128xf32, #tpu.memory_space<vmem>>)
          %dma_start3A_94 = arith.constant 0 : i32
          %dma_start3A_95 = tpu.memref_slice %arg8[%add3A_75, %dma_start3A_94] : memref<16x128xi32, #tpu.memory_space<vmem>> -> memref<1x128xi32, #tpu.memory_space<vmem>>
          %dma_start3A_96 = tpu.memref_squeeze %dma_start3A_95 : memref<1x128xi32, #tpu.memory_space<vmem>> -> memref<128xi32, #tpu.memory_space<vmem>>
          %dma_start3A_97 = arith.constant 0 : i32
          %dma_start3A_98 = arith.constant 0 : i32
          %dma_start3A_99 = tpu.memref_slice %arg15[%dma_start3A_97, %dma_start3A_98] : memref<10112x128xf32, #tpu.memory_space<vmem_shared>> -> memref<10112x128xf32, #tpu.memory_space<vmem_shared>>
          tpu.enqueue_indirect_dma source(%arg9 : memref<128x128xf32, #tpu.memory_space<vmem>>) target(%dma_start3A_99 : memref<10112x128xf32, #tpu.memory_space<vmem_shared>>) offsets(%dma_start3A_96 : memref<128xi32, #tpu.memory_space<vmem>>) semaphore(%arg13 : memref<!tpu.dma_semaphore, #tpu.memory_space<semaphore_mem>>) {add = true}
          %add3A_100 = arith.constant 2 : i32
          %add3A_101 = arith.addi %add3A_75, %add3A_100 : i32
          %lt3A = arith.constant 16 : i32
          %lt3A_102 = arith.cmpi slt, %add3A_101, %lt3A : i32
          %convert_element_type3A_103 = arith.extui %lt3A_102 : i1 to i32
          %cond3A_104 = arith.constant 0 : i32
          %cond3A_105 = arith.cmpi ne, %convert_element_type3A_103, %cond3A_104 : i32
          scf.if %cond3A_105 {
            %dma_wait3A_122 = arith.constant 0 : i32
            %dma_wait3A_123 = tpu.memref_slice %arg8[%add3A_75, %dma_wait3A_122] : memref<16x128xi32, #tpu.memory_space<vmem>> -> memref<1x128xi32, #tpu.memory_space<vmem>>
            %dma_wait3A_124 = tpu.memref_squeeze %dma_wait3A_123 : memref<1x128xi32, #tpu.memory_space<vmem>> -> memref<128xi32, #tpu.memory_space<vmem>>
            %dma_wait3A_125 = arith.constant 0 : i32
            %dma_wait3A_126 = arith.constant 0 : i32
            %dma_wait3A_127 = tpu.memref_slice %arg15[%dma_wait3A_125, %dma_wait3A_126] : memref<10112x128xf32, #tpu.memory_space<vmem_shared>> -> memref<10112x128xf32, #tpu.memory_space<vmem_shared>>
            tpu.wait_indirect_dma semaphore(%arg13 : memref<!tpu.dma_semaphore, #tpu.memory_space<semaphore_mem>>) src(%arg9 : memref<128x128xf32, #tpu.memory_space<vmem>>) dst(%dma_wait3A_127 : memref<10112x128xf32, #tpu.memory_space<vmem_shared>>)
            %add3A_128 = arith.constant 2 : i32
            %add3A_129 = arith.addi %add3A_75, %add3A_128 : i32
            %dma_start3A_130 = arith.constant 0 : i32
            %dma_start3A_131 = tpu.memref_slice %arg7[%add3A_129, %dma_start3A_130] : memref<16x128xi32, #tpu.memory_space<vmem>> -> memref<1x128xi32, #tpu.memory_space<vmem>>
            %dma_start3A_132 = tpu.memref_squeeze %dma_start3A_131 : memref<1x128xi32, #tpu.memory_space<vmem>> -> memref<128xi32, #tpu.memory_space<vmem>>
            %dma_start3A_133 = arith.constant 0 : i32
            %dma_start3A_134 = arith.constant 0 : i32
            %dma_start3A_135 = tpu.memref_slice %arg3[%dma_start3A_133, %dma_start3A_134] : memref<10000x128xf32, #tpu.memory_space<hbm>> -> memref<10000x128xf32, #tpu.memory_space<hbm>>
            tpu.enqueue_indirect_dma source(%dma_start3A_135 : memref<10000x128xf32, #tpu.memory_space<hbm>>) target(%arg9 : memref<128x128xf32, #tpu.memory_space<vmem>>) offsets(%dma_start3A_132 : memref<128xi32, #tpu.memory_space<vmem>>) semaphore(%arg11 : memref<!tpu.dma_semaphore, #tpu.memory_space<semaphore_mem>>)
          } else {
          }
          %add3A_106 = arith.constant 1 : i32
          %add3A_107 = arith.addi %add3A_75, %add3A_106 : i32
          %dma_wait3A_108 = arith.constant 0 : i32
          %dma_wait3A_109 = tpu.memref_slice %arg7[%add3A_107, %dma_wait3A_108] : memref<16x128xi32, #tpu.memory_space<vmem>> -> memref<1x128xi32, #tpu.memory_space<vmem>>
          %dma_wait3A_110 = tpu.memref_squeeze %dma_wait3A_109 : memref<1x128xi32, #tpu.memory_space<vmem>> -> memref<128xi32, #tpu.memory_space<vmem>>
          %dma_wait3A_111 = arith.constant 0 : i32
          %dma_wait3A_112 = arith.constant 0 : i32
          %dma_wait3A_113 = tpu.memref_slice %arg3[%dma_wait3A_111, %dma_wait3A_112] : memref<10000x128xf32, #tpu.memory_space<hbm>> -> memref<10000x128xf32, #tpu.memory_space<hbm>>
          tpu.wait_indirect_dma semaphore(%arg12 : memref<!tpu.dma_semaphore, #tpu.memory_space<semaphore_mem>>) src(%dma_wait3A_113 : memref<10000x128xf32, #tpu.memory_space<hbm>>) dst(%arg10 : memref<128x128xf32, #tpu.memory_space<vmem>>)
          %add3A_114 = arith.constant 1 : i32
          %add3A_115 = arith.addi %add3A_75, %add3A_114 : i32
          %dma_start3A_116 = arith.constant 0 : i32
          %dma_start3A_117 = tpu.memref_slice %arg8[%add3A_115, %dma_start3A_116] : memref<16x128xi32, #tpu.memory_space<vmem>> -> memref<1x128xi32, #tpu.memory_space<vmem>>
          %dma_start3A_118 = tpu.memref_squeeze %dma_start3A_117 : memref<1x128xi32, #tpu.memory_space<vmem>> -> memref<128xi32, #tpu.memory_space<vmem>>
          %dma_start3A_119 = arith.constant 0 : i32
          %dma_start3A_120 = arith.constant 0 : i32
          %dma_start3A_121 = tpu.memref_slice %arg15[%dma_start3A_119, %dma_start3A_120] : memref<10112x128xf32, #tpu.memory_space<vmem_shared>> -> memref<10112x128xf32, #tpu.memory_space<vmem_shared>>
          tpu.enqueue_indirect_dma source(%arg10 : memref<128x128xf32, #tpu.memory_space<vmem>>) target(%dma_start3A_121 : memref<10112x128xf32, #tpu.memory_space<vmem_shared>>) offsets(%dma_start3A_118 : memref<128xi32, #tpu.memory_space<vmem>>) semaphore(%arg14 : memref<!tpu.dma_semaphore, #tpu.memory_space<semaphore_mem>>) {add = true}
        }
        %scan3A_57 = arith.constant 8 : i32
        %dma_wait3A = arith.constant 0 : i32
        %dma_wait3A_58 = arith.constant 0 : i32
        %dma_wait3A_59 = tpu.memref_slice %arg8[%dma_wait3A, %dma_wait3A_58] : memref<16x128xi32, #tpu.memory_space<vmem>> -> memref<1x128xi32, #tpu.memory_space<vmem>>
        %dma_wait3A_60 = tpu.memref_squeeze %dma_wait3A_59 : memref<1x128xi32, #tpu.memory_space<vmem>> -> memref<128xi32, #tpu.memory_space<vmem>>
        %dma_wait3A_61 = arith.constant 0 : i32
        %dma_wait3A_62 = arith.constant 0 : i32
        %dma_wait3A_63 = tpu.memref_slice %arg15[%dma_wait3A_61, %dma_wait3A_62] : memref<10112x128xf32, #tpu.memory_space<vmem_shared>> -> memref<10112x128xf32, #tpu.memory_space<vmem_shared>>
        tpu.wait_indirect_dma semaphore(%arg13 : memref<!tpu.dma_semaphore, #tpu.memory_space<semaphore_mem>>) src(%arg9 : memref<128x128xf32, #tpu.memory_space<vmem>>) dst(%dma_wait3A_63 : memref<10112x128xf32, #tpu.memory_space<vmem_shared>>)
        %dma_wait3A_64 = arith.constant 1 : i32
        %dma_wait3A_65 = arith.constant 0 : i32
        %dma_wait3A_66 = tpu.memref_slice %arg8[%dma_wait3A_64, %dma_wait3A_65] : memref<16x128xi32, #tpu.memory_space<vmem>> -> memref<1x128xi32, #tpu.memory_space<vmem>>
        %dma_wait3A_67 = tpu.memref_squeeze %dma_wait3A_66 : memref<1x128xi32, #tpu.memory_space<vmem>> -> memref<128xi32, #tpu.memory_space<vmem>>
        %dma_wait3A_68 = arith.constant 0 : i32
        %dma_wait3A_69 = arith.constant 0 : i32
        %dma_wait3A_70 = tpu.memref_slice %arg15[%dma_wait3A_68, %dma_wait3A_69] : memref<10112x128xf32, #tpu.memory_space<vmem_shared>> -> memref<10112x128xf32, #tpu.memory_space<vmem_shared>>
        tpu.wait_indirect_dma semaphore(%arg14 : memref<!tpu.dma_semaphore, #tpu.memory_space<semaphore_mem>>) src(%arg10 : memref<128x128xf32, #tpu.memory_space<vmem>>) dst(%dma_wait3A_70 : memref<10112x128xf32, #tpu.memory_space<vmem_shared>>)
      }
      %scan3A_36 = arith.constant 10 : i32
    } else {
    }
    %barrier3A_21 = arith.constant 0 : index
    tpu.barrier barrier_id(%barrier3A_21)
    %eq3A_22 = arith.constant 0 : i32
    %eq3A_23 = arith.cmpi eq, %arg0, %eq3A_22 : i32
    %convert_element_type3A_24 = arith.extui %eq3A_23 : i1 to i32
    %cond3A_25 = arith.constant 0 : i32
    %cond3A_26 = arith.cmpi ne, %convert_element_type3A_24, %cond3A_25 : i32
    scf.if %cond3A_26 {
      %mul3A_32 = arith.constant 632 : i32
      %mul3A_33 = arith.muli %arg1, %mul3A_32 : i32
      %mul3A_34 = arith.constant 632 : i32
      %mul3A_35 = arith.muli %arg1, %mul3A_34 : i32
      %run_scoped3A = arith.constant 0 : i32
      "tpu.region"() ({
        %run_scoped3A_36 = tpu.sem_alloc : memref<!tpu.dma_semaphore, #tpu.memory_space<semaphore_mem>>
        %dma_start3A = arith.constant 0 : i32
        %dma_start3A_37 = tpu.memref_slice %arg6[%run_scoped3A, %mul3A_35, %dma_start3A] : memref<2x10112x128xf32, #tpu.memory_space<hbm>> -> memref<1x632x128xf32, #tpu.memory_space<hbm>>
        %dma_start3A_38 = tpu.memref_squeeze %dma_start3A_37 : memref<1x632x128xf32, #tpu.memory_space<hbm>> -> memref<632x128xf32, #tpu.memory_space<hbm>>
        %dma_start3A_39 = arith.constant 0 : i32
        %dma_start3A_40 = tpu.memref_slice %arg15[%mul3A_33, %dma_start3A_39] : memref<10112x128xf32, #tpu.memory_space<vmem_shared>> -> memref<632x128xf32, #tpu.memory_space<vmem_shared>>
        tpu.enqueue_dma source(%dma_start3A_40 : memref<632x128xf32, #tpu.memory_space<vmem_shared>>) target(%dma_start3A_38 : memref<632x128xf32, #tpu.memory_space<hbm>>) target_semaphore(%run_scoped3A_36 : memref<!tpu.dma_semaphore, #tpu.memory_space<semaphore_mem>>)
        %dma_wait3A = arith.constant 0 : i32
        %dma_wait3A_41 = tpu.memref_slice %arg6[%run_scoped3A, %mul3A_35, %dma_wait3A] : memref<2x10112x128xf32, #tpu.memory_space<hbm>> -> memref<1x632x128xf32, #tpu.memory_space<hbm>>
        %dma_wait3A_42 = tpu.memref_squeeze %dma_wait3A_41 : memref<1x632x128xf32, #tpu.memory_space<hbm>> -> memref<632x128xf32, #tpu.memory_space<hbm>>
        %dma_wait3A_43 = arith.constant 0 : i32
        %dma_wait3A_44 = tpu.memref_slice %arg15[%mul3A_33, %dma_wait3A_43] : memref<10112x128xf32, #tpu.memory_space<vmem_shared>> -> memref<632x128xf32, #tpu.memory_space<vmem_shared>>
        tpu.wait_dma2 semaphore(%run_scoped3A_36 : memref<!tpu.dma_semaphore, #tpu.memory_space<semaphore_mem>>) src(%dma_wait3A_44 : memref<632x128xf32, #tpu.memory_space<vmem_shared>>) dst(%dma_wait3A_42 : memref<632x128xf32, #tpu.memory_space<hbm>>)
        tpu.yield
      }) : () -> ()
    } else {
    }
    %eq3A_27 = arith.constant 1 : i32
    %eq3A_28 = arith.cmpi eq, %arg0, %eq3A_27 : i32
    %convert_element_type3A_29 = arith.extui %eq3A_28 : i1 to i32
    %cond3A_30 = arith.constant 0 : i32
    %cond3A_31 = arith.cmpi ne, %convert_element_type3A_29, %cond3A_30 : i32
    scf.if %cond3A_31 {
      %mul3A_32 = arith.constant 632 : i32
      %mul3A_33 = arith.muli %arg1, %mul3A_32 : i32
      %mul3A_34 = arith.constant 632 : i32
      %mul3A_35 = arith.muli %arg1, %mul3A_34 : i32
      %run_scoped3A = arith.constant 1 : i32
      "tpu.region"() ({
        %run_scoped3A_36 = tpu.sem_alloc : memref<!tpu.dma_semaphore, #tpu.memory_space<semaphore_mem>>
        %dma_start3A = arith.constant 0 : i32
        %dma_start3A_37 = tpu.memref_slice %arg6[%run_scoped3A, %mul3A_35, %dma_start3A] : memref<2x10112x128xf32, #tpu.memory_space<hbm>> -> memref<1x632x128xf32, #tpu.memory_space<hbm>>
        %dma_start3A_38 = tpu.memref_squeeze %dma_start3A_37 : memref<1x632x128xf32, #tpu.memory_space<hbm>> -> memref<632x128xf32, #tpu.memory_space<hbm>>
        %dma_start3A_39 = arith.constant 0 : i32
        %dma_start3A_40 = tpu.memref_slice %arg15[%mul3A_33, %dma_start3A_39] : memref<10112x128xf32, #tpu.memory_space<vmem_shared>> -> memref<632x128xf32, #tpu.memory_space<vmem_shared>>
        tpu.enqueue_dma source(%dma_start3A_40 : memref<632x128xf32, #tpu.memory_space<vmem_shared>>) target(%dma_start3A_38 : memref<632x128xf32, #tpu.memory_space<hbm>>) target_semaphore(%run_scoped3A_36 : memref<!tpu.dma_semaphore, #tpu.memory_space<semaphore_mem>>)
        %dma_wait3A = arith.constant 0 : i32
        %dma_wait3A_41 = tpu.memref_slice %arg6[%run_scoped3A, %mul3A_35, %dma_wait3A] : memref<2x10112x128xf32, #tpu.memory_space<hbm>> -> memref<1x632x128xf32, #tpu.memory_space<hbm>>
        %dma_wait3A_42 = tpu.memref_squeeze %dma_wait3A_41 : memref<1x632x128xf32, #tpu.memory_space<hbm>> -> memref<632x128xf32, #tpu.memory_space<hbm>>
        %dma_wait3A_43 = arith.constant 0 : i32
        %dma_wait3A_44 = tpu.memref_slice %arg15[%mul3A_33, %dma_wait3A_43] : memref<10112x128xf32, #tpu.memory_space<vmem_shared>> -> memref<632x128xf32, #tpu.memory_space<vmem_shared>>
        tpu.wait_dma2 semaphore(%run_scoped3A_36 : memref<!tpu.dma_semaphore, #tpu.memory_space<semaphore_mem>>) src(%dma_wait3A_44 : memref<632x128xf32, #tpu.memory_space<vmem_shared>>) dst(%dma_wait3A_42 : memref<632x128xf32, #tpu.memory_space<hbm>>)
        tpu.yield
      }) : () -> ()
    } else {
    }
    return
  }
}

module attributes {stable_mosaic.version = 14 : i64} {
  func.func @_prep_body(%arg0: i32, %arg1: memref<1000x128xf32, #tpu.memory_space<vmem>>, %arg2: memref<128x128xf32, #tpu.memory_space<vmem>>, %arg3: memref<1x128xf32, #tpu.memory_space<vmem>>, %arg4: memref<2x1000x128xf32, #tpu.memory_space<vmem>>, %arg5: memref<128x128xf32, #tpu.memory_space<vmem>>, %arg6: memref<128x128xf32, #tpu.memory_space<vmem>>, %arg7: memref<1000x128xf32, #tpu.memory_space<vmem>>, %arg8: memref<1000x128xf32, #tpu.memory_space<vmem>>, %arg9: memref<1000x128xf32, #tpu.memory_space<vmem>>) attributes {dimension_semantics = [#tpu.dimension_semantics<arbitrary>], iteration_bounds = array<i64: 10>, scalar_prefetch = 0 : i64, scratch_operands = 0 : i64, tpu.core_type = #tpu.core_type<tc>, window_params = [{transform_indices = @transform_0, window_bounds = array<i64: 1000, 128>}, {pipeline_mode = #tpu.pipeline_mode<synchronous>, transform_indices = @transform_1, window_bounds = array<i64: 128, 128>}, {pipeline_mode = #tpu.pipeline_mode<synchronous>, transform_indices = @transform_2, window_bounds = array<i64: 1, 128>}, {transform_indices = @transform_3, window_bounds = array<i64: 2, 1000, 128>}, {pipeline_mode = #tpu.pipeline_mode<synchronous>, transform_indices = @transform_4, window_bounds = array<i64: 128, 128>}, {pipeline_mode = #tpu.pipeline_mode<synchronous>, transform_indices = @transform_5, window_bounds = array<i64: 128, 128>}, {transform_indices = @transform_6, window_bounds = array<i64: 1000, 128>}, {transform_indices = @transform_7, window_bounds = array<i64: 1000, 128>}, {transform_indices = @transform_8, window_bounds = array<i64: 1000, 128>}]} {
    %get3A = arith.constant 0 : index
    %get3A_0 = arith.constant 0 : index
    %get3A_1 = arith.constant 0 : index
    %get3A_2 = vector.load %arg4[%get3A, %get3A_0, %get3A_1] : memref<2x1000x128xf32, #tpu.memory_space<vmem>>, vector<1x1000x128xf32>
    %get3A_3 = vector.shape_cast %get3A_2 : vector<1x1000x128xf32> to vector<1000x128xf32>
    %slice3A = vector.extract_strided_slice %get3A_3 {offsets = [0, 0], sizes = [1000, 1], strides = [1, 1]} : vector<1000x128xf32> to vector<1000x1xf32>
    %get3A_4 = arith.constant 1 : index
    %get3A_5 = arith.constant 0 : index
    %get3A_6 = arith.constant 0 : index
    %get3A_7 = vector.load %arg4[%get3A_4, %get3A_5, %get3A_6] : memref<2x1000x128xf32, #tpu.memory_space<vmem>>, vector<1x1000x128xf32>
    %get3A_8 = vector.shape_cast %get3A_7 : vector<1x1000x128xf32> to vector<1000x128xf32>
    %slice3A_9 = vector.extract_strided_slice %get3A_8 {offsets = [0, 0], sizes = [1000, 1], strides = [1, 1]} : vector<1000x128xf32> to vector<1000x1xf32>
    %add3A = arith.addf %slice3A, %slice3A_9 : vector<1000x1xf32>
    %max3A = arith.constant 1.000000e+00 : f32
    %max3A_10 = vector.broadcast %max3A : f32 to vector<1000x1xf32>
    %max3A_11 = arith.maximumf %add3A, %max3A_10 : vector<1000x1xf32>
    %rsqrt3A = math.rsqrt %max3A_11 : vector<1000x1xf32>
    %broadcast_in_dim3A = vector.shape_cast %rsqrt3A : vector<1000x1xf32> to vector<1000x1xf32>
    %broadcast_in_dim3A_12 = vector.broadcast %broadcast_in_dim3A : vector<1000x1xf32> to vector<1000x128xf32>
    %swap3A = arith.constant 0 : index
    %swap3A_13 = arith.constant 0 : index
    %swap3A_14 = vector.load %arg7[%swap3A, %swap3A_13] : memref<1000x128xf32, #tpu.memory_space<vmem>>, vector<1000x128xf32>
    tpu.vector_store %arg7[%swap3A, %swap3A_13], %broadcast_in_dim3A_12 {strides = array<i32>} : memref<1000x128xf32, #tpu.memory_space<vmem>>, vector<1000x128xf32>,
    %get3A_15 = arith.constant 0 : index
    %get3A_16 = arith.constant 0 : index
    %get3A_17 = vector.load %arg1[%get3A_15, %get3A_16] : memref<1000x128xf32, #tpu.memory_space<vmem>>, vector<1000x128xf32>
    %get3A_18 = arith.constant 0 : index
    %get3A_19 = arith.constant 0 : index
    %get3A_20 = vector.load %arg2[%get3A_18, %get3A_19] : memref<128x128xf32, #tpu.memory_space<vmem>>, vector<128x128xf32>
    %dot_general3A = arith.constant dense<0.000000e+00> : vector<1000x128xf32>
    %dot_general3A_21 = tpu.matmul %get3A_17, %get3A_20, %dot_general3A {dimension_numbers = #tpu.dot_dimension_numbers<[1], [0], [0], [1], [0, 0, 1, 1], [], []>, transpose_lhs_hint = false} : vector<1000x128xf32>, vector<128x128xf32>, vector<1000x128xf32> -> vector<1000x128xf32>
    %get3A_22 = arith.constant 0 : index
    %get3A_23 = arith.constant 0 : index
    %get3A_24 = vector.load %arg3[%get3A_22, %get3A_23] : memref<1x128xf32, #tpu.memory_space<vmem>>, vector<1x128xf32>
    %add3A_25 = vector.broadcast %get3A_24 : vector<1x128xf32> to vector<1000x128xf32>
    %add3A_26 = arith.addf %dot_general3A_21, %add3A_25 : vector<1000x128xf32>
    %mul3A = vector.broadcast %rsqrt3A : vector<1000x1xf32> to vector<1000x128xf32>
    %mul3A_27 = arith.mulf %add3A_26, %mul3A : vector<1000x128xf32>
    %get3A_28 = arith.constant 0 : index
    %get3A_29 = arith.constant 0 : index
    %get3A_30 = vector.load %arg5[%get3A_28, %get3A_29] : memref<128x128xf32, #tpu.memory_space<vmem>>, vector<128x128xf32>
    %dot_general3A_31 = arith.constant dense<0.000000e+00> : vector<1000x128xf32>
    %dot_general3A_32 = tpu.matmul %mul3A_27, %get3A_30, %dot_general3A_31 {dimension_numbers = #tpu.dot_dimension_numbers<[1], [0], [0], [1], [0, 0, 1, 1], [], []>, transpose_lhs_hint = false} : vector<1000x128xf32>, vector<128x128xf32>, vector<1000x128xf32> -> vector<1000x128xf32>
    %swap3A_33 = arith.constant 0 : index
    %swap3A_34 = arith.constant 0 : index
    %swap3A_35 = vector.load %arg8[%swap3A_33, %swap3A_34] : memref<1000x128xf32, #tpu.memory_space<vmem>>, vector<1000x128xf32>
    tpu.vector_store %arg8[%swap3A_33, %swap3A_34], %dot_general3A_32 {strides = array<i32>} : memref<1000x128xf32, #tpu.memory_space<vmem>>, vector<1000x128xf32>,
    %get3A_36 = arith.constant 0 : index
    %get3A_37 = arith.constant 0 : index
    %get3A_38 = vector.load %arg6[%get3A_36, %get3A_37] : memref<128x128xf32, #tpu.memory_space<vmem>>, vector<128x128xf32>
    %dot_general3A_39 = arith.constant dense<0.000000e+00> : vector<1000x128xf32>
    %dot_general3A_40 = tpu.matmul %mul3A_27, %get3A_38, %dot_general3A_39 {dimension_numbers = #tpu.dot_dimension_numbers<[1], [0], [0], [1], [0, 0, 1, 1], [], []>, transpose_lhs_hint = false} : vector<1000x128xf32>, vector<128x128xf32>, vector<1000x128xf32> -> vector<1000x128xf32>
    %swap3A_41 = arith.constant 0 : index
    %swap3A_42 = arith.constant 0 : index
    %swap3A_43 = vector.load %arg9[%swap3A_41, %swap3A_42] : memref<1000x128xf32, #tpu.memory_space<vmem>>, vector<1000x128xf32>
    tpu.vector_store %arg9[%swap3A_41, %swap3A_42], %dot_general3A_40 {strides = array<i32>} : memref<1000x128xf32, #tpu.memory_space<vmem>>, vector<1000x128xf32>,
    return
  }
  func.func @transform_0(%arg0: i32) -> (i32, i32) {
    %c0_i32 = arith.constant 0 : i32
    %c0_i32_0 = arith.constant 0 : i32
    return %arg0, %c0_i32 : i32, i32
  }
  func.func @transform_1(%arg0: i32) -> (i32, i32) {
    %c0_i32 = arith.constant 0 : i32
    %c0_i32_0 = arith.constant 0 : i32
    %c0_i32_1 = arith.constant 0 : i32
    return %c0_i32, %c0_i32_0 : i32, i32
  }
  func.func @transform_2(%arg0: i32) -> (i32, i32) {
    %c0_i32 = arith.constant 0 : i32
    %c0_i32_0 = arith.constant 0 : i32
    %c0_i32_1 = arith.constant 0 : i32
    return %c0_i32, %c0_i32_0 : i32, i32
  }
  func.func @transform_3(%arg0: i32) -> (i32, i32, i32) {
    %c0_i32 = arith.constant 0 : i32
    %c0_i32_0 = arith.constant 0 : i32
    %c0_i32_1 = arith.constant 0 : i32
    return %c0_i32, %arg0, %c0_i32_0 : i32, i32, i32
  }
  func.func @transform_4(%arg0: i32) -> (i32, i32) {
    %c0_i32 = arith.constant 0 : i32
    %c0_i32_0 = arith.constant 0 : i32
    %c0_i32_1 = arith.constant 0 : i32
    return %c0_i32, %c0_i32_0 : i32, i32
  }
  func.func @transform_5(%arg0: i32) -> (i32, i32) {
    %c0_i32 = arith.constant 0 : i32
    %c0_i32_0 = arith.constant 0 : i32
    %c0_i32_1 = arith.constant 0 : i32
    return %c0_i32, %c0_i32_0 : i32, i32
  }
  func.func @transform_6(%arg0: i32) -> (i32, i32) {
    %c0_i32 = arith.constant 0 : i32
    %c0_i32_0 = arith.constant 0 : i32
    return %arg0, %c0_i32 : i32, i32
  }
  func.func @transform_7(%arg0: i32) -> (i32, i32) {
    %c0_i32 = arith.constant 0 : i32
    %c0_i32_0 = arith.constant 0 : i32
    return %arg0, %c0_i32 : i32, i32
  }
  func.func @transform_8(%arg0: i32) -> (i32, i32) {
    %c0_i32 = arith.constant 0 : i32
    %c0_i32_0 = arith.constant 0 : i32
    return %arg0, %c0_i32 : i32, i32
  }
}

module attributes {stable_mosaic.version = 14 : i64} {
  func.func @_mid_body(%arg0: i32, %arg1: memref<2x1000x128xf32, #tpu.memory_space<vmem>>, %arg2: memref<2x1000x128xf32, #tpu.memory_space<vmem>>, %arg3: memref<1000x128xf32, #tpu.memory_space<vmem>>, %arg4: memref<2x128x128xf32, #tpu.memory_space<vmem>>, %arg5: memref<2x1x128xf32, #tpu.memory_space<vmem>>, %arg6: memref<2x128x128xf32, #tpu.memory_space<vmem>>, %arg7: memref<1000x128xf32, #tpu.memory_space<vmem>>, %arg8: memref<1000x128xf32, #tpu.memory_space<vmem>>) attributes {dimension_semantics = [#tpu.dimension_semantics<arbitrary>], iteration_bounds = array<i64: 10>, scalar_prefetch = 0 : i64, scratch_operands = 0 : i64, tpu.core_type = #tpu.core_type<tc>, window_params = [{transform_indices = @transform_0, window_bounds = array<i64: 2, 1000, 128>}, {transform_indices = @transform_1, window_bounds = array<i64: 2, 1000, 128>}, {transform_indices = @transform_2, window_bounds = array<i64: 1000, 128>}, {pipeline_mode = #tpu.pipeline_mode<synchronous>, transform_indices = @transform_3, window_bounds = array<i64: 2, 128, 128>}, {pipeline_mode = #tpu.pipeline_mode<synchronous>, transform_indices = @transform_4, window_bounds = array<i64: 2, 1, 128>}, {pipeline_mode = #tpu.pipeline_mode<synchronous>, transform_indices = @transform_5, window_bounds = array<i64: 2, 128, 128>}, {transform_indices = @transform_6, window_bounds = array<i64: 1000, 128>}, {transform_indices = @transform_7, window_bounds = array<i64: 1000, 128>}]} {
    %get3A = arith.constant 0 : index
    %get3A_0 = arith.constant 0 : index
    %get3A_1 = vector.load %arg3[%get3A, %get3A_0] : memref<1000x128xf32, #tpu.memory_space<vmem>>, vector<1000x128xf32>
    %slice3A = vector.extract_strided_slice %get3A_1 {offsets = [0, 0], sizes = [1000, 1], strides = [1, 1]} : vector<1000x128xf32> to vector<1000x1xf32>
    %get3A_2 = arith.constant 0 : index
    %get3A_3 = arith.constant 0 : index
    %get3A_4 = arith.constant 0 : index
    %get3A_5 = vector.load %arg2[%get3A_2, %get3A_3, %get3A_4] : memref<2x1000x128xf32, #tpu.memory_space<vmem>>, vector<1x1000x128xf32>
    %get3A_6 = vector.shape_cast %get3A_5 : vector<1x1000x128xf32> to vector<1000x128xf32>
    %get3A_7 = arith.constant 1 : index
    %get3A_8 = arith.constant 0 : index
    %get3A_9 = arith.constant 0 : index
    %get3A_10 = vector.load %arg2[%get3A_7, %get3A_8, %get3A_9] : memref<2x1000x128xf32, #tpu.memory_space<vmem>>, vector<1x1000x128xf32>
    %get3A_11 = vector.shape_cast %get3A_10 : vector<1x1000x128xf32> to vector<1000x128xf32>
    %add3A = arith.addf %get3A_6, %get3A_11 : vector<1000x128xf32>
    %get3A_12 = arith.constant 0 : index
    %get3A_13 = arith.constant 0 : index
    %get3A_14 = arith.constant 0 : index
    %get3A_15 = vector.load %arg1[%get3A_12, %get3A_13, %get3A_14] : memref<2x1000x128xf32, #tpu.memory_space<vmem>>, vector<1x1000x128xf32>
    %get3A_16 = vector.shape_cast %get3A_15 : vector<1x1000x128xf32> to vector<1000x128xf32>
    %get3A_17 = arith.constant 0 : index
    %get3A_18 = arith.constant 0 : index
    %get3A_19 = arith.constant 0 : index
    %get3A_20 = vector.load %arg4[%get3A_17, %get3A_18, %get3A_19] : memref<2x128x128xf32, #tpu.memory_space<vmem>>, vector<1x128x128xf32>
    %get3A_21 = vector.shape_cast %get3A_20 : vector<1x128x128xf32> to vector<128x128xf32>
    %dot_general3A = arith.constant dense<0.000000e+00> : vector<1000x128xf32>
    %dot_general3A_22 = tpu.matmul %add3A, %get3A_21, %dot_general3A {dimension_numbers = #tpu.dot_dimension_numbers<[1], [0], [0], [1], [0, 0, 1, 1], [], []>, transpose_lhs_hint = false} : vector<1000x128xf32>, vector<128x128xf32>, vector<1000x128xf32> -> vector<1000x128xf32>
    %add3A_23 = arith.addf %get3A_16, %dot_general3A_22 : vector<1000x128xf32>
    %mul3A = vector.broadcast %slice3A : vector<1000x1xf32> to vector<1000x128xf32>
    %mul3A_24 = arith.mulf %mul3A, %add3A_23 : vector<1000x128xf32>
    %get3A_25 = arith.constant 0 : index
    %get3A_26 = arith.constant 0 : index
    %get3A_27 = arith.constant 0 : index
    %get3A_28 = vector.load %arg5[%get3A_25, %get3A_26, %get3A_27] : memref<2x1x128xf32, #tpu.memory_space<vmem>>, vector<1x1x128xf32>
    %get3A_29 = vector.shape_cast %get3A_28 : vector<1x1x128xf32> to vector<1x128xf32>
    %add3A_30 = vector.broadcast %get3A_29 : vector<1x128xf32> to vector<1000x128xf32>
    %add3A_31 = arith.addf %mul3A_24, %add3A_30 : vector<1000x128xf32>
    %max3A = arith.constant 0.000000e+00 : f32
    %max3A_32 = vector.broadcast %max3A : f32 to vector<1000x128xf32>
    %max3A_33 = arith.maximumf %add3A_31, %max3A_32 : vector<1000x128xf32>
    %mul3A_34 = vector.broadcast %slice3A : vector<1000x1xf32> to vector<1000x128xf32>
    %mul3A_35 = arith.mulf %max3A_33, %mul3A_34 : vector<1000x128xf32>
    %get3A_36 = arith.constant 0 : index
    %get3A_37 = arith.constant 0 : index
    %get3A_38 = arith.constant 0 : index
    %get3A_39 = vector.load %arg6[%get3A_36, %get3A_37, %get3A_38] : memref<2x128x128xf32, #tpu.memory_space<vmem>>, vector<1x128x128xf32>
    %get3A_40 = vector.shape_cast %get3A_39 : vector<1x128x128xf32> to vector<128x128xf32>
    %dot_general3A_41 = arith.constant dense<0.000000e+00> : vector<1000x128xf32>
    %dot_general3A_42 = tpu.matmul %mul3A_35, %get3A_40, %dot_general3A_41 {dimension_numbers = #tpu.dot_dimension_numbers<[1], [0], [0], [1], [0, 0, 1, 1], [], []>, transpose_lhs_hint = false} : vector<1000x128xf32>, vector<128x128xf32>, vector<1000x128xf32> -> vector<1000x128xf32>
    %swap3A = arith.constant 0 : index
    %swap3A_43 = arith.constant 0 : index
    %swap3A_44 = vector.load %arg7[%swap3A, %swap3A_43] : memref<1000x128xf32, #tpu.memory_space<vmem>>, vector<1000x128xf32>
    tpu.vector_store %arg7[%swap3A, %swap3A_43], %dot_general3A_42 {strides = array<i32>} : memref<1000x128xf32, #tpu.memory_space<vmem>>, vector<1000x128xf32>,
    %get3A_45 = arith.constant 1 : index
    %get3A_46 = arith.constant 0 : index
    %get3A_47 = arith.constant 0 : index
    %get3A_48 = vector.load %arg1[%get3A_45, %get3A_46, %get3A_47] : memref<2x1000x128xf32, #tpu.memory_space<vmem>>, vector<1x1000x128xf32>
    %get3A_49 = vector.shape_cast %get3A_48 : vector<1x1000x128xf32> to vector<1000x128xf32>
    %get3A_50 = arith.constant 1 : index
    %get3A_51 = arith.constant 0 : index
    %get3A_52 = arith.constant 0 : index
    %get3A_53 = vector.load %arg4[%get3A_50, %get3A_51, %get3A_52] : memref<2x128x128xf32, #tpu.memory_space<vmem>>, vector<1x128x128xf32>
    %get3A_54 = vector.shape_cast %get3A_53 : vector<1x128x128xf32> to vector<128x128xf32>
    %dot_general3A_55 = arith.constant dense<0.000000e+00> : vector<1000x128xf32>
    %dot_general3A_56 = tpu.matmul %add3A, %get3A_54, %dot_general3A_55 {dimension_numbers = #tpu.dot_dimension_numbers<[1], [0], [0], [1], [0, 0, 1, 1], [], []>, transpose_lhs_hint = false} : vector<1000x128xf32>, vector<128x128xf32>, vector<1000x128xf32> -> vector<1000x128xf32>
    %add3A_57 = arith.addf %get3A_49, %dot_general3A_56 : vector<1000x128xf32>
    %mul3A_58 = vector.broadcast %slice3A : vector<1000x1xf32> to vector<1000x128xf32>
    %mul3A_59 = arith.mulf %mul3A_58, %add3A_57 : vector<1000x128xf32>
    %get3A_60 = arith.constant 1 : index
    %get3A_61 = arith.constant 0 : index
    %get3A_62 = arith.constant 0 : index
    %get3A_63 = vector.load %arg5[%get3A_60, %get3A_61, %get3A_62] : memref<2x1x128xf32, #tpu.memory_space<vmem>>, vector<1x1x128xf32>
    %get3A_64 = vector.shape_cast %get3A_63 : vector<1x1x128xf32> to vector<1x128xf32>
    %add3A_65 = vector.broadcast %get3A_64 : vector<1x128xf32> to vector<1000x128xf32>
    %add3A_66 = arith.addf %mul3A_59, %add3A_65 : vector<1000x128xf32>
    %max3A_67 = arith.constant 0.000000e+00 : f32
    %max3A_68 = vector.broadcast %max3A_67 : f32 to vector<1000x128xf32>
    %max3A_69 = arith.maximumf %add3A_66, %max3A_68 : vector<1000x128xf32>
    %mul3A_70 = vector.broadcast %slice3A : vector<1000x1xf32> to vector<1000x128xf32>
    %mul3A_71 = arith.mulf %max3A_69, %mul3A_70 : vector<1000x128xf32>
    %get3A_72 = arith.constant 1 : index
    %get3A_73 = arith.constant 0 : index
    %get3A_74 = arith.constant 0 : index
    %get3A_75 = vector.load %arg6[%get3A_72, %get3A_73, %get3A_74] : memref<2x128x128xf32, #tpu.memory_space<vmem>>, vector<1x128x128xf32>
    %get3A_76 = vector.shape_cast %get3A_75 : vector<1x128x128xf32> to vector<128x128xf32>
    %dot_general3A_77 = arith.constant dense<0.000000e+00> : vector<1000x128xf32>
    %dot_general3A_78 = tpu.matmul %mul3A_71, %get3A_76, %dot_general3A_77 {dimension_numbers = #tpu.dot_dimension_numbers<[1], [0], [0], [1], [0, 0, 1, 1], [], []>, transpose_lhs_hint = false} : vector<1000x128xf32>, vector<128x128xf32>, vector<1000x128xf32> -> vector<1000x128xf32>
    %swap3A_79 = arith.constant 0 : index
    %swap3A_80 = arith.constant 0 : index
    %swap3A_81 = vector.load %arg8[%swap3A_79, %swap3A_80] : memref<1000x128xf32, #tpu.memory_space<vmem>>, vector<1000x128xf32>
    tpu.vector_store %arg8[%swap3A_79, %swap3A_80], %dot_general3A_78 {strides = array<i32>} : memref<1000x128xf32, #tpu.memory_space<vmem>>, vector<1000x128xf32>,
    return
  }
  func.func @transform_0(%arg0: i32) -> (i32, i32, i32) {
    %c0_i32 = arith.constant 0 : i32
    %c0_i32_0 = arith.constant 0 : i32
    %c0_i32_1 = arith.constant 0 : i32
    return %c0_i32, %arg0, %c0_i32_0 : i32, i32, i32
  }
  func.func @transform_1(%arg0: i32) -> (i32, i32, i32) {
    %c0_i32 = arith.constant 0 : i32
    %c0_i32_0 = arith.constant 0 : i32
    %c0_i32_1 = arith.constant 0 : i32
    return %c0_i32, %arg0, %c0_i32_0 : i32, i32, i32
  }
  func.func @transform_2(%arg0: i32) -> (i32, i32) {
    %c0_i32 = arith.constant 0 : i32
    %c0_i32_0 = arith.constant 0 : i32
    return %arg0, %c0_i32 : i32, i32
  }
  func.func @transform_3(%arg0: i32) -> (i32, i32, i32) {
    %c0_i32 = arith.constant 0 : i32
    %c0_i32_0 = arith.constant 0 : i32
    %c0_i32_1 = arith.constant 0 : i32
    %c0_i32_2 = arith.constant 0 : i32
    return %c0_i32, %c0_i32_0, %c0_i32_1 : i32, i32, i32
  }
  func.func @transform_4(%arg0: i32) -> (i32, i32, i32) {
    %c0_i32 = arith.constant 0 : i32
    %c0_i32_0 = arith.constant 0 : i32
    %c0_i32_1 = arith.constant 0 : i32
    %c0_i32_2 = arith.constant 0 : i32
    return %c0_i32, %c0_i32_0, %c0_i32_1 : i32, i32, i32
  }
  func.func @transform_5(%arg0: i32) -> (i32, i32, i32) {
    %c0_i32 = arith.constant 0 : i32
    %c0_i32_0 = arith.constant 0 : i32
    %c0_i32_1 = arith.constant 0 : i32
    %c0_i32_2 = arith.constant 0 : i32
    return %c0_i32, %c0_i32_0, %c0_i32_1 : i32, i32, i32
  }
  func.func @transform_6(%arg0: i32) -> (i32, i32) {
    %c0_i32 = arith.constant 0 : i32
    %c0_i32_0 = arith.constant 0 : i32
    return %arg0, %c0_i32 : i32, i32
  }
  func.func @transform_7(%arg0: i32) -> (i32, i32) {
    %c0_i32 = arith.constant 0 : i32
    %c0_i32_0 = arith.constant 0 : i32
    return %arg0, %c0_i32 : i32, i32
  }
}

module attributes {stable_mosaic.version = 14 : i64} {
  func.func @_final_body(%arg0: memref<2x10000x128xf32, #tpu.memory_space<vmem>>, %arg1: memref<2x10000x128xf32, #tpu.memory_space<vmem>>, %arg2: memref<10000x128xf32, #tpu.memory_space<vmem>>, %arg3: memref<2x128x128xf32, #tpu.memory_space<vmem>>, %arg4: memref<2x1x128xf32, #tpu.memory_space<vmem>>, %arg5: memref<1x10000xi32, #tpu.memory_space<vmem>>, %arg6: memref<128x128xf32, #tpu.memory_space<vmem>>, %arg7: memref<1x128xf32, #tpu.memory_space<vmem>>, %arg8: memref<128x128xf32, #tpu.memory_space<vmem>>) attributes {dimension_semantics = [], scalar_prefetch = 0 : i64, scratch_operands = 0 : i64, tpu.core_type = #tpu.core_type<tc>} {
    %get3A = arith.constant 0 : index
    %get3A_0 = arith.constant 0 : index
    %get3A_1 = vector.load %arg2[%get3A, %get3A_0] : memref<10000x128xf32, #tpu.memory_space<vmem>>, vector<10000x128xf32>
    %slice3A = vector.extract_strided_slice %get3A_1 {offsets = [0, 0], sizes = [10000, 1], strides = [1, 1]} : vector<10000x128xf32> to vector<10000x1xf32>
    %get3A_2 = arith.constant 0 : index
    %get3A_3 = arith.constant 0 : index
    %get3A_4 = arith.constant 0 : index
    %get3A_5 = vector.load %arg1[%get3A_2, %get3A_3, %get3A_4] : memref<2x10000x128xf32, #tpu.memory_space<vmem>>, vector<1x10000x128xf32>
    %get3A_6 = vector.shape_cast %get3A_5 : vector<1x10000x128xf32> to vector<10000x128xf32>
    %get3A_7 = arith.constant 1 : index
    %get3A_8 = arith.constant 0 : index
    %get3A_9 = arith.constant 0 : index
    %get3A_10 = vector.load %arg1[%get3A_7, %get3A_8, %get3A_9] : memref<2x10000x128xf32, #tpu.memory_space<vmem>>, vector<1x10000x128xf32>
    %get3A_11 = vector.shape_cast %get3A_10 : vector<1x10000x128xf32> to vector<10000x128xf32>
    %add3A = arith.addf %get3A_6, %get3A_11 : vector<10000x128xf32>
    %broadcast_in_dim3A = arith.constant 0.000000e+00 : f32
    %broadcast_in_dim3A_12 = vector.broadcast %broadcast_in_dim3A : f32 to vector<10000x128xf32>
    %get3A_13 = arith.constant 0 : index
    %get3A_14 = arith.constant 0 : index
    %get3A_15 = arith.constant 0 : index
    %get3A_16 = vector.load %arg0[%get3A_13, %get3A_14, %get3A_15] : memref<2x10000x128xf32, #tpu.memory_space<vmem>>, vector<1x10000x128xf32>
    %get3A_17 = vector.shape_cast %get3A_16 : vector<1x10000x128xf32> to vector<10000x128xf32>
    %get3A_18 = arith.constant 0 : index
    %get3A_19 = arith.constant 0 : index
    %get3A_20 = arith.constant 0 : index
    %get3A_21 = vector.load %arg3[%get3A_18, %get3A_19, %get3A_20] : memref<2x128x128xf32, #tpu.memory_space<vmem>>, vector<1x128x128xf32>
    %get3A_22 = vector.shape_cast %get3A_21 : vector<1x128x128xf32> to vector<128x128xf32>
    %dot_general3A = arith.constant dense<0.000000e+00> : vector<10000x128xf32>
    %dot_general3A_23 = tpu.matmul %add3A, %get3A_22, %dot_general3A {dimension_numbers = #tpu.dot_dimension_numbers<[1], [0], [0], [1], [0, 0, 1, 1], [], []>, transpose_lhs_hint = false} : vector<10000x128xf32>, vector<128x128xf32>, vector<10000x128xf32> -> vector<10000x128xf32>
    %add3A_24 = arith.addf %get3A_17, %dot_general3A_23 : vector<10000x128xf32>
    %mul3A = vector.broadcast %slice3A : vector<10000x1xf32> to vector<10000x128xf32>
    %mul3A_25 = arith.mulf %mul3A, %add3A_24 : vector<10000x128xf32>
    %get3A_26 = arith.constant 0 : index
    %get3A_27 = arith.constant 0 : index
    %get3A_28 = arith.constant 0 : index
    %get3A_29 = vector.load %arg4[%get3A_26, %get3A_27, %get3A_28] : memref<2x1x128xf32, #tpu.memory_space<vmem>>, vector<1x1x128xf32>
    %get3A_30 = vector.shape_cast %get3A_29 : vector<1x1x128xf32> to vector<1x128xf32>
    %add3A_31 = vector.broadcast %get3A_30 : vector<1x128xf32> to vector<10000x128xf32>
    %add3A_32 = arith.addf %mul3A_25, %add3A_31 : vector<10000x128xf32>
    %max3A = arith.constant 0.000000e+00 : f32
    %max3A_33 = vector.broadcast %max3A : f32 to vector<10000x128xf32>
    %max3A_34 = arith.maximumf %add3A_32, %max3A_33 : vector<10000x128xf32>
    %add3A_35 = arith.addf %broadcast_in_dim3A_12, %max3A_34 : vector<10000x128xf32>
    %get3A_36 = arith.constant 1 : index
    %get3A_37 = arith.constant 0 : index
    %get3A_38 = arith.constant 0 : index
    %get3A_39 = vector.load %arg0[%get3A_36, %get3A_37, %get3A_38] : memref<2x10000x128xf32, #tpu.memory_space<vmem>>, vector<1x10000x128xf32>
    %get3A_40 = vector.shape_cast %get3A_39 : vector<1x10000x128xf32> to vector<10000x128xf32>
    %get3A_41 = arith.constant 1 : index
    %get3A_42 = arith.constant 0 : index
    %get3A_43 = arith.constant 0 : index
    %get3A_44 = vector.load %arg3[%get3A_41, %get3A_42, %get3A_43] : memref<2x128x128xf32, #tpu.memory_space<vmem>>, vector<1x128x128xf32>
    %get3A_45 = vector.shape_cast %get3A_44 : vector<1x128x128xf32> to vector<128x128xf32>
    %dot_general3A_46 = arith.constant dense<0.000000e+00> : vector<10000x128xf32>
    %dot_general3A_47 = tpu.matmul %add3A, %get3A_45, %dot_general3A_46 {dimension_numbers = #tpu.dot_dimension_numbers<[1], [0], [0], [1], [0, 0, 1, 1], [], []>, transpose_lhs_hint = false} : vector<10000x128xf32>, vector<128x128xf32>, vector<10000x128xf32> -> vector<10000x128xf32>
    %add3A_48 = arith.addf %get3A_40, %dot_general3A_47 : vector<10000x128xf32>
    %mul3A_49 = vector.broadcast %slice3A : vector<10000x1xf32> to vector<10000x128xf32>
    %mul3A_50 = arith.mulf %mul3A_49, %add3A_48 : vector<10000x128xf32>
    %get3A_51 = arith.constant 1 : index
    %get3A_52 = arith.constant 0 : index
    %get3A_53 = arith.constant 0 : index
    %get3A_54 = vector.load %arg4[%get3A_51, %get3A_52, %get3A_53] : memref<2x1x128xf32, #tpu.memory_space<vmem>>, vector<1x1x128xf32>
    %get3A_55 = vector.shape_cast %get3A_54 : vector<1x1x128xf32> to vector<1x128xf32>
    %add3A_56 = vector.broadcast %get3A_55 : vector<1x128xf32> to vector<10000x128xf32>
    %add3A_57 = arith.addf %mul3A_50, %add3A_56 : vector<10000x128xf32>
    %max3A_58 = arith.constant 0.000000e+00 : f32
    %max3A_59 = vector.broadcast %max3A_58 : f32 to vector<10000x128xf32>
    %max3A_60 = arith.maximumf %add3A_57, %max3A_59 : vector<10000x128xf32>
    %add3A_61 = arith.addf %add3A_35, %max3A_60 : vector<10000x128xf32>
    %iota3A = tpu.iota {dimensions = array<i32: 0>} : vector<128x10000xi32>
    %get3A_62 = arith.constant 0 : index
    %get3A_63 = arith.constant 0 : index
    %get3A_64 = vector.load %arg5[%get3A_62, %get3A_63] : memref<1x10000xi32, #tpu.memory_space<vmem>>, vector<1x10000xi32>
    %eq3A = vector.broadcast %get3A_64 : vector<1x10000xi32> to vector<128x10000xi32>
    %eq3A_65 = arith.cmpi eq, %iota3A, %eq3A : vector<128x10000xi32>
    %convert_element_type3A = arith.extui %eq3A_65 : vector<128x10000xi1> to vector<128x10000xi32>
    %convert_element_type3A_66 = arith.sitofp %convert_element_type3A : vector<128x10000xi32> to vector<128x10000xf32>
    %dot_general3A_67 = arith.constant dense<0.000000e+00> : vector<128x128xf32>
    %dot_general3A_68 = tpu.matmul %convert_element_type3A_66, %add3A_61, %dot_general3A_67 {dimension_numbers = #tpu.dot_dimension_numbers<[1], [0], [0], [1], [0, 0, 1, 1], [], []>, transpose_lhs_hint = false} : vector<128x10000xf32>, vector<10000x128xf32>, vector<128x128xf32> -> vector<128x128xf32>
    %reduce_sum3A = arith.constant dense<0.000000e+00> : vector<128xf32>
    %reduce_sum3A_69 = vector.multi_reduction <add>, %convert_element_type3A_66, %reduce_sum3A [1] : vector<128x10000xf32> to vector<128xf32>
    %broadcast_in_dim3A_70 = vector.shape_cast %reduce_sum3A_69 : vector<128xf32> to vector<128x1xf32>
    %max3A_71 = arith.constant 1.000000e+00 : f32
    %max3A_72 = vector.broadcast %max3A_71 : f32 to vector<128x1xf32>
    %max3A_73 = arith.maximumf %broadcast_in_dim3A_70, %max3A_72 : vector<128x1xf32>
    %div3A = vector.broadcast %max3A_73 : vector<128x1xf32> to vector<128x128xf32>
    %div3A_74 = arith.divf %dot_general3A_68, %div3A : vector<128x128xf32>
    %get3A_75 = arith.constant 0 : index
    %get3A_76 = arith.constant 0 : index
    %get3A_77 = vector.load %arg6[%get3A_75, %get3A_76] : memref<128x128xf32, #tpu.memory_space<vmem>>, vector<128x128xf32>
    %dot_general3A_78 = arith.constant dense<0.000000e+00> : vector<128x128xf32>
    %dot_general3A_79 = tpu.matmul %div3A_74, %get3A_77, %dot_general3A_78 {dimension_numbers = #tpu.dot_dimension_numbers<[1], [0], [0], [1], [0, 0, 1, 1], [], []>, transpose_lhs_hint = false} : vector<128x128xf32>, vector<128x128xf32>, vector<128x128xf32> -> vector<128x128xf32>
    %get3A_80 = arith.constant 0 : index
    %get3A_81 = arith.constant 0 : index
    %get3A_82 = vector.load %arg7[%get3A_80, %get3A_81] : memref<1x128xf32, #tpu.memory_space<vmem>>, vector<1x128xf32>
    %add3A_83 = vector.broadcast %get3A_82 : vector<1x128xf32> to vector<128x128xf32>
    %add3A_84 = arith.addf %dot_general3A_79, %add3A_83 : vector<128x128xf32>
    %swap3A = arith.constant 0 : index
    %swap3A_85 = arith.constant 0 : index
    %swap3A_86 = vector.load %arg8[%swap3A, %swap3A_85] : memref<128x128xf32, #tpu.memory_space<vmem>>, vector<128x128xf32>
    tpu.vector_store %arg8[%swap3A, %swap3A_85], %add3A_84 {strides = array<i32>} : memref<128x128xf32, #tpu.memory_space<vmem>>, vector<128x128xf32>,
    return
  }
}

</mosaic_0001>

<sc_bundles>
// kernel: kernel.12.cloned.1.call-start
scs
__scs_entry_jumppad:
0x0: {  	(pc) =	sbr.rel $0x88, $3  }
0x1: {  	(tag) =	ssettag $0x0;
	lr =	simm.s32 $0x1  }
0x2: {  	[smem:$0x3F96] =	sst lr;
	_ =	strace $0xD0000000  }
0x3: {  	_ = 	snop  }
0x4: {  	_ = 	snop  }
0x5: {  	_ = 	snop  }
0x6: {  	_ = 	snop  }
0x7: {  	_ = 	snop  }
__scs_overlays_trampoline_lowered:
0x8: {  	[smem:$0x3FA5] =	sst s0  }
0x9: {  	[smem:$0x3FA6] =	sst s1  }
0xa: {  	[smem:$0x3FA7] =	sst s2  }
0xb: {  	[smem:$0x3FA8] =	sst s3  }
0xc: {  	[smem:$0x3FA9] =	sst s4  }
0xd: {  	[smem:$0x3FAA] =	sst s5  }
0xe: {  	[smem:$0x3FAB] =	sst s6  }
0xf: {  	[smem:$0x3FAC] =	sst s7  }
0x10: {  	[smem:$0x3FAD] =	sst s8  }
0x11: {  	[smem:$0x3FAE] =	sst s9;
	s0 =	simm.s32 @!p0 $0x0  }
0x12: {  	s1 =	sld [smem:$0x3F94];
	s0 =	simm.s32 @p0 $0x1  }
0x13: {  	[smem:$0x3FAF] =	sst s0;
	s0 =	simm.s32 @!p1 $0x0  }
0x14: {  	s2 =	sld [smem:$0x3F93];
	s0 =	simm.s32 @p1 $0x1  }
0x15: {  	[smem:$0x3FB0] =	sst s0;
	s0 =	simm.s32 @!p2 $0x0  }
0x16: {  	s3 =	sld [smem:$0x3FDB];
	s0 =	simm.s32 @p2 $0x1  }
0x17: {  	s4 =	simm.s32 $0x1BF5;
	[smem:$0x3FB2] =	sst s0  }
0x18: {  	s0 =	sld [smem:$0x3F95];
	_ =	swait.ge [sflag:s4], $0x0  }
0x19: {  	s7 =	sld [smem:$0x3F96]  }
0x1a: {  	s8 =	sadd.s32 $0xFFFFE003, lr  }
0x1b: {  	s9 =	sadd.s32 $0xFFFFFEF7, lr;
	s5 =	simm.s32 $0xFFFFFFFF;
	p2 =	slt.u32 s8, $0xFFFFF086  }
0x1c: {  	p1 =	slt.u32 s9, $0xF7A;
	s5 =	simm.s32 @!p2 $0x0  }
0x1d: {  	s5 =	simm.s32 @p1 $0x1;
	p0 =	seq.s32 s7, s2  }
0x1e: {  	s7 =	smul.u32 @!p0 $0xF7A, s2;
	p2 =	seq.s32 @!p0 s5, $0x0  }
0x1f: {  	s9 =	smul.u32 $0xF7A, s1;
	s8 =	simm.s32 @!p0 $0x1BF5;
	p2 =	por !p2, p0  }
0x20: {  	[sflag:s8] =	ssyncset.s32 @!p0 $0xFFFFF086;
	s6 =	sadd.s32 @!p0 s3, s7;
	s7 =	simm.s32 @!p0 $0x108  }
0x21: {  	s3 =	sadd.s32 s3, s9;
	s6 =	sadd.s32 @!p0 $0x88, s6;
	s7 =	simm.s32 @p2 $0x1082  }
0x22: {  	[simem:s7], [sflag:s8] =	dma.local @!p0 [hbm:s6], $0xF7A  }
0x23: {  	s9 =	sor.u32 $0xD0000000, s2;
	s6 =	simm.s32 $0x108;
	_ =	swait.ge @!p0 [sflag:s8], $0x0  }
0x24: {  	s3 =	sadd.s32 $0x88, s3;
	s6 =	simm.s32 @!p1 $0x1082;
	[sflag:s4] =	ssyncset.s32 $0xFFFFF086  }
0x25: {  	[simem:s6], [sflag:s4] =	dma.local [hbm:s3], $0xF7A  }
0x26: {  	[smem:$0x3F96] =	sst s1;
	(tag) =	ssettag s2;
	_ =	strace s9  }
0x27: {  	s1 =	sld [smem:$0x3FA6]  }
0x28: {  	s2 =	sld [smem:$0x3FA7]  }
0x29: {  	s4 =	sld [smem:$0x3FA9]  }
0x2a: {  	p0 =	seq.s32 s5, $0x0;
	s5 =	sld [smem:$0x3FAA]  }
0x2b: {  	s6 =	sld [smem:$0x3FAB]  }
0x2c: {  	s7 =	sld [smem:$0x3FAC]  }
0x2d: {  	s3 =	simm.s32 $0x108;
	s8 =	sld [smem:$0x3FAD]  }
0x2e: {  	s3 =	simm.s32 @!p0 $0x1082;
	s9 =	sld [smem:$0x3FAE]  }
0x2f: {  	lr =	sadd.s32 s0, s3;
	s0 =	sld [smem:$0x3FA5]  }
0x30: {  	s3 =	sld [smem:$0x3FA8]  }
0x31: {  	[smem:$0x3FB1] =	sst s10  }
0x32: {  	s10 =	sld [smem:$0x3FAF];
	_ =	sdelay $0x3  }
0x33: {  	p0 =	seq.s32 s10, $0x1;
	s10 =	sld [smem:$0x3FB1];
	_ =	sdelay $0x3  }
0x34: {  	[smem:$0x3FB1] =	sst s10  }
0x35: {  	s10 =	sld [smem:$0x3FB0];
	_ =	sdelay $0x3  }
0x36: {  	p1 =	seq.s32 s10, $0x1;
	s10 =	sld [smem:$0x3FB1];
	_ =	sdelay $0x3  }
0x37: {  	[smem:$0x3FB1] =	sst s10  }
0x38: {  	s10 =	sld [smem:$0x3FB2]  }
0x39: {  	_ = 	snop;
	(pc) =	sbr.ind lr, $3  }
0x3a: {  	_ = 	snop  }
0x3b: {  	_ = 	snop  }
0x3c: {  	p2 =	seq.s32 s10, $0x1;
	s10 =	sld [smem:$0x3FB1]  }
0x3d: {  	_ =	shalt  }
0x3e: {  	_ =	shalt  }
0x3f: {  	_ =	shalt  }
0x40: {  	_ =	shalt  }
0x41: {  	_ =	shalt  }
0x42: {  	_ =	shalt  }
0x43: {  	_ =	shalt  }
0x44: {  	_ =	shalt  }
0x45: {  	_ =	shalt  }
0x46: {  	_ =	shalt  }
0x47: {  	_ =	shalt  }
0x48: {  	_ =	shalt  }
0x49: {  	_ =	shalt  }
0x4a: {  	_ =	shalt  }
0x4b: {  	_ =	shalt  }
0x4c: {  	_ =	shalt  }
0x4d: {  	_ =	shalt  }
0x4e: {  	_ =	shalt  }
0x4f: {  	_ =	shalt  }
0x50: {  	_ =	shalt  }
0x51: {  	_ =	shalt  }
0x52: {  	_ =	shalt  }
0x53: {  	_ =	shalt  }
0x54: {  	_ =	shalt  }
0x55: {  	_ =	shalt  }
0x56: {  	_ =	shalt  }
0x57: {  	_ =	shalt  }
0x58: {  	_ =	shalt  }
0x59: {  	_ =	shalt  }
0x5a: {  	_ =	shalt  }
0x5b: {  	_ =	shalt  }
0x5c: {  	_ =	shalt  }
0x5d: {  	_ =	shalt  }
0x5e: {  	_ =	shalt  }
0x5f: {  	_ =	shalt  }
0x60: {  	_ =	shalt  }
0x61: {  	_ =	shalt  }
0x62: {  	_ =	shalt  }
0x63: {  	_ =	shalt  }
0x64: {  	_ =	shalt  }
0x65: {  	_ =	shalt  }
0x66: {  	_ =	shalt  }
0x67: {  	_ =	shalt  }
0x68: {  	_ =	shalt  }
0x69: {  	_ =	shalt  }
0x6a: {  	_ =	shalt  }
0x6b: {  	_ =	shalt  }
0x6c: {  	_ =	shalt  }
0x6d: {  	_ =	shalt  }
0x6e: {  	_ =	shalt  }
0x6f: {  	_ =	shalt  }
0x70: {  	_ =	shalt  }
0x71: {  	_ =	shalt  }
0x72: {  	_ =	shalt  }
0x73: {  	_ =	shalt  }
0x74: {  	_ =	shalt  }
0x75: {  	_ =	shalt  }
0x76: {  	_ =	shalt  }
0x77: {  	_ =	shalt  }
0x78: {  	_ =	shalt  }
0x79: {  	_ =	shalt  }
0x7a: {  	_ =	shalt  }
0x7b: {  	_ =	shalt  }
0x7c: {  	_ =	shalt  }
0x7d: {  	_ =	shalt  }
0x7e: {  	_ =	shalt  }
0x7f: {  	_ =	shalt  }
0x80: {  	_ =	shalt  }
0x81: {  	_ =	shalt  }
0x82: {  	_ =	shalt  }
0x83: {  	_ =	shalt  }
0x84: {  	_ =	shalt  }
0x85: {  	_ =	shalt  }
0x86: {  	_ =	shalt  }
0x87: {  	_ =	shalt  }
.Lfunc_end0:
.L_simem_size_0:
called_computation.1_lowered:
.L_overlay_start_0:
0x88: {  	s2 =	sld [smem:$0x3FD9]  }
0x89: {  	s3 =	sld [smem:$0x3FFE];
	_ =	sdelay $0x1  }
0x8a: {  	s1 =	srdreg.scid  }
0x8b: {  	s0 =	sand.u32 $0x1, s1  }
0x8c: {  	s17 =	sshll.u32 s0, $0xA;
	s2 =	sadd.s32 s3, s2  }
0x8d: {  	s2 =	sadd.s32 s2, s17  }
0x8e: {  	[smem:$0x3FBD] =	sst s2  }
0x8f: {  	_ = 	snop  }
0x90: {  	(tm) =	ssettm $0x1  }
0x91: {  	s18 =	sld [smem:$0x3FFB];
	_ =	sdelay $0x3  }
0x92: {  	_ =	strace s18  }
0x93: {  	s2 =	sld [smem:$0x3FFC];
	_ =	sdelay $0x3  }
0x94: {  	_ =	strace s2  }
0x95: {  	s2 =	sld [smem:$0x3FFD];
	_ =	sdelay $0x3  }
0x96: {  	_ =	strace s2  }
0x97: {  	_ =	strace $0x8FFFFFFF  }
0x98: {  	s19 =	sld [smem:$0x3FDB];
	_ =	sdelay $0x1  }
0x99: {  	s20 =	simm.s32 $_scs_section_size  }
0x9a: {  	s4 =	simm.s32 $_size__tile_overlayer_lowered;
	s5 =	simm.s32 $_tile_overlayer_lowered  }
0x9b: {  	s6 =	simm.s32 $0x1BFF;
	s21 =	sshll.u32 s5, $0x1;
	s3 =	sadd.s32 s20, s19  }
0x9c: {  	s22 =	simm.s32 $0x0;
	s4 =	sshll.u32 s4, $0x1;
	s5 =	sadd.s32 s21, s3  }
0x9d: {  	[timem:s22], [sflag:s6] =	dma.local [hbm:s5], s4  }
0x9e: {  	_ =	swait.ge [sflag:s6], s4  }
0x9f: {  	s4 =	ssub.s32 $0x0, s4;
	[sflag:s6] =	ssyncset.done $0x0  }
0xa0: {  	[sflag:s6] =	ssyncadd.s32 s4;
	_ =	sdelay $0x1  }
0xa1: {  	s23 =	simm.s32 $0x1B8B  }
0xa2: {  	_ =	swait.ge [sflag:s23], $0x1  }
0xa3: {  	[sflag:s23] =	ssyncset.done $0x0  }
0xa4: {  	[sflag:s23] =	ssyncadd.s32 $0xFFFFFFFF  }
0xa5: {  	s4 =	sld [smem:$0x0]  }
0xa6: {  	s5 =	sand.u32 $0xFFFFFFFE, s1  }
0xa7: {  	p0 =	sne.s32 s1, s5  }
0xa8: {  	s5 =	sshll.u32 @p0 s5, $0xE  }
0xa9: {  	s5 =	sadd.s32 @p0 $0x11B8D, s5;
	s6 =	sshll.u32 @p0 s4, $0x11  }
0xaa: {  	s5 =	sor.u32 @p0 s6, s5  }
0xab: {  	[sflag:s5] =	ssyncadd.remote.s32 @p0 $0x1;
	_ =	sdelay $0x1  }
0xac: {  	s5 =	simm.s32 @p0 $0x1B8D  }
0xad: {  	_ =	swait.eq @p0 [sflag:s5], $0x1  }
0xae: {  	[sflag:s5] =	ssyncadd.s32 @p0 $0xFFFFFFFF  }
0xaf: {  	s6 =	sshll.u32 @!p0 s1, $0xE  }
0xb0: {  	s6 =	sor.u32 @!p0 $0x4000, s6;
	s5 =	simm.s32 @!p0 $0x1B8D  }
0xb1: {  	s4 =	sshll.u32 @!p0 s4, $0x11;
	s6 =	sadd.s32 @!p0 $0x11B8D, s6;
	_ =	swait.eq @!p0 [sflag:s5], $0x1  }
0xb2: {  	s4 =	sor.u32 @!p0 s4, s6;
	[sflag:s5] =	ssyncadd.s32 @!p0 $0xFFFFFFFF  }
0xb3: {  	s25 =	simm.s32 $0x1B8E;
	s24 =	sld [smem:$0x3FFE];
	[sflag:s4] =	ssyncadd.remote.s32 @!p0 $0x1  }
0xb4: {  	s26 =	simm.s32 $execute0_lowered;
	[smem:$0x3FD2] =	sst s25  }
0xb5: {  	s5 =	sshll.u32 s26, $0x1;
	_ =	strace $0x8000004C;
	[dreg:$0x1] =	wrdreg $0xFFFFFFFF  }
0xb6: {  	s28 =	simm.s32 $_size_execute0_lowered;
	s3 =	sadd.s32 s3, s5;
	[dreg:$0x0] =	wrdreg $0x0  }
0xb7: {  	s5 =	sshll.u32 s28, $0x1;
	[dreg:$0x2] =	wrdreg s3  }
0xb8: {  	[dreg:$0x3] =	wrdreg s5  }
0xb9: {  	[dreg:$0x4] =	wrdreg $0xC0  }
0xba: {  	_ =	task [dreg:s22], $0x5FFFF  }
0xbb: {  	[dreg:$0x1] =	wrdreg $0xFFFFFFFF  }
0xbc: {  	[dreg:$0x0] =	wrdreg $0x60  }
0xbd: {  	[dreg:$0x2] =	wrdreg s24  }
0xbe: {  	[dreg:$0x3] =	wrdreg $0x98000  }
0xbf: {  	[dreg:$0x4] =	wrdreg $0x9  }
0xc0: {  	_ =	task.clear_ibuf [dreg:s22], $0x5FFFF;
	_ =	strace $0x9000004C  }
0xc1: {  	s29 =	simm.s32 $0x9;
	_ =	strace $0x8000004E  }
0xc2: {  	_ =	swait.ge [sflag:s29], $0x1  }
0xc3: {  	[sflag:s29] =	ssyncadd.s32 $0xFFFFFFFF  }
0xc4: {  	_ =	strace $0x9000004E  }
0xc5: {  	_ =	sfence  }
0xc6: {  	s30 =	sld [smem:$0x0];
	_ =	sdelay $0x2  }
0xc7: {  	s31 =	sshll.u32 s1, $0xD;
	s1 =	sshrl.u32 s1, $0x2  }
0xc8: {  	s4 =	sand.u32 $0x4000, s31;
	s1 =	sadd.s32 s1, s30  }
0xc9: {  	s0 =	sor.u32 s4, s0;
	s1 =	sshll.u32 s1, $0x11  }
0xca: {  	s0 =	sor.u32 s1, s0  }
0xcb: {  	s0 =	sadd.s32 $0x8F2B, s0  }
0xcc: {  	[sflag:s0] =	ssyncadd.remote.s32 $0x1  }
0xcd: {  	_ =	sfence.sel $0xFFFF  }
0xce: {  	[dreg:$0x0] =	wrdreg $0xFFFFFFFF;
	(pc) =	sbr.abs _section_cstart, $3  }
0xcf: {  	[dreg:$0x1] =	wrdreg $0xFFFFFFFF  }
0xd0: {  	_ =	task.clear_ibuf [dreg:s22], $0x2FFFF;
	_ =	strace $0x9FFFFFFF  }
0xd1: {  	(tm) =	ssettm $0x7FFFFFFF  }
tec
execute0_lowered:
.L_overlay_start_1:
0x0: {  	(tag) =	ssettag $0x1  }
0x1: {  	s0 =	rddreg [dreg:$0x0]  }
0x2: {  	s2 =	rddreg [dreg:$0x1];
	s3 =	simm.s32 $0x0;
	s1 =	stileid.u32  }
0x3: {  	s7 =	srdreg.scid;
	s16 =	simm.s32 $0x5800;
	s17 =	simm.s32 $0x3  }
0x4: {  	s18 =	simm.s32 $0x800;
	s19 =	simm.s32 $0x80;
	s20 =	simm.s32 $0x1000  }
0x5: {  	s21 =	simm.s32 $0x5000;
	s22 =	simm.s32 $0x1;
	s23 =	simm.s32 $0x2  }
0x6: {  	s24 =	simm.s32 $0x0;
	[smem:$0x7FF] =	sst s3;
	s6 =	smul.u32 $0x13C00, s1  }
0x7: {  	s4 =	sadd.s32 $0x68200, s0;
	s5 =	sadd.s32 $0x4200, s0;
	s8 =	smul.u32 $0x2780, s1  }
0x8: {  	s9 =	sand.u32 $0x1, s7;
	s11 =	smul.u32 $0x4F000, s1;
	s7 =	sadd.s32 $0xDE400, s0  }
0x9: {  	s12 =	sshll.u32 s1, $0x1;
	_ =	strace $0x8000004D;
	p0 =	seq.s32 s9, $0x1  }
0xa: {  	s29 =	ssub.s32 $0x2, s9;
	s13 =	sor.u32 s9, s12;
	s6 =	sshrl.u32 s6, $0x3  }
0xb: {  	s30 =	sshrl.u32 s11, $0x2;
	s31 =	sshrl.u32 s29, $0x1;
	s10 =	sadd.s32 $0x27800, s6  }
0xc: {  	s13 =	smul.u32 $0x50, s13;
	s6 =	sadd.s32 $0xE200, s0;
	s8 =	smov.u32 @p0 s10  }
0xd: {  	s14 =	ssub.s32 s29, s31;
	s0 =	sadd.s32 s8, s0;
	s8 =	sadd.s32 s30, s2  }
0xe: {  	s14 =	smax.u32 s14, $0x1;
	s9 =	sadd.s32 $0x4000, s8;
	s10 =	sadd.s32 $0x8000, s8  }
0xf: {  	v0 =	vimm.f32 $0.0e+00;
	s11 =	sadd.s32 $0xC000, s8;
	s12 =	sadd.s32 $0x10000, s8;
	s15 =	sadd.s32 $0x17E400, s0  }
.LBB2_1:
0x10: {  	s0 =	simm.s32 $0x0;
	s25 =	simm.s32 $0x200  }
.LBB2_2:
0x11: {  	p0 =	sne.s32 s25, $0xFE00;
	[tilespmem:s0+$0x5870] =	vst v0  }
0x12: {  	[tilespmem:s0+$0x5800] =	vst v0  }
0x13: {  	[tilespmem:s0+$0x5810] =	vst v0  }
.Ltmp0:
0x14: {  	[tilespmem:s0+$0x5820] =	vst v0;
	(pc) =	sbr.rel @p0 .LBB2_2-.Ltmp0, $4  }
0x15: {  	[tilespmem:s0+$0x5830] =	vst v0  }
0x16: {  	[tilespmem:s0+$0x5840] =	vst v0  }
0x17: {  	[tilespmem:s0+$0x5850] =	vst v0  }
0x18: {  	[tilespmem:s0+$0x5860] =	vst v0;
	s0 =	sshra.s32 s25, $0x2;
	s25 =	sadd.s32 $0x200, s25  }
0x19: {  	[tilespmem:s0+$0x5870] =	vst v0  }
0x1a: {  	[tilespmem:s0+$0x5800] =	vst v0  }
0x1b: {  	[tilespmem:s0+$0x5810] =	vst v0  }
0x1c: {  	[tilespmem:s0+$0x5820] =	vst v0  }
0x1d: {  	[tilespmem:s0+$0x5830] =	vst v0  }
0x1e: {  	[tilespmem:s0+$0x5840] =	vst v0  }
0x1f: {  	[tilespmem:s0+$0x5850] =	vst v0  }
0x20: {  	[tilespmem:s0+$0x5860] =	vst v0  }
0x21: {  	[spmem:s8] =	stream.linear.scatter [tilespmem:s16], [sflag:$0x3], $0x4000, $0x38;
	[tilespmem:$0x1D400] =	vst v63  }
0x22: {  	_ =	swait.ge [sflag:s17], $0x4000  }
0x23: {  	[sflag:s17] =	ssyncset.done $0x0  }
0x24: {  	[sflag:s17] =	ssyncadd.s32 $0xFFFFC000  }
0x25: {  	[spmem:s9] =	stream.linear.scatter [tilespmem:s16], [sflag:$0x3], $0x4000, $0x38;
	[tilespmem:$0x1D400] =	vst v63  }
0x26: {  	_ =	swait.ge [sflag:s17], $0x4000  }
0x27: {  	[sflag:s17] =	ssyncset.done $0x0  }
0x28: {  	[sflag:s17] =	ssyncadd.s32 $0xFFFFC000  }
0x29: {  	[spmem:s10] =	stream.linear.scatter [tilespmem:s16], [sflag:$0x3], $0x4000, $0x38;
	[tilespmem:$0x1D400] =	vst v63  }
0x2a: {  	_ =	swait.ge [sflag:s17], $0x4000  }
0x2b: {  	[sflag:s17] =	ssyncset.done $0x0  }
0x2c: {  	[sflag:s17] =	ssyncadd.s32 $0xFFFFC000  }
0x2d: {  	[spmem:s11] =	stream.linear.scatter [tilespmem:s16], [sflag:$0x3], $0x4000, $0x38;
	[tilespmem:$0x1D400] =	vst v63  }
0x2e: {  	_ =	swait.ge [sflag:s17], $0x4000  }
0x2f: {  	[sflag:s17] =	ssyncset.done $0x0  }
0x30: {  	[sflag:s17] =	ssyncadd.s32 $0xFFFFC000  }
0x31: {  	[spmem:s12] =	stream.linear.scatter [tilespmem:s16], [sflag:$0x3], $0x3C00, $0x38;
	[tilespmem:$0x1D400] =	vst v63  }
0x32: {  	_ =	swait.ge [sflag:s17], $0x3C00  }
0x33: {  	[sflag:s17] =	ssyncset.done $0x0  }
0x34: {  	[sflag:s17] =	ssyncadd.s32 $0xFFFFC400  }
0x35: {  	s25 =	simm.s32 $0x0;
	s26 =	simm.s32 $0x0;
	[bflag:$0x0] =	sbarrier.arrive $0xFFFF  }
.LBB2_4:
0x36: {  	s0 =	sshll.u32 s26, $0x4  }
0x37: {  	s28 =	sadd.s32 s13, s0  }
0x38: {  	s0 =	sshll.u32 s28, $0x4  }
0x39: {  	s29 =	sadd.s32 s5, s0  }
0x3a: {  	[tilespmem:s25], [sflag:$0x3] =	stream.linear.gather [hbm4b:s29+s25], $0x800, $0x38;
	[tilespmem:$0x1D400] =	vst v63  }
0x3b: {  	_ =	swait.ge [sflag:s17], $0x800  }
0x3c: {  	[sflag:s17] =	ssyncset.done $0x0  }
0x3d: {  	s0 =	sadd.s32 s6, s0;
	[sflag:s17] =	ssyncadd.s32 $0xFFFFF800  }
0x3e: {  	[tilespmem:s18], [sflag:$0x3] =	stream.linear.gather [hbm4b:s0+s25], $0x800, $0x38;
	[tilespmem:$0x1D400] =	vst v63  }
0x3f: {  	_ =	swait.ge [sflag:s17], $0x800  }
0x40: {  	[sflag:s17] =	ssyncset.done $0x0  }
0x41: {  	s29 =	simm.s32 $0x0;
	[sflag:s17] =	ssyncadd.s32 $0xFFFFF800  }
0x42: {  	[tilespmem:s20], [sflag:$0x1] =	stream.indirect.gather [hbm4b:s4+s19], $0x80, s25, s19, $0xb8;
	[tilespmem:$0x1D400] =	vst v63  }
.LBB2_5:
0x43: {  	s0 =	sadd.s32 s28, s29  }
0x44: {  	s0 =	sshll.u32 s0, $0x8  }
0x45: {  	s0 =	sadd.s32 s7, s0  }
0x46: {  	[tilespmem:s21], [sflag:$0x3] =	stream.linear.gather [hbm4b:s0+s3], $0x800, $0x38;
	[tilespmem:$0x1D400] =	vst v63  }
0x47: {  	_ =	swait.ge [sflag:s17], $0x800  }
0x48: {  	[sflag:s17] =	ssyncset.done $0x0  }
0x49: {  	[sflag:s17] =	ssyncadd.s32 $0xFFFFF800  }
0x4a: {  	_ =	swait.ge [sflag:s22], $0x4000  }
0x4b: {  	p0 =	seq.s32 s29, $0x0;
	[sflag:s22] =	ssyncset.done $0x0  }
0x4c: {  	s0 =	simm.s32 @!p0 $0x2;
	[sflag:s22] =	ssyncadd.s32 $0xFFFFC000  }
0x4d: {  	_ =	swait.ge @!p0 [sflag:s0], $0x4000  }
0x4e: {  	[sflag:s0] =	ssyncset.done @!p0 $0x0  }
0x4f: {  	s30 =	simm.s32 $0x0;
	[sflag:s0] =	ssyncadd.s32 @!p0 $0xFFFFC000  }
0x50: {  	s31 =	simm.s32 $0x5040;
	s0 =	simm.s32 $0x1000;
	v1 =	vld [tilespmem:s30+$0x1000]  }
.LBB2_6:
0x51: {  	p0 =	sne.s32 s0, $0xF000;
	v2 =	vld [tilespmem:s31+$0xFFFFFFC0];
	_ =	sdelay $0x4  }
0x52: {  	v1 =	vmul.f32 v2, v1;
	_ =	sdelay $0x1  }
0x53: {  	[tilespmem:s30+$0x5800] =	vst v1;
	v1 =	vld [tilespmem:s30+$0x1080]  }
0x54: {  	v2 =	vld [tilespmem:s31+$0xFFFFFFD0];
	_ =	sdelay $0x4  }
0x55: {  	v1 =	vmul.f32 v2, v1;
	_ =	sdelay $0x1  }
0x56: {  	[tilespmem:s30+$0x5880] =	vst v1;
	v1 =	vld [tilespmem:s30+$0x1100]  }
0x57: {  	v2 =	vld [tilespmem:s31+$0xFFFFFFE0];
	_ =	sdelay $0x4  }
0x58: {  	v1 =	vmul.f32 v2, v1;
	_ =	sdelay $0x1  }
0x59: {  	[tilespmem:s30+$0x5900] =	vst v1;
	v1 =	vld [tilespmem:s30+$0x1180]  }
0x5a: {  	v2 =	vld [tilespmem:s31+$0xFFFFFFF0];
	_ =	sdelay $0x4  }
0x5b: {  	v1 =	vmul.f32 v2, v1;
	_ =	sdelay $0x1  }
0x5c: {  	[tilespmem:s30+$0x5980] =	vst v1;
	v1 =	vld [tilespmem:s30+$0x1200]  }
0x5d: {  	v2 =	vld [tilespmem:s31+$0x0];
	_ =	sdelay $0x4  }
0x5e: {  	v1 =	vmul.f32 v2, v1;
	_ =	sdelay $0x1  }
0x5f: {  	[tilespmem:s30+$0x5A00] =	vst v1;
	v1 =	vld [tilespmem:s30+$0x1280]  }
0x60: {  	v2 =	vld [tilespmem:s31+$0x10];
	_ =	sdelay $0x4  }
0x61: {  	v1 =	vmul.f32 v2, v1;
	_ =	sdelay $0x1  }
0x62: {  	[tilespmem:s30+$0x5A80] =	vst v1;
	v1 =	vld [tilespmem:s30+$0x1300]  }
0x63: {  	v2 =	vld [tilespmem:s31+$0x20];
	_ =	sdelay $0x4  }
0x64: {  	v1 =	vmul.f32 v2, v1;
	_ =	sdelay $0x1  }
0x65: {  	[tilespmem:s30+$0x5B00] =	vst v1;
	v1 =	vld [tilespmem:s30+$0x1380]  }
0x66: {  	v2 =	vld [tilespmem:s31+$0x30];
	_ =	sdelay $0x2  }
.Ltmp1:
0x67: {  	(pc) =	sbr.rel @p0 .LBB2_6-.Ltmp1, $4  }
0x68: {  	_ = 	snop  }
0x69: {  	v2 =	vmul.f32 v2, v1  }
0x6a: {  	s1 =	sshra.s32 s0, $0x2  }
0x6b: {  	s0 =	sadd.s32 $0x1000, s0;
	s31 =	sadd.s32 $0x80, s31;
	v1 =	vld [tilespmem:s1+$0x1000];
	[tilespmem:s30+$0x5B80] =	vst v2;
	s30 =	smov.u32 s1  }
0x6c: {  	v2 =	vld [tilespmem:s31+$0xFFFFFFC0];
	_ =	sdelay $0x4  }
0x6d: {  	v1 =	vmul.f32 v2, v1;
	_ =	sdelay $0x1  }
0x6e: {  	[tilespmem:s30+$0x5800] =	vst v1;
	v1 =	vld [tilespmem:s30+$0x1080]  }
0x6f: {  	v2 =	vld [tilespmem:s31+$0xFFFFFFD0];
	_ =	sdelay $0x4  }
0x70: {  	v1 =	vmul.f32 v2, v1;
	_ =	sdelay $0x1  }
0x71: {  	[tilespmem:s30+$0x5880] =	vst v1;
	v1 =	vld [tilespmem:s30+$0x1100]  }
0x72: {  	v2 =	vld [tilespmem:s31+$0xFFFFFFE0];
	_ =	sdelay $0x4  }
0x73: {  	v1 =	vmul.f32 v2, v1;
	_ =	sdelay $0x1  }
0x74: {  	[tilespmem:s30+$0x5900] =	vst v1;
	v1 =	vld [tilespmem:s30+$0x1180]  }
0x75: {  	v2 =	vld [tilespmem:s31+$0xFFFFFFF0];
	_ =	sdelay $0x4  }
0x76: {  	v1 =	vmul.f32 v2, v1;
	_ =	sdelay $0x1  }
0x77: {  	[tilespmem:s30+$0x5980] =	vst v1;
	v1 =	vld [tilespmem:s30+$0x1200]  }
0x78: {  	v2 =	vld [tilespmem:s31+$0x0];
	_ =	sdelay $0x4  }
0x79: {  	v1 =	vmul.f32 v2, v1;
	_ =	sdelay $0x1  }
0x7a: {  	[tilespmem:s30+$0x5A00] =	vst v1;
	v1 =	vld [tilespmem:s30+$0x1280]  }
0x7b: {  	v2 =	vld [tilespmem:s31+$0x10];
	_ =	sdelay $0x4  }
0x7c: {  	v1 =	vmul.f32 v2, v1;
	_ =	sdelay $0x1  }
0x7d: {  	[tilespmem:s30+$0x5A80] =	vst v1;
	v1 =	vld [tilespmem:s30+$0x1300]  }
0x7e: {  	v2 =	vld [tilespmem:s31+$0x20];
	_ =	sdelay $0x4  }
0x7f: {  	v1 =	vmul.f32 v2, v1;
	_ =	sdelay $0x1  }
0x80: {  	[tilespmem:s30+$0x5B00] =	vst v1;
	v1 =	vld [tilespmem:s30+$0x1380]  }
0x81: {  	v2 =	vld [tilespmem:s31+$0x30];
	_ =	sdelay $0x4  }
0x82: {  	s0 =	sshll.u32 s29, $0x7;
	v1 =	vmul.f32 v2, v1  }
0x83: {  	p0 =	seq.s32 s29, $0xF;
	s0 =	sand.u32 $0x3FFFFF80, s0  }
0x84: {  	s29 =	sadd.s32 @!p0 $0x1, s29;
	s0 =	sadd.s32 $0x800, s0;
	[tilespmem:s30+$0x5B80] =	vst v1  }
0x85: {  	[spmem:s2] =	stream.indirect.scatter.add.f32 [tilespmem:s16], [sflag:$0x2], $0x80, s0, s19, $0xb8;
	[tilespmem:$0x1D400] =	vst v63  }
0x86: {  	s1 =	simm.s32 @!p0 $0x80;
	s0 =	sshll.u32 @!p0 s29, $0x7  }
0x87: {  	p1 =	sne.s32 @!p0 s29, $0x10;
	s30 =	simm.s32 @!p0 $0x1000;
	s0 =	sand.u32 @!p0 $0x3FFFFF80, s0  }
0x88: {  	[tilespmem:s30], [sflag:$0x1] =	stream.indirect.gather @!p0 [hbm4b:s4+s1], $0x80, s0, s1, $0xb8;
	[tilespmem:$0x1D400] =	vst v63  }
0x89: {  	p0 =	por p0, !p1  }
.Ltmp2:
0x8a: {  	_ = 	snop;
	(pc) =	sbr.rel @!p0 .LBB2_5-.Ltmp2, $1  }
0x8b: {  	_ =	sdelay $0x3  }
0x8c: {  	s26 =	sadd.s32 $0x1, s26  }
0x8d: {  	p0 =	sne.s32 s26, $0x5  }
.Ltmp3:
0x8e: {  	_ = 	snop;
	(pc) =	sbr.rel @p0 .LBB2_4-.Ltmp3, $4  }
0x8f: {  	_ = 	snop  }
0x90: {  	_ =	swait.ge [sflag:s23], $0x4000  }
0x91: {  	[sflag:s23] =	ssyncset.done $0x0  }
0x92: {  	[sflag:s23] =	ssyncadd.s32 $0xFFFFC000  }
0x93: {  	s0 =	stileid.u32;
	s24 =	sadd.s32 $0x1, s24  }
0x94: {  	[bflag:$0x0] =	sbarrier.arrive $0xFFFF;
	s0 =	sshll.u32 s0, $0x6;
	p0 =	sne.s32 s24, s14  }
.Ltmp4:
0x95: {  	s1 =	sshrl.u32 s8, $0x3;
	s0 =	sor.u32 $0x1C03, s0;
	(pc) =	sbr.rel @p0 .LBB2_1-.Ltmp4, $4  }
0x96: {  	[hbm:s15], [sflag:s0] =	dma.local [spmem:s1], $0x2780  }
0x97: {  	_ =	swait.ge [sflag:s17], $0x2780  }
0x98: {  	[sflag:s17] =	ssyncset.done $0x0  }
0x99: {  	[sflag:s17] =	ssyncadd.s32 $0xFFFFD880  }
0x9a: {  	_ =	sfence.sel $0x180000  }
0x9b: {  	[bflag:$0x0] =	sbarrier.arrive $0xFFFF  }
0x9c: {  	_ =	strace $0x9000004D  }
0x9d: {  	s0 =	stileid.u32;
	[bflag:$0x2] =	sbarrier.arrive $0xFFFF  }
0x9e: {  	p0 =	sne.s32 s0, $0x0;
	s0 =	rddreg [dreg:$0x2]  }
0x9f: {  	s0 =	sadd.s32 @!p0 $0x100000, s0  }
0xa0: {  	[sflag:s0] =	ssyncadd.tile.s32 @!p0 $0x1;
	_ =	shalt  }
.Lfunc_end2:
_tile_overlayer_lowered:
.L_overlay_start_2:
0xa1: {  	(tag) =	ssettag $0x2  }
0xa2: {  	s0 =	rddreg [dreg:$0x0];
	s2 =	stileid.u32  }
0xa3: {  	s1 =	rddreg [dreg:$0x1];
	p0 =	sne.s32 s2, $0x0  }
0xa4: {  	s3 =	rddreg [dreg:$0x2];
	[bflag:$0x3] =	sbarrier.arrive $0xFFFF;
	s2 =	simm.s32 @!p0 $0x1C03  }
0xa5: {  	[timem:s3], [sflag:s2] =	dma.local @!p0 [hbm:s0], s1  }
0xa6: {  	s0 =	simm.s32 @!p0 $0x3  }
0xa7: {  	_ =	swait.ge @!p0 [sflag:s0], s1  }
0xa8: {  	s1 =	ssub.s32 @!p0 $0x0, s1;
	[sflag:s0] =	ssyncset.done @!p0 $0x0  }
0xa9: {  	[sflag:s0] =	ssyncadd.s32 @!p0 s1  }
0xaa: {  	[bflag:$0x3] =	sbarrier.arrive $0xFFFF  }
0xab: {  	_ =	shalt  }

// kernel: kernel.15.cloned.1.call-start
scs
__scs_entry_jumppad:
0x0: {  	(pc) =	sbr.rel $0x88, $3  }
0x1: {  	(tag) =	ssettag $0x0;
	lr =	simm.s32 $0x1  }
0x2: {  	[smem:$0x3F96] =	sst lr;
	_ =	strace $0xD0000000  }
0x3: {  	_ = 	snop  }
0x4: {  	_ = 	snop  }
0x5: {  	_ = 	snop  }
0x6: {  	_ = 	snop  }
0x7: {  	_ = 	snop  }
__scs_overlays_trampoline_lowered:
0x8: {  	[smem:$0x3FA5] =	sst s0  }
0x9: {  	[smem:$0x3FA6] =	sst s1  }
0xa: {  	[smem:$0x3FA7] =	sst s2  }
0xb: {  	[smem:$0x3FA8] =	sst s3  }
0xc: {  	[smem:$0x3FA9] =	sst s4  }
0xd: {  	[smem:$0x3FAA] =	sst s5  }
0xe: {  	[smem:$0x3FAB] =	sst s6  }
0xf: {  	[smem:$0x3FAC] =	sst s7  }
0x10: {  	[smem:$0x3FAD] =	sst s8  }
0x11: {  	[smem:$0x3FAE] =	sst s9;
	s0 =	simm.s32 @!p0 $0x0  }
0x12: {  	s1 =	sld [smem:$0x3F94];
	s0 =	simm.s32 @p0 $0x1  }
0x13: {  	[smem:$0x3FAF] =	sst s0;
	s0 =	simm.s32 @!p1 $0x0  }
0x14: {  	s2 =	sld [smem:$0x3F93];
	s0 =	simm.s32 @p1 $0x1  }
0x15: {  	[smem:$0x3FB0] =	sst s0;
	s0 =	simm.s32 @!p2 $0x0  }
0x16: {  	s3 =	sld [smem:$0x3FDB];
	s0 =	simm.s32 @p2 $0x1  }
0x17: {  	s4 =	simm.s32 $0x1BF5;
	[smem:$0x3FB2] =	sst s0  }
0x18: {  	s0 =	sld [smem:$0x3F95];
	_ =	swait.ge [sflag:s4], $0x0  }
0x19: {  	s7 =	sld [smem:$0x3F96]  }
0x1a: {  	s8 =	sadd.s32 $0xFFFFE003, lr  }
0x1b: {  	s9 =	sadd.s32 $0xFFFFFEF7, lr;
	s5 =	simm.s32 $0xFFFFFFFF;
	p2 =	slt.u32 s8, $0xFFFFF086  }
0x1c: {  	p1 =	slt.u32 s9, $0xF7A;
	s5 =	simm.s32 @!p2 $0x0  }
0x1d: {  	s5 =	simm.s32 @p1 $0x1;
	p0 =	seq.s32 s7, s2  }
0x1e: {  	s7 =	smul.u32 @!p0 $0xF7A, s2;
	p2 =	seq.s32 @!p0 s5, $0x0  }
0x1f: {  	s9 =	smul.u32 $0xF7A, s1;
	s8 =	simm.s32 @!p0 $0x1BF5;
	p2 =	por !p2, p0  }
0x20: {  	[sflag:s8] =	ssyncset.s32 @!p0 $0xFFFFF086;
	s6 =	sadd.s32 @!p0 s3, s7;
	s7 =	simm.s32 @!p0 $0x108  }
0x21: {  	s3 =	sadd.s32 s3, s9;
	s6 =	sadd.s32 @!p0 $0x88, s6;
	s7 =	simm.s32 @p2 $0x1082  }
0x22: {  	[simem:s7], [sflag:s8] =	dma.local @!p0 [hbm:s6], $0xF7A  }
0x23: {  	s9 =	sor.u32 $0xD0000000, s2;
	s6 =	simm.s32 $0x108;
	_ =	swait.ge @!p0 [sflag:s8], $0x0  }
0x24: {  	s3 =	sadd.s32 $0x88, s3;
	s6 =	simm.s32 @!p1 $0x1082;
	[sflag:s4] =	ssyncset.s32 $0xFFFFF086  }
0x25: {  	[simem:s6], [sflag:s4] =	dma.local [hbm:s3], $0xF7A  }
0x26: {  	[smem:$0x3F96] =	sst s1;
	(tag) =	ssettag s2;
	_ =	strace s9  }
0x27: {  	s1 =	sld [smem:$0x3FA6]  }
0x28: {  	s2 =	sld [smem:$0x3FA7]  }
0x29: {  	s4 =	sld [smem:$0x3FA9]  }
0x2a: {  	p0 =	seq.s32 s5, $0x0;
	s5 =	sld [smem:$0x3FAA]  }
0x2b: {  	s6 =	sld [smem:$0x3FAB]  }
0x2c: {  	s7 =	sld [smem:$0x3FAC]  }
0x2d: {  	s3 =	simm.s32 $0x108;
	s8 =	sld [smem:$0x3FAD]  }
0x2e: {  	s3 =	simm.s32 @!p0 $0x1082;
	s9 =	sld [smem:$0x3FAE]  }
0x2f: {  	lr =	sadd.s32 s0, s3;
	s0 =	sld [smem:$0x3FA5]  }
0x30: {  	s3 =	sld [smem:$0x3FA8]  }
0x31: {  	[smem:$0x3FB1] =	sst s10  }
0x32: {  	s10 =	sld [smem:$0x3FAF];
	_ =	sdelay $0x3  }
0x33: {  	p0 =	seq.s32 s10, $0x1;
	s10 =	sld [smem:$0x3FB1];
	_ =	sdelay $0x3  }
0x34: {  	[smem:$0x3FB1] =	sst s10  }
0x35: {  	s10 =	sld [smem:$0x3FB0];
	_ =	sdelay $0x3  }
0x36: {  	p1 =	seq.s32 s10, $0x1;
	s10 =	sld [smem:$0x3FB1];
	_ =	sdelay $0x3  }
0x37: {  	[smem:$0x3FB1] =	sst s10  }
0x38: {  	s10 =	sld [smem:$0x3FB2]  }
0x39: {  	_ = 	snop;
	(pc) =	sbr.ind lr, $3  }
0x3a: {  	_ = 	snop  }
0x3b: {  	_ = 	snop  }
0x3c: {  	p2 =	seq.s32 s10, $0x1;
	s10 =	sld [smem:$0x3FB1]  }
0x3d: {  	_ =	shalt  }
0x3e: {  	_ =	shalt  }
0x3f: {  	_ =	shalt  }
0x40: {  	_ =	shalt  }
0x41: {  	_ =	shalt  }
0x42: {  	_ =	shalt  }
0x43: {  	_ =	shalt  }
0x44: {  	_ =	shalt  }
0x45: {  	_ =	shalt  }
0x46: {  	_ =	shalt  }
0x47: {  	_ =	shalt  }
0x48: {  	_ =	shalt  }
0x49: {  	_ =	shalt  }
0x4a: {  	_ =	shalt  }
0x4b: {  	_ =	shalt  }
0x4c: {  	_ =	shalt  }
0x4d: {  	_ =	shalt  }
0x4e: {  	_ =	shalt  }
0x4f: {  	_ =	shalt  }
0x50: {  	_ =	shalt  }
0x51: {  	_ =	shalt  }
0x52: {  	_ =	shalt  }
0x53: {  	_ =	shalt  }
0x54: {  	_ =	shalt  }
0x55: {  	_ =	shalt  }
0x56: {  	_ =	shalt  }
0x57: {  	_ =	shalt  }
0x58: {  	_ =	shalt  }
0x59: {  	_ =	shalt  }
0x5a: {  	_ =	shalt  }
0x5b: {  	_ =	shalt  }
0x5c: {  	_ =	shalt  }
0x5d: {  	_ =	shalt  }
0x5e: {  	_ =	shalt  }
0x5f: {  	_ =	shalt  }
0x60: {  	_ =	shalt  }
0x61: {  	_ =	shalt  }
0x62: {  	_ =	shalt  }
0x63: {  	_ =	shalt  }
0x64: {  	_ =	shalt  }
0x65: {  	_ =	shalt  }
0x66: {  	_ =	shalt  }
0x67: {  	_ =	shalt  }
0x68: {  	_ =	shalt  }
0x69: {  	_ =	shalt  }
0x6a: {  	_ =	shalt  }
0x6b: {  	_ =	shalt  }
0x6c: {  	_ =	shalt  }
0x6d: {  	_ =	shalt  }
0x6e: {  	_ =	shalt  }
0x6f: {  	_ =	shalt  }
0x70: {  	_ =	shalt  }
0x71: {  	_ =	shalt  }
0x72: {  	_ =	shalt  }
0x73: {  	_ =	shalt  }
0x74: {  	_ =	shalt  }
0x75: {  	_ =	shalt  }
0x76: {  	_ =	shalt  }
0x77: {  	_ =	shalt  }
0x78: {  	_ =	shalt  }
0x79: {  	_ =	shalt  }
0x7a: {  	_ =	shalt  }
0x7b: {  	_ =	shalt  }
0x7c: {  	_ =	shalt  }
0x7d: {  	_ =	shalt  }
0x7e: {  	_ =	shalt  }
0x7f: {  	_ =	shalt  }
0x80: {  	_ =	shalt  }
0x81: {  	_ =	shalt  }
0x82: {  	_ =	shalt  }
0x83: {  	_ =	shalt  }
0x84: {  	_ =	shalt  }
0x85: {  	_ =	shalt  }
0x86: {  	_ =	shalt  }
0x87: {  	_ =	shalt  }
.Lfunc_end0:
.L_simem_size_0:
called_computation.2_lowered:
.L_overlay_start_0:
0x88: {  	s2 =	sld [smem:$0x3FD9]  }
0x89: {  	s3 =	sld [smem:$0x3FFE];
	_ =	sdelay $0x1  }
0x8a: {  	s1 =	srdreg.scid  }
0x8b: {  	s0 =	sand.u32 $0x1, s1  }
0x8c: {  	s16 =	sshll.u32 s0, $0xA;
	s2 =	sadd.s32 s3, s2  }
0x8d: {  	s2 =	sadd.s32 s2, s16  }
0x8e: {  	[smem:$0x3FBD] =	sst s2  }
0x8f: {  	_ = 	snop  }
0x90: {  	(tm) =	ssettm $0x1  }
0x91: {  	s17 =	sld [smem:$0x3FFB];
	_ =	sdelay $0x3  }
0x92: {  	_ =	strace s17  }
0x93: {  	s2 =	sld [smem:$0x3FFC];
	_ =	sdelay $0x3  }
0x94: {  	_ =	strace s2  }
0x95: {  	s2 =	sld [smem:$0x3FFD];
	_ =	sdelay $0x3  }
0x96: {  	_ =	strace s2  }
0x97: {  	_ =	strace $0x8FFFFFFF  }
0x98: {  	s18 =	sld [smem:$0x3FDB];
	_ =	sdelay $0x1  }
0x99: {  	s19 =	simm.s32 $_scs_section_size  }
0x9a: {  	s4 =	simm.s32 $_size__tile_overlayer_lowered;
	s5 =	simm.s32 $_tile_overlayer_lowered  }
0x9b: {  	s22 =	simm.s32 $0x1BFF;
	s21 =	sshll.u32 s5, $0x1;
	s2 =	sadd.s32 s19, s18  }
0x9c: {  	s6 =	simm.s32 $0x0;
	s20 =	sshll.u32 s4, $0x1;
	s4 =	sadd.s32 s21, s2  }
0x9d: {  	[timem:s6], [sflag:s22] =	dma.local [hbm:s4], s20  }
0x9e: {  	_ =	swait.ge [sflag:s22], s20  }
0x9f: {  	s3 =	ssub.s32 $0x0, s20;
	[sflag:s22] =	ssyncset.done $0x0  }
0xa0: {  	[sflag:s22] =	ssyncadd.s32 s3;
	_ =	sdelay $0x1  }
0xa1: {  	s23 =	simm.s32 $0x1B8B  }
0xa2: {  	_ =	swait.ge [sflag:s23], $0x1  }
0xa3: {  	[sflag:s23] =	ssyncset.done $0x0  }
0xa4: {  	s25 =	simm.s32 $0x1B8E;
	s24 =	sld [smem:$0x3FFE];
	[sflag:s23] =	ssyncadd.s32 $0xFFFFFFFF  }
0xa5: {  	s26 =	simm.s32 $execute0_lowered;
	[smem:$0x3FD2] =	sst s25  }
0xa6: {  	s4 =	sshll.u32 s26, $0x1;
	_ =	strace $0x80000049;
	[dreg:$0x1] =	wrdreg $0xFFFFFFFF  }
0xa7: {  	s28 =	simm.s32 $_size_execute0_lowered;
	s2 =	sadd.s32 s2, s4;
	[dreg:$0x0] =	wrdreg $0x0  }
0xa8: {  	s4 =	sshll.u32 s28, $0x1;
	[dreg:$0x2] =	wrdreg s2  }
0xa9: {  	[dreg:$0x3] =	wrdreg s4  }
0xaa: {  	[dreg:$0x4] =	wrdreg $0xC0  }
0xab: {  	_ =	task [dreg:s6], $0x5FFFF  }
0xac: {  	[dreg:$0x1] =	wrdreg $0xFFFFFFFF  }
0xad: {  	[dreg:$0x0] =	wrdreg $0x60  }
0xae: {  	[dreg:$0x2] =	wrdreg s24  }
0xaf: {  	[dreg:$0x3] =	wrdreg $0x90000  }
0xb0: {  	[dreg:$0x4] =	wrdreg $0xA  }
0xb1: {  	_ =	task.clear_ibuf [dreg:s6], $0x5FFFF;
	_ =	strace $0x90000049  }
0xb2: {  	s29 =	simm.s32 $0xA;
	_ =	strace $0x8000004B  }
0xb3: {  	_ =	swait.ge [sflag:s29], $0x1  }
0xb4: {  	[sflag:s29] =	ssyncadd.s32 $0xFFFFFFFF  }
0xb5: {  	_ =	strace $0x9000004B  }
0xb6: {  	_ =	sfence  }
0xb7: {  	s30 =	sld [smem:$0x0];
	_ =	sdelay $0x2  }
0xb8: {  	s31 =	sshll.u32 s1, $0xD;
	s1 =	sshrl.u32 s1, $0x2  }
0xb9: {  	s3 =	sand.u32 $0x4000, s31;
	s1 =	sadd.s32 s1, s30  }
0xba: {  	s0 =	sor.u32 s3, s0;
	s1 =	sshll.u32 s1, $0x11  }
0xbb: {  	s0 =	sor.u32 s1, s0  }
0xbc: {  	s0 =	sadd.s32 $0x8F2B, s0  }
0xbd: {  	[sflag:s0] =	ssyncadd.remote.s32 $0x1  }
0xbe: {  	_ =	sfence.sel $0xFFFF  }
0xbf: {  	[dreg:$0x0] =	wrdreg $0xFFFFFFFF;
	(pc) =	sbr.abs _section_cstart, $3  }
0xc0: {  	[dreg:$0x1] =	wrdreg $0xFFFFFFFF  }
0xc1: {  	_ =	task.clear_ibuf [dreg:s6], $0x2FFFF;
	_ =	strace $0x9FFFFFFF  }
0xc2: {  	(tm) =	ssettm $0x7FFFFFFF  }
0xc3: {  	_ =	shalt  }
tec
execute0_lowered:
.L_overlay_start_1:
0x0: {  	(tag) =	ssettag $0x1  }
0x1: {  	s0 =	rddreg [dreg:$0x0]  }
0x2: {  	s2 =	rddreg [dreg:$0x1];
	s3 =	simm.s32 $0x0;
	s9 =	stileid.u32  }
0x3: {  	s6 =	srdreg.scid;
	s17 =	simm.s32 $0x1000;
	s18 =	simm.s32 $0x5  }
0x4: {  	s19 =	simm.s32 $0x800;
	s20 =	simm.s32 $0x80;
	s1 =	smul.u32 $0xA00, s9  }
0x5: {  	s21 =	simm.s32 $0x5000;
	s28 =	simm.s32 $0x4;
	s7 =	smul.u32 $0x4F000, s9  }
0x6: {  	[smem:$0x7FF] =	sst s3;
	s4 =	sadd.s32 $0x18200, s0;
	s23 =	smul.u32 $0x13C00, s9  }
0x7: {  	s5 =	sadd.s32 $0x3F400, s0;
	s6 =	sand.u32 $0x1, s6;
	s31 =	smul.u32 $0x2780, s9  }
0x8: {  	_ =	strace $0x8000004A;
	s22 =	ssub.s32 $0x2, s6;
	s1 =	sadd.s32 s1, s0  }
0x9: {  	s0 =	sadd.s32 $0x8F400, s0;
	s7 =	sshrl.u32 s7, $0x2;
	[dreg:$0xa] =	wrdreg s31  }
0xa: {  	p0 =	sne.s32 s6, $0x0;
	[dreg:$0x3] =	wrdreg s0;
	s24 =	sadd.s32 s7, s2  }
0xb: {  	s8 =	sshrl.u32 s22, $0x1;
	s25 =	sadd.s32 $0x4000, s24;
	[dreg:$0x4] =	wrdreg s24  }
0xc: {  	s0 =	ssub.s32 s22, s8;
	s26 =	sadd.s32 $0x8000, s24;
	[dreg:$0x5] =	wrdreg s25  }
0xd: {  	s7 =	sshrl.u32 s23, $0x3;
	s29 =	sadd.s32 $0xC000, s24;
	[dreg:$0x6] =	wrdreg s26  }
.Ltmp0:
0xe: {  	s30 =	sadd.s32 $0x10000, s24;
	[dreg:$0x7] =	wrdreg s29;
	(pc) =	sbr.rel .LBB2_1-.Ltmp0, $4  }
0xf: {  	s15 =	sadd.s32 $0xE200, s1;
	s7 =	sadd.s32 $0x27800, s7;
	[dreg:$0x8] =	wrdreg s30  }
0x10: {  	s16 =	sadd.s32 $0x4200, s1;
	s0 =	smax.u32 s0, $0x1;
	[dreg:$0x9] =	wrdreg s7  }
0x11: {  	s22 =	simm.s32 $0x1;
	s23 =	simm.s32 $0x3;
	[dreg:$0xb] =	wrdreg s0  }
0x12: {  	v0 =	vimm.f32 $0.0e+00;
	s26 =	simm.s32 $0x100;
	s25 =	simm.s32 $0x2;
	s0 =	simm.s32 $0x0  }
.LBB2_9:
0x13: {  	s7 =	sadd.s32 s11, s16;
	[sflag:s28] =	ssyncadd.s32 $0xFFFFC000  }
0x14: {  	[tilespmem:s3], [sflag:$0x5] =	stream.linear.gather [hbm4b:s7+s3], $0x800, $0x38;
	[tilespmem:$0x1CC00] =	vst v63  }
0x15: {  	_ =	swait.ge [sflag:s18], $0x800  }
0x16: {  	[sflag:s18] =	ssyncset.done $0x0  }
0x17: {  	s14 =	sadd.s32 s11, s15;
	[sflag:s18] =	ssyncadd.s32 $0xFFFFF800  }
0x18: {  	[tilespmem:s19], [sflag:$0x5] =	stream.linear.gather [hbm4b:s14+s3], $0x800, $0x38;
	[tilespmem:$0x1CC00] =	vst v63  }
0x19: {  	_ =	swait.ge [sflag:s18], $0x800  }
0x1a: {  	[sflag:s18] =	ssyncset.done $0x0  }
0x1b: {  	[sflag:s18] =	ssyncadd.s32 $0xFFFFF800  }
0x1c: {  	[tilespmem:s17], [sflag:$0x1] =	stream.indirect.gather [hbm4b:s5+s20], $0x80, s3, s20, $0xb8;
	[tilespmem:$0x1CC00] =	vst v63  }
0x1d: {  	_ = 	snop  }
0x1e: {  	[tilespmem:s21], [sflag:$0x2] =	stream.indirect.gather [hbm4b:s5+s20], $0x80, s20, s20, $0xb8;
	[tilespmem:$0x1CC00] =	vst v63  }
0x1f: {  	_ =	swait.ge [sflag:s22], $0x4000  }
0x20: {  	[sflag:s22] =	ssyncset.done $0x0  }
0x21: {  	[sflag:s22] =	ssyncadd.s32 $0xFFFFC000  }
0x22: {  	[spmem:s2] =	stream.indirect.scatter.add.f32 [tilespmem:s17], [sflag:$0x3], $0x80, s19, s20, $0xb8;
	[tilespmem:$0x1CC00] =	vst v63  }
0x23: {  	_ =	swait.ge [sflag:s23], $0x4000  }
0x24: {  	[sflag:s23] =	ssyncset.done $0x0  }
0x25: {  	[sflag:s23] =	ssyncadd.s32 $0xFFFFC000  }
0x26: {  	[tilespmem:s17], [sflag:$0x1] =	stream.indirect.gather [hbm4b:s5+s20], $0x80, s26, s20, $0xb8;
	[tilespmem:$0x1CC00] =	vst v63  }
0x27: {  	_ =	swait.ge [sflag:s25], $0x4000  }
0x28: {  	[sflag:s25] =	ssyncset.done $0x0  }
0x29: {  	[sflag:s25] =	ssyncadd.s32 $0xFFFFC000  }
0x2a: {  	[spmem:s2] =	stream.indirect.scatter.add.f32 [tilespmem:s21], [sflag:$0x4], $0x80, s24, s20, $0xb8;
	[tilespmem:$0x1CC00] =	vst v63  }
0x2b: {  	_ =	swait.ge [sflag:s28], $0x4000  }
0x2c: {  	[sflag:s28] =	ssyncset.done $0x0  }
0x2d: {  	[sflag:s28] =	ssyncadd.s32 $0xFFFFC000  }
0x2e: {  	[tilespmem:s21], [sflag:$0x2] =	stream.indirect.gather [hbm4b:s5+s20], $0x80, s29, s20, $0xb8;
	[tilespmem:$0x1CC00] =	vst v63  }
0x2f: {  	_ =	swait.ge [sflag:s22], $0x4000  }
0x30: {  	[sflag:s22] =	ssyncset.done $0x0  }
0x31: {  	[sflag:s22] =	ssyncadd.s32 $0xFFFFC000  }
0x32: {  	[spmem:s2] =	stream.indirect.scatter.add.f32 [tilespmem:s17], [sflag:$0x3], $0x80, s30, s20, $0xb8;
	[tilespmem:$0x1CC00] =	vst v63  }
0x33: {  	_ =	swait.ge [sflag:s23], $0x4000  }
0x34: {  	[sflag:s23] =	ssyncset.done $0x0  }
0x35: {  	[sflag:s23] =	ssyncadd.s32 $0xFFFFC000  }
0x36: {  	[tilespmem:s17], [sflag:$0x1] =	stream.indirect.gather [hbm4b:s5+s20], $0x80, s31, s20, $0xb8;
	[tilespmem:$0x1CC00] =	vst v63  }
0x37: {  	_ =	swait.ge [sflag:s25], $0x4000  }
0x38: {  	[sflag:s25] =	ssyncset.done $0x0  }
0x39: {  	[sflag:s25] =	ssyncadd.s32 $0xFFFFC000  }
0x3a: {  	[spmem:s2] =	stream.indirect.scatter.add.f32 [tilespmem:s21], [sflag:$0x4], $0x80, s0, s20, $0xb8;
	[tilespmem:$0x1CC00] =	vst v63  }
0x3b: {  	_ =	swait.ge [sflag:s28], $0x4000  }
0x3c: {  	[sflag:s28] =	ssyncset.done $0x0  }
0x3d: {  	[sflag:s28] =	ssyncadd.s32 $0xFFFFC000  }
0x3e: {  	[tilespmem:s21], [sflag:$0x2] =	stream.indirect.gather [hbm4b:s5+s20], $0x80, s12, s20, $0xb8;
	[tilespmem:$0x1CC00] =	vst v63  }
0x3f: {  	_ =	swait.ge [sflag:s22], $0x4000  }
0x40: {  	[sflag:s22] =	ssyncset.done $0x0  }
0x41: {  	[sflag:s22] =	ssyncadd.s32 $0xFFFFC000  }
0x42: {  	[spmem:s2] =	stream.indirect.scatter.add.f32 [tilespmem:s17], [sflag:$0x3], $0x80, s13, s20, $0xb8;
	[tilespmem:$0x1CC00] =	vst v63  }
0x43: {  	_ =	swait.ge [sflag:s23], $0x4000  }
0x44: {  	[sflag:s23] =	ssyncset.done $0x0  }
0x45: {  	[sflag:s23] =	ssyncadd.s32 $0xFFFFC000  }
0x46: {  	[tilespmem:s17], [sflag:$0x1] =	stream.indirect.gather [hbm4b:s5+s20], $0x80, s1, s20, $0xb8;
	[tilespmem:$0x1CC00] =	vst v63  }
0x47: {  	_ =	swait.ge [sflag:s25], $0x4000  }
0x48: {  	[sflag:s25] =	ssyncset.done $0x0  }
0x49: {  	[sflag:s25] =	ssyncadd.s32 $0xFFFFC000  }
0x4a: {  	[spmem:s2] =	stream.indirect.scatter.add.f32 [tilespmem:s21], [sflag:$0x4], $0x80, s6, s20, $0xb8;
	[tilespmem:$0x1CC00] =	vst v63  }
0x4b: {  	_ =	swait.ge [sflag:s28], $0x4000  }
0x4c: {  	[sflag:s28] =	ssyncset.done $0x0  }
0x4d: {  	[sflag:s28] =	ssyncadd.s32 $0xFFFFC000  }
0x4e: {  	[tilespmem:s21], [sflag:$0x2] =	stream.indirect.gather [hbm4b:s5+s20], $0x80, s8, s20, $0xb8;
	[tilespmem:$0x1CC00] =	vst v63  }
0x4f: {  	_ =	swait.ge [sflag:s22], $0x4000  }
0x50: {  	[sflag:s22] =	ssyncset.done $0x0  }
0x51: {  	[sflag:s22] =	ssyncadd.s32 $0xFFFFC000  }
0x52: {  	[spmem:s2] =	stream.indirect.scatter.add.f32 [tilespmem:s17], [sflag:$0x3], $0x80, s9, s20, $0xb8;
	[tilespmem:$0x1CC00] =	vst v63  }
0x53: {  	_ =	swait.ge [sflag:s23], $0x4000  }
0x54: {  	[sflag:s23] =	ssyncset.done $0x0  }
0x55: {  	[sflag:s23] =	ssyncadd.s32 $0xFFFFC000  }
0x56: {  	[tilespmem:s17], [sflag:$0x1] =	stream.indirect.gather [hbm4b:s5+s20], $0x80, s10, s20, $0xb8;
	[tilespmem:$0x1CC00] =	vst v63  }
0x57: {  	_ =	swait.ge [sflag:s25], $0x4000  }
0x58: {  	[sflag:s25] =	ssyncset.done $0x0  }
0x59: {  	s30 =	simm.s32 $0xB80;
	[sflag:s25] =	ssyncadd.s32 $0xFFFFC000  }
0x5a: {  	[spmem:s2] =	stream.indirect.scatter.add.f32 [tilespmem:s21], [sflag:$0x4], $0x80, s30, s20, $0xb8;
	[tilespmem:$0x1CC00] =	vst v63  }
0x5b: {  	_ =	swait.ge [sflag:s28], $0x4000  }
0x5c: {  	[sflag:s28] =	ssyncset.done $0x0  }
0x5d: {  	s31 =	simm.s32 $0x480;
	[sflag:s28] =	ssyncadd.s32 $0xFFFFC000  }
0x5e: {  	[tilespmem:s21], [sflag:$0x2] =	stream.indirect.gather [hbm4b:s5+s20], $0x80, s31, s20, $0xb8;
	[tilespmem:$0x1CC00] =	vst v63  }
0x5f: {  	_ =	swait.ge [sflag:s22], $0x4000  }
0x60: {  	[sflag:s22] =	ssyncset.done $0x0  }
0x61: {  	s1 =	simm.s32 $0xC00;
	[sflag:s22] =	ssyncadd.s32 $0xFFFFC000  }
0x62: {  	[spmem:s2] =	stream.indirect.scatter.add.f32 [tilespmem:s17], [sflag:$0x3], $0x80, s1, s20, $0xb8;
	[tilespmem:$0x1CC00] =	vst v63  }
0x63: {  	_ =	swait.ge [sflag:s23], $0x4000  }
0x64: {  	[sflag:s23] =	ssyncset.done $0x0  }
0x65: {  	s6 =	simm.s32 $0x500;
	[sflag:s23] =	ssyncadd.s32 $0xFFFFC000  }
0x66: {  	[tilespmem:s17], [sflag:$0x1] =	stream.indirect.gather [hbm4b:s5+s20], $0x80, s6, s20, $0xb8;
	[tilespmem:$0x1CC00] =	vst v63  }
0x67: {  	_ =	swait.ge [sflag:s25], $0x4000  }
0x68: {  	[sflag:s25] =	ssyncset.done $0x0  }
0x69: {  	s7 =	simm.s32 $0xC80;
	[sflag:s25] =	ssyncadd.s32 $0xFFFFC000  }
0x6a: {  	[spmem:s2] =	stream.indirect.scatter.add.f32 [tilespmem:s21], [sflag:$0x4], $0x80, s7, s20, $0xb8;
	[tilespmem:$0x1CC00] =	vst v63  }
0x6b: {  	_ =	swait.ge [sflag:s28], $0x4000  }
0x6c: {  	[sflag:s28] =	ssyncset.done $0x0  }
0x6d: {  	s8 =	simm.s32 $0x580;
	[sflag:s28] =	ssyncadd.s32 $0xFFFFC000  }
0x6e: {  	[tilespmem:s21], [sflag:$0x2] =	stream.indirect.gather [hbm4b:s5+s20], $0x80, s8, s20, $0xb8;
	[tilespmem:$0x1CC00] =	vst v63  }
0x6f: {  	_ =	swait.ge [sflag:s22], $0x4000  }
0x70: {  	[sflag:s22] =	ssyncset.done $0x0  }
0x71: {  	s9 =	simm.s32 $0xD00;
	[sflag:s22] =	ssyncadd.s32 $0xFFFFC000  }
0x72: {  	[spmem:s2] =	stream.indirect.scatter.add.f32 [tilespmem:s17], [sflag:$0x3], $0x80, s9, s20, $0xb8;
	[tilespmem:$0x1CC00] =	vst v63  }
0x73: {  	_ =	swait.ge [sflag:s23], $0x4000  }
0x74: {  	[sflag:s23] =	ssyncset.done $0x0  }
0x75: {  	s10 =	simm.s32 $0x600;
	[sflag:s23] =	ssyncadd.s32 $0xFFFFC000  }
0x76: {  	[tilespmem:s17], [sflag:$0x1] =	stream.indirect.gather [hbm4b:s5+s20], $0x80, s10, s20, $0xb8;
	[tilespmem:$0x1CC00] =	vst v63  }
0x77: {  	_ =	swait.ge [sflag:s25], $0x4000  }
0x78: {  	[sflag:s25] =	ssyncset.done $0x0  }
0x79: {  	s11 =	simm.s32 $0xD80;
	[sflag:s25] =	ssyncadd.s32 $0xFFFFC000  }
0x7a: {  	[spmem:s2] =	stream.indirect.scatter.add.f32 [tilespmem:s21], [sflag:$0x4], $0x80, s11, s20, $0xb8;
	[tilespmem:$0x1CC00] =	vst v63  }
0x7b: {  	_ =	swait.ge [sflag:s28], $0x4000  }
0x7c: {  	[sflag:s28] =	ssyncset.done $0x0  }
0x7d: {  	s12 =	simm.s32 $0x680;
	[sflag:s28] =	ssyncadd.s32 $0xFFFFC000  }
0x7e: {  	[tilespmem:s21], [sflag:$0x2] =	stream.indirect.gather [hbm4b:s5+s20], $0x80, s12, s20, $0xb8;
	[tilespmem:$0x1CC00] =	vst v63  }
0x7f: {  	_ =	swait.ge [sflag:s22], $0x4000  }
0x80: {  	[sflag:s22] =	ssyncset.done $0x0  }
0x81: {  	s13 =	simm.s32 $0xE00;
	[sflag:s22] =	ssyncadd.s32 $0xFFFFC000  }
0x82: {  	[spmem:s2] =	stream.indirect.scatter.add.f32 [tilespmem:s17], [sflag:$0x3], $0x80, s13, s20, $0xb8;
	[tilespmem:$0x1CC00] =	vst v63  }
0x83: {  	_ =	swait.ge [sflag:s23], $0x4000  }
0x84: {  	[sflag:s23] =	ssyncset.done $0x0  }
0x85: {  	s14 =	simm.s32 $0x700;
	[sflag:s23] =	ssyncadd.s32 $0xFFFFC000  }
0x86: {  	[tilespmem:s17], [sflag:$0x1] =	stream.indirect.gather [hbm4b:s5+s20], $0x80, s14, s20, $0xb8;
	[tilespmem:$0x1CC00] =	vst v63  }
0x87: {  	_ =	swait.ge [sflag:s25], $0x4000  }
0x88: {  	[sflag:s25] =	ssyncset.done $0x0  }
0x89: {  	s24 =	simm.s32 $0xE80;
	[sflag:s25] =	ssyncadd.s32 $0xFFFFC000  }
0x8a: {  	[spmem:s2] =	stream.indirect.scatter.add.f32 [tilespmem:s21], [sflag:$0x4], $0x80, s24, s20, $0xb8;
	[tilespmem:$0x1CC00] =	vst v63  }
0x8b: {  	_ =	swait.ge [sflag:s28], $0x4000  }
0x8c: {  	[sflag:s28] =	ssyncset.done $0x0  }
0x8d: {  	s29 =	simm.s32 $0x780;
	[sflag:s28] =	ssyncadd.s32 $0xFFFFC000  }
0x8e: {  	[tilespmem:s21], [sflag:$0x2] =	stream.indirect.gather [hbm4b:s5+s20], $0x80, s29, s20, $0xb8;
	[tilespmem:$0x1CC00] =	vst v63  }
0x8f: {  	_ =	swait.ge [sflag:s22], $0x4000  }
0x90: {  	[sflag:s22] =	ssyncset.done $0x0  }
0x91: {  	s30 =	simm.s32 $0xF00;
	[sflag:s22] =	ssyncadd.s32 $0xFFFFC000  }
0x92: {  	[spmem:s2] =	stream.indirect.scatter.add.f32 [tilespmem:s17], [sflag:$0x3], $0x80, s30, s20, $0xb8;
	[tilespmem:$0x1CC00] =	vst v63  }
0x93: {  	_ =	swait.ge [sflag:s25], $0x4000  }
0x94: {  	[sflag:s25] =	ssyncset.done $0x0  }
0x95: {  	s31 =	simm.s32 $0xF80;
	[sflag:s25] =	ssyncadd.s32 $0xFFFFC000  }
0x96: {  	[spmem:s2] =	stream.indirect.scatter.add.f32 [tilespmem:s21], [sflag:$0x4], $0x80, s31, s20, $0xb8;
	[tilespmem:$0x1CC00] =	vst v63  }
0x97: {  	_ =	swait.ge [sflag:s23], $0x4000  }
0x98: {  	[sflag:s23] =	ssyncset.done $0x0  }
0x99: {  	[sflag:s23] =	ssyncadd.s32 $0xFFFFC000  }
0x9a: {  	_ =	swait.ge [sflag:s28], $0x4000  }
0x9b: {  	[sflag:s28] =	ssyncset.done $0x0;
	s7 =	rddreg [dreg:$0x9]  }
0x9c: {  	s0 =	rddreg [dreg:$0xc];
	[sflag:s28] =	ssyncadd.s32 $0xFFFFC000  }
.LBB2_10:
0x9d: {  	s11 =	rddreg [dreg:$0x3];
	s30 =	stileid.u32;
	[bflag:$0x0] =	sbarrier.arrive $0xFFFF  }
0x9e: {  	s7 =	sadd.s32 s11, s7;
	s11 =	sshll.u32 s30, $0x6;
	s24 =	rddreg [dreg:$0x4]  }
0x9f: {  	s11 =	sor.u32 $0x1C05, s11;
	s14 =	sshrl.u32 s24, $0x3  }
0xa0: {  	[hbm:s7], [sflag:s11] =	dma.local [spmem:s14], $0x2780  }
0xa1: {  	_ =	swait.ge [sflag:s18], $0x2780  }
0xa2: {  	s0 =	sadd.s32 $0x1, s0;
	s31 =	rddreg [dreg:$0xb]  }
0xa3: {  	p1 =	sne.s32 s0, s31  }
.Ltmp1:
0xa4: {  	_ = 	snop;
	(pc) =	sbr.rel @!p1 .LBB2_11-.Ltmp1, $3  }
0xa5: {  	_ =	sdelay $0x1  }
0xa6: {  	[sflag:s18] =	ssyncset.done $0x0  }
0xa7: {  	[sflag:s18] =	ssyncadd.s32 $0xFFFFD880  }
.LBB2_1:
0xa8: {  	s11 =	simm.s32 $0x0;
	s14 =	simm.s32 $0x200  }
.LBB2_2:
0xa9: {  	p1 =	sne.s32 s14, $0xFE00;
	[tilespmem:s11+$0x1070] =	vst v0  }
0xaa: {  	[tilespmem:s11+$0x1000] =	vst v0  }
0xab: {  	[tilespmem:s11+$0x1010] =	vst v0  }
.Ltmp2:
0xac: {  	[tilespmem:s11+$0x1020] =	vst v0;
	(pc) =	sbr.rel @p1 .LBB2_2-.Ltmp2, $4  }
0xad: {  	[tilespmem:s11+$0x1030] =	vst v0  }
0xae: {  	[tilespmem:s11+$0x1040] =	vst v0  }
0xaf: {  	[tilespmem:s11+$0x1050] =	vst v0  }
0xb0: {  	[tilespmem:s11+$0x1060] =	vst v0;
	s11 =	sshra.s32 s14, $0x2;
	s14 =	sadd.s32 $0x200, s14  }
0xb1: {  	[tilespmem:s11+$0x1070] =	vst v0  }
0xb2: {  	[tilespmem:s11+$0x1000] =	vst v0  }
0xb3: {  	[tilespmem:s11+$0x1010] =	vst v0  }
0xb4: {  	[tilespmem:s11+$0x1020] =	vst v0  }
0xb5: {  	[tilespmem:s11+$0x1030] =	vst v0  }
0xb6: {  	[tilespmem:s11+$0x1040] =	vst v0  }
0xb7: {  	[tilespmem:s11+$0x1050] =	vst v0  }
0xb8: {  	[dreg:$0xc] =	wrdreg s0;
	[tilespmem:s11+$0x1060] =	vst v0  }
0xb9: {  	[spmem:s24] =	stream.linear.scatter [tilespmem:s17], [sflag:$0x5], $0x4000, $0x38;
	[tilespmem:$0x1CC00] =	vst v63  }
0xba: {  	_ =	swait.ge [sflag:s18], $0x4000  }
0xbb: {  	[sflag:s18] =	ssyncset.done $0x0  }
0xbc: {  	s7 =	rddreg [dreg:$0x5];
	[sflag:s18] =	ssyncadd.s32 $0xFFFFC000  }
0xbd: {  	[spmem:s7] =	stream.linear.scatter [tilespmem:s17], [sflag:$0x5], $0x4000, $0x38;
	[tilespmem:$0x1CC00] =	vst v63  }
0xbe: {  	_ =	swait.ge [sflag:s18], $0x4000  }
0xbf: {  	[sflag:s18] =	ssyncset.done $0x0  }
0xc0: {  	s29 =	rddreg [dreg:$0x6];
	[sflag:s18] =	ssyncadd.s32 $0xFFFFC000  }
0xc1: {  	[spmem:s29] =	stream.linear.scatter [tilespmem:s17], [sflag:$0x5], $0x4000, $0x38;
	[tilespmem:$0x1CC00] =	vst v63  }
0xc2: {  	_ =	swait.ge [sflag:s18], $0x4000  }
0xc3: {  	[sflag:s18] =	ssyncset.done $0x0  }
0xc4: {  	s30 =	rddreg [dreg:$0x7];
	[sflag:s18] =	ssyncadd.s32 $0xFFFFC000  }
0xc5: {  	[spmem:s30] =	stream.linear.scatter [tilespmem:s17], [sflag:$0x5], $0x4000, $0x38;
	[tilespmem:$0x1CC00] =	vst v63  }
0xc6: {  	_ =	swait.ge [sflag:s18], $0x4000  }
0xc7: {  	[sflag:s18] =	ssyncset.done $0x0  }
0xc8: {  	s31 =	rddreg [dreg:$0x8];
	[sflag:s18] =	ssyncadd.s32 $0xFFFFC000  }
0xc9: {  	[spmem:s31] =	stream.linear.scatter [tilespmem:s17], [sflag:$0x5], $0x3C00, $0x38;
	[tilespmem:$0x1CC00] =	vst v63  }
.Ltmp3:
0xca: {  	_ =	swait.ge [sflag:s18], $0x3C00;
	(pc) =	sbr.rel @p0 .LBB2_7-.Ltmp3, $4  }
0xcb: {  	[sflag:s18] =	ssyncset.done $0x0  }
0xcc: {  	[sflag:s18] =	ssyncadd.s32 $0xFFFFC400  }
0xcd: {  	[bflag:$0x0] =	sbarrier.arrive $0xFFFF  }
0xce: {  	s7 =	sadd.s32 $0x0, s16  }
0xcf: {  	[tilespmem:s3], [sflag:$0x5] =	stream.linear.gather [hbm4b:s7+s3], $0x800, $0x38;
	[tilespmem:$0x1CC00] =	vst v63  }
0xd0: {  	_ =	swait.ge [sflag:s18], $0x800  }
0xd1: {  	[sflag:s18] =	ssyncset.done $0x0  }
0xd2: {  	s9 =	sadd.s32 $0x0, s15;
	[sflag:s18] =	ssyncadd.s32 $0xFFFFF800  }
0xd3: {  	[tilespmem:s19], [sflag:$0x5] =	stream.linear.gather [hbm4b:s9+s3], $0x800, $0x38;
	[tilespmem:$0x1CC00] =	vst v63  }
0xd4: {  	_ =	swait.ge [sflag:s18], $0x800  }
0xd5: {  	[sflag:s18] =	ssyncset.done $0x0  }
0xd6: {  	[sflag:s18] =	ssyncadd.s32 $0xFFFFF800  }
0xd7: {  	[tilespmem:s17], [sflag:$0x1] =	stream.indirect.gather [hbm4b:s4+s20], $0x80, s3, s20, $0xb8;
	[tilespmem:$0x1CC00] =	vst v63  }
0xd8: {  	_ = 	snop  }
0xd9: {  	[tilespmem:s21], [sflag:$0x2] =	stream.indirect.gather [hbm4b:s4+s20], $0x80, s20, s20, $0xb8;
	[tilespmem:$0x1CC00] =	vst v63  }
0xda: {  	_ =	swait.ge [sflag:s22], $0x4000  }
0xdb: {  	[sflag:s22] =	ssyncset.done $0x0  }
0xdc: {  	[sflag:s22] =	ssyncadd.s32 $0xFFFFC000  }
0xdd: {  	[spmem:s2] =	stream.indirect.scatter.add.f32 [tilespmem:s17], [sflag:$0x3], $0x80, s19, s20, $0xb8;
	[tilespmem:$0x1CC00] =	vst v63  }
0xde: {  	_ =	swait.ge [sflag:s23], $0x4000  }
0xdf: {  	[sflag:s23] =	ssyncset.done $0x0  }
0xe0: {  	[sflag:s23] =	ssyncadd.s32 $0xFFFFC000  }
0xe1: {  	[tilespmem:s17], [sflag:$0x1] =	stream.indirect.gather [hbm4b:s4+s20], $0x80, s26, s20, $0xb8;
	[tilespmem:$0x1CC00] =	vst v63  }
0xe2: {  	_ =	swait.ge [sflag:s25], $0x4000  }
0xe3: {  	[sflag:s25] =	ssyncset.done $0x0  }
0xe4: {  	s10 =	simm.s32 $0x880;
	[sflag:s25] =	ssyncadd.s32 $0xFFFFC000  }
0xe5: {  	[spmem:s2] =	stream.indirect.scatter.add.f32 [tilespmem:s21], [sflag:$0x4], $0x80, s10, s20, $0xb8;
	[tilespmem:$0x1CC00] =	vst v63  }
0xe6: {  	_ =	swait.ge [sflag:s28], $0x4000  }
0xe7: {  	[sflag:s28] =	ssyncset.done $0x0  }
0xe8: {  	s29 =	simm.s32 $0x180;
	[sflag:s28] =	ssyncadd.s32 $0xFFFFC000  }
0xe9: {  	[tilespmem:s21], [sflag:$0x2] =	stream.indirect.gather [hbm4b:s4+s20], $0x80, s29, s20, $0xb8;
	[tilespmem:$0x1CC00] =	vst v63  }
0xea: {  	_ =	swait.ge [sflag:s22], $0x4000  }
0xeb: {  	[sflag:s22] =	ssyncset.done $0x0  }
0xec: {  	s30 =	simm.s32 $0x900;
	[sflag:s22] =	ssyncadd.s32 $0xFFFFC000  }
0xed: {  	[spmem:s2] =	stream.indirect.scatter.add.f32 [tilespmem:s17], [sflag:$0x3], $0x80, s30, s20, $0xb8;
	[tilespmem:$0x1CC00] =	vst v63  }
0xee: {  	_ =	swait.ge [sflag:s23], $0x4000  }
0xef: {  	[sflag:s23] =	ssyncset.done $0x0  }
0xf0: {  	s31 =	simm.s32 $0x200;
	[sflag:s23] =	ssyncadd.s32 $0xFFFFC000  }
0xf1: {  	[tilespmem:s17], [sflag:$0x1] =	stream.indirect.gather [hbm4b:s4+s20], $0x80, s31, s20, $0xb8;
	[tilespmem:$0x1CC00] =	vst v63  }
0xf2: {  	_ =	swait.ge [sflag:s25], $0x4000  }
0xf3: {  	[sflag:s25] =	ssyncset.done $0x0  }
0xf4: {  	s0 =	simm.s32 $0x980;
	[sflag:s25] =	ssyncadd.s32 $0xFFFFC000  }
0xf5: {  	[spmem:s2] =	stream.indirect.scatter.add.f32 [tilespmem:s21], [sflag:$0x4], $0x80, s0, s20, $0xb8;
	[tilespmem:$0x1CC00] =	vst v63  }
0xf6: {  	_ =	swait.ge [sflag:s28], $0x4000  }
0xf7: {  	[sflag:s28] =	ssyncset.done $0x0  }
0xf8: {  	s12 =	simm.s32 $0x280;
	[sflag:s28] =	ssyncadd.s32 $0xFFFFC000  }
0xf9: {  	[tilespmem:s21], [sflag:$0x2] =	stream.indirect.gather [hbm4b:s4+s20], $0x80, s12, s20, $0xb8;
	[tilespmem:$0x1CC00] =	vst v63  }
0xfa: {  	_ =	swait.ge [sflag:s22], $0x4000  }
0xfb: {  	[sflag:s22] =	ssyncset.done $0x0  }
0xfc: {  	s13 =	simm.s32 $0xA00;
	[sflag:s22] =	ssyncadd.s32 $0xFFFFC000  }
0xfd: {  	[spmem:s2] =	stream.indirect.scatter.add.f32 [tilespmem:s17], [sflag:$0x3], $0x80, s13, s20, $0xb8;
	[tilespmem:$0x1CC00] =	vst v63  }
0xfe: {  	_ =	swait.ge [sflag:s23], $0x4000  }
0xff: {  	[sflag:s23] =	ssyncset.done $0x0  }
0x100: {  	s1 =	simm.s32 $0x300;
	[sflag:s23] =	ssyncadd.s32 $0xFFFFC000  }
0x101: {  	[tilespmem:s17], [sflag:$0x1] =	stream.indirect.gather [hbm4b:s4+s20], $0x80, s1, s20, $0xb8;
	[tilespmem:$0x1CC00] =	vst v63  }
0x102: {  	_ =	swait.ge [sflag:s25], $0x4000  }
0x103: {  	[sflag:s25] =	ssyncset.done $0x0  }
0x104: {  	s6 =	simm.s32 $0xA80;
	[sflag:s25] =	ssyncadd.s32 $0xFFFFC000  }
0x105: {  	[spmem:s2] =	stream.indirect.scatter.add.f32 [tilespmem:s21], [sflag:$0x4], $0x80, s6, s20, $0xb8;
	[tilespmem:$0x1CC00] =	vst v63  }
0x106: {  	_ =	swait.ge [sflag:s28], $0x4000  }
0x107: {  	[sflag:s28] =	ssyncset.done $0x0  }
0x108: {  	s8 =	simm.s32 $0x380;
	[sflag:s28] =	ssyncadd.s32 $0xFFFFC000  }
0x109: {  	[tilespmem:s21], [sflag:$0x2] =	stream.indirect.gather [hbm4b:s4+s20], $0x80, s8, s20, $0xb8;
	[tilespmem:$0x1CC00] =	vst v63  }
0x10a: {  	_ =	swait.ge [sflag:s22], $0x4000  }
0x10b: {  	[sflag:s22] =	ssyncset.done $0x0  }
0x10c: {  	s9 =	simm.s32 $0xB00;
	[sflag:s22] =	ssyncadd.s32 $0xFFFFC000  }
0x10d: {  	[spmem:s2] =	stream.indirect.scatter.add.f32 [tilespmem:s17], [sflag:$0x3], $0x80, s9, s20, $0xb8;
	[tilespmem:$0x1CC00] =	vst v63  }
0x10e: {  	_ =	swait.ge [sflag:s23], $0x4000  }
0x10f: {  	[sflag:s23] =	ssyncset.done $0x0  }
0x110: {  	s10 =	simm.s32 $0x400;
	[sflag:s23] =	ssyncadd.s32 $0xFFFFC000  }
0x111: {  	[tilespmem:s17], [sflag:$0x1] =	stream.indirect.gather [hbm4b:s4+s20], $0x80, s10, s20, $0xb8;
	[tilespmem:$0x1CC00] =	vst v63  }
0x112: {  	_ =	swait.ge [sflag:s25], $0x4000  }
0x113: {  	[sflag:s25] =	ssyncset.done $0x0  }
0x114: {  	s11 =	simm.s32 $0xB80;
	[sflag:s25] =	ssyncadd.s32 $0xFFFFC000  }
0x115: {  	[spmem:s2] =	stream.indirect.scatter.add.f32 [tilespmem:s21], [sflag:$0x4], $0x80, s11, s20, $0xb8;
	[tilespmem:$0x1CC00] =	vst v63  }
0x116: {  	_ =	swait.ge [sflag:s28], $0x4000  }
0x117: {  	[sflag:s28] =	ssyncset.done $0x0  }
0x118: {  	s14 =	simm.s32 $0x480;
	[sflag:s28] =	ssyncadd.s32 $0xFFFFC000  }
0x119: {  	[tilespmem:s21], [sflag:$0x2] =	stream.indirect.gather [hbm4b:s4+s20], $0x80, s14, s20, $0xb8;
	[tilespmem:$0x1CC00] =	vst v63  }
0x11a: {  	_ =	swait.ge [sflag:s22], $0x4000  }
0x11b: {  	[sflag:s22] =	ssyncset.done $0x0  }
0x11c: {  	s24 =	simm.s32 $0xC00;
	[sflag:s22] =	ssyncadd.s32 $0xFFFFC000  }
0x11d: {  	[spmem:s2] =	stream.indirect.scatter.add.f32 [tilespmem:s17], [sflag:$0x3], $0x80, s24, s20, $0xb8;
	[tilespmem:$0x1CC00] =	vst v63  }
0x11e: {  	_ =	swait.ge [sflag:s23], $0x4000  }
0x11f: {  	[sflag:s23] =	ssyncset.done $0x0  }
0x120: {  	s26 =	simm.s32 $0x500;
	[sflag:s23] =	ssyncadd.s32 $0xFFFFC000  }
0x121: {  	[tilespmem:s17], [sflag:$0x1] =	stream.indirect.gather [hbm4b:s4+s20], $0x80, s26, s20, $0xb8;
	[tilespmem:$0x1CC00] =	vst v63  }
0x122: {  	_ =	swait.ge [sflag:s25], $0x4000  }
0x123: {  	[sflag:s25] =	ssyncset.done $0x0  }
0x124: {  	s11 =	simm.s32 $0xC80;
	[sflag:s25] =	ssyncadd.s32 $0xFFFFC000  }
0x125: {  	[spmem:s2] =	stream.indirect.scatter.add.f32 [tilespmem:s21], [sflag:$0x4], $0x80, s11, s20, $0xb8;
	[tilespmem:$0x1CC00] =	vst v63  }
0x126: {  	_ =	swait.ge [sflag:s28], $0x4000  }
0x127: {  	[sflag:s28] =	ssyncset.done $0x0  }
0x128: {  	s14 =	simm.s32 $0x580;
	[sflag:s28] =	ssyncadd.s32 $0xFFFFC000  }
0x129: {  	[tilespmem:s21], [sflag:$0x2] =	stream.indirect.gather [hbm4b:s4+s20], $0x80, s14, s20, $0xb8;
	[tilespmem:$0x1CC00] =	vst v63  }
0x12a: {  	_ =	swait.ge [sflag:s22], $0x4000  }
0x12b: {  	[sflag:s22] =	ssyncset.done $0x0  }
0x12c: {  	s24 =	simm.s32 $0xD00;
	[sflag:s22] =	ssyncadd.s32 $0xFFFFC000  }
0x12d: {  	[spmem:s2] =	stream.indirect.scatter.add.f32 [tilespmem:s17], [sflag:$0x3], $0x80, s24, s20, $0xb8;
	[tilespmem:$0x1CC00] =	vst v63  }
0x12e: {  	_ =	swait.ge [sflag:s23], $0x4000  }
0x12f: {  	[sflag:s23] =	ssyncset.done $0x0  }
0x130: {  	s26 =	simm.s32 $0x600;
	[sflag:s23] =	ssyncadd.s32 $0xFFFFC000  }
0x131: {  	[tilespmem:s17], [sflag:$0x1] =	stream.indirect.gather [hbm4b:s4+s20], $0x80, s26, s20, $0xb8;
	[tilespmem:$0x1CC00] =	vst v63  }
0x132: {  	_ =	swait.ge [sflag:s25], $0x4000  }
0x133: {  	[sflag:s25] =	ssyncset.done $0x0  }
0x134: {  	s11 =	simm.s32 $0xD80;
	[sflag:s25] =	ssyncadd.s32 $0xFFFFC000  }
0x135: {  	[spmem:s2] =	stream.indirect.scatter.add.f32 [tilespmem:s21], [sflag:$0x4], $0x80, s11, s20, $0xb8;
	[tilespmem:$0x1CC00] =	vst v63  }
0x136: {  	_ =	swait.ge [sflag:s28], $0x4000  }
0x137: {  	[sflag:s28] =	ssyncset.done $0x0  }
0x138: {  	s14 =	simm.s32 $0x680;
	[sflag:s28] =	ssyncadd.s32 $0xFFFFC000  }
0x139: {  	[tilespmem:s21], [sflag:$0x2] =	stream.indirect.gather [hbm4b:s4+s20], $0x80, s14, s20, $0xb8;
	[tilespmem:$0x1CC00] =	vst v63  }
0x13a: {  	_ =	swait.ge [sflag:s22], $0x4000  }
0x13b: {  	[sflag:s22] =	ssyncset.done $0x0  }
0x13c: {  	s24 =	simm.s32 $0xE00;
	[sflag:s22] =	ssyncadd.s32 $0xFFFFC000  }
0x13d: {  	[spmem:s2] =	stream.indirect.scatter.add.f32 [tilespmem:s17], [sflag:$0x3], $0x80, s24, s20, $0xb8;
	[tilespmem:$0x1CC00] =	vst v63  }
0x13e: {  	_ =	swait.ge [sflag:s23], $0x4000  }
0x13f: {  	[sflag:s23] =	ssyncset.done $0x0  }
0x140: {  	s26 =	simm.s32 $0x700;
	[sflag:s23] =	ssyncadd.s32 $0xFFFFC000  }
0x141: {  	[tilespmem:s17], [sflag:$0x1] =	stream.indirect.gather [hbm4b:s4+s20], $0x80, s26, s20, $0xb8;
	[tilespmem:$0x1CC00] =	vst v63  }
0x142: {  	_ =	swait.ge [sflag:s25], $0x4000  }
0x143: {  	[sflag:s25] =	ssyncset.done $0x0  }
0x144: {  	s11 =	simm.s32 $0xE80;
	[sflag:s25] =	ssyncadd.s32 $0xFFFFC000  }
0x145: {  	[spmem:s2] =	stream.indirect.scatter.add.f32 [tilespmem:s21], [sflag:$0x4], $0x80, s11, s20, $0xb8;
	[tilespmem:$0x1CC00] =	vst v63  }
0x146: {  	_ =	swait.ge [sflag:s28], $0x4000  }
0x147: {  	[sflag:s28] =	ssyncset.done $0x0  }
0x148: {  	s14 =	simm.s32 $0x780;
	[sflag:s28] =	ssyncadd.s32 $0xFFFFC000  }
0x149: {  	[tilespmem:s21], [sflag:$0x2] =	stream.indirect.gather [hbm4b:s4+s20], $0x80, s14, s20, $0xb8;
	[tilespmem:$0x1CC00] =	vst v63  }
0x14a: {  	_ =	swait.ge [sflag:s22], $0x4000  }
0x14b: {  	[sflag:s22] =	ssyncset.done $0x0  }
0x14c: {  	s24 =	simm.s32 $0xF00;
	[sflag:s22] =	ssyncadd.s32 $0xFFFFC000  }
0x14d: {  	[spmem:s2] =	stream.indirect.scatter.add.f32 [tilespmem:s17], [sflag:$0x3], $0x80, s24, s20, $0xb8;
	[tilespmem:$0x1CC00] =	vst v63  }
0x14e: {  	_ =	swait.ge [sflag:s25], $0x4000  }
0x14f: {  	[sflag:s25] =	ssyncset.done $0x0  }
0x150: {  	s26 =	simm.s32 $0xF80;
	[sflag:s25] =	ssyncadd.s32 $0xFFFFC000  }
0x151: {  	[spmem:s2] =	stream.indirect.scatter.add.f32 [tilespmem:s21], [sflag:$0x4], $0x80, s26, s20, $0xb8;
	[tilespmem:$0x1CC00] =	vst v63  }
0x152: {  	_ =	swait.ge [sflag:s23], $0x4000  }
0x153: {  	[sflag:s23] =	ssyncset.done $0x0  }
0x154: {  	[sflag:s23] =	ssyncadd.s32 $0xFFFFC000  }
0x155: {  	_ =	swait.ge [sflag:s28], $0x4000  }
0x156: {  	s11 =	simm.s32 $0x100;
	s14 =	simm.s32 $0x200;
	[sflag:s28] =	ssyncset.done $0x0  }
.LBB2_5:
0x157: {  	s24 =	sadd.s32 s11, s16  }
0x158: {  	[sflag:s28] =	ssyncadd.s32 $0xFFFFC000;
	s26 =	smov.u32 s14;
	s7 =	sadd.s32 $0x100, s14  }
0x159: {  	[tilespmem:s3], [sflag:$0x5] =	stream.linear.gather [hbm4b:s24+s3], $0x800, $0x38;
	[tilespmem:$0x1CC00] =	vst v63  }
0x15a: {  	s24 =	simm.s32 $0x880  }
0x15b: {  	p1 =	seq.s32 s14, $0x900;
	_ =	swait.ge [sflag:s18], $0x800  }
0x15c: {  	s14 =	sadd.s32 s11, s15;
	[sflag:s18] =	ssyncset.done $0x0  }
0x15d: {  	s11 =	smov.u32 s26;
	s26 =	simm.s32 $0x100;
	[sflag:s18] =	ssyncadd.s32 $0xFFFFF800  }
0x15e: {  	[tilespmem:s19], [sflag:$0x5] =	stream.linear.gather [hbm4b:s14+s3], $0x800, $0x38;
	[tilespmem:$0x1CC00] =	vst v63  }
0x15f: {  	_ =	swait.ge [sflag:s18], $0x800  }
0x160: {  	[sflag:s18] =	ssyncset.done $0x0  }
0x161: {  	[sflag:s18] =	ssyncadd.s32 $0xFFFFF800  }
0x162: {  	[tilespmem:s17], [sflag:$0x1] =	stream.indirect.gather [hbm4b:s4+s20], $0x80, s3, s20, $0xb8;
	[tilespmem:$0x1CC00] =	vst v63  }
0x163: {  	_ = 	snop  }
0x164: {  	[tilespmem:s21], [sflag:$0x2] =	stream.indirect.gather [hbm4b:s4+s20], $0x80, s20, s20, $0xb8;
	[tilespmem:$0x1CC00] =	vst v63  }
0x165: {  	_ =	swait.ge [sflag:s22], $0x4000  }
0x166: {  	[sflag:s22] =	ssyncset.done $0x0  }
0x167: {  	[sflag:s22] =	ssyncadd.s32 $0xFFFFC000  }
0x168: {  	[spmem:s2] =	stream.indirect.scatter.add.f32 [tilespmem:s17], [sflag:$0x3], $0x80, s19, s20, $0xb8;
	[tilespmem:$0x1CC00] =	vst v63  }
0x169: {  	_ =	swait.ge [sflag:s23], $0x4000  }
0x16a: {  	[sflag:s23] =	ssyncset.done $0x0  }
0x16b: {  	[sflag:s23] =	ssyncadd.s32 $0xFFFFC000  }
0x16c: {  	[tilespmem:s17], [sflag:$0x1] =	stream.indirect.gather [hbm4b:s4+s20], $0x80, s26, s20, $0xb8;
	[tilespmem:$0x1CC00] =	vst v63  }
0x16d: {  	_ =	swait.ge [sflag:s25], $0x4000  }
0x16e: {  	[sflag:s25] =	ssyncset.done $0x0  }
0x16f: {  	[sflag:s25] =	ssyncadd.s32 $0xFFFFC000  }
0x170: {  	[spmem:s2] =	stream.indirect.scatter.add.f32 [tilespmem:s21], [sflag:$0x4], $0x80, s24, s20, $0xb8;
	[tilespmem:$0x1CC00] =	vst v63  }
0x171: {  	_ =	swait.ge [sflag:s28], $0x4000  }
0x172: {  	[sflag:s28] =	ssyncset.done $0x0  }
0x173: {  	[sflag:s28] =	ssyncadd.s32 $0xFFFFC000  }
0x174: {  	[tilespmem:s21], [sflag:$0x2] =	stream.indirect.gather [hbm4b:s4+s20], $0x80, s29, s20, $0xb8;
	[tilespmem:$0x1CC00] =	vst v63  }
0x175: {  	_ =	swait.ge [sflag:s22], $0x4000  }
0x176: {  	[sflag:s22] =	ssyncset.done $0x0  }
0x177: {  	[sflag:s22] =	ssyncadd.s32 $0xFFFFC000  }
0x178: {  	[spmem:s2] =	stream.indirect.scatter.add.f32 [tilespmem:s17], [sflag:$0x3], $0x80, s30, s20, $0xb8;
	[tilespmem:$0x1CC00] =	vst v63  }
0x179: {  	_ =	swait.ge [sflag:s23], $0x4000  }
0x17a: {  	[sflag:s23] =	ssyncset.done $0x0  }
0x17b: {  	[sflag:s23] =	ssyncadd.s32 $0xFFFFC000  }
0x17c: {  	[tilespmem:s17], [sflag:$0x1] =	stream.indirect.gather [hbm4b:s4+s20], $0x80, s31, s20, $0xb8;
	[tilespmem:$0x1CC00] =	vst v63  }
0x17d: {  	_ =	swait.ge [sflag:s25], $0x4000  }
0x17e: {  	[sflag:s25] =	ssyncset.done $0x0  }
0x17f: {  	[sflag:s25] =	ssyncadd.s32 $0xFFFFC000  }
0x180: {  	[spmem:s2] =	stream.indirect.scatter.add.f32 [tilespmem:s21], [sflag:$0x4], $0x80, s0, s20, $0xb8;
	[tilespmem:$0x1CC00] =	vst v63  }
0x181: {  	_ =	swait.ge [sflag:s28], $0x4000  }
0x182: {  	[sflag:s28] =	ssyncset.done $0x0  }
0x183: {  	[sflag:s28] =	ssyncadd.s32 $0xFFFFC000  }
0x184: {  	[tilespmem:s21], [sflag:$0x2] =	stream.indirect.gather [hbm4b:s4+s20], $0x80, s12, s20, $0xb8;
	[tilespmem:$0x1CC00] =	vst v63  }
0x185: {  	_ =	swait.ge [sflag:s22], $0x4000  }
0x186: {  	[sflag:s22] =	ssyncset.done $0x0  }
0x187: {  	[sflag:s22] =	ssyncadd.s32 $0xFFFFC000  }
0x188: {  	[spmem:s2] =	stream.indirect.scatter.add.f32 [tilespmem:s17], [sflag:$0x3], $0x80, s13, s20, $0xb8;
	[tilespmem:$0x1CC00] =	vst v63  }
0x189: {  	_ =	swait.ge [sflag:s23], $0x4000  }
0x18a: {  	[sflag:s23] =	ssyncset.done $0x0  }
0x18b: {  	[sflag:s23] =	ssyncadd.s32 $0xFFFFC000  }
0x18c: {  	[tilespmem:s17], [sflag:$0x1] =	stream.indirect.gather [hbm4b:s4+s20], $0x80, s1, s20, $0xb8;
	[tilespmem:$0x1CC00] =	vst v63  }
0x18d: {  	_ =	swait.ge [sflag:s25], $0x4000  }
0x18e: {  	[sflag:s25] =	ssyncset.done $0x0  }
0x18f: {  	[sflag:s25] =	ssyncadd.s32 $0xFFFFC000  }
0x190: {  	[spmem:s2] =	stream.indirect.scatter.add.f32 [tilespmem:s21], [sflag:$0x4], $0x80, s6, s20, $0xb8;
	[tilespmem:$0x1CC00] =	vst v63  }
0x191: {  	_ =	swait.ge [sflag:s28], $0x4000  }
0x192: {  	[sflag:s28] =	ssyncset.done $0x0  }
0x193: {  	[sflag:s28] =	ssyncadd.s32 $0xFFFFC000  }
0x194: {  	[tilespmem:s21], [sflag:$0x2] =	stream.indirect.gather [hbm4b:s4+s20], $0x80, s8, s20, $0xb8;
	[tilespmem:$0x1CC00] =	vst v63  }
0x195: {  	_ =	swait.ge [sflag:s22], $0x4000  }
0x196: {  	[sflag:s22] =	ssyncset.done $0x0  }
0x197: {  	[sflag:s22] =	ssyncadd.s32 $0xFFFFC000  }
0x198: {  	[spmem:s2] =	stream.indirect.scatter.add.f32 [tilespmem:s17], [sflag:$0x3], $0x80, s9, s20, $0xb8;
	[tilespmem:$0x1CC00] =	vst v63  }
0x199: {  	_ =	swait.ge [sflag:s23], $0x4000  }
0x19a: {  	[sflag:s23] =	ssyncset.done $0x0  }
0x19b: {  	[sflag:s23] =	ssyncadd.s32 $0xFFFFC000  }
0x19c: {  	[tilespmem:s17], [sflag:$0x1] =	stream.indirect.gather [hbm4b:s4+s20], $0x80, s10, s20, $0xb8;
	[tilespmem:$0x1CC00] =	vst v63  }
0x19d: {  	_ =	swait.ge [sflag:s25], $0x4000  }
0x19e: {  	[sflag:s25] =	ssyncset.done $0x0  }
0x19f: {  	s14 =	simm.s32 $0xB80;
	[sflag:s25] =	ssyncadd.s32 $0xFFFFC000  }
0x1a0: {  	[spmem:s2] =	stream.indirect.scatter.add.f32 [tilespmem:s21], [sflag:$0x4], $0x80, s14, s20, $0xb8;
	[tilespmem:$0x1CC00] =	vst v63  }
0x1a1: {  	_ =	swait.ge [sflag:s28], $0x4000  }
0x1a2: {  	[sflag:s28] =	ssyncset.done $0x0  }
0x1a3: {  	s14 =	simm.s32 $0x480;
	[sflag:s28] =	ssyncadd.s32 $0xFFFFC000  }
0x1a4: {  	[tilespmem:s21], [sflag:$0x2] =	stream.indirect.gather [hbm4b:s4+s20], $0x80, s14, s20, $0xb8;
	[tilespmem:$0x1CC00] =	vst v63  }
0x1a5: {  	_ =	swait.ge [sflag:s22], $0x4000  }
0x1a6: {  	[sflag:s22] =	ssyncset.done $0x0  }
0x1a7: {  	s14 =	simm.s32 $0xC00;
	[sflag:s22] =	ssyncadd.s32 $0xFFFFC000  }
0x1a8: {  	[spmem:s2] =	stream.indirect.scatter.add.f32 [tilespmem:s17], [sflag:$0x3], $0x80, s14, s20, $0xb8;
	[tilespmem:$0x1CC00] =	vst v63  }
0x1a9: {  	_ =	swait.ge [sflag:s23], $0x4000  }
0x1aa: {  	[sflag:s23] =	ssyncset.done $0x0  }
0x1ab: {  	s14 =	simm.s32 $0x500;
	[sflag:s23] =	ssyncadd.s32 $0xFFFFC000  }
0x1ac: {  	[tilespmem:s17], [sflag:$0x1] =	stream.indirect.gather [hbm4b:s4+s20], $0x80, s14, s20, $0xb8;
	[tilespmem:$0x1CC00] =	vst v63  }
0x1ad: {  	_ =	swait.ge [sflag:s25], $0x4000  }
0x1ae: {  	[sflag:s25] =	ssyncset.done $0x0  }
0x1af: {  	s14 =	simm.s32 $0xC80;
	[sflag:s25] =	ssyncadd.s32 $0xFFFFC000  }
0x1b0: {  	[spmem:s2] =	stream.indirect.scatter.add.f32 [tilespmem:s21], [sflag:$0x4], $0x80, s14, s20, $0xb8;
	[tilespmem:$0x1CC00] =	vst v63  }
0x1b1: {  	_ =	swait.ge [sflag:s28], $0x4000  }
0x1b2: {  	[sflag:s28] =	ssyncset.done $0x0  }
0x1b3: {  	s14 =	simm.s32 $0x580;
	[sflag:s28] =	ssyncadd.s32 $0xFFFFC000  }
0x1b4: {  	[tilespmem:s21], [sflag:$0x2] =	stream.indirect.gather [hbm4b:s4+s20], $0x80, s14, s20, $0xb8;
	[tilespmem:$0x1CC00] =	vst v63  }
0x1b5: {  	_ =	swait.ge [sflag:s22], $0x4000  }
0x1b6: {  	[sflag:s22] =	ssyncset.done $0x0  }
0x1b7: {  	s14 =	simm.s32 $0xD00;
	[sflag:s22] =	ssyncadd.s32 $0xFFFFC000  }
0x1b8: {  	[spmem:s2] =	stream.indirect.scatter.add.f32 [tilespmem:s17], [sflag:$0x3], $0x80, s14, s20, $0xb8;
	[tilespmem:$0x1CC00] =	vst v63  }
0x1b9: {  	_ =	swait.ge [sflag:s23], $0x4000  }
0x1ba: {  	[sflag:s23] =	ssyncset.done $0x0  }
0x1bb: {  	s14 =	simm.s32 $0x600;
	[sflag:s23] =	ssyncadd.s32 $0xFFFFC000  }
0x1bc: {  	[tilespmem:s17], [sflag:$0x1] =	stream.indirect.gather [hbm4b:s4+s20], $0x80, s14, s20, $0xb8;
	[tilespmem:$0x1CC00] =	vst v63  }
0x1bd: {  	_ =	swait.ge [sflag:s25], $0x4000  }
0x1be: {  	[sflag:s25] =	ssyncset.done $0x0  }
0x1bf: {  	s14 =	simm.s32 $0xD80;
	[sflag:s25] =	ssyncadd.s32 $0xFFFFC000  }
0x1c0: {  	[spmem:s2] =	stream.indirect.scatter.add.f32 [tilespmem:s21], [sflag:$0x4], $0x80, s14, s20, $0xb8;
	[tilespmem:$0x1CC00] =	vst v63  }
0x1c1: {  	_ =	swait.ge [sflag:s28], $0x4000  }
0x1c2: {  	[sflag:s28] =	ssyncset.done $0x0  }
0x1c3: {  	s14 =	simm.s32 $0x680;
	[sflag:s28] =	ssyncadd.s32 $0xFFFFC000  }
0x1c4: {  	[tilespmem:s21], [sflag:$0x2] =	stream.indirect.gather [hbm4b:s4+s20], $0x80, s14, s20, $0xb8;
	[tilespmem:$0x1CC00] =	vst v63  }
0x1c5: {  	_ =	swait.ge [sflag:s22], $0x4000  }
0x1c6: {  	[sflag:s22] =	ssyncset.done $0x0  }
0x1c7: {  	s14 =	simm.s32 $0xE00;
	[sflag:s22] =	ssyncadd.s32 $0xFFFFC000  }
0x1c8: {  	[spmem:s2] =	stream.indirect.scatter.add.f32 [tilespmem:s17], [sflag:$0x3], $0x80, s14, s20, $0xb8;
	[tilespmem:$0x1CC00] =	vst v63  }
0x1c9: {  	_ =	swait.ge [sflag:s23], $0x4000  }
0x1ca: {  	[sflag:s23] =	ssyncset.done $0x0  }
0x1cb: {  	s14 =	simm.s32 $0x700;
	[sflag:s23] =	ssyncadd.s32 $0xFFFFC000  }
0x1cc: {  	[tilespmem:s17], [sflag:$0x1] =	stream.indirect.gather [hbm4b:s4+s20], $0x80, s14, s20, $0xb8;
	[tilespmem:$0x1CC00] =	vst v63  }
0x1cd: {  	_ =	swait.ge [sflag:s25], $0x4000  }
0x1ce: {  	[sflag:s25] =	ssyncset.done $0x0  }
0x1cf: {  	s14 =	simm.s32 $0xE80;
	[sflag:s25] =	ssyncadd.s32 $0xFFFFC000  }
0x1d0: {  	[spmem:s2] =	stream.indirect.scatter.add.f32 [tilespmem:s21], [sflag:$0x4], $0x80, s14, s20, $0xb8;
	[tilespmem:$0x1CC00] =	vst v63  }
0x1d1: {  	_ =	swait.ge [sflag:s28], $0x4000  }
0x1d2: {  	[sflag:s28] =	ssyncset.done $0x0  }
0x1d3: {  	s14 =	simm.s32 $0x780;
	[sflag:s28] =	ssyncadd.s32 $0xFFFFC000  }
0x1d4: {  	[tilespmem:s21], [sflag:$0x2] =	stream.indirect.gather [hbm4b:s4+s20], $0x80, s14, s20, $0xb8;
	[tilespmem:$0x1CC00] =	vst v63  }
0x1d5: {  	_ =	swait.ge [sflag:s22], $0x4000  }
0x1d6: {  	[sflag:s22] =	ssyncset.done $0x0  }
0x1d7: {  	s14 =	simm.s32 $0xF00;
	[sflag:s22] =	ssyncadd.s32 $0xFFFFC000  }
0x1d8: {  	[spmem:s2] =	stream.indirect.scatter.add.f32 [tilespmem:s17], [sflag:$0x3], $0x80, s14, s20, $0xb8;
	[tilespmem:$0x1CC00] =	vst v63  }
0x1d9: {  	_ =	swait.ge [sflag:s25], $0x4000  }
0x1da: {  	[sflag:s25] =	ssyncset.done $0x0  }
0x1db: {  	s14 =	simm.s32 $0xF80;
	[sflag:s25] =	ssyncadd.s32 $0xFFFFC000  }
0x1dc: {  	[spmem:s2] =	stream.indirect.scatter.add.f32 [tilespmem:s21], [sflag:$0x4], $0x80, s14, s20, $0xb8;
	[tilespmem:$0x1CC00] =	vst v63  }
.Ltmp4:
0x1dd: {  	_ =	swait.ge [sflag:s23], $0x4000;
	(pc) =	sbr.rel @!p1 .LBB2_5-.Ltmp4, $4  }
0x1de: {  	[sflag:s23] =	ssyncset.done $0x0  }
0x1df: {  	[sflag:s23] =	ssyncadd.s32 $0xFFFFC000  }
0x1e0: {  	_ =	swait.ge [sflag:s28], $0x4000  }
0x1e1: {  	s14 =	smov.u32 s7;
	[sflag:s28] =	ssyncset.done $0x0  }
0x1e2: {  	s7 =	sadd.s32 s11, s16;
	[sflag:s28] =	ssyncadd.s32 $0xFFFFC000  }
0x1e3: {  	[tilespmem:s3], [sflag:$0x5] =	stream.linear.gather [hbm4b:s7+s3], $0x800, $0x38;
	[tilespmem:$0x1CC00] =	vst v63  }
0x1e4: {  	_ =	swait.ge [sflag:s18], $0x800  }
0x1e5: {  	[sflag:s18] =	ssyncset.done $0x0  }
0x1e6: {  	s14 =	sadd.s32 s11, s15;
	[sflag:s18] =	ssyncadd.s32 $0xFFFFF800  }
0x1e7: {  	[tilespmem:s19], [sflag:$0x5] =	stream.linear.gather [hbm4b:s14+s3], $0x800, $0x38;
	[tilespmem:$0x1CC00] =	vst v63  }
0x1e8: {  	_ =	swait.ge [sflag:s18], $0x800  }
0x1e9: {  	[sflag:s18] =	ssyncset.done $0x0  }
0x1ea: {  	[sflag:s18] =	ssyncadd.s32 $0xFFFFF800  }
0x1eb: {  	[tilespmem:s17], [sflag:$0x1] =	stream.indirect.gather [hbm4b:s4+s20], $0x80, s3, s20, $0xb8;
	[tilespmem:$0x1CC00] =	vst v63  }
0x1ec: {  	_ = 	snop  }
0x1ed: {  	[tilespmem:s21], [sflag:$0x2] =	stream.indirect.gather [hbm4b:s4+s20], $0x80, s20, s20, $0xb8;
	[tilespmem:$0x1CC00] =	vst v63  }
0x1ee: {  	_ =	swait.ge [sflag:s22], $0x4000  }
0x1ef: {  	[sflag:s22] =	ssyncset.done $0x0  }
0x1f0: {  	[sflag:s22] =	ssyncadd.s32 $0xFFFFC000  }
0x1f1: {  	[spmem:s2] =	stream.indirect.scatter.add.f32 [tilespmem:s17], [sflag:$0x3], $0x80, s19, s20, $0xb8;
	[tilespmem:$0x1CC00] =	vst v63  }
0x1f2: {  	_ =	swait.ge [sflag:s23], $0x4000  }
0x1f3: {  	[sflag:s23] =	ssyncset.done $0x0  }
0x1f4: {  	[sflag:s23] =	ssyncadd.s32 $0xFFFFC000  }
0x1f5: {  	[tilespmem:s17], [sflag:$0x1] =	stream.indirect.gather [hbm4b:s4+s20], $0x80, s26, s20, $0xb8;
	[tilespmem:$0x1CC00] =	vst v63  }
0x1f6: {  	_ =	swait.ge [sflag:s25], $0x4000  }
0x1f7: {  	[sflag:s25] =	ssyncset.done $0x0  }
0x1f8: {  	[sflag:s25] =	ssyncadd.s32 $0xFFFFC000  }
0x1f9: {  	[spmem:s2] =	stream.indirect.scatter.add.f32 [tilespmem:s21], [sflag:$0x4], $0x80, s24, s20, $0xb8;
	[tilespmem:$0x1CC00] =	vst v63  }
0x1fa: {  	_ =	swait.ge [sflag:s28], $0x4000  }
0x1fb: {  	[sflag:s28] =	ssyncset.done $0x0  }
0x1fc: {  	[sflag:s28] =	ssyncadd.s32 $0xFFFFC000  }
0x1fd: {  	[tilespmem:s21], [sflag:$0x2] =	stream.indirect.gather [hbm4b:s4+s20], $0x80, s29, s20, $0xb8;
	[tilespmem:$0x1CC00] =	vst v63  }
0x1fe: {  	_ =	swait.ge [sflag:s22], $0x4000  }
0x1ff: {  	[sflag:s22] =	ssyncset.done $0x0  }
0x200: {  	[sflag:s22] =	ssyncadd.s32 $0xFFFFC000  }
0x201: {  	[spmem:s2] =	stream.indirect.scatter.add.f32 [tilespmem:s17], [sflag:$0x3], $0x80, s30, s20, $0xb8;
	[tilespmem:$0x1CC00] =	vst v63  }
0x202: {  	_ =	swait.ge [sflag:s23], $0x4000  }
0x203: {  	[sflag:s23] =	ssyncset.done $0x0  }
0x204: {  	[sflag:s23] =	ssyncadd.s32 $0xFFFFC000  }
0x205: {  	[tilespmem:s17], [sflag:$0x1] =	stream.indirect.gather [hbm4b:s4+s20], $0x80, s31, s20, $0xb8;
	[tilespmem:$0x1CC00] =	vst v63  }
0x206: {  	_ =	swait.ge [sflag:s25], $0x4000  }
0x207: {  	[sflag:s25] =	ssyncset.done $0x0  }
0x208: {  	[sflag:s25] =	ssyncadd.s32 $0xFFFFC000  }
0x209: {  	[spmem:s2] =	stream.indirect.scatter.add.f32 [tilespmem:s21], [sflag:$0x4], $0x80, s0, s20, $0xb8;
	[tilespmem:$0x1CC00] =	vst v63  }
0x20a: {  	_ =	swait.ge [sflag:s28], $0x4000  }
0x20b: {  	[sflag:s28] =	ssyncset.done $0x0  }
0x20c: {  	[sflag:s28] =	ssyncadd.s32 $0xFFFFC000  }
0x20d: {  	[tilespmem:s21], [sflag:$0x2] =	stream.indirect.gather [hbm4b:s4+s20], $0x80, s12, s20, $0xb8;
	[tilespmem:$0x1CC00] =	vst v63  }
0x20e: {  	_ =	swait.ge [sflag:s22], $0x4000  }
0x20f: {  	[sflag:s22] =	ssyncset.done $0x0  }
0x210: {  	[sflag:s22] =	ssyncadd.s32 $0xFFFFC000  }
0x211: {  	[spmem:s2] =	stream.indirect.scatter.add.f32 [tilespmem:s17], [sflag:$0x3], $0x80, s13, s20, $0xb8;
	[tilespmem:$0x1CC00] =	vst v63  }
0x212: {  	_ =	swait.ge [sflag:s23], $0x4000  }
0x213: {  	[sflag:s23] =	ssyncset.done $0x0  }
0x214: {  	[sflag:s23] =	ssyncadd.s32 $0xFFFFC000  }
0x215: {  	[tilespmem:s17], [sflag:$0x1] =	stream.indirect.gather [hbm4b:s4+s20], $0x80, s1, s20, $0xb8;
	[tilespmem:$0x1CC00] =	vst v63  }
0x216: {  	_ =	swait.ge [sflag:s25], $0x4000  }
0x217: {  	[sflag:s25] =	ssyncset.done $0x0  }
0x218: {  	[sflag:s25] =	ssyncadd.s32 $0xFFFFC000  }
0x219: {  	[spmem:s2] =	stream.indirect.scatter.add.f32 [tilespmem:s21], [sflag:$0x4], $0x80, s6, s20, $0xb8;
	[tilespmem:$0x1CC00] =	vst v63  }
0x21a: {  	_ =	swait.ge [sflag:s28], $0x4000  }
0x21b: {  	[sflag:s28] =	ssyncset.done $0x0  }
0x21c: {  	[sflag:s28] =	ssyncadd.s32 $0xFFFFC000  }
0x21d: {  	[tilespmem:s21], [sflag:$0x2] =	stream.indirect.gather [hbm4b:s4+s20], $0x80, s8, s20, $0xb8;
	[tilespmem:$0x1CC00] =	vst v63  }
0x21e: {  	_ =	swait.ge [sflag:s22], $0x4000  }
0x21f: {  	[sflag:s22] =	ssyncset.done $0x0  }
0x220: {  	[sflag:s22] =	ssyncadd.s32 $0xFFFFC000  }
0x221: {  	[spmem:s2] =	stream.indirect.scatter.add.f32 [tilespmem:s17], [sflag:$0x3], $0x80, s9, s20, $0xb8;
	[tilespmem:$0x1CC00] =	vst v63  }
0x222: {  	_ =	swait.ge [sflag:s23], $0x4000  }
0x223: {  	[sflag:s23] =	ssyncset.done $0x0  }
0x224: {  	[sflag:s23] =	ssyncadd.s32 $0xFFFFC000  }
0x225: {  	[tilespmem:s17], [sflag:$0x1] =	stream.indirect.gather [hbm4b:s4+s20], $0x80, s10, s20, $0xb8;
	[tilespmem:$0x1CC00] =	vst v63  }
0x226: {  	_ =	swait.ge [sflag:s25], $0x4000  }
0x227: {  	[sflag:s25] =	ssyncset.done $0x0  }
0x228: {  	s30 =	simm.s32 $0xB80;
	[sflag:s25] =	ssyncadd.s32 $0xFFFFC000  }
0x229: {  	[spmem:s2] =	stream.indirect.scatter.add.f32 [tilespmem:s21], [sflag:$0x4], $0x80, s30, s20, $0xb8;
	[tilespmem:$0x1CC00] =	vst v63  }
0x22a: {  	_ =	swait.ge [sflag:s28], $0x4000  }
0x22b: {  	[sflag:s28] =	ssyncset.done $0x0  }
0x22c: {  	s31 =	simm.s32 $0x480;
	[sflag:s28] =	ssyncadd.s32 $0xFFFFC000  }
0x22d: {  	[tilespmem:s21], [sflag:$0x2] =	stream.indirect.gather [hbm4b:s4+s20], $0x80, s31, s20, $0xb8;
	[tilespmem:$0x1CC00] =	vst v63  }
0x22e: {  	_ =	swait.ge [sflag:s22], $0x4000  }
0x22f: {  	[sflag:s22] =	ssyncset.done $0x0  }
0x230: {  	s1 =	simm.s32 $0xC00;
	[sflag:s22] =	ssyncadd.s32 $0xFFFFC000  }
0x231: {  	[spmem:s2] =	stream.indirect.scatter.add.f32 [tilespmem:s17], [sflag:$0x3], $0x80, s1, s20, $0xb8;
	[tilespmem:$0x1CC00] =	vst v63  }
0x232: {  	_ =	swait.ge [sflag:s23], $0x4000  }
0x233: {  	[sflag:s23] =	ssyncset.done $0x0  }
0x234: {  	s6 =	simm.s32 $0x500;
	[sflag:s23] =	ssyncadd.s32 $0xFFFFC000  }
0x235: {  	[tilespmem:s17], [sflag:$0x1] =	stream.indirect.gather [hbm4b:s4+s20], $0x80, s6, s20, $0xb8;
	[tilespmem:$0x1CC00] =	vst v63  }
0x236: {  	_ =	swait.ge [sflag:s25], $0x4000  }
0x237: {  	[sflag:s25] =	ssyncset.done $0x0  }
0x238: {  	s7 =	simm.s32 $0xC80;
	[sflag:s25] =	ssyncadd.s32 $0xFFFFC000  }
0x239: {  	[spmem:s2] =	stream.indirect.scatter.add.f32 [tilespmem:s21], [sflag:$0x4], $0x80, s7, s20, $0xb8;
	[tilespmem:$0x1CC00] =	vst v63  }
0x23a: {  	_ =	swait.ge [sflag:s28], $0x4000  }
0x23b: {  	[sflag:s28] =	ssyncset.done $0x0  }
0x23c: {  	s8 =	simm.s32 $0x580;
	[sflag:s28] =	ssyncadd.s32 $0xFFFFC000  }
0x23d: {  	[tilespmem:s21], [sflag:$0x2] =	stream.indirect.gather [hbm4b:s4+s20], $0x80, s8, s20, $0xb8;
	[tilespmem:$0x1CC00] =	vst v63  }
0x23e: {  	_ =	swait.ge [sflag:s22], $0x4000  }
0x23f: {  	[sflag:s22] =	ssyncset.done $0x0  }
0x240: {  	s9 =	simm.s32 $0xD00;
	[sflag:s22] =	ssyncadd.s32 $0xFFFFC000  }
0x241: {  	[spmem:s2] =	stream.indirect.scatter.add.f32 [tilespmem:s17], [sflag:$0x3], $0x80, s9, s20, $0xb8;
	[tilespmem:$0x1CC00] =	vst v63  }
0x242: {  	_ =	swait.ge [sflag:s23], $0x4000  }
0x243: {  	[sflag:s23] =	ssyncset.done $0x0  }
0x244: {  	s10 =	simm.s32 $0x600;
	[sflag:s23] =	ssyncadd.s32 $0xFFFFC000  }
0x245: {  	[tilespmem:s17], [sflag:$0x1] =	stream.indirect.gather [hbm4b:s4+s20], $0x80, s10, s20, $0xb8;
	[tilespmem:$0x1CC00] =	vst v63  }
0x246: {  	_ =	swait.ge [sflag:s25], $0x4000  }
0x247: {  	[sflag:s25] =	ssyncset.done $0x0  }
0x248: {  	s11 =	simm.s32 $0xD80;
	[sflag:s25] =	ssyncadd.s32 $0xFFFFC000  }
0x249: {  	[spmem:s2] =	stream.indirect.scatter.add.f32 [tilespmem:s21], [sflag:$0x4], $0x80, s11, s20, $0xb8;
	[tilespmem:$0x1CC00] =	vst v63  }
0x24a: {  	_ =	swait.ge [sflag:s28], $0x4000  }
0x24b: {  	[sflag:s28] =	ssyncset.done $0x0  }
0x24c: {  	s12 =	simm.s32 $0x680;
	[sflag:s28] =	ssyncadd.s32 $0xFFFFC000  }
0x24d: {  	[tilespmem:s21], [sflag:$0x2] =	stream.indirect.gather [hbm4b:s4+s20], $0x80, s12, s20, $0xb8;
	[tilespmem:$0x1CC00] =	vst v63  }
0x24e: {  	_ =	swait.ge [sflag:s22], $0x4000  }
0x24f: {  	[sflag:s22] =	ssyncset.done $0x0  }
0x250: {  	s13 =	simm.s32 $0xE00;
	[sflag:s22] =	ssyncadd.s32 $0xFFFFC000  }
0x251: {  	[spmem:s2] =	stream.indirect.scatter.add.f32 [tilespmem:s17], [sflag:$0x3], $0x80, s13, s20, $0xb8;
	[tilespmem:$0x1CC00] =	vst v63  }
0x252: {  	_ =	swait.ge [sflag:s23], $0x4000  }
0x253: {  	[sflag:s23] =	ssyncset.done $0x0  }
0x254: {  	s14 =	simm.s32 $0x700;
	[sflag:s23] =	ssyncadd.s32 $0xFFFFC000  }
0x255: {  	[tilespmem:s17], [sflag:$0x1] =	stream.indirect.gather [hbm4b:s4+s20], $0x80, s14, s20, $0xb8;
	[tilespmem:$0x1CC00] =	vst v63  }
0x256: {  	_ =	swait.ge [sflag:s25], $0x4000  }
0x257: {  	[sflag:s25] =	ssyncset.done $0x0  }
0x258: {  	s24 =	simm.s32 $0xE80;
	[sflag:s25] =	ssyncadd.s32 $0xFFFFC000  }
0x259: {  	[spmem:s2] =	stream.indirect.scatter.add.f32 [tilespmem:s21], [sflag:$0x4], $0x80, s24, s20, $0xb8;
	[tilespmem:$0x1CC00] =	vst v63  }
0x25a: {  	_ =	swait.ge [sflag:s28], $0x4000  }
0x25b: {  	[sflag:s28] =	ssyncset.done $0x0  }
0x25c: {  	s29 =	simm.s32 $0x780;
	[sflag:s28] =	ssyncadd.s32 $0xFFFFC000  }
0x25d: {  	[tilespmem:s21], [sflag:$0x2] =	stream.indirect.gather [hbm4b:s4+s20], $0x80, s29, s20, $0xb8;
	[tilespmem:$0x1CC00] =	vst v63  }
0x25e: {  	_ =	swait.ge [sflag:s22], $0x4000  }
0x25f: {  	[sflag:s22] =	ssyncset.done $0x0  }
0x260: {  	s30 =	simm.s32 $0xF00;
	[sflag:s22] =	ssyncadd.s32 $0xFFFFC000  }
0x261: {  	[spmem:s2] =	stream.indirect.scatter.add.f32 [tilespmem:s17], [sflag:$0x3], $0x80, s30, s20, $0xb8;
	[tilespmem:$0x1CC00] =	vst v63  }
0x262: {  	_ =	swait.ge [sflag:s25], $0x4000  }
0x263: {  	[sflag:s25] =	ssyncset.done $0x0  }
0x264: {  	s31 =	simm.s32 $0xF80;
	[sflag:s25] =	ssyncadd.s32 $0xFFFFC000  }
0x265: {  	[spmem:s2] =	stream.indirect.scatter.add.f32 [tilespmem:s21], [sflag:$0x4], $0x80, s31, s20, $0xb8;
	[tilespmem:$0x1CC00] =	vst v63  }
0x266: {  	_ =	swait.ge [sflag:s23], $0x4000  }
.Ltmp5:
0x267: {  	[sflag:s23] =	ssyncset.done $0x0;
	(pc) =	sbr.rel .LBB2_10-.Ltmp5, $4  }
0x268: {  	[sflag:s23] =	ssyncadd.s32 $0xFFFFC000  }
0x269: {  	_ =	swait.ge [sflag:s28], $0x4000  }
0x26a: {  	[sflag:s28] =	ssyncset.done $0x0;
	s7 =	rddreg [dreg:$0xa]  }
0x26b: {  	s0 =	rddreg [dreg:$0xc];
	[sflag:s28] =	ssyncadd.s32 $0xFFFFC000  }
.LBB2_7:
0x26c: {  	[tilespmem:s3], [sflag:$0x5] =	stream.linear.gather [hbm4b:s7+s3], $0x800, $0x38;
	[tilespmem:$0x1CC00] =	vst v63  }
0x26d: {  	_ =	swait.ge [sflag:s18], $0x800  }
0x26e: {  	[sflag:s18] =	ssyncset.done $0x0  }
0x26f: {  	s9 =	sadd.s32 $0x0, s15;
	[sflag:s18] =	ssyncadd.s32 $0xFFFFF800  }
0x270: {  	[tilespmem:s19], [sflag:$0x5] =	stream.linear.gather [hbm4b:s9+s3], $0x800, $0x38;
	[tilespmem:$0x1CC00] =	vst v63  }
0x271: {  	_ =	swait.ge [sflag:s18], $0x800  }
0x272: {  	[sflag:s18] =	ssyncset.done $0x0  }
0x273: {  	[sflag:s18] =	ssyncadd.s32 $0xFFFFF800  }
0x274: {  	[tilespmem:s17], [sflag:$0x1] =	stream.indirect.gather [hbm4b:s5+s20], $0x80, s3, s20, $0xb8;
	[tilespmem:$0x1CC00] =	vst v63  }
0x275: {  	_ = 	snop  }
0x276: {  	[tilespmem:s21], [sflag:$0x2] =	stream.indirect.gather [hbm4b:s5+s20], $0x80, s20, s20, $0xb8;
	[tilespmem:$0x1CC00] =	vst v63  }
0x277: {  	_ =	swait.ge [sflag:s22], $0x4000  }
0x278: {  	[sflag:s22] =	ssyncset.done $0x0  }
0x279: {  	[sflag:s22] =	ssyncadd.s32 $0xFFFFC000  }
0x27a: {  	[spmem:s2] =	stream.indirect.scatter.add.f32 [tilespmem:s17], [sflag:$0x3], $0x80, s19, s20, $0xb8;
	[tilespmem:$0x1CC00] =	vst v63  }
0x27b: {  	_ =	swait.ge [sflag:s23], $0x4000  }
0x27c: {  	[sflag:s23] =	ssyncset.done $0x0  }
0x27d: {  	[sflag:s23] =	ssyncadd.s32 $0xFFFFC000  }
0x27e: {  	[tilespmem:s17], [sflag:$0x1] =	stream.indirect.gather [hbm4b:s5+s20], $0x80, s26, s20, $0xb8;
	[tilespmem:$0x1CC00] =	vst v63  }
0x27f: {  	_ =	swait.ge [sflag:s25], $0x4000  }
0x280: {  	[sflag:s25] =	ssyncset.done $0x0  }
0x281: {  	s10 =	simm.s32 $0x880;
	[sflag:s25] =	ssyncadd.s32 $0xFFFFC000  }
0x282: {  	[spmem:s2] =	stream.indirect.scatter.add.f32 [tilespmem:s21], [sflag:$0x4], $0x80, s10, s20, $0xb8;
	[tilespmem:$0x1CC00] =	vst v63  }
0x283: {  	_ =	swait.ge [sflag:s28], $0x4000  }
0x284: {  	[sflag:s28] =	ssyncset.done $0x0  }
0x285: {  	s29 =	simm.s32 $0x180;
	[sflag:s28] =	ssyncadd.s32 $0xFFFFC000  }
0x286: {  	[tilespmem:s21], [sflag:$0x2] =	stream.indirect.gather [hbm4b:s5+s20], $0x80, s29, s20, $0xb8;
	[tilespmem:$0x1CC00] =	vst v63  }
0x287: {  	_ =	swait.ge [sflag:s22], $0x4000  }
0x288: {  	[sflag:s22] =	ssyncset.done $0x0  }
0x289: {  	s30 =	simm.s32 $0x900;
	[sflag:s22] =	ssyncadd.s32 $0xFFFFC000  }
0x28a: {  	[spmem:s2] =	stream.indirect.scatter.add.f32 [tilespmem:s17], [sflag:$0x3], $0x80, s30, s20, $0xb8;
	[tilespmem:$0x1CC00] =	vst v63  }
0x28b: {  	_ =	swait.ge [sflag:s23], $0x4000  }
0x28c: {  	[sflag:s23] =	ssyncset.done $0x0  }
0x28d: {  	s31 =	simm.s32 $0x200;
	[sflag:s23] =	ssyncadd.s32 $0xFFFFC000  }
0x28e: {  	[tilespmem:s17], [sflag:$0x1] =	stream.indirect.gather [hbm4b:s5+s20], $0x80, s31, s20, $0xb8;
	[tilespmem:$0x1CC00] =	vst v63  }
0x28f: {  	_ =	swait.ge [sflag:s25], $0x4000  }
0x290: {  	[sflag:s25] =	ssyncset.done $0x0  }
0x291: {  	s0 =	simm.s32 $0x980;
	[sflag:s25] =	ssyncadd.s32 $0xFFFFC000  }
0x292: {  	[spmem:s2] =	stream.indirect.scatter.add.f32 [tilespmem:s21], [sflag:$0x4], $0x80, s0, s20, $0xb8;
	[tilespmem:$0x1CC00] =	vst v63  }
0x293: {  	_ =	swait.ge [sflag:s28], $0x4000  }
0x294: {  	[sflag:s28] =	ssyncset.done $0x0  }
0x295: {  	s12 =	simm.s32 $0x280;
	[sflag:s28] =	ssyncadd.s32 $0xFFFFC000  }
0x296: {  	[tilespmem:s21], [sflag:$0x2] =	stream.indirect.gather [hbm4b:s5+s20], $0x80, s12, s20, $0xb8;
	[tilespmem:$0x1CC00] =	vst v63  }
0x297: {  	_ =	swait.ge [sflag:s22], $0x4000  }
0x298: {  	[sflag:s22] =	ssyncset.done $0x0  }
0x299: {  	s13 =	simm.s32 $0xA00;
	[sflag:s22] =	ssyncadd.s32 $0xFFFFC000  }
0x29a: {  	[spmem:s2] =	stream.indirect.scatter.add.f32 [tilespmem:s17], [sflag:$0x3], $0x80, s13, s20, $0xb8;
	[tilespmem:$0x1CC00] =	vst v63  }
0x29b: {  	_ =	swait.ge [sflag:s23], $0x4000  }
0x29c: {  	[sflag:s23] =	ssyncset.done $0x0  }
0x29d: {  	s1 =	simm.s32 $0x300;
	[sflag:s23] =	ssyncadd.s32 $0xFFFFC000  }
0x29e: {  	[tilespmem:s17], [sflag:$0x1] =	stream.indirect.gather [hbm4b:s5+s20], $0x80, s1, s20, $0xb8;
	[tilespmem:$0x1CC00] =	vst v63  }
0x29f: {  	_ =	swait.ge [sflag:s25], $0x4000  }
0x2a0: {  	[sflag:s25] =	ssyncset.done $0x0  }
0x2a1: {  	s6 =	simm.s32 $0xA80;
	[sflag:s25] =	ssyncadd.s32 $0xFFFFC000  }
0x2a2: {  	[spmem:s2] =	stream.indirect.scatter.add.f32 [tilespmem:s21], [sflag:$0x4], $0x80, s6, s20, $0xb8;
	[tilespmem:$0x1CC00] =	vst v63  }
0x2a3: {  	_ =	swait.ge [sflag:s28], $0x4000  }
0x2a4: {  	[sflag:s28] =	ssyncset.done $0x0  }
0x2a5: {  	s8 =	simm.s32 $0x380;
	[sflag:s28] =	ssyncadd.s32 $0xFFFFC000  }
0x2a6: {  	[tilespmem:s21], [sflag:$0x2] =	stream.indirect.gather [hbm4b:s5+s20], $0x80, s8, s20, $0xb8;
	[tilespmem:$0x1CC00] =	vst v63  }
0x2a7: {  	_ =	swait.ge [sflag:s22], $0x4000  }
0x2a8: {  	[sflag:s22] =	ssyncset.done $0x0  }
0x2a9: {  	s9 =	simm.s32 $0xB00;
	[sflag:s22] =	ssyncadd.s32 $0xFFFFC000  }
0x2aa: {  	[spmem:s2] =	stream.indirect.scatter.add.f32 [tilespmem:s17], [sflag:$0x3], $0x80, s9, s20, $0xb8;
	[tilespmem:$0x1CC00] =	vst v63  }
0x2ab: {  	_ =	swait.ge [sflag:s23], $0x4000  }
0x2ac: {  	[sflag:s23] =	ssyncset.done $0x0  }
0x2ad: {  	s10 =	simm.s32 $0x400;
	[sflag:s23] =	ssyncadd.s32 $0xFFFFC000  }
0x2ae: {  	[tilespmem:s17], [sflag:$0x1] =	stream.indirect.gather [hbm4b:s5+s20], $0x80, s10, s20, $0xb8;
	[tilespmem:$0x1CC00] =	vst v63  }
0x2af: {  	_ =	swait.ge [sflag:s25], $0x4000  }
0x2b0: {  	[sflag:s25] =	ssyncset.done $0x0  }
0x2b1: {  	s11 =	simm.s32 $0xB80;
	[sflag:s25] =	ssyncadd.s32 $0xFFFFC000  }
0x2b2: {  	[spmem:s2] =	stream.indirect.scatter.add.f32 [tilespmem:s21], [sflag:$0x4], $0x80, s11, s20, $0xb8;
	[tilespmem:$0x1CC00] =	vst v63  }
0x2b3: {  	_ =	swait.ge [sflag:s28], $0x4000  }
0x2b4: {  	[sflag:s28] =	ssyncset.done $0x0  }
0x2b5: {  	s14 =	simm.s32 $0x480;
	[sflag:s28] =	ssyncadd.s32 $0xFFFFC000  }
0x2b6: {  	[tilespmem:s21], [sflag:$0x2] =	stream.indirect.gather [hbm4b:s5+s20], $0x80, s14, s20, $0xb8;
	[tilespmem:$0x1CC00] =	vst v63  }
0x2b7: {  	_ =	swait.ge [sflag:s22], $0x4000  }
0x2b8: {  	[sflag:s22] =	ssyncset.done $0x0  }
0x2b9: {  	s24 =	simm.s32 $0xC00;
	[sflag:s22] =	ssyncadd.s32 $0xFFFFC000  }
0x2ba: {  	[spmem:s2] =	stream.indirect.scatter.add.f32 [tilespmem:s17], [sflag:$0x3], $0x80, s24, s20, $0xb8;
	[tilespmem:$0x1CC00] =	vst v63  }
0x2bb: {  	_ =	swait.ge [sflag:s23], $0x4000  }
0x2bc: {  	[sflag:s23] =	ssyncset.done $0x0  }
0x2bd: {  	s26 =	simm.s32 $0x500;
	[sflag:s23] =	ssyncadd.s32 $0xFFFFC000  }
0x2be: {  	[tilespmem:s17], [sflag:$0x1] =	stream.indirect.gather [hbm4b:s5+s20], $0x80, s26, s20, $0xb8;
	[tilespmem:$0x1CC00] =	vst v63  }
0x2bf: {  	_ =	swait.ge [sflag:s25], $0x4000  }
0x2c0: {  	[sflag:s25] =	ssyncset.done $0x0  }
0x2c1: {  	s11 =	simm.s32 $0xC80;
	[sflag:s25] =	ssyncadd.s32 $0xFFFFC000  }
0x2c2: {  	[spmem:s2] =	stream.indirect.scatter.add.f32 [tilespmem:s21], [sflag:$0x4], $0x80, s11, s20, $0xb8;
	[tilespmem:$0x1CC00] =	vst v63  }
0x2c3: {  	_ =	swait.ge [sflag:s28], $0x4000  }
0x2c4: {  	[sflag:s28] =	ssyncset.done $0x0  }
0x2c5: {  	s14 =	simm.s32 $0x580;
	[sflag:s28] =	ssyncadd.s32 $0xFFFFC000  }
0x2c6: {  	[tilespmem:s21], [sflag:$0x2] =	stream.indirect.gather [hbm4b:s5+s20], $0x80, s14, s20, $0xb8;
	[tilespmem:$0x1CC00] =	vst v63  }
0x2c7: {  	_ =	swait.ge [sflag:s22], $0x4000  }
0x2c8: {  	[sflag:s22] =	ssyncset.done $0x0  }
0x2c9: {  	s24 =	simm.s32 $0xD00;
	[sflag:s22] =	ssyncadd.s32 $0xFFFFC000  }
0x2ca: {  	[spmem:s2] =	stream.indirect.scatter.add.f32 [tilespmem:s17], [sflag:$0x3], $0x80, s24, s20, $0xb8;
	[tilespmem:$0x1CC00] =	vst v63  }
0x2cb: {  	_ =	swait.ge [sflag:s23], $0x4000  }
0x2cc: {  	[sflag:s23] =	ssyncset.done $0x0  }
0x2cd: {  	s26 =	simm.s32 $0x600;
	[sflag:s23] =	ssyncadd.s32 $0xFFFFC000  }
0x2ce: {  	[tilespmem:s17], [sflag:$0x1] =	stream.indirect.gather [hbm4b:s5+s20], $0x80, s26, s20, $0xb8;
	[tilespmem:$0x1CC00] =	vst v63  }
0x2cf: {  	_ =	swait.ge [sflag:s25], $0x4000  }
0x2d0: {  	[sflag:s25] =	ssyncset.done $0x0  }
0x2d1: {  	s11 =	simm.s32 $0xD80;
	[sflag:s25] =	ssyncadd.s32 $0xFFFFC000  }
0x2d2: {  	[spmem:s2] =	stream.indirect.scatter.add.f32 [tilespmem:s21], [sflag:$0x4], $0x80, s11, s20, $0xb8;
	[tilespmem:$0x1CC00] =	vst v63  }
0x2d3: {  	_ =	swait.ge [sflag:s28], $0x4000  }
0x2d4: {  	[sflag:s28] =	ssyncset.done $0x0  }
0x2d5: {  	s14 =	simm.s32 $0x680;
	[sflag:s28] =	ssyncadd.s32 $0xFFFFC000  }
0x2d6: {  	[tilespmem:s21], [sflag:$0x2] =	stream.indirect.gather [hbm4b:s5+s20], $0x80, s14, s20, $0xb8;
	[tilespmem:$0x1CC00] =	vst v63  }
0x2d7: {  	_ =	swait.ge [sflag:s22], $0x4000  }
0x2d8: {  	[sflag:s22] =	ssyncset.done $0x0  }
0x2d9: {  	s24 =	simm.s32 $0xE00;
	[sflag:s22] =	ssyncadd.s32 $0xFFFFC000  }
0x2da: {  	[spmem:s2] =	stream.indirect.scatter.add.f32 [tilespmem:s17], [sflag:$0x3], $0x80, s24, s20, $0xb8;
	[tilespmem:$0x1CC00] =	vst v63  }
0x2db: {  	_ =	swait.ge [sflag:s23], $0x4000  }
0x2dc: {  	[sflag:s23] =	ssyncset.done $0x0  }
0x2dd: {  	s26 =	simm.s32 $0x700;
	[sflag:s23] =	ssyncadd.s32 $0xFFFFC000  }
0x2de: {  	[tilespmem:s17], [sflag:$0x1] =	stream.indirect.gather [hbm4b:s5+s20], $0x80, s26, s20, $0xb8;
	[tilespmem:$0x1CC00] =	vst v63  }
0x2df: {  	_ =	swait.ge [sflag:s25], $0x4000  }
0x2e0: {  	[sflag:s25] =	ssyncset.done $0x0  }
0x2e1: {  	s11 =	simm.s32 $0xE80;
	[sflag:s25] =	ssyncadd.s32 $0xFFFFC000  }
0x2e2: {  	[spmem:s2] =	stream.indirect.scatter.add.f32 [tilespmem:s21], [sflag:$0x4], $0x80, s11, s20, $0xb8;
	[tilespmem:$0x1CC00] =	vst v63  }
0x2e3: {  	_ =	swait.ge [sflag:s28], $0x4000  }
0x2e4: {  	[sflag:s28] =	ssyncset.done $0x0  }
0x2e5: {  	s14 =	simm.s32 $0x780;
	[sflag:s28] =	ssyncadd.s32 $0xFFFFC000  }
0x2e6: {  	[tilespmem:s21], [sflag:$0x2] =	stream.indirect.gather [hbm4b:s5+s20], $0x80, s14, s20, $0xb8;
	[tilespmem:$0x1CC00] =	vst v63  }
0x2e7: {  	_ =	swait.ge [sflag:s22], $0x4000  }
0x2e8: {  	[sflag:s22] =	ssyncset.done $0x0  }
0x2e9: {  	s24 =	simm.s32 $0xF00;
	[sflag:s22] =	ssyncadd.s32 $0xFFFFC000  }
0x2ea: {  	[spmem:s2] =	stream.indirect.scatter.add.f32 [tilespmem:s17], [sflag:$0x3], $0x80, s24, s20, $0xb8;
	[tilespmem:$0x1CC00] =	vst v63  }
0x2eb: {  	_ =	swait.ge [sflag:s25], $0x4000  }
0x2ec: {  	[sflag:s25] =	ssyncset.done $0x0  }
0x2ed: {  	s26 =	simm.s32 $0xF80;
	[sflag:s25] =	ssyncadd.s32 $0xFFFFC000  }
0x2ee: {  	[spmem:s2] =	stream.indirect.scatter.add.f32 [tilespmem:s21], [sflag:$0x4], $0x80, s26, s20, $0xb8;
	[tilespmem:$0x1CC00] =	vst v63  }
0x2ef: {  	_ =	swait.ge [sflag:s23], $0x4000  }
0x2f0: {  	[sflag:s23] =	ssyncset.done $0x0  }
0x2f1: {  	[sflag:s23] =	ssyncadd.s32 $0xFFFFC000  }
0x2f2: {  	_ =	swait.ge [sflag:s28], $0x4000  }
0x2f3: {  	s7 =	simm.s32 $0x200;
	s11 =	simm.s32 $0x100;
	[sflag:s28] =	ssyncset.done $0x0  }
.LBB2_8:
0x2f4: {  	s24 =	sadd.s32 s11, s16  }
0x2f5: {  	[sflag:s28] =	ssyncadd.s32 $0xFFFFC000;
	s26 =	smov.u32 s7;
	s14 =	sadd.s32 $0x100, s7  }
0x2f6: {  	[tilespmem:s3], [sflag:$0x5] =	stream.linear.gather [hbm4b:s24+s3], $0x800, $0x38;
	[tilespmem:$0x1CC00] =	vst v63  }
0x2f7: {  	s24 =	simm.s32 $0x880  }
0x2f8: {  	p1 =	sne.s32 s7, $0x900;
	_ =	swait.ge [sflag:s18], $0x800  }
0x2f9: {  	s7 =	sadd.s32 s11, s15;
	[sflag:s18] =	ssyncset.done $0x0  }
0x2fa: {  	s11 =	smov.u32 s26;
	s26 =	simm.s32 $0x100;
	[sflag:s18] =	ssyncadd.s32 $0xFFFFF800  }
0x2fb: {  	[tilespmem:s19], [sflag:$0x5] =	stream.linear.gather [hbm4b:s7+s3], $0x800, $0x38;
	[tilespmem:$0x1CC00] =	vst v63  }
0x2fc: {  	_ =	swait.ge [sflag:s18], $0x800  }
0x2fd: {  	[sflag:s18] =	ssyncset.done $0x0  }
0x2fe: {  	[sflag:s18] =	ssyncadd.s32 $0xFFFFF800  }
0x2ff: {  	[tilespmem:s17], [sflag:$0x1] =	stream.indirect.gather [hbm4b:s5+s20], $0x80, s3, s20, $0xb8;
	[tilespmem:$0x1CC00] =	vst v63  }
0x300: {  	_ = 	snop  }
0x301: {  	[tilespmem:s21], [sflag:$0x2] =	stream.indirect.gather [hbm4b:s5+s20], $0x80, s20, s20, $0xb8;
	[tilespmem:$0x1CC00] =	vst v63  }
0x302: {  	_ =	swait.ge [sflag:s22], $0x4000  }
0x303: {  	[sflag:s22] =	ssyncset.done $0x0  }
0x304: {  	[sflag:s22] =	ssyncadd.s32 $0xFFFFC000  }
0x305: {  	[spmem:s2] =	stream.indirect.scatter.add.f32 [tilespmem:s17], [sflag:$0x3], $0x80, s19, s20, $0xb8;
	[tilespmem:$0x1CC00] =	vst v63  }
0x306: {  	_ =	swait.ge [sflag:s23], $0x4000  }
0x307: {  	[sflag:s23] =	ssyncset.done $0x0  }
0x308: {  	[sflag:s23] =	ssyncadd.s32 $0xFFFFC000  }
0x309: {  	[tilespmem:s17], [sflag:$0x1] =	stream.indirect.gather [hbm4b:s5+s20], $0x80, s26, s20, $0xb8;
	[tilespmem:$0x1CC00] =	vst v63  }
0x30a: {  	_ =	swait.ge [sflag:s25], $0x4000  }
0x30b: {  	[sflag:s25] =	ssyncset.done $0x0  }
0x30c: {  	[sflag:s25] =	ssyncadd.s32 $0xFFFFC000  }
0x30d: {  	[spmem:s2] =	stream.indirect.scatter.add.f32 [tilespmem:s21], [sflag:$0x4], $0x80, s24, s20, $0xb8;
	[tilespmem:$0x1CC00] =	vst v63  }
0x30e: {  	_ =	swait.ge [sflag:s28], $0x4000  }
0x30f: {  	[sflag:s28] =	ssyncset.done $0x0  }
0x310: {  	[sflag:s28] =	ssyncadd.s32 $0xFFFFC000  }
0x311: {  	[tilespmem:s21], [sflag:$0x2] =	stream.indirect.gather [hbm4b:s5+s20], $0x80, s29, s20, $0xb8;
	[tilespmem:$0x1CC00] =	vst v63  }
0x312: {  	_ =	swait.ge [sflag:s22], $0x4000  }
0x313: {  	[sflag:s22] =	ssyncset.done $0x0  }
0x314: {  	[sflag:s22] =	ssyncadd.s32 $0xFFFFC000  }
0x315: {  	[spmem:s2] =	stream.indirect.scatter.add.f32 [tilespmem:s17], [sflag:$0x3], $0x80, s30, s20, $0xb8;
	[tilespmem:$0x1CC00] =	vst v63  }
0x316: {  	_ =	swait.ge [sflag:s23], $0x4000  }
0x317: {  	[sflag:s23] =	ssyncset.done $0x0  }
0x318: {  	[sflag:s23] =	ssyncadd.s32 $0xFFFFC000  }
0x319: {  	[tilespmem:s17], [sflag:$0x1] =	stream.indirect.gather [hbm4b:s5+s20], $0x80, s31, s20, $0xb8;
	[tilespmem:$0x1CC00] =	vst v63  }
0x31a: {  	_ =	swait.ge [sflag:s25], $0x4000  }
0x31b: {  	[sflag:s25] =	ssyncset.done $0x0  }
0x31c: {  	[sflag:s25] =	ssyncadd.s32 $0xFFFFC000  }
0x31d: {  	[spmem:s2] =	stream.indirect.scatter.add.f32 [tilespmem:s21], [sflag:$0x4], $0x80, s0, s20, $0xb8;
	[tilespmem:$0x1CC00] =	vst v63  }
0x31e: {  	_ =	swait.ge [sflag:s28], $0x4000  }
0x31f: {  	[sflag:s28] =	ssyncset.done $0x0  }
0x320: {  	[sflag:s28] =	ssyncadd.s32 $0xFFFFC000  }
0x321: {  	[tilespmem:s21], [sflag:$0x2] =	stream.indirect.gather [hbm4b:s5+s20], $0x80, s12, s20, $0xb8;
	[tilespmem:$0x1CC00] =	vst v63  }
0x322: {  	_ =	swait.ge [sflag:s22], $0x4000  }
0x323: {  	[sflag:s22] =	ssyncset.done $0x0  }
0x324: {  	[sflag:s22] =	ssyncadd.s32 $0xFFFFC000  }
0x325: {  	[spmem:s2] =	stream.indirect.scatter.add.f32 [tilespmem:s17], [sflag:$0x3], $0x80, s13, s20, $0xb8;
	[tilespmem:$0x1CC00] =	vst v63  }
0x326: {  	_ =	swait.ge [sflag:s23], $0x4000  }
0x327: {  	[sflag:s23] =	ssyncset.done $0x0  }
0x328: {  	[sflag:s23] =	ssyncadd.s32 $0xFFFFC000  }
0x329: {  	[tilespmem:s17], [sflag:$0x1] =	stream.indirect.gather [hbm4b:s5+s20], $0x80, s1, s20, $0xb8;
	[tilespmem:$0x1CC00] =	vst v63  }
0x32a: {  	_ =	swait.ge [sflag:s25], $0x4000  }
0x32b: {  	[sflag:s25] =	ssyncset.done $0x0  }
0x32c: {  	[sflag:s25] =	ssyncadd.s32 $0xFFFFC000  }
0x32d: {  	[spmem:s2] =	stream.indirect.scatter.add.f32 [tilespmem:s21], [sflag:$0x4], $0x80, s6, s20, $0xb8;
	[tilespmem:$0x1CC00] =	vst v63  }
0x32e: {  	_ =	swait.ge [sflag:s28], $0x4000  }
0x32f: {  	[sflag:s28] =	ssyncset.done $0x0  }
0x330: {  	[sflag:s28] =	ssyncadd.s32 $0xFFFFC000  }
0x331: {  	[tilespmem:s21], [sflag:$0x2] =	stream.indirect.gather [hbm4b:s5+s20], $0x80, s8, s20, $0xb8;
	[tilespmem:$0x1CC00] =	vst v63  }
0x332: {  	_ =	swait.ge [sflag:s22], $0x4000  }
0x333: {  	[sflag:s22] =	ssyncset.done $0x0  }
0x334: {  	[sflag:s22] =	ssyncadd.s32 $0xFFFFC000  }
0x335: {  	[spmem:s2] =	stream.indirect.scatter.add.f32 [tilespmem:s17], [sflag:$0x3], $0x80, s9, s20, $0xb8;
	[tilespmem:$0x1CC00] =	vst v63  }
0x336: {  	_ =	swait.ge [sflag:s23], $0x4000  }
0x337: {  	[sflag:s23] =	ssyncset.done $0x0  }
0x338: {  	[sflag:s23] =	ssyncadd.s32 $0xFFFFC000  }
0x339: {  	[tilespmem:s17], [sflag:$0x1] =	stream.indirect.gather [hbm4b:s5+s20], $0x80, s10, s20, $0xb8;
	[tilespmem:$0x1CC00] =	vst v63  }
0x33a: {  	_ =	swait.ge [sflag:s25], $0x4000  }
0x33b: {  	[sflag:s25] =	ssyncset.done $0x0  }
0x33c: {  	s7 =	simm.s32 $0xB80;
	[sflag:s25] =	ssyncadd.s32 $0xFFFFC000  }
0x33d: {  	[spmem:s2] =	stream.indirect.scatter.add.f32 [tilespmem:s21], [sflag:$0x4], $0x80, s7, s20, $0xb8;
	[tilespmem:$0x1CC00] =	vst v63  }
0x33e: {  	_ =	swait.ge [sflag:s28], $0x4000  }
0x33f: {  	[sflag:s28] =	ssyncset.done $0x0  }
0x340: {  	s7 =	simm.s32 $0x480;
	[sflag:s28] =	ssyncadd.s32 $0xFFFFC000  }
0x341: {  	[tilespmem:s21], [sflag:$0x2] =	stream.indirect.gather [hbm4b:s5+s20], $0x80, s7, s20, $0xb8;
	[tilespmem:$0x1CC00] =	vst v63  }
0x342: {  	_ =	swait.ge [sflag:s22], $0x4000  }
0x343: {  	[sflag:s22] =	ssyncset.done $0x0  }
0x344: {  	s7 =	simm.s32 $0xC00;
	[sflag:s22] =	ssyncadd.s32 $0xFFFFC000  }
0x345: {  	[spmem:s2] =	stream.indirect.scatter.add.f32 [tilespmem:s17], [sflag:$0x3], $0x80, s7, s20, $0xb8;
	[tilespmem:$0x1CC00] =	vst v63  }
0x346: {  	_ =	swait.ge [sflag:s23], $0x4000  }
0x347: {  	[sflag:s23] =	ssyncset.done $0x0  }
0x348: {  	s7 =	simm.s32 $0x500;
	[sflag:s23] =	ssyncadd.s32 $0xFFFFC000  }
0x349: {  	[tilespmem:s17], [sflag:$0x1] =	stream.indirect.gather [hbm4b:s5+s20], $0x80, s7, s20, $0xb8;
	[tilespmem:$0x1CC00] =	vst v63  }
0x34a: {  	_ =	swait.ge [sflag:s25], $0x4000  }
0x34b: {  	[sflag:s25] =	ssyncset.done $0x0  }
0x34c: {  	s7 =	simm.s32 $0xC80;
	[sflag:s25] =	ssyncadd.s32 $0xFFFFC000  }
0x34d: {  	[spmem:s2] =	stream.indirect.scatter.add.f32 [tilespmem:s21], [sflag:$0x4], $0x80, s7, s20, $0xb8;
	[tilespmem:$0x1CC00] =	vst v63  }
0x34e: {  	_ =	swait.ge [sflag:s28], $0x4000  }
0x34f: {  	[sflag:s28] =	ssyncset.done $0x0  }
0x350: {  	s7 =	simm.s32 $0x580;
	[sflag:s28] =	ssyncadd.s32 $0xFFFFC000  }
0x351: {  	[tilespmem:s21], [sflag:$0x2] =	stream.indirect.gather [hbm4b:s5+s20], $0x80, s7, s20, $0xb8;
	[tilespmem:$0x1CC00] =	vst v63  }
0x352: {  	_ =	swait.ge [sflag:s22], $0x4000  }
0x353: {  	[sflag:s22] =	ssyncset.done $0x0  }
0x354: {  	s7 =	simm.s32 $0xD00;
	[sflag:s22] =	ssyncadd.s32 $0xFFFFC000  }
0x355: {  	[spmem:s2] =	stream.indirect.scatter.add.f32 [tilespmem:s17], [sflag:$0x3], $0x80, s7, s20, $0xb8;
	[tilespmem:$0x1CC00] =	vst v63  }
0x356: {  	_ =	swait.ge [sflag:s23], $0x4000  }
0x357: {  	[sflag:s23] =	ssyncset.done $0x0  }
0x358: {  	s7 =	simm.s32 $0x600;
	[sflag:s23] =	ssyncadd.s32 $0xFFFFC000  }
0x359: {  	[tilespmem:s17], [sflag:$0x1] =	stream.indirect.gather [hbm4b:s5+s20], $0x80, s7, s20, $0xb8;
	[tilespmem:$0x1CC00] =	vst v63  }
0x35a: {  	_ =	swait.ge [sflag:s25], $0x4000  }
0x35b: {  	[sflag:s25] =	ssyncset.done $0x0  }
0x35c: {  	s7 =	simm.s32 $0xD80;
	[sflag:s25] =	ssyncadd.s32 $0xFFFFC000  }
0x35d: {  	[spmem:s2] =	stream.indirect.scatter.add.f32 [tilespmem:s21], [sflag:$0x4], $0x80, s7, s20, $0xb8;
	[tilespmem:$0x1CC00] =	vst v63  }
0x35e: {  	_ =	swait.ge [sflag:s28], $0x4000  }
0x35f: {  	[sflag:s28] =	ssyncset.done $0x0  }
0x360: {  	s7 =	simm.s32 $0x680;
	[sflag:s28] =	ssyncadd.s32 $0xFFFFC000  }
0x361: {  	[tilespmem:s21], [sflag:$0x2] =	stream.indirect.gather [hbm4b:s5+s20], $0x80, s7, s20, $0xb8;
	[tilespmem:$0x1CC00] =	vst v63  }
0x362: {  	_ =	swait.ge [sflag:s22], $0x4000  }
0x363: {  	[sflag:s22] =	ssyncset.done $0x0  }
0x364: {  	s7 =	simm.s32 $0xE00;
	[sflag:s22] =	ssyncadd.s32 $0xFFFFC000  }
0x365: {  	[spmem:s2] =	stream.indirect.scatter.add.f32 [tilespmem:s17], [sflag:$0x3], $0x80, s7, s20, $0xb8;
	[tilespmem:$0x1CC00] =	vst v63  }
0x366: {  	_ =	swait.ge [sflag:s23], $0x4000  }
0x367: {  	[sflag:s23] =	ssyncset.done $0x0  }
0x368: {  	s7 =	simm.s32 $0x700;
	[sflag:s23] =	ssyncadd.s32 $0xFFFFC000  }
0x369: {  	[tilespmem:s17], [sflag:$0x1] =	stream.indirect.gather [hbm4b:s5+s20], $0x80, s7, s20, $0xb8;
	[tilespmem:$0x1CC00] =	vst v63  }
0x36a: {  	_ =	swait.ge [sflag:s25], $0x4000  }
0x36b: {  	[sflag:s25] =	ssyncset.done $0x0  }
0x36c: {  	s7 =	simm.s32 $0xE80;
	[sflag:s25] =	ssyncadd.s32 $0xFFFFC000  }
0x36d: {  	[spmem:s2] =	stream.indirect.scatter.add.f32 [tilespmem:s21], [sflag:$0x4], $0x80, s7, s20, $0xb8;
	[tilespmem:$0x1CC00] =	vst v63  }
0x36e: {  	_ =	swait.ge [sflag:s28], $0x4000  }
0x36f: {  	[sflag:s28] =	ssyncset.done $0x0  }
0x370: {  	s7 =	simm.s32 $0x780;
	[sflag:s28] =	ssyncadd.s32 $0xFFFFC000  }
0x371: {  	[tilespmem:s21], [sflag:$0x2] =	stream.indirect.gather [hbm4b:s5+s20], $0x80, s7, s20, $0xb8;
	[tilespmem:$0x1CC00] =	vst v63  }
0x372: {  	_ =	swait.ge [sflag:s22], $0x4000  }
0x373: {  	[sflag:s22] =	ssyncset.done $0x0  }
0x374: {  	s7 =	simm.s32 $0xF00;
	[sflag:s22] =	ssyncadd.s32 $0xFFFFC000  }
0x375: {  	[spmem:s2] =	stream.indirect.scatter.add.f32 [tilespmem:s17], [sflag:$0x3], $0x80, s7, s20, $0xb8;
	[tilespmem:$0x1CC00] =	vst v63  }
0x376: {  	_ =	swait.ge [sflag:s25], $0x4000  }
0x377: {  	[sflag:s25] =	ssyncset.done $0x0  }
0x378: {  	s7 =	simm.s32 $0xF80;
	[sflag:s25] =	ssyncadd.s32 $0xFFFFC000  }
0x379: {  	[spmem:s2] =	stream.indirect.scatter.add.f32 [tilespmem:s21], [sflag:$0x4], $0x80, s7, s20, $0xb8;
	[tilespmem:$0x1CC00] =	vst v63  }
.Ltmp6:
0x37a: {  	_ =	swait.ge [sflag:s23], $0x4000;
	(pc) =	sbr.rel @p1 .LBB2_8-.Ltmp6, $4  }
0x37b: {  	[sflag:s23] =	ssyncset.done $0x0  }
0x37c: {  	[sflag:s23] =	ssyncadd.s32 $0xFFFFC000  }
0x37d: {  	_ =	swait.ge [sflag:s28], $0x4000  }
0x37e: {  	s7 =	smov.u32 s14;
	[sflag:s28] =	ssyncset.done $0x0  }
.Ltmp7:
0x37f: {  	_ = 	snop;
	(pc) =	sbr.rel .LBB2_9-.Ltmp7, $1  }
0x380: {  	_ =	sdelay $0x3  }
.LBB2_11:
0x381: {  	_ =	sfence.sel $0x180000  }
0x382: {  	[bflag:$0x0] =	sbarrier.arrive $0xFFFF  }
0x383: {  	_ =	strace $0x9000004A  }
0x384: {  	s0 =	stileid.u32;
	[bflag:$0x2] =	sbarrier.arrive $0xFFFF  }
0x385: {  	p0 =	sne.s32 s0, $0x0;
	s0 =	rddreg [dreg:$0x2]  }
0x386: {  	s0 =	sadd.s32 @!p0 $0x100000, s0  }
0x387: {  	[sflag:s0] =	ssyncadd.tile.s32 @!p0 $0x1;
	_ =	shalt  }
.Lfunc_end2:
_tile_overlayer_lowered:
.L_overlay_start_2:
0x388: {  	(tag) =	ssettag $0x2  }
0x389: {  	s0 =	rddreg [dreg:$0x0];
	s2 =	stileid.u32  }
0x38a: {  	s1 =	rddreg [dreg:$0x1];
	p0 =	sne.s32 s2, $0x0  }
0x38b: {  	s3 =	rddreg [dreg:$0x2];
	[bflag:$0x3] =	sbarrier.arrive $0xFFFF;
	s2 =	simm.s32 @!p0 $0x1C05  }
0x38c: {  	[timem:s3], [sflag:s2] =	dma.local @!p0 [hbm:s0], s1  }
0x38d: {  	s0 =	simm.s32 @!p0 $0x5  }
0x38e: {  	_ =	swait.ge @!p0 [sflag:s0], s1  }
0x38f: {  	s1 =	ssub.s32 @!p0 $0x0, s1;
	[sflag:s0] =	ssyncset.done @!p0 $0x0  }
0x390: {  	[sflag:s0] =	ssyncadd.s32 @!p0 s1  }
0x391: {  	[bflag:$0x3] =	sbarrier.arrive $0xFFFF  }
0x392: {  	_ =	shalt  }

// kernel: kernel.18.cloned.1.call-start
scs
__scs_entry_jumppad:
0x0: {  	(pc) =	sbr.rel $0x88, $3  }
0x1: {  	(tag) =	ssettag $0x0;
	lr =	simm.s32 $0x1  }
0x2: {  	[smem:$0x3F96] =	sst lr;
	_ =	strace $0xD0000000  }
0x3: {  	_ = 	snop  }
0x4: {  	_ = 	snop  }
0x5: {  	_ = 	snop  }
0x6: {  	_ = 	snop  }
0x7: {  	_ = 	snop  }
__scs_overlays_trampoline_lowered:
0x8: {  	[smem:$0x3FA5] =	sst s0  }
0x9: {  	[smem:$0x3FA6] =	sst s1  }
0xa: {  	[smem:$0x3FA7] =	sst s2  }
0xb: {  	[smem:$0x3FA8] =	sst s3  }
0xc: {  	[smem:$0x3FA9] =	sst s4  }
0xd: {  	[smem:$0x3FAA] =	sst s5  }
0xe: {  	[smem:$0x3FAB] =	sst s6  }
0xf: {  	[smem:$0x3FAC] =	sst s7  }
0x10: {  	[smem:$0x3FAD] =	sst s8  }
0x11: {  	[smem:$0x3FAE] =	sst s9;
	s0 =	simm.s32 @!p0 $0x0  }
0x12: {  	s1 =	sld [smem:$0x3F94];
	s0 =	simm.s32 @p0 $0x1  }
0x13: {  	[smem:$0x3FAF] =	sst s0;
	s0 =	simm.s32 @!p1 $0x0  }
0x14: {  	s2 =	sld [smem:$0x3F93];
	s0 =	simm.s32 @p1 $0x1  }
0x15: {  	[smem:$0x3FB0] =	sst s0;
	s0 =	simm.s32 @!p2 $0x0  }
0x16: {  	s3 =	sld [smem:$0x3FDB];
	s0 =	simm.s32 @p2 $0x1  }
0x17: {  	s4 =	simm.s32 $0x1BF5;
	[smem:$0x3FB2] =	sst s0  }
0x18: {  	s0 =	sld [smem:$0x3F95];
	_ =	swait.ge [sflag:s4], $0x0  }
0x19: {  	s7 =	sld [smem:$0x3F96]  }
0x1a: {  	s8 =	sadd.s32 $0xFFFFE003, lr  }
0x1b: {  	s9 =	sadd.s32 $0xFFFFFEF7, lr;
	s5 =	simm.s32 $0xFFFFFFFF;
	p2 =	slt.u32 s8, $0xFFFFF086  }
0x1c: {  	p1 =	slt.u32 s9, $0xF7A;
	s5 =	simm.s32 @!p2 $0x0  }
0x1d: {  	s5 =	simm.s32 @p1 $0x1;
	p0 =	seq.s32 s7, s2  }
0x1e: {  	s7 =	smul.u32 @!p0 $0xF7A, s2;
	p2 =	seq.s32 @!p0 s5, $0x0  }
0x1f: {  	s9 =	smul.u32 $0xF7A, s1;
	s8 =	simm.s32 @!p0 $0x1BF5;
	p2 =	por !p2, p0  }
0x20: {  	[sflag:s8] =	ssyncset.s32 @!p0 $0xFFFFF086;
	s6 =	sadd.s32 @!p0 s3, s7;
	s7 =	simm.s32 @!p0 $0x108  }
0x21: {  	s3 =	sadd.s32 s3, s9;
	s6 =	sadd.s32 @!p0 $0x88, s6;
	s7 =	simm.s32 @p2 $0x1082  }
0x22: {  	[simem:s7], [sflag:s8] =	dma.local @!p0 [hbm:s6], $0xF7A  }
0x23: {  	s9 =	sor.u32 $0xD0000000, s2;
	s6 =	simm.s32 $0x108;
	_ =	swait.ge @!p0 [sflag:s8], $0x0  }
0x24: {  	s3 =	sadd.s32 $0x88, s3;
	s6 =	simm.s32 @!p1 $0x1082;
	[sflag:s4] =	ssyncset.s32 $0xFFFFF086  }
0x25: {  	[simem:s6], [sflag:s4] =	dma.local [hbm:s3], $0xF7A  }
0x26: {  	[smem:$0x3F96] =	sst s1;
	(tag) =	ssettag s2;
	_ =	strace s9  }
0x27: {  	s1 =	sld [smem:$0x3FA6]  }
0x28: {  	s2 =	sld [smem:$0x3FA7]  }
0x29: {  	s4 =	sld [smem:$0x3FA9]  }
0x2a: {  	p0 =	seq.s32 s5, $0x0;
	s5 =	sld [smem:$0x3FAA]  }
0x2b: {  	s6 =	sld [smem:$0x3FAB]  }
0x2c: {  	s7 =	sld [smem:$0x3FAC]  }
0x2d: {  	s3 =	simm.s32 $0x108;
	s8 =	sld [smem:$0x3FAD]  }
0x2e: {  	s3 =	simm.s32 @!p0 $0x1082;
	s9 =	sld [smem:$0x3FAE]  }
0x2f: {  	lr =	sadd.s32 s0, s3;
	s0 =	sld [smem:$0x3FA5]  }
0x30: {  	s3 =	sld [smem:$0x3FA8]  }
0x31: {  	[smem:$0x3FB1] =	sst s10  }
0x32: {  	s10 =	sld [smem:$0x3FAF];
	_ =	sdelay $0x3  }
0x33: {  	p0 =	seq.s32 s10, $0x1;
	s10 =	sld [smem:$0x3FB1];
	_ =	sdelay $0x3  }
0x34: {  	[smem:$0x3FB1] =	sst s10  }
0x35: {  	s10 =	sld [smem:$0x3FB0];
	_ =	sdelay $0x3  }
0x36: {  	p1 =	seq.s32 s10, $0x1;
	s10 =	sld [smem:$0x3FB1];
	_ =	sdelay $0x3  }
0x37: {  	[smem:$0x3FB1] =	sst s10  }
0x38: {  	s10 =	sld [smem:$0x3FB2]  }
0x39: {  	_ = 	snop;
	(pc) =	sbr.ind lr, $3  }
0x3a: {  	_ = 	snop  }
0x3b: {  	_ = 	snop  }
0x3c: {  	p2 =	seq.s32 s10, $0x1;
	s10 =	sld [smem:$0x3FB1]  }
0x3d: {  	_ =	shalt  }
0x3e: {  	_ =	shalt  }
0x3f: {  	_ =	shalt  }
0x40: {  	_ =	shalt  }
0x41: {  	_ =	shalt  }
0x42: {  	_ =	shalt  }
0x43: {  	_ =	shalt  }
0x44: {  	_ =	shalt  }
0x45: {  	_ =	shalt  }
0x46: {  	_ =	shalt  }
0x47: {  	_ =	shalt  }
0x48: {  	_ =	shalt  }
0x49: {  	_ =	shalt  }
0x4a: {  	_ =	shalt  }
0x4b: {  	_ =	shalt  }
0x4c: {  	_ =	shalt  }
0x4d: {  	_ =	shalt  }
0x4e: {  	_ =	shalt  }
0x4f: {  	_ =	shalt  }
0x50: {  	_ =	shalt  }
0x51: {  	_ =	shalt  }
0x52: {  	_ =	shalt  }
0x53: {  	_ =	shalt  }
0x54: {  	_ =	shalt  }
0x55: {  	_ =	shalt  }
0x56: {  	_ =	shalt  }
0x57: {  	_ =	shalt  }
0x58: {  	_ =	shalt  }
0x59: {  	_ =	shalt  }
0x5a: {  	_ =	shalt  }
0x5b: {  	_ =	shalt  }
0x5c: {  	_ =	shalt  }
0x5d: {  	_ =	shalt  }
0x5e: {  	_ =	shalt  }
0x5f: {  	_ =	shalt  }
0x60: {  	_ =	shalt  }
0x61: {  	_ =	shalt  }
0x62: {  	_ =	shalt  }
0x63: {  	_ =	shalt  }
0x64: {  	_ =	shalt  }
0x65: {  	_ =	shalt  }
0x66: {  	_ =	shalt  }
0x67: {  	_ =	shalt  }
0x68: {  	_ =	shalt  }
0x69: {  	_ =	shalt  }
0x6a: {  	_ =	shalt  }
0x6b: {  	_ =	shalt  }
0x6c: {  	_ =	shalt  }
0x6d: {  	_ =	shalt  }
0x6e: {  	_ =	shalt  }
0x6f: {  	_ =	shalt  }
0x70: {  	_ =	shalt  }
0x71: {  	_ =	shalt  }
0x72: {  	_ =	shalt  }
0x73: {  	_ =	shalt  }
0x74: {  	_ =	shalt  }
0x75: {  	_ =	shalt  }
0x76: {  	_ =	shalt  }
0x77: {  	_ =	shalt  }
0x78: {  	_ =	shalt  }
0x79: {  	_ =	shalt  }
0x7a: {  	_ =	shalt  }
0x7b: {  	_ =	shalt  }
0x7c: {  	_ =	shalt  }
0x7d: {  	_ =	shalt  }
0x7e: {  	_ =	shalt  }
0x7f: {  	_ =	shalt  }
0x80: {  	_ =	shalt  }
0x81: {  	_ =	shalt  }
0x82: {  	_ =	shalt  }
0x83: {  	_ =	shalt  }
0x84: {  	_ =	shalt  }
0x85: {  	_ =	shalt  }
0x86: {  	_ =	shalt  }
0x87: {  	_ =	shalt  }
.Lfunc_end0:
.L_simem_size_0:
called_computation.3_lowered:
.L_overlay_start_0:
0x88: {  	s2 =	sld [smem:$0x3FD9]  }
0x89: {  	s3 =	sld [smem:$0x3FFE];
	_ =	sdelay $0x1  }
0x8a: {  	s1 =	srdreg.scid  }
0x8b: {  	s0 =	sand.u32 $0x1, s1  }
0x8c: {  	s16 =	sshll.u32 s0, $0xA;
	s2 =	sadd.s32 s3, s2  }
0x8d: {  	s2 =	sadd.s32 s2, s16  }
0x8e: {  	[smem:$0x3FBD] =	sst s2  }
0x8f: {  	_ = 	snop  }
0x90: {  	(tm) =	ssettm $0x1  }
0x91: {  	s17 =	sld [smem:$0x3FFB];
	_ =	sdelay $0x3  }
0x92: {  	_ =	strace s17  }
0x93: {  	s2 =	sld [smem:$0x3FFC];
	_ =	sdelay $0x3  }
0x94: {  	_ =	strace s2  }
0x95: {  	s2 =	sld [smem:$0x3FFD];
	_ =	sdelay $0x3  }
0x96: {  	_ =	strace s2  }
0x97: {  	_ =	strace $0x8FFFFFFF  }
0x98: {  	s18 =	sld [smem:$0x3FDB];
	_ =	sdelay $0x1  }
0x99: {  	s19 =	simm.s32 $_scs_section_size  }
0x9a: {  	s4 =	simm.s32 $_size__tile_overlayer_lowered;
	s5 =	simm.s32 $_tile_overlayer_lowered  }
0x9b: {  	s22 =	simm.s32 $0x1BFF;
	s21 =	sshll.u32 s5, $0x1;
	s2 =	sadd.s32 s19, s18  }
0x9c: {  	s6 =	simm.s32 $0x0;
	s20 =	sshll.u32 s4, $0x1;
	s4 =	sadd.s32 s21, s2  }
0x9d: {  	[timem:s6], [sflag:s22] =	dma.local [hbm:s4], s20  }
0x9e: {  	_ =	swait.ge [sflag:s22], s20  }
0x9f: {  	s3 =	ssub.s32 $0x0, s20;
	[sflag:s22] =	ssyncset.done $0x0  }
0xa0: {  	[sflag:s22] =	ssyncadd.s32 s3;
	_ =	sdelay $0x1  }
0xa1: {  	s23 =	simm.s32 $0x1B8B  }
0xa2: {  	_ =	swait.ge [sflag:s23], $0x1  }
0xa3: {  	[sflag:s23] =	ssyncset.done $0x0  }
0xa4: {  	s25 =	simm.s32 $0x1B8E;
	s24 =	sld [smem:$0x3FFE];
	[sflag:s23] =	ssyncadd.s32 $0xFFFFFFFF  }
0xa5: {  	s26 =	simm.s32 $execute0_lowered;
	[smem:$0x3FD2] =	sst s25  }
0xa6: {  	s4 =	sshll.u32 s26, $0x1;
	_ =	strace $0x8000004F;
	[dreg:$0x1] =	wrdreg $0xFFFFFFFF  }
0xa7: {  	s28 =	simm.s32 $_size_execute0_lowered;
	s2 =	sadd.s32 s2, s4;
	[dreg:$0x0] =	wrdreg $0x0  }
0xa8: {  	s4 =	sshll.u32 s28, $0x1;
	[dreg:$0x2] =	wrdreg s2  }
0xa9: {  	[dreg:$0x3] =	wrdreg s4  }
0xaa: {  	[dreg:$0x4] =	wrdreg $0xC0  }
0xab: {  	_ =	task [dreg:s6], $0x5FFFF  }
0xac: {  	[dreg:$0x1] =	wrdreg $0xFFFFFFFF  }
0xad: {  	[dreg:$0x0] =	wrdreg $0x60  }
0xae: {  	[dreg:$0x2] =	wrdreg s24  }
0xaf: {  	[dreg:$0x3] =	wrdreg $0x90000  }
0xb0: {  	[dreg:$0x4] =	wrdreg $0x9  }
0xb1: {  	_ =	task.clear_ibuf [dreg:s6], $0x5FFFF;
	_ =	strace $0x9000004F  }
0xb2: {  	s29 =	simm.s32 $0x9;
	_ =	strace $0x80000051  }
0xb3: {  	_ =	swait.ge [sflag:s29], $0x1  }
0xb4: {  	[sflag:s29] =	ssyncadd.s32 $0xFFFFFFFF  }
0xb5: {  	_ =	strace $0x90000051  }
0xb6: {  	_ =	sfence  }
0xb7: {  	s30 =	sld [smem:$0x0];
	_ =	sdelay $0x2  }
0xb8: {  	s31 =	sshll.u32 s1, $0xD;
	s1 =	sshrl.u32 s1, $0x2  }
0xb9: {  	s3 =	sand.u32 $0x4000, s31;
	s1 =	sadd.s32 s1, s30  }
0xba: {  	s0 =	sor.u32 s3, s0;
	s1 =	sshll.u32 s1, $0x11  }
0xbb: {  	s0 =	sor.u32 s1, s0  }
0xbc: {  	s0 =	sadd.s32 $0x8F2B, s0  }
0xbd: {  	[sflag:s0] =	ssyncadd.remote.s32 $0x1  }
0xbe: {  	_ =	sfence.sel $0xFFFF  }
0xbf: {  	[dreg:$0x0] =	wrdreg $0xFFFFFFFF;
	(pc) =	sbr.abs _section_cstart, $3  }
0xc0: {  	[dreg:$0x1] =	wrdreg $0xFFFFFFFF  }
0xc1: {  	_ =	task.clear_ibuf [dreg:s6], $0x2FFFF;
	_ =	strace $0x9FFFFFFF  }
0xc2: {  	(tm) =	ssettm $0x7FFFFFFF  }
0xc3: {  	_ =	shalt  }
tec
execute0_lowered:
.L_overlay_start_1:
0x0: {  	(tag) =	ssettag $0x1  }
0x1: {  	s0 =	rddreg [dreg:$0x0]  }
0x2: {  	s2 =	rddreg [dreg:$0x1];
	s3 =	simm.s32 $0x0;
	s9 =	stileid.u32  }
0x3: {  	s6 =	srdreg.scid;
	s17 =	simm.s32 $0x1000;
	s18 =	simm.s32 $0x5  }
0x4: {  	s19 =	simm.s32 $0x800;
	s20 =	simm.s32 $0x80;
	s1 =	smul.u32 $0xA00, s9  }
0x5: {  	s21 =	simm.s32 $0x5000;
	s28 =	simm.s32 $0x4;
	s7 =	smul.u32 $0x4F000, s9  }
0x6: {  	[smem:$0x7FF] =	sst s3;
	s4 =	sadd.s32 $0x18200, s0;
	s23 =	smul.u32 $0x13C00, s9  }
0x7: {  	s5 =	sadd.s32 $0x3F400, s0;
	s6 =	sand.u32 $0x1, s6;
	s31 =	smul.u32 $0x2780, s9  }
0x8: {  	_ =	strace $0x80000050;
	s22 =	ssub.s32 $0x2, s6;
	s1 =	sadd.s32 s1, s0  }
0x9: {  	s0 =	sadd.s32 $0xDD600, s0;
	s7 =	sshrl.u32 s7, $0x2;
	[dreg:$0xa] =	wrdreg s31  }
0xa: {  	p0 =	sne.s32 s6, $0x0;
	[dreg:$0x3] =	wrdreg s0;
	s24 =	sadd.s32 s7, s2  }
0xb: {  	s8 =	sshrl.u32 s22, $0x1;
	s25 =	sadd.s32 $0x4000, s24;
	[dreg:$0x4] =	wrdreg s24  }
0xc: {  	s0 =	ssub.s32 s22, s8;
	s26 =	sadd.s32 $0x8000, s24;
	[dreg:$0x5] =	wrdreg s25  }
0xd: {  	s7 =	sshrl.u32 s23, $0x3;
	s29 =	sadd.s32 $0xC000, s24;
	[dreg:$0x6] =	wrdreg s26  }
.Ltmp0:
0xe: {  	s30 =	sadd.s32 $0x10000, s24;
	[dreg:$0x7] =	wrdreg s29;
	(pc) =	sbr.rel .LBB2_1-.Ltmp0, $4  }
0xf: {  	s15 =	sadd.s32 $0xE200, s1;
	s7 =	sadd.s32 $0x27800, s7;
	[dreg:$0x8] =	wrdreg s30  }
0x10: {  	s16 =	sadd.s32 $0x4200, s1;
	s0 =	smax.u32 s0, $0x1;
	[dreg:$0x9] =	wrdreg s7  }
0x11: {  	s22 =	simm.s32 $0x1;
	s23 =	simm.s32 $0x3;
	[dreg:$0xb] =	wrdreg s0  }
0x12: {  	v0 =	vimm.f32 $0.0e+00;
	s26 =	simm.s32 $0x100;
	s25 =	simm.s32 $0x2;
	s0 =	simm.s32 $0x0  }
.LBB2_9:
0x13: {  	s7 =	sadd.s32 s11, s16;
	[sflag:s28] =	ssyncadd.s32 $0xFFFFC000  }
0x14: {  	[tilespmem:s3], [sflag:$0x5] =	stream.linear.gather [hbm4b:s7+s3], $0x800, $0x38;
	[tilespmem:$0x1CC00] =	vst v63  }
0x15: {  	_ =	swait.ge [sflag:s18], $0x800  }
0x16: {  	[sflag:s18] =	ssyncset.done $0x0  }
0x17: {  	s14 =	sadd.s32 s11, s15;
	[sflag:s18] =	ssyncadd.s32 $0xFFFFF800  }
0x18: {  	[tilespmem:s19], [sflag:$0x5] =	stream.linear.gather [hbm4b:s14+s3], $0x800, $0x38;
	[tilespmem:$0x1CC00] =	vst v63  }
0x19: {  	_ =	swait.ge [sflag:s18], $0x800  }
0x1a: {  	[sflag:s18] =	ssyncset.done $0x0  }
0x1b: {  	[sflag:s18] =	ssyncadd.s32 $0xFFFFF800  }
0x1c: {  	[tilespmem:s17], [sflag:$0x1] =	stream.indirect.gather [hbm4b:s5+s20], $0x80, s3, s20, $0xb8;
	[tilespmem:$0x1CC00] =	vst v63  }
0x1d: {  	_ = 	snop  }
0x1e: {  	[tilespmem:s21], [sflag:$0x2] =	stream.indirect.gather [hbm4b:s5+s20], $0x80, s20, s20, $0xb8;
	[tilespmem:$0x1CC00] =	vst v63  }
0x1f: {  	_ =	swait.ge [sflag:s22], $0x4000  }
0x20: {  	[sflag:s22] =	ssyncset.done $0x0  }
0x21: {  	[sflag:s22] =	ssyncadd.s32 $0xFFFFC000  }
0x22: {  	[spmem:s2] =	stream.indirect.scatter.add.f32 [tilespmem:s17], [sflag:$0x3], $0x80, s19, s20, $0xb8;
	[tilespmem:$0x1CC00] =	vst v63  }
0x23: {  	_ =	swait.ge [sflag:s23], $0x4000  }
0x24: {  	[sflag:s23] =	ssyncset.done $0x0  }
0x25: {  	[sflag:s23] =	ssyncadd.s32 $0xFFFFC000  }
0x26: {  	[tilespmem:s17], [sflag:$0x1] =	stream.indirect.gather [hbm4b:s5+s20], $0x80, s26, s20, $0xb8;
	[tilespmem:$0x1CC00] =	vst v63  }
0x27: {  	_ =	swait.ge [sflag:s25], $0x4000  }
0x28: {  	[sflag:s25] =	ssyncset.done $0x0  }
0x29: {  	[sflag:s25] =	ssyncadd.s32 $0xFFFFC000  }
0x2a: {  	[spmem:s2] =	stream.indirect.scatter.add.f32 [tilespmem:s21], [sflag:$0x4], $0x80, s24, s20, $0xb8;
	[tilespmem:$0x1CC00] =	vst v63  }
0x2b: {  	_ =	swait.ge [sflag:s28], $0x4000  }
0x2c: {  	[sflag:s28] =	ssyncset.done $0x0  }
0x2d: {  	[sflag:s28] =	ssyncadd.s32 $0xFFFFC000  }
0x2e: {  	[tilespmem:s21], [sflag:$0x2] =	stream.indirect.gather [hbm4b:s5+s20], $0x80, s29, s20, $0xb8;
	[tilespmem:$0x1CC00] =	vst v63  }
0x2f: {  	_ =	swait.ge [sflag:s22], $0x4000  }
0x30: {  	[sflag:s22] =	ssyncset.done $0x0  }
0x31: {  	[sflag:s22] =	ssyncadd.s32 $0xFFFFC000  }
0x32: {  	[spmem:s2] =	stream.indirect.scatter.add.f32 [tilespmem:s17], [sflag:$0x3], $0x80, s30, s20, $0xb8;
	[tilespmem:$0x1CC00] =	vst v63  }
0x33: {  	_ =	swait.ge [sflag:s23], $0x4000  }
0x34: {  	[sflag:s23] =	ssyncset.done $0x0  }
0x35: {  	[sflag:s23] =	ssyncadd.s32 $0xFFFFC000  }
0x36: {  	[tilespmem:s17], [sflag:$0x1] =	stream.indirect.gather [hbm4b:s5+s20], $0x80, s31, s20, $0xb8;
	[tilespmem:$0x1CC00] =	vst v63  }
0x37: {  	_ =	swait.ge [sflag:s25], $0x4000  }
0x38: {  	[sflag:s25] =	ssyncset.done $0x0  }
0x39: {  	[sflag:s25] =	ssyncadd.s32 $0xFFFFC000  }
0x3a: {  	[spmem:s2] =	stream.indirect.scatter.add.f32 [tilespmem:s21], [sflag:$0x4], $0x80, s0, s20, $0xb8;
	[tilespmem:$0x1CC00] =	vst v63  }
0x3b: {  	_ =	swait.ge [sflag:s28], $0x4000  }
0x3c: {  	[sflag:s28] =	ssyncset.done $0x0  }
0x3d: {  	[sflag:s28] =	ssyncadd.s32 $0xFFFFC000  }
0x3e: {  	[tilespmem:s21], [sflag:$0x2] =	stream.indirect.gather [hbm4b:s5+s20], $0x80, s12, s20, $0xb8;
	[tilespmem:$0x1CC00] =	vst v63  }
0x3f: {  	_ =	swait.ge [sflag:s22], $0x4000  }
0x40: {  	[sflag:s22] =	ssyncset.done $0x0  }
0x41: {  	[sflag:s22] =	ssyncadd.s32 $0xFFFFC000  }
0x42: {  	[spmem:s2] =	stream.indirect.scatter.add.f32 [tilespmem:s17], [sflag:$0x3], $0x80, s13, s20, $0xb8;
	[tilespmem:$0x1CC00] =	vst v63  }
0x43: {  	_ =	swait.ge [sflag:s23], $0x4000  }
0x44: {  	[sflag:s23] =	ssyncset.done $0x0  }
0x45: {  	[sflag:s23] =	ssyncadd.s32 $0xFFFFC000  }
0x46: {  	[tilespmem:s17], [sflag:$0x1] =	stream.indirect.gather [hbm4b:s5+s20], $0x80, s1, s20, $0xb8;
	[tilespmem:$0x1CC00] =	vst v63  }
0x47: {  	_ =	swait.ge [sflag:s25], $0x4000  }
0x48: {  	[sflag:s25] =	ssyncset.done $0x0  }
0x49: {  	[sflag:s25] =	ssyncadd.s32 $0xFFFFC000  }
0x4a: {  	[spmem:s2] =	stream.indirect.scatter.add.f32 [tilespmem:s21], [sflag:$0x4], $0x80, s6, s20, $0xb8;
	[tilespmem:$0x1CC00] =	vst v63  }
0x4b: {  	_ =	swait.ge [sflag:s28], $0x4000  }
0x4c: {  	[sflag:s28] =	ssyncset.done $0x0  }
0x4d: {  	[sflag:s28] =	ssyncadd.s32 $0xFFFFC000  }
0x4e: {  	[tilespmem:s21], [sflag:$0x2] =	stream.indirect.gather [hbm4b:s5+s20], $0x80, s8, s20, $0xb8;
	[tilespmem:$0x1CC00] =	vst v63  }
0x4f: {  	_ =	swait.ge [sflag:s22], $0x4000  }
0x50: {  	[sflag:s22] =	ssyncset.done $0x0  }
0x51: {  	[sflag:s22] =	ssyncadd.s32 $0xFFFFC000  }
0x52: {  	[spmem:s2] =	stream.indirect.scatter.add.f32 [tilespmem:s17], [sflag:$0x3], $0x80, s9, s20, $0xb8;
	[tilespmem:$0x1CC00] =	vst v63  }
0x53: {  	_ =	swait.ge [sflag:s23], $0x4000  }
0x54: {  	[sflag:s23] =	ssyncset.done $0x0  }
0x55: {  	[sflag:s23] =	ssyncadd.s32 $0xFFFFC000  }
0x56: {  	[tilespmem:s17], [sflag:$0x1] =	stream.indirect.gather [hbm4b:s5+s20], $0x80, s10, s20, $0xb8;
	[tilespmem:$0x1CC00] =	vst v63  }
0x57: {  	_ =	swait.ge [sflag:s25], $0x4000  }
0x58: {  	[sflag:s25] =	ssyncset.done $0x0  }
0x59: {  	s30 =	simm.s32 $0xB80;
	[sflag:s25] =	ssyncadd.s32 $0xFFFFC000  }
0x5a: {  	[spmem:s2] =	stream.indirect.scatter.add.f32 [tilespmem:s21], [sflag:$0x4], $0x80, s30, s20, $0xb8;
	[tilespmem:$0x1CC00] =	vst v63  }
0x5b: {  	_ =	swait.ge [sflag:s28], $0x4000  }
0x5c: {  	[sflag:s28] =	ssyncset.done $0x0  }
0x5d: {  	s31 =	simm.s32 $0x480;
	[sflag:s28] =	ssyncadd.s32 $0xFFFFC000  }
0x5e: {  	[tilespmem:s21], [sflag:$0x2] =	stream.indirect.gather [hbm4b:s5+s20], $0x80, s31, s20, $0xb8;
	[tilespmem:$0x1CC00] =	vst v63  }
0x5f: {  	_ =	swait.ge [sflag:s22], $0x4000  }
0x60: {  	[sflag:s22] =	ssyncset.done $0x0  }
0x61: {  	s1 =	simm.s32 $0xC00;
	[sflag:s22] =	ssyncadd.s32 $0xFFFFC000  }
0x62: {  	[spmem:s2] =	stream.indirect.scatter.add.f32 [tilespmem:s17], [sflag:$0x3], $0x80, s1, s20, $0xb8;
	[tilespmem:$0x1CC00] =	vst v63  }
0x63: {  	_ =	swait.ge [sflag:s23], $0x4000  }
0x64: {  	[sflag:s23] =	ssyncset.done $0x0  }
0x65: {  	s6 =	simm.s32 $0x500;
	[sflag:s23] =	ssyncadd.s32 $0xFFFFC000  }
0x66: {  	[tilespmem:s17], [sflag:$0x1] =	stream.indirect.gather [hbm4b:s5+s20], $0x80, s6, s20, $0xb8;
	[tilespmem:$0x1CC00] =	vst v63  }
0x67: {  	_ =	swait.ge [sflag:s25], $0x4000  }
0x68: {  	[sflag:s25] =	ssyncset.done $0x0  }
0x69: {  	s7 =	simm.s32 $0xC80;
	[sflag:s25] =	ssyncadd.s32 $0xFFFFC000  }
0x6a: {  	[spmem:s2] =	stream.indirect.scatter.add.f32 [tilespmem:s21], [sflag:$0x4], $0x80, s7, s20, $0xb8;
	[tilespmem:$0x1CC00] =	vst v63  }
0x6b: {  	_ =	swait.ge [sflag:s28], $0x4000  }
0x6c: {  	[sflag:s28] =	ssyncset.done $0x0  }
0x6d: {  	s8 =	simm.s32 $0x580;
	[sflag:s28] =	ssyncadd.s32 $0xFFFFC000  }
0x6e: {  	[tilespmem:s21], [sflag:$0x2] =	stream.indirect.gather [hbm4b:s5+s20], $0x80, s8, s20, $0xb8;
	[tilespmem:$0x1CC00] =	vst v63  }
0x6f: {  	_ =	swait.ge [sflag:s22], $0x4000  }
0x70: {  	[sflag:s22] =	ssyncset.done $0x0  }
0x71: {  	s9 =	simm.s32 $0xD00;
	[sflag:s22] =	ssyncadd.s32 $0xFFFFC000  }
0x72: {  	[spmem:s2] =	stream.indirect.scatter.add.f32 [tilespmem:s17], [sflag:$0x3], $0x80, s9, s20, $0xb8;
	[tilespmem:$0x1CC00] =	vst v63  }
0x73: {  	_ =	swait.ge [sflag:s23], $0x4000  }
0x74: {  	[sflag:s23] =	ssyncset.done $0x0  }
0x75: {  	s10 =	simm.s32 $0x600;
	[sflag:s23] =	ssyncadd.s32 $0xFFFFC000  }
0x76: {  	[tilespmem:s17], [sflag:$0x1] =	stream.indirect.gather [hbm4b:s5+s20], $0x80, s10, s20, $0xb8;
	[tilespmem:$0x1CC00] =	vst v63  }
0x77: {  	_ =	swait.ge [sflag:s25], $0x4000  }
0x78: {  	[sflag:s25] =	ssyncset.done $0x0  }
0x79: {  	s11 =	simm.s32 $0xD80;
	[sflag:s25] =	ssyncadd.s32 $0xFFFFC000  }
0x7a: {  	[spmem:s2] =	stream.indirect.scatter.add.f32 [tilespmem:s21], [sflag:$0x4], $0x80, s11, s20, $0xb8;
	[tilespmem:$0x1CC00] =	vst v63  }
0x7b: {  	_ =	swait.ge [sflag:s28], $0x4000  }
0x7c: {  	[sflag:s28] =	ssyncset.done $0x0  }
0x7d: {  	s12 =	simm.s32 $0x680;
	[sflag:s28] =	ssyncadd.s32 $0xFFFFC000  }
0x7e: {  	[tilespmem:s21], [sflag:$0x2] =	stream.indirect.gather [hbm4b:s5+s20], $0x80, s12, s20, $0xb8;
	[tilespmem:$0x1CC00] =	vst v63  }
0x7f: {  	_ =	swait.ge [sflag:s22], $0x4000  }
0x80: {  	[sflag:s22] =	ssyncset.done $0x0  }
0x81: {  	s13 =	simm.s32 $0xE00;
	[sflag:s22] =	ssyncadd.s32 $0xFFFFC000  }
0x82: {  	[spmem:s2] =	stream.indirect.scatter.add.f32 [tilespmem:s17], [sflag:$0x3], $0x80, s13, s20, $0xb8;
	[tilespmem:$0x1CC00] =	vst v63  }
0x83: {  	_ =	swait.ge [sflag:s23], $0x4000  }
0x84: {  	[sflag:s23] =	ssyncset.done $0x0  }
0x85: {  	s14 =	simm.s32 $0x700;
	[sflag:s23] =	ssyncadd.s32 $0xFFFFC000  }
0x86: {  	[tilespmem:s17], [sflag:$0x1] =	stream.indirect.gather [hbm4b:s5+s20], $0x80, s14, s20, $0xb8;
	[tilespmem:$0x1CC00] =	vst v63  }
0x87: {  	_ =	swait.ge [sflag:s25], $0x4000  }
0x88: {  	[sflag:s25] =	ssyncset.done $0x0  }
0x89: {  	s24 =	simm.s32 $0xE80;
	[sflag:s25] =	ssyncadd.s32 $0xFFFFC000  }
0x8a: {  	[spmem:s2] =	stream.indirect.scatter.add.f32 [tilespmem:s21], [sflag:$0x4], $0x80, s24, s20, $0xb8;
	[tilespmem:$0x1CC00] =	vst v63  }
0x8b: {  	_ =	swait.ge [sflag:s28], $0x4000  }
0x8c: {  	[sflag:s28] =	ssyncset.done $0x0  }
0x8d: {  	s29 =	simm.s32 $0x780;
	[sflag:s28] =	ssyncadd.s32 $0xFFFFC000  }
0x8e: {  	[tilespmem:s21], [sflag:$0x2] =	stream.indirect.gather [hbm4b:s5+s20], $0x80, s29, s20, $0xb8;
	[tilespmem:$0x1CC00] =	vst v63  }
0x8f: {  	_ =	swait.ge [sflag:s22], $0x4000  }
0x90: {  	[sflag:s22] =	ssyncset.done $0x0  }
0x91: {  	s30 =	simm.s32 $0xF00;
	[sflag:s22] =	ssyncadd.s32 $0xFFFFC000  }
0x92: {  	[spmem:s2] =	stream.indirect.scatter.add.f32 [tilespmem:s17], [sflag:$0x3], $0x80, s30, s20, $0xb8;
	[tilespmem:$0x1CC00] =	vst v63  }
0x93: {  	_ =	swait.ge [sflag:s25], $0x4000  }
0x94: {  	[sflag:s25] =	ssyncset.done $0x0  }
0x95: {  	s31 =	simm.s32 $0xF80;
	[sflag:s25] =	ssyncadd.s32 $0xFFFFC000  }
0x96: {  	[spmem:s2] =	stream.indirect.scatter.add.f32 [tilespmem:s21], [sflag:$0x4], $0x80, s31, s20, $0xb8;
	[tilespmem:$0x1CC00] =	vst v63  }
0x97: {  	_ =	swait.ge [sflag:s23], $0x4000  }
0x98: {  	[sflag:s23] =	ssyncset.done $0x0  }
0x99: {  	[sflag:s23] =	ssyncadd.s32 $0xFFFFC000  }
0x9a: {  	_ =	swait.ge [sflag:s28], $0x4000  }
0x9b: {  	[sflag:s28] =	ssyncset.done $0x0;
	s7 =	rddreg [dreg:$0x9]  }
0x9c: {  	s0 =	rddreg [dreg:$0xc];
	[sflag:s28] =	ssyncadd.s32 $0xFFFFC000  }
.LBB2_10:
0x9d: {  	s11 =	rddreg [dreg:$0x3];
	s30 =	stileid.u32;
	[bflag:$0x0] =	sbarrier.arrive $0xFFFF  }
0x9e: {  	s7 =	sadd.s32 s11, s7;
	s11 =	sshll.u32 s30, $0x6;
	s24 =	rddreg [dreg:$0x4]  }
0x9f: {  	s11 =	sor.u32 $0x1C05, s11;
	s14 =	sshrl.u32 s24, $0x3  }
0xa0: {  	[hbm:s7], [sflag:s11] =	dma.local [spmem:s14], $0x2780  }
0xa1: {  	_ =	swait.ge [sflag:s18], $0x2780  }
0xa2: {  	s0 =	sadd.s32 $0x1, s0;
	s31 =	rddreg [dreg:$0xb]  }
0xa3: {  	p1 =	sne.s32 s0, s31  }
.Ltmp1:
0xa4: {  	_ = 	snop;
	(pc) =	sbr.rel @!p1 .LBB2_11-.Ltmp1, $3  }
0xa5: {  	_ =	sdelay $0x1  }
0xa6: {  	[sflag:s18] =	ssyncset.done $0x0  }
0xa7: {  	[sflag:s18] =	ssyncadd.s32 $0xFFFFD880  }
.LBB2_1:
0xa8: {  	s11 =	simm.s32 $0x0;
	s14 =	simm.s32 $0x200  }
.LBB2_2:
0xa9: {  	p1 =	sne.s32 s14, $0xFE00;
	[tilespmem:s11+$0x1070] =	vst v0  }
0xaa: {  	[tilespmem:s11+$0x1000] =	vst v0  }
0xab: {  	[tilespmem:s11+$0x1010] =	vst v0  }
.Ltmp2:
0xac: {  	[tilespmem:s11+$0x1020] =	vst v0;
	(pc) =	sbr.rel @p1 .LBB2_2-.Ltmp2, $4  }
0xad: {  	[tilespmem:s11+$0x1030] =	vst v0  }
0xae: {  	[tilespmem:s11+$0x1040] =	vst v0  }
0xaf: {  	[tilespmem:s11+$0x1050] =	vst v0  }
0xb0: {  	[tilespmem:s11+$0x1060] =	vst v0;
	s11 =	sshra.s32 s14, $0x2;
	s14 =	sadd.s32 $0x200, s14  }
0xb1: {  	[tilespmem:s11+$0x1070] =	vst v0  }
0xb2: {  	[tilespmem:s11+$0x1000] =	vst v0  }
0xb3: {  	[tilespmem:s11+$0x1010] =	vst v0  }
0xb4: {  	[tilespmem:s11+$0x1020] =	vst v0  }
0xb5: {  	[tilespmem:s11+$0x1030] =	vst v0  }
0xb6: {  	[tilespmem:s11+$0x1040] =	vst v0  }
0xb7: {  	[tilespmem:s11+$0x1050] =	vst v0  }
0xb8: {  	[dreg:$0xc] =	wrdreg s0;
	[tilespmem:s11+$0x1060] =	vst v0  }
0xb9: {  	[spmem:s24] =	stream.linear.scatter [tilespmem:s17], [sflag:$0x5], $0x4000, $0x38;
	[tilespmem:$0x1CC00] =	vst v63  }
0xba: {  	_ =	swait.ge [sflag:s18], $0x4000  }
0xbb: {  	[sflag:s18] =	ssyncset.done $0x0  }
0xbc: {  	s7 =	rddreg [dreg:$0x5];
	[sflag:s18] =	ssyncadd.s32 $0xFFFFC000  }
0xbd: {  	[spmem:s7] =	stream.linear.scatter [tilespmem:s17], [sflag:$0x5], $0x4000, $0x38;
	[tilespmem:$0x1CC00] =	vst v63  }
0xbe: {  	_ =	swait.ge [sflag:s18], $0x4000  }
0xbf: {  	[sflag:s18] =	ssyncset.done $0x0  }
0xc0: {  	s29 =	rddreg [dreg:$0x6];
	[sflag:s18] =	ssyncadd.s32 $0xFFFFC000  }
0xc1: {  	[spmem:s29] =	stream.linear.scatter [tilespmem:s17], [sflag:$0x5], $0x4000, $0x38;
	[tilespmem:$0x1CC00] =	vst v63  }
0xc2: {  	_ =	swait.ge [sflag:s18], $0x4000  }
0xc3: {  	[sflag:s18] =	ssyncset.done $0x0  }
0xc4: {  	s30 =	rddreg [dreg:$0x7];
	[sflag:s18] =	ssyncadd.s32 $0xFFFFC000  }
0xc5: {  	[spmem:s30] =	stream.linear.scatter [tilespmem:s17], [sflag:$0x5], $0x4000, $0x38;
	[tilespmem:$0x1CC00] =	vst v63  }
0xc6: {  	_ =	swait.ge [sflag:s18], $0x4000  }
0xc7: {  	[sflag:s18] =	ssyncset.done $0x0  }
0xc8: {  	s31 =	rddreg [dreg:$0x8];
	[sflag:s18] =	ssyncadd.s32 $0xFFFFC000  }
0xc9: {  	[spmem:s31] =	stream.linear.scatter [tilespmem:s17], [sflag:$0x5], $0x3C00, $0x38;
	[tilespmem:$0x1CC00] =	vst v63  }
.Ltmp3:
0xca: {  	_ =	swait.ge [sflag:s18], $0x3C00;
	(pc) =	sbr.rel @p0 .LBB2_7-.Ltmp3, $4  }
0xcb: {  	[sflag:s18] =	ssyncset.done $0x0  }
0xcc: {  	[sflag:s18] =	ssyncadd.s32 $0xFFFFC400  }
0xcd: {  	[bflag:$0x0] =	sbarrier.arrive $0xFFFF  }
0xce: {  	s7 =	sadd.s32 $0x0, s16  }
0xcf: {  	[tilespmem:s3], [sflag:$0x5] =	stream.linear.gather [hbm4b:s7+s3], $0x800, $0x38;
	[tilespmem:$0x1CC00] =	vst v63  }
0xd0: {  	_ =	swait.ge [sflag:s18], $0x800  }
0xd1: {  	[sflag:s18] =	ssyncset.done $0x0  }
0xd2: {  	s9 =	sadd.s32 $0x0, s15;
	[sflag:s18] =	ssyncadd.s32 $0xFFFFF800  }
0xd3: {  	[tilespmem:s19], [sflag:$0x5] =	stream.linear.gather [hbm4b:s9+s3], $0x800, $0x38;
	[tilespmem:$0x1CC00] =	vst v63  }
0xd4: {  	_ =	swait.ge [sflag:s18], $0x800  }
0xd5: {  	[sflag:s18] =	ssyncset.done $0x0  }
0xd6: {  	[sflag:s18] =	ssyncadd.s32 $0xFFFFF800  }
0xd7: {  	[tilespmem:s17], [sflag:$0x1] =	stream.indirect.gather [hbm4b:s4+s20], $0x80, s3, s20, $0xb8;
	[tilespmem:$0x1CC00] =	vst v63  }
0xd8: {  	_ = 	snop  }
0xd9: {  	[tilespmem:s21], [sflag:$0x2] =	stream.indirect.gather [hbm4b:s4+s20], $0x80, s20, s20, $0xb8;
	[tilespmem:$0x1CC00] =	vst v63  }
0xda: {  	_ =	swait.ge [sflag:s22], $0x4000  }
0xdb: {  	[sflag:s22] =	ssyncset.done $0x0  }
0xdc: {  	[sflag:s22] =	ssyncadd.s32 $0xFFFFC000  }
0xdd: {  	[spmem:s2] =	stream.indirect.scatter.add.f32 [tilespmem:s17], [sflag:$0x3], $0x80, s19, s20, $0xb8;
	[tilespmem:$0x1CC00] =	vst v63  }
0xde: {  	_ =	swait.ge [sflag:s23], $0x4000  }
0xdf: {  	[sflag:s23] =	ssyncset.done $0x0  }
0xe0: {  	[sflag:s23] =	ssyncadd.s32 $0xFFFFC000  }
0xe1: {  	[tilespmem:s17], [sflag:$0x1] =	stream.indirect.gather [hbm4b:s4+s20], $0x80, s26, s20, $0xb8;
	[tilespmem:$0x1CC00] =	vst v63  }
0xe2: {  	_ =	swait.ge [sflag:s25], $0x4000  }
0xe3: {  	[sflag:s25] =	ssyncset.done $0x0  }
0xe4: {  	s10 =	simm.s32 $0x880;
	[sflag:s25] =	ssyncadd.s32 $0xFFFFC000  }
0xe5: {  	[spmem:s2] =	stream.indirect.scatter.add.f32 [tilespmem:s21], [sflag:$0x4], $0x80, s10, s20, $0xb8;
	[tilespmem:$0x1CC00] =	vst v63  }
0xe6: {  	_ =	swait.ge [sflag:s28], $0x4000  }
0xe7: {  	[sflag:s28] =	ssyncset.done $0x0  }
0xe8: {  	s29 =	simm.s32 $0x180;
	[sflag:s28] =	ssyncadd.s32 $0xFFFFC000  }
0xe9: {  	[tilespmem:s21], [sflag:$0x2] =	stream.indirect.gather [hbm4b:s4+s20], $0x80, s29, s20, $0xb8;
	[tilespmem:$0x1CC00] =	vst v63  }
0xea: {  	_ =	swait.ge [sflag:s22], $0x4000  }
0xeb: {  	[sflag:s22] =	ssyncset.done $0x0  }
0xec: {  	s30 =	simm.s32 $0x900;
	[sflag:s22] =	ssyncadd.s32 $0xFFFFC000  }
0xed: {  	[spmem:s2] =	stream.indirect.scatter.add.f32 [tilespmem:s17], [sflag:$0x3], $0x80, s30, s20, $0xb8;
	[tilespmem:$0x1CC00] =	vst v63  }
0xee: {  	_ =	swait.ge [sflag:s23], $0x4000  }
0xef: {  	[sflag:s23] =	ssyncset.done $0x0  }
0xf0: {  	s31 =	simm.s32 $0x200;
	[sflag:s23] =	ssyncadd.s32 $0xFFFFC000  }
0xf1: {  	[tilespmem:s17], [sflag:$0x1] =	stream.indirect.gather [hbm4b:s4+s20], $0x80, s31, s20, $0xb8;
	[tilespmem:$0x1CC00] =	vst v63  }
0xf2: {  	_ =	swait.ge [sflag:s25], $0x4000  }
0xf3: {  	[sflag:s25] =	ssyncset.done $0x0  }
0xf4: {  	s0 =	simm.s32 $0x980;
	[sflag:s25] =	ssyncadd.s32 $0xFFFFC000  }
0xf5: {  	[spmem:s2] =	stream.indirect.scatter.add.f32 [tilespmem:s21], [sflag:$0x4], $0x80, s0, s20, $0xb8;
	[tilespmem:$0x1CC00] =	vst v63  }
0xf6: {  	_ =	swait.ge [sflag:s28], $0x4000  }
0xf7: {  	[sflag:s28] =	ssyncset.done $0x0  }
0xf8: {  	s12 =	simm.s32 $0x280;
	[sflag:s28] =	ssyncadd.s32 $0xFFFFC000  }
0xf9: {  	[tilespmem:s21], [sflag:$0x2] =	stream.indirect.gather [hbm4b:s4+s20], $0x80, s12, s20, $0xb8;
	[tilespmem:$0x1CC00] =	vst v63  }
0xfa: {  	_ =	swait.ge [sflag:s22], $0x4000  }
0xfb: {  	[sflag:s22] =	ssyncset.done $0x0  }
0xfc: {  	s13 =	simm.s32 $0xA00;
	[sflag:s22] =	ssyncadd.s32 $0xFFFFC000  }
0xfd: {  	[spmem:s2] =	stream.indirect.scatter.add.f32 [tilespmem:s17], [sflag:$0x3], $0x80, s13, s20, $0xb8;
	[tilespmem:$0x1CC00] =	vst v63  }
0xfe: {  	_ =	swait.ge [sflag:s23], $0x4000  }
0xff: {  	[sflag:s23] =	ssyncset.done $0x0  }
0x100: {  	s1 =	simm.s32 $0x300;
	[sflag:s23] =	ssyncadd.s32 $0xFFFFC000  }
0x101: {  	[tilespmem:s17], [sflag:$0x1] =	stream.indirect.gather [hbm4b:s4+s20], $0x80, s1, s20, $0xb8;
	[tilespmem:$0x1CC00] =	vst v63  }
0x102: {  	_ =	swait.ge [sflag:s25], $0x4000  }
0x103: {  	[sflag:s25] =	ssyncset.done $0x0  }
0x104: {  	s6 =	simm.s32 $0xA80;
	[sflag:s25] =	ssyncadd.s32 $0xFFFFC000  }
0x105: {  	[spmem:s2] =	stream.indirect.scatter.add.f32 [tilespmem:s21], [sflag:$0x4], $0x80, s6, s20, $0xb8;
	[tilespmem:$0x1CC00] =	vst v63  }
0x106: {  	_ =	swait.ge [sflag:s28], $0x4000  }
0x107: {  	[sflag:s28] =	ssyncset.done $0x0  }
0x108: {  	s8 =	simm.s32 $0x380;
	[sflag:s28] =	ssyncadd.s32 $0xFFFFC000  }
0x109: {  	[tilespmem:s21], [sflag:$0x2] =	stream.indirect.gather [hbm4b:s4+s20], $0x80, s8, s20, $0xb8;
	[tilespmem:$0x1CC00] =	vst v63  }
0x10a: {  	_ =	swait.ge [sflag:s22], $0x4000  }
0x10b: {  	[sflag:s22] =	ssyncset.done $0x0  }
0x10c: {  	s9 =	simm.s32 $0xB00;
	[sflag:s22] =	ssyncadd.s32 $0xFFFFC000  }
0x10d: {  	[spmem:s2] =	stream.indirect.scatter.add.f32 [tilespmem:s17], [sflag:$0x3], $0x80, s9, s20, $0xb8;
	[tilespmem:$0x1CC00] =	vst v63  }
0x10e: {  	_ =	swait.ge [sflag:s23], $0x4000  }
0x10f: {  	[sflag:s23] =	ssyncset.done $0x0  }
0x110: {  	s10 =	simm.s32 $0x400;
	[sflag:s23] =	ssyncadd.s32 $0xFFFFC000  }
0x111: {  	[tilespmem:s17], [sflag:$0x1] =	stream.indirect.gather [hbm4b:s4+s20], $0x80, s10, s20, $0xb8;
	[tilespmem:$0x1CC00] =	vst v63  }
0x112: {  	_ =	swait.ge [sflag:s25], $0x4000  }
0x113: {  	[sflag:s25] =	ssyncset.done $0x0  }
0x114: {  	s11 =	simm.s32 $0xB80;
	[sflag:s25] =	ssyncadd.s32 $0xFFFFC000  }
0x115: {  	[spmem:s2] =	stream.indirect.scatter.add.f32 [tilespmem:s21], [sflag:$0x4], $0x80, s11, s20, $0xb8;
	[tilespmem:$0x1CC00] =	vst v63  }
0x116: {  	_ =	swait.ge [sflag:s28], $0x4000  }
0x117: {  	[sflag:s28] =	ssyncset.done $0x0  }
0x118: {  	s14 =	simm.s32 $0x480;
	[sflag:s28] =	ssyncadd.s32 $0xFFFFC000  }
0x119: {  	[tilespmem:s21], [sflag:$0x2] =	stream.indirect.gather [hbm4b:s4+s20], $0x80, s14, s20, $0xb8;
	[tilespmem:$0x1CC00] =	vst v63  }
0x11a: {  	_ =	swait.ge [sflag:s22], $0x4000  }
0x11b: {  	[sflag:s22] =	ssyncset.done $0x0  }
0x11c: {  	s24 =	simm.s32 $0xC00;
	[sflag:s22] =	ssyncadd.s32 $0xFFFFC000  }
0x11d: {  	[spmem:s2] =	stream.indirect.scatter.add.f32 [tilespmem:s17], [sflag:$0x3], $0x80, s24, s20, $0xb8;
	[tilespmem:$0x1CC00] =	vst v63  }
0x11e: {  	_ =	swait.ge [sflag:s23], $0x4000  }
0x11f: {  	[sflag:s23] =	ssyncset.done $0x0  }
0x120: {  	s26 =	simm.s32 $0x500;
	[sflag:s23] =	ssyncadd.s32 $0xFFFFC000  }
0x121: {  	[tilespmem:s17], [sflag:$0x1] =	stream.indirect.gather [hbm4b:s4+s20], $0x80, s26, s20, $0xb8;
	[tilespmem:$0x1CC00] =	vst v63  }
0x122: {  	_ =	swait.ge [sflag:s25], $0x4000  }
0x123: {  	[sflag:s25] =	ssyncset.done $0x0  }
0x124: {  	s11 =	simm.s32 $0xC80;
	[sflag:s25] =	ssyncadd.s32 $0xFFFFC000  }
0x125: {  	[spmem:s2] =	stream.indirect.scatter.add.f32 [tilespmem:s21], [sflag:$0x4], $0x80, s11, s20, $0xb8;
	[tilespmem:$0x1CC00] =	vst v63  }
0x126: {  	_ =	swait.ge [sflag:s28], $0x4000  }
0x127: {  	[sflag:s28] =	ssyncset.done $0x0  }
0x128: {  	s14 =	simm.s32 $0x580;
	[sflag:s28] =	ssyncadd.s32 $0xFFFFC000  }
0x129: {  	[tilespmem:s21], [sflag:$0x2] =	stream.indirect.gather [hbm4b:s4+s20], $0x80, s14, s20, $0xb8;
	[tilespmem:$0x1CC00] =	vst v63  }
0x12a: {  	_ =	swait.ge [sflag:s22], $0x4000  }
0x12b: {  	[sflag:s22] =	ssyncset.done $0x0  }
0x12c: {  	s24 =	simm.s32 $0xD00;
	[sflag:s22] =	ssyncadd.s32 $0xFFFFC000  }
0x12d: {  	[spmem:s2] =	stream.indirect.scatter.add.f32 [tilespmem:s17], [sflag:$0x3], $0x80, s24, s20, $0xb8;
	[tilespmem:$0x1CC00] =	vst v63  }
0x12e: {  	_ =	swait.ge [sflag:s23], $0x4000  }
0x12f: {  	[sflag:s23] =	ssyncset.done $0x0  }
0x130: {  	s26 =	simm.s32 $0x600;
	[sflag:s23] =	ssyncadd.s32 $0xFFFFC000  }
0x131: {  	[tilespmem:s17], [sflag:$0x1] =	stream.indirect.gather [hbm4b:s4+s20], $0x80, s26, s20, $0xb8;
	[tilespmem:$0x1CC00] =	vst v63  }
0x132: {  	_ =	swait.ge [sflag:s25], $0x4000  }
0x133: {  	[sflag:s25] =	ssyncset.done $0x0  }
0x134: {  	s11 =	simm.s32 $0xD80;
	[sflag:s25] =	ssyncadd.s32 $0xFFFFC000  }
0x135: {  	[spmem:s2] =	stream.indirect.scatter.add.f32 [tilespmem:s21], [sflag:$0x4], $0x80, s11, s20, $0xb8;
	[tilespmem:$0x1CC00] =	vst v63  }
0x136: {  	_ =	swait.ge [sflag:s28], $0x4000  }
0x137: {  	[sflag:s28] =	ssyncset.done $0x0  }
0x138: {  	s14 =	simm.s32 $0x680;
	[sflag:s28] =	ssyncadd.s32 $0xFFFFC000  }
0x139: {  	[tilespmem:s21], [sflag:$0x2] =	stream.indirect.gather [hbm4b:s4+s20], $0x80, s14, s20, $0xb8;
	[tilespmem:$0x1CC00] =	vst v63  }
0x13a: {  	_ =	swait.ge [sflag:s22], $0x4000  }
0x13b: {  	[sflag:s22] =	ssyncset.done $0x0  }
0x13c: {  	s24 =	simm.s32 $0xE00;
	[sflag:s22] =	ssyncadd.s32 $0xFFFFC000  }
0x13d: {  	[spmem:s2] =	stream.indirect.scatter.add.f32 [tilespmem:s17], [sflag:$0x3], $0x80, s24, s20, $0xb8;
	[tilespmem:$0x1CC00] =	vst v63  }
0x13e: {  	_ =	swait.ge [sflag:s23], $0x4000  }
0x13f: {  	[sflag:s23] =	ssyncset.done $0x0  }
0x140: {  	s26 =	simm.s32 $0x700;
	[sflag:s23] =	ssyncadd.s32 $0xFFFFC000  }
0x141: {  	[tilespmem:s17], [sflag:$0x1] =	stream.indirect.gather [hbm4b:s4+s20], $0x80, s26, s20, $0xb8;
	[tilespmem:$0x1CC00] =	vst v63  }
0x142: {  	_ =	swait.ge [sflag:s25], $0x4000  }
0x143: {  	[sflag:s25] =	ssyncset.done $0x0  }
0x144: {  	s11 =	simm.s32 $0xE80;
	[sflag:s25] =	ssyncadd.s32 $0xFFFFC000  }
0x145: {  	[spmem:s2] =	stream.indirect.scatter.add.f32 [tilespmem:s21], [sflag:$0x4], $0x80, s11, s20, $0xb8;
	[tilespmem:$0x1CC00] =	vst v63  }
0x146: {  	_ =	swait.ge [sflag:s28], $0x4000  }
0x147: {  	[sflag:s28] =	ssyncset.done $0x0  }
0x148: {  	s14 =	simm.s32 $0x780;
	[sflag:s28] =	ssyncadd.s32 $0xFFFFC000  }
0x149: {  	[tilespmem:s21], [sflag:$0x2] =	stream.indirect.gather [hbm4b:s4+s20], $0x80, s14, s20, $0xb8;
	[tilespmem:$0x1CC00] =	vst v63  }
0x14a: {  	_ =	swait.ge [sflag:s22], $0x4000  }
0x14b: {  	[sflag:s22] =	ssyncset.done $0x0  }
0x14c: {  	s24 =	simm.s32 $0xF00;
	[sflag:s22] =	ssyncadd.s32 $0xFFFFC000  }
0x14d: {  	[spmem:s2] =	stream.indirect.scatter.add.f32 [tilespmem:s17], [sflag:$0x3], $0x80, s24, s20, $0xb8;
	[tilespmem:$0x1CC00] =	vst v63  }
0x14e: {  	_ =	swait.ge [sflag:s25], $0x4000  }
0x14f: {  	[sflag:s25] =	ssyncset.done $0x0  }
0x150: {  	s26 =	simm.s32 $0xF80;
	[sflag:s25] =	ssyncadd.s32 $0xFFFFC000  }
0x151: {  	[spmem:s2] =	stream.indirect.scatter.add.f32 [tilespmem:s21], [sflag:$0x4], $0x80, s26, s20, $0xb8;
	[tilespmem:$0x1CC00] =	vst v63  }
0x152: {  	_ =	swait.ge [sflag:s23], $0x4000  }
0x153: {  	[sflag:s23] =	ssyncset.done $0x0  }
0x154: {  	[sflag:s23] =	ssyncadd.s32 $0xFFFFC000  }
0x155: {  	_ =	swait.ge [sflag:s28], $0x4000  }
0x156: {  	s11 =	simm.s32 $0x100;
	s14 =	simm.s32 $0x200;
	[sflag:s28] =	ssyncset.done $0x0  }
.LBB2_5:
0x157: {  	s24 =	sadd.s32 s11, s16  }
0x158: {  	[sflag:s28] =	ssyncadd.s32 $0xFFFFC000;
	s26 =	smov.u32 s14;
	s7 =	sadd.s32 $0x100, s14  }
0x159: {  	[tilespmem:s3], [sflag:$0x5] =	stream.linear.gather [hbm4b:s24+s3], $0x800, $0x38;
	[tilespmem:$0x1CC00] =	vst v63  }
0x15a: {  	s24 =	simm.s32 $0x880  }
0x15b: {  	p1 =	seq.s32 s14, $0x900;
	_ =	swait.ge [sflag:s18], $0x800  }
0x15c: {  	s14 =	sadd.s32 s11, s15;
	[sflag:s18] =	ssyncset.done $0x0  }
0x15d: {  	s11 =	smov.u32 s26;
	s26 =	simm.s32 $0x100;
	[sflag:s18] =	ssyncadd.s32 $0xFFFFF800  }
0x15e: {  	[tilespmem:s19], [sflag:$0x5] =	stream.linear.gather [hbm4b:s14+s3], $0x800, $0x38;
	[tilespmem:$0x1CC00] =	vst v63  }
0x15f: {  	_ =	swait.ge [sflag:s18], $0x800  }
0x160: {  	[sflag:s18] =	ssyncset.done $0x0  }
0x161: {  	[sflag:s18] =	ssyncadd.s32 $0xFFFFF800  }
0x162: {  	[tilespmem:s17], [sflag:$0x1] =	stream.indirect.gather [hbm4b:s4+s20], $0x80, s3, s20, $0xb8;
	[tilespmem:$0x1CC00] =	vst v63  }
0x163: {  	_ = 	snop  }
0x164: {  	[tilespmem:s21], [sflag:$0x2] =	stream.indirect.gather [hbm4b:s4+s20], $0x80, s20, s20, $0xb8;
	[tilespmem:$0x1CC00] =	vst v63  }
0x165: {  	_ =	swait.ge [sflag:s22], $0x4000  }
0x166: {  	[sflag:s22] =	ssyncset.done $0x0  }
0x167: {  	[sflag:s22] =	ssyncadd.s32 $0xFFFFC000  }
0x168: {  	[spmem:s2] =	stream.indirect.scatter.add.f32 [tilespmem:s17], [sflag:$0x3], $0x80, s19, s20, $0xb8;
	[tilespmem:$0x1CC00] =	vst v63  }
0x169: {  	_ =	swait.ge [sflag:s23], $0x4000  }
0x16a: {  	[sflag:s23] =	ssyncset.done $0x0  }
0x16b: {  	[sflag:s23] =	ssyncadd.s32 $0xFFFFC000  }
0x16c: {  	[tilespmem:s17], [sflag:$0x1] =	stream.indirect.gather [hbm4b:s4+s20], $0x80, s26, s20, $0xb8;
	[tilespmem:$0x1CC00] =	vst v63  }
0x16d: {  	_ =	swait.ge [sflag:s25], $0x4000  }
0x16e: {  	[sflag:s25] =	ssyncset.done $0x0  }
0x16f: {  	[sflag:s25] =	ssyncadd.s32 $0xFFFFC000  }
0x170: {  	[spmem:s2] =	stream.indirect.scatter.add.f32 [tilespmem:s21], [sflag:$0x4], $0x80, s24, s20, $0xb8;
	[tilespmem:$0x1CC00] =	vst v63  }
0x171: {  	_ =	swait.ge [sflag:s28], $0x4000  }
0x172: {  	[sflag:s28] =	ssyncset.done $0x0  }
0x173: {  	[sflag:s28] =	ssyncadd.s32 $0xFFFFC000  }
0x174: {  	[tilespmem:s21], [sflag:$0x2] =	stream.indirect.gather [hbm4b:s4+s20], $0x80, s29, s20, $0xb8;
	[tilespmem:$0x1CC00] =	vst v63  }
0x175: {  	_ =	swait.ge [sflag:s22], $0x4000  }
0x176: {  	[sflag:s22] =	ssyncset.done $0x0  }
0x177: {  	[sflag:s22] =	ssyncadd.s32 $0xFFFFC000  }
0x178: {  	[spmem:s2] =	stream.indirect.scatter.add.f32 [tilespmem:s17], [sflag:$0x3], $0x80, s30, s20, $0xb8;
	[tilespmem:$0x1CC00] =	vst v63  }
0x179: {  	_ =	swait.ge [sflag:s23], $0x4000  }
0x17a: {  	[sflag:s23] =	ssyncset.done $0x0  }
0x17b: {  	[sflag:s23] =	ssyncadd.s32 $0xFFFFC000  }
0x17c: {  	[tilespmem:s17], [sflag:$0x1] =	stream.indirect.gather [hbm4b:s4+s20], $0x80, s31, s20, $0xb8;
	[tilespmem:$0x1CC00] =	vst v63  }
0x17d: {  	_ =	swait.ge [sflag:s25], $0x4000  }
0x17e: {  	[sflag:s25] =	ssyncset.done $0x0  }
0x17f: {  	[sflag:s25] =	ssyncadd.s32 $0xFFFFC000  }
0x180: {  	[spmem:s2] =	stream.indirect.scatter.add.f32 [tilespmem:s21], [sflag:$0x4], $0x80, s0, s20, $0xb8;
	[tilespmem:$0x1CC00] =	vst v63  }
0x181: {  	_ =	swait.ge [sflag:s28], $0x4000  }
0x182: {  	[sflag:s28] =	ssyncset.done $0x0  }
0x183: {  	[sflag:s28] =	ssyncadd.s32 $0xFFFFC000  }
0x184: {  	[tilespmem:s21], [sflag:$0x2] =	stream.indirect.gather [hbm4b:s4+s20], $0x80, s12, s20, $0xb8;
	[tilespmem:$0x1CC00] =	vst v63  }
0x185: {  	_ =	swait.ge [sflag:s22], $0x4000  }
0x186: {  	[sflag:s22] =	ssyncset.done $0x0  }
0x187: {  	[sflag:s22] =	ssyncadd.s32 $0xFFFFC000  }
0x188: {  	[spmem:s2] =	stream.indirect.scatter.add.f32 [tilespmem:s17], [sflag:$0x3], $0x80, s13, s20, $0xb8;
	[tilespmem:$0x1CC00] =	vst v63  }
0x189: {  	_ =	swait.ge [sflag:s23], $0x4000  }
0x18a: {  	[sflag:s23] =	ssyncset.done $0x0  }
0x18b: {  	[sflag:s23] =	ssyncadd.s32 $0xFFFFC000  }
0x18c: {  	[tilespmem:s17], [sflag:$0x1] =	stream.indirect.gather [hbm4b:s4+s20], $0x80, s1, s20, $0xb8;
	[tilespmem:$0x1CC00] =	vst v63  }
0x18d: {  	_ =	swait.ge [sflag:s25], $0x4000  }
0x18e: {  	[sflag:s25] =	ssyncset.done $0x0  }
0x18f: {  	[sflag:s25] =	ssyncadd.s32 $0xFFFFC000  }
0x190: {  	[spmem:s2] =	stream.indirect.scatter.add.f32 [tilespmem:s21], [sflag:$0x4], $0x80, s6, s20, $0xb8;
	[tilespmem:$0x1CC00] =	vst v63  }
0x191: {  	_ =	swait.ge [sflag:s28], $0x4000  }
0x192: {  	[sflag:s28] =	ssyncset.done $0x0  }
0x193: {  	[sflag:s28] =	ssyncadd.s32 $0xFFFFC000  }
0x194: {  	[tilespmem:s21], [sflag:$0x2] =	stream.indirect.gather [hbm4b:s4+s20], $0x80, s8, s20, $0xb8;
	[tilespmem:$0x1CC00] =	vst v63  }
0x195: {  	_ =	swait.ge [sflag:s22], $0x4000  }
0x196: {  	[sflag:s22] =	ssyncset.done $0x0  }
0x197: {  	[sflag:s22] =	ssyncadd.s32 $0xFFFFC000  }
0x198: {  	[spmem:s2] =	stream.indirect.scatter.add.f32 [tilespmem:s17], [sflag:$0x3], $0x80, s9, s20, $0xb8;
	[tilespmem:$0x1CC00] =	vst v63  }
0x199: {  	_ =	swait.ge [sflag:s23], $0x4000  }
0x19a: {  	[sflag:s23] =	ssyncset.done $0x0  }
0x19b: {  	[sflag:s23] =	ssyncadd.s32 $0xFFFFC000  }
0x19c: {  	[tilespmem:s17], [sflag:$0x1] =	stream.indirect.gather [hbm4b:s4+s20], $0x80, s10, s20, $0xb8;
	[tilespmem:$0x1CC00] =	vst v63  }
0x19d: {  	_ =	swait.ge [sflag:s25], $0x4000  }
0x19e: {  	[sflag:s25] =	ssyncset.done $0x0  }
0x19f: {  	s14 =	simm.s32 $0xB80;
	[sflag:s25] =	ssyncadd.s32 $0xFFFFC000  }
0x1a0: {  	[spmem:s2] =	stream.indirect.scatter.add.f32 [tilespmem:s21], [sflag:$0x4], $0x80, s14, s20, $0xb8;
	[tilespmem:$0x1CC00] =	vst v63  }
0x1a1: {  	_ =	swait.ge [sflag:s28], $0x4000  }
0x1a2: {  	[sflag:s28] =	ssyncset.done $0x0  }
0x1a3: {  	s14 =	simm.s32 $0x480;
	[sflag:s28] =	ssyncadd.s32 $0xFFFFC000  }
0x1a4: {  	[tilespmem:s21], [sflag:$0x2] =	stream.indirect.gather [hbm4b:s4+s20], $0x80, s14, s20, $0xb8;
	[tilespmem:$0x1CC00] =	vst v63  }
0x1a5: {  	_ =	swait.ge [sflag:s22], $0x4000  }
0x1a6: {  	[sflag:s22] =	ssyncset.done $0x0  }
0x1a7: {  	s14 =	simm.s32 $0xC00;
	[sflag:s22] =	ssyncadd.s32 $0xFFFFC000  }
0x1a8: {  	[spmem:s2] =	stream.indirect.scatter.add.f32 [tilespmem:s17], [sflag:$0x3], $0x80, s14, s20, $0xb8;
	[tilespmem:$0x1CC00] =	vst v63  }
0x1a9: {  	_ =	swait.ge [sflag:s23], $0x4000  }
0x1aa: {  	[sflag:s23] =	ssyncset.done $0x0  }
0x1ab: {  	s14 =	simm.s32 $0x500;
	[sflag:s23] =	ssyncadd.s32 $0xFFFFC000  }
0x1ac: {  	[tilespmem:s17], [sflag:$0x1] =	stream.indirect.gather [hbm4b:s4+s20], $0x80, s14, s20, $0xb8;
	[tilespmem:$0x1CC00] =	vst v63  }
0x1ad: {  	_ =	swait.ge [sflag:s25], $0x4000  }
0x1ae: {  	[sflag:s25] =	ssyncset.done $0x0  }
0x1af: {  	s14 =	simm.s32 $0xC80;
	[sflag:s25] =	ssyncadd.s32 $0xFFFFC000  }
0x1b0: {  	[spmem:s2] =	stream.indirect.scatter.add.f32 [tilespmem:s21], [sflag:$0x4], $0x80, s14, s20, $0xb8;
	[tilespmem:$0x1CC00] =	vst v63  }
0x1b1: {  	_ =	swait.ge [sflag:s28], $0x4000  }
0x1b2: {  	[sflag:s28] =	ssyncset.done $0x0  }
0x1b3: {  	s14 =	simm.s32 $0x580;
	[sflag:s28] =	ssyncadd.s32 $0xFFFFC000  }
0x1b4: {  	[tilespmem:s21], [sflag:$0x2] =	stream.indirect.gather [hbm4b:s4+s20], $0x80, s14, s20, $0xb8;
	[tilespmem:$0x1CC00] =	vst v63  }
0x1b5: {  	_ =	swait.ge [sflag:s22], $0x4000  }
0x1b6: {  	[sflag:s22] =	ssyncset.done $0x0  }
0x1b7: {  	s14 =	simm.s32 $0xD00;
	[sflag:s22] =	ssyncadd.s32 $0xFFFFC000  }
0x1b8: {  	[spmem:s2] =	stream.indirect.scatter.add.f32 [tilespmem:s17], [sflag:$0x3], $0x80, s14, s20, $0xb8;
	[tilespmem:$0x1CC00] =	vst v63  }
0x1b9: {  	_ =	swait.ge [sflag:s23], $0x4000  }
0x1ba: {  	[sflag:s23] =	ssyncset.done $0x0  }
0x1bb: {  	s14 =	simm.s32 $0x600;
	[sflag:s23] =	ssyncadd.s32 $0xFFFFC000  }
0x1bc: {  	[tilespmem:s17], [sflag:$0x1] =	stream.indirect.gather [hbm4b:s4+s20], $0x80, s14, s20, $0xb8;
	[tilespmem:$0x1CC00] =	vst v63  }
0x1bd: {  	_ =	swait.ge [sflag:s25], $0x4000  }
0x1be: {  	[sflag:s25] =	ssyncset.done $0x0  }
0x1bf: {  	s14 =	simm.s32 $0xD80;
	[sflag:s25] =	ssyncadd.s32 $0xFFFFC000  }
0x1c0: {  	[spmem:s2] =	stream.indirect.scatter.add.f32 [tilespmem:s21], [sflag:$0x4], $0x80, s14, s20, $0xb8;
	[tilespmem:$0x1CC00] =	vst v63  }
0x1c1: {  	_ =	swait.ge [sflag:s28], $0x4000  }
0x1c2: {  	[sflag:s28] =	ssyncset.done $0x0  }
0x1c3: {  	s14 =	simm.s32 $0x680;
	[sflag:s28] =	ssyncadd.s32 $0xFFFFC000  }
0x1c4: {  	[tilespmem:s21], [sflag:$0x2] =	stream.indirect.gather [hbm4b:s4+s20], $0x80, s14, s20, $0xb8;
	[tilespmem:$0x1CC00] =	vst v63  }
0x1c5: {  	_ =	swait.ge [sflag:s22], $0x4000  }
0x1c6: {  	[sflag:s22] =	ssyncset.done $0x0  }
0x1c7: {  	s14 =	simm.s32 $0xE00;
	[sflag:s22] =	ssyncadd.s32 $0xFFFFC000  }
0x1c8: {  	[spmem:s2] =	stream.indirect.scatter.add.f32 [tilespmem:s17], [sflag:$0x3], $0x80, s14, s20, $0xb8;
	[tilespmem:$0x1CC00] =	vst v63  }
0x1c9: {  	_ =	swait.ge [sflag:s23], $0x4000  }
0x1ca: {  	[sflag:s23] =	ssyncset.done $0x0  }
0x1cb: {  	s14 =	simm.s32 $0x700;
	[sflag:s23] =	ssyncadd.s32 $0xFFFFC000  }
0x1cc: {  	[tilespmem:s17], [sflag:$0x1] =	stream.indirect.gather [hbm4b:s4+s20], $0x80, s14, s20, $0xb8;
	[tilespmem:$0x1CC00] =	vst v63  }
0x1cd: {  	_ =	swait.ge [sflag:s25], $0x4000  }
0x1ce: {  	[sflag:s25] =	ssyncset.done $0x0  }
0x1cf: {  	s14 =	simm.s32 $0xE80;
	[sflag:s25] =	ssyncadd.s32 $0xFFFFC000  }
0x1d0: {  	[spmem:s2] =	stream.indirect.scatter.add.f32 [tilespmem:s21], [sflag:$0x4], $0x80, s14, s20, $0xb8;
	[tilespmem:$0x1CC00] =	vst v63  }
0x1d1: {  	_ =	swait.ge [sflag:s28], $0x4000  }
0x1d2: {  	[sflag:s28] =	ssyncset.done $0x0  }
0x1d3: {  	s14 =	simm.s32 $0x780;
	[sflag:s28] =	ssyncadd.s32 $0xFFFFC000  }
0x1d4: {  	[tilespmem:s21], [sflag:$0x2] =	stream.indirect.gather [hbm4b:s4+s20], $0x80, s14, s20, $0xb8;
	[tilespmem:$0x1CC00] =	vst v63  }
0x1d5: {  	_ =	swait.ge [sflag:s22], $0x4000  }
0x1d6: {  	[sflag:s22] =	ssyncset.done $0x0  }
0x1d7: {  	s14 =	simm.s32 $0xF00;
	[sflag:s22] =	ssyncadd.s32 $0xFFFFC000  }
0x1d8: {  	[spmem:s2] =	stream.indirect.scatter.add.f32 [tilespmem:s17], [sflag:$0x3], $0x80, s14, s20, $0xb8;
	[tilespmem:$0x1CC00] =	vst v63  }
0x1d9: {  	_ =	swait.ge [sflag:s25], $0x4000  }
0x1da: {  	[sflag:s25] =	ssyncset.done $0x0  }
0x1db: {  	s14 =	simm.s32 $0xF80;
	[sflag:s25] =	ssyncadd.s32 $0xFFFFC000  }
0x1dc: {  	[spmem:s2] =	stream.indirect.scatter.add.f32 [tilespmem:s21], [sflag:$0x4], $0x80, s14, s20, $0xb8;
	[tilespmem:$0x1CC00] =	vst v63  }
.Ltmp4:
0x1dd: {  	_ =	swait.ge [sflag:s23], $0x4000;
	(pc) =	sbr.rel @!p1 .LBB2_5-.Ltmp4, $4  }
0x1de: {  	[sflag:s23] =	ssyncset.done $0x0  }
0x1df: {  	[sflag:s23] =	ssyncadd.s32 $0xFFFFC000  }
0x1e0: {  	_ =	swait.ge [sflag:s28], $0x4000  }
0x1e1: {  	s14 =	smov.u32 s7;
	[sflag:s28] =	ssyncset.done $0x0  }
0x1e2: {  	s7 =	sadd.s32 s11, s16;
	[sflag:s28] =	ssyncadd.s32 $0xFFFFC000  }
0x1e3: {  	[tilespmem:s3], [sflag:$0x5] =	stream.linear.gather [hbm4b:s7+s3], $0x800, $0x38;
	[tilespmem:$0x1CC00] =	vst v63  }
0x1e4: {  	_ =	swait.ge [sflag:s18], $0x800  }
0x1e5: {  	[sflag:s18] =	ssyncset.done $0x0  }
0x1e6: {  	s14 =	sadd.s32 s11, s15;
	[sflag:s18] =	ssyncadd.s32 $0xFFFFF800  }
0x1e7: {  	[tilespmem:s19], [sflag:$0x5] =	stream.linear.gather [hbm4b:s14+s3], $0x800, $0x38;
	[tilespmem:$0x1CC00] =	vst v63  }
0x1e8: {  	_ =	swait.ge [sflag:s18], $0x800  }
0x1e9: {  	[sflag:s18] =	ssyncset.done $0x0  }
0x1ea: {  	[sflag:s18] =	ssyncadd.s32 $0xFFFFF800  }
0x1eb: {  	[tilespmem:s17], [sflag:$0x1] =	stream.indirect.gather [hbm4b:s4+s20], $0x80, s3, s20, $0xb8;
	[tilespmem:$0x1CC00] =	vst v63  }
0x1ec: {  	_ = 	snop  }
0x1ed: {  	[tilespmem:s21], [sflag:$0x2] =	stream.indirect.gather [hbm4b:s4+s20], $0x80, s20, s20, $0xb8;
	[tilespmem:$0x1CC00] =	vst v63  }
0x1ee: {  	_ =	swait.ge [sflag:s22], $0x4000  }
0x1ef: {  	[sflag:s22] =	ssyncset.done $0x0  }
0x1f0: {  	[sflag:s22] =	ssyncadd.s32 $0xFFFFC000  }
0x1f1: {  	[spmem:s2] =	stream.indirect.scatter.add.f32 [tilespmem:s17], [sflag:$0x3], $0x80, s19, s20, $0xb8;
	[tilespmem:$0x1CC00] =	vst v63  }
0x1f2: {  	_ =	swait.ge [sflag:s23], $0x4000  }
0x1f3: {  	[sflag:s23] =	ssyncset.done $0x0  }
0x1f4: {  	[sflag:s23] =	ssyncadd.s32 $0xFFFFC000  }
0x1f5: {  	[tilespmem:s17], [sflag:$0x1] =	stream.indirect.gather [hbm4b:s4+s20], $0x80, s26, s20, $0xb8;
	[tilespmem:$0x1CC00] =	vst v63  }
0x1f6: {  	_ =	swait.ge [sflag:s25], $0x4000  }
0x1f7: {  	[sflag:s25] =	ssyncset.done $0x0  }
0x1f8: {  	[sflag:s25] =	ssyncadd.s32 $0xFFFFC000  }
0x1f9: {  	[spmem:s2] =	stream.indirect.scatter.add.f32 [tilespmem:s21], [sflag:$0x4], $0x80, s24, s20, $0xb8;
	[tilespmem:$0x1CC00] =	vst v63  }
0x1fa: {  	_ =	swait.ge [sflag:s28], $0x4000  }
0x1fb: {  	[sflag:s28] =	ssyncset.done $0x0  }
0x1fc: {  	[sflag:s28] =	ssyncadd.s32 $0xFFFFC000  }
0x1fd: {  	[tilespmem:s21], [sflag:$0x2] =	stream.indirect.gather [hbm4b:s4+s20], $0x80, s29, s20, $0xb8;
	[tilespmem:$0x1CC00] =	vst v63  }
0x1fe: {  	_ =	swait.ge [sflag:s22], $0x4000  }
0x1ff: {  	[sflag:s22] =	ssyncset.done $0x0  }
0x200: {  	[sflag:s22] =	ssyncadd.s32 $0xFFFFC000  }
0x201: {  	[spmem:s2] =	stream.indirect.scatter.add.f32 [tilespmem:s17], [sflag:$0x3], $0x80, s30, s20, $0xb8;
	[tilespmem:$0x1CC00] =	vst v63  }
0x202: {  	_ =	swait.ge [sflag:s23], $0x4000  }
0x203: {  	[sflag:s23] =	ssyncset.done $0x0  }
0x204: {  	[sflag:s23] =	ssyncadd.s32 $0xFFFFC000  }
0x205: {  	[tilespmem:s17], [sflag:$0x1] =	stream.indirect.gather [hbm4b:s4+s20], $0x80, s31, s20, $0xb8;
	[tilespmem:$0x1CC00] =	vst v63  }
0x206: {  	_ =	swait.ge [sflag:s25], $0x4000  }
0x207: {  	[sflag:s25] =	ssyncset.done $0x0  }
0x208: {  	[sflag:s25] =	ssyncadd.s32 $0xFFFFC000  }
0x209: {  	[spmem:s2] =	stream.indirect.scatter.add.f32 [tilespmem:s21], [sflag:$0x4], $0x80, s0, s20, $0xb8;
	[tilespmem:$0x1CC00] =	vst v63  }
0x20a: {  	_ =	swait.ge [sflag:s28], $0x4000  }
0x20b: {  	[sflag:s28] =	ssyncset.done $0x0  }
0x20c: {  	[sflag:s28] =	ssyncadd.s32 $0xFFFFC000  }
0x20d: {  	[tilespmem:s21], [sflag:$0x2] =	stream.indirect.gather [hbm4b:s4+s20], $0x80, s12, s20, $0xb8;
	[tilespmem:$0x1CC00] =	vst v63  }
0x20e: {  	_ =	swait.ge [sflag:s22], $0x4000  }
0x20f: {  	[sflag:s22] =	ssyncset.done $0x0  }
0x210: {  	[sflag:s22] =	ssyncadd.s32 $0xFFFFC000  }
0x211: {  	[spmem:s2] =	stream.indirect.scatter.add.f32 [tilespmem:s17], [sflag:$0x3], $0x80, s13, s20, $0xb8;
	[tilespmem:$0x1CC00] =	vst v63  }
0x212: {  	_ =	swait.ge [sflag:s23], $0x4000  }
0x213: {  	[sflag:s23] =	ssyncset.done $0x0  }
0x214: {  	[sflag:s23] =	ssyncadd.s32 $0xFFFFC000  }
0x215: {  	[tilespmem:s17], [sflag:$0x1] =	stream.indirect.gather [hbm4b:s4+s20], $0x80, s1, s20, $0xb8;
	[tilespmem:$0x1CC00] =	vst v63  }
0x216: {  	_ =	swait.ge [sflag:s25], $0x4000  }
0x217: {  	[sflag:s25] =	ssyncset.done $0x0  }
0x218: {  	[sflag:s25] =	ssyncadd.s32 $0xFFFFC000  }
0x219: {  	[spmem:s2] =	stream.indirect.scatter.add.f32 [tilespmem:s21], [sflag:$0x4], $0x80, s6, s20, $0xb8;
	[tilespmem:$0x1CC00] =	vst v63  }
0x21a: {  	_ =	swait.ge [sflag:s28], $0x4000  }
0x21b: {  	[sflag:s28] =	ssyncset.done $0x0  }
0x21c: {  	[sflag:s28] =	ssyncadd.s32 $0xFFFFC000  }
0x21d: {  	[tilespmem:s21], [sflag:$0x2] =	stream.indirect.gather [hbm4b:s4+s20], $0x80, s8, s20, $0xb8;
	[tilespmem:$0x1CC00] =	vst v63  }
0x21e: {  	_ =	swait.ge [sflag:s22], $0x4000  }
0x21f: {  	[sflag:s22] =	ssyncset.done $0x0  }
0x220: {  	[sflag:s22] =	ssyncadd.s32 $0xFFFFC000  }
0x221: {  	[spmem:s2] =	stream.indirect.scatter.add.f32 [tilespmem:s17], [sflag:$0x3], $0x80, s9, s20, $0xb8;
	[tilespmem:$0x1CC00] =	vst v63  }
0x222: {  	_ =	swait.ge [sflag:s23], $0x4000  }
0x223: {  	[sflag:s23] =	ssyncset.done $0x0  }
0x224: {  	[sflag:s23] =	ssyncadd.s32 $0xFFFFC000  }
0x225: {  	[tilespmem:s17], [sflag:$0x1] =	stream.indirect.gather [hbm4b:s4+s20], $0x80, s10, s20, $0xb8;
	[tilespmem:$0x1CC00] =	vst v63  }
0x226: {  	_ =	swait.ge [sflag:s25], $0x4000  }
0x227: {  	[sflag:s25] =	ssyncset.done $0x0  }
0x228: {  	s30 =	simm.s32 $0xB80;
	[sflag:s25] =	ssyncadd.s32 $0xFFFFC000  }
0x229: {  	[spmem:s2] =	stream.indirect.scatter.add.f32 [tilespmem:s21], [sflag:$0x4], $0x80, s30, s20, $0xb8;
	[tilespmem:$0x1CC00] =	vst v63  }
0x22a: {  	_ =	swait.ge [sflag:s28], $0x4000  }
0x22b: {  	[sflag:s28] =	ssyncset.done $0x0  }
0x22c: {  	s31 =	simm.s32 $0x480;
	[sflag:s28] =	ssyncadd.s32 $0xFFFFC000  }
0x22d: {  	[tilespmem:s21], [sflag:$0x2] =	stream.indirect.gather [hbm4b:s4+s20], $0x80, s31, s20, $0xb8;
	[tilespmem:$0x1CC00] =	vst v63  }
0x22e: {  	_ =	swait.ge [sflag:s22], $0x4000  }
0x22f: {  	[sflag:s22] =	ssyncset.done $0x0  }
0x230: {  	s1 =	simm.s32 $0xC00;
	[sflag:s22] =	ssyncadd.s32 $0xFFFFC000  }
0x231: {  	[spmem:s2] =	stream.indirect.scatter.add.f32 [tilespmem:s17], [sflag:$0x3], $0x80, s1, s20, $0xb8;
	[tilespmem:$0x1CC00] =	vst v63  }
0x232: {  	_ =	swait.ge [sflag:s23], $0x4000  }
0x233: {  	[sflag:s23] =	ssyncset.done $0x0  }
0x234: {  	s6 =	simm.s32 $0x500;
	[sflag:s23] =	ssyncadd.s32 $0xFFFFC000  }
0x235: {  	[tilespmem:s17], [sflag:$0x1] =	stream.indirect.gather [hbm4b:s4+s20], $0x80, s6, s20, $0xb8;
	[tilespmem:$0x1CC00] =	vst v63  }
0x236: {  	_ =	swait.ge [sflag:s25], $0x4000  }
0x237: {  	[sflag:s25] =	ssyncset.done $0x0  }
0x238: {  	s7 =	simm.s32 $0xC80;
	[sflag:s25] =	ssyncadd.s32 $0xFFFFC000  }
0x239: {  	[spmem:s2] =	stream.indirect.scatter.add.f32 [tilespmem:s21], [sflag:$0x4], $0x80, s7, s20, $0xb8;
	[tilespmem:$0x1CC00] =	vst v63  }
0x23a: {  	_ =	swait.ge [sflag:s28], $0x4000  }
0x23b: {  	[sflag:s28] =	ssyncset.done $0x0  }
0x23c: {  	s8 =	simm.s32 $0x580;
	[sflag:s28] =	ssyncadd.s32 $0xFFFFC000  }
0x23d: {  	[tilespmem:s21], [sflag:$0x2] =	stream.indirect.gather [hbm4b:s4+s20], $0x80, s8, s20, $0xb8;
	[tilespmem:$0x1CC00] =	vst v63  }
0x23e: {  	_ =	swait.ge [sflag:s22], $0x4000  }
0x23f: {  	[sflag:s22] =	ssyncset.done $0x0  }
0x240: {  	s9 =	simm.s32 $0xD00;
	[sflag:s22] =	ssyncadd.s32 $0xFFFFC000  }
0x241: {  	[spmem:s2] =	stream.indirect.scatter.add.f32 [tilespmem:s17], [sflag:$0x3], $0x80, s9, s20, $0xb8;
	[tilespmem:$0x1CC00] =	vst v63  }
0x242: {  	_ =	swait.ge [sflag:s23], $0x4000  }
0x243: {  	[sflag:s23] =	ssyncset.done $0x0  }
0x244: {  	s10 =	simm.s32 $0x600;
	[sflag:s23] =	ssyncadd.s32 $0xFFFFC000  }
0x245: {  	[tilespmem:s17], [sflag:$0x1] =	stream.indirect.gather [hbm4b:s4+s20], $0x80, s10, s20, $0xb8;
	[tilespmem:$0x1CC00] =	vst v63  }
0x246: {  	_ =	swait.ge [sflag:s25], $0x4000  }
0x247: {  	[sflag:s25] =	ssyncset.done $0x0  }
0x248: {  	s11 =	simm.s32 $0xD80;
	[sflag:s25] =	ssyncadd.s32 $0xFFFFC000  }
0x249: {  	[spmem:s2] =	stream.indirect.scatter.add.f32 [tilespmem:s21], [sflag:$0x4], $0x80, s11, s20, $0xb8;
	[tilespmem:$0x1CC00] =	vst v63  }
0x24a: {  	_ =	swait.ge [sflag:s28], $0x4000  }
0x24b: {  	[sflag:s28] =	ssyncset.done $0x0  }
0x24c: {  	s12 =	simm.s32 $0x680;
	[sflag:s28] =	ssyncadd.s32 $0xFFFFC000  }
0x24d: {  	[tilespmem:s21], [sflag:$0x2] =	stream.indirect.gather [hbm4b:s4+s20], $0x80, s12, s20, $0xb8;
	[tilespmem:$0x1CC00] =	vst v63  }
0x24e: {  	_ =	swait.ge [sflag:s22], $0x4000  }
0x24f: {  	[sflag:s22] =	ssyncset.done $0x0  }
0x250: {  	s13 =	simm.s32 $0xE00;
	[sflag:s22] =	ssyncadd.s32 $0xFFFFC000  }
0x251: {  	[spmem:s2] =	stream.indirect.scatter.add.f32 [tilespmem:s17], [sflag:$0x3], $0x80, s13, s20, $0xb8;
	[tilespmem:$0x1CC00] =	vst v63  }
0x252: {  	_ =	swait.ge [sflag:s23], $0x4000  }
0x253: {  	[sflag:s23] =	ssyncset.done $0x0  }
0x254: {  	s14 =	simm.s32 $0x700;
	[sflag:s23] =	ssyncadd.s32 $0xFFFFC000  }
0x255: {  	[tilespmem:s17], [sflag:$0x1] =	stream.indirect.gather [hbm4b:s4+s20], $0x80, s14, s20, $0xb8;
	[tilespmem:$0x1CC00] =	vst v63  }
0x256: {  	_ =	swait.ge [sflag:s25], $0x4000  }
0x257: {  	[sflag:s25] =	ssyncset.done $0x0  }
0x258: {  	s24 =	simm.s32 $0xE80;
	[sflag:s25] =	ssyncadd.s32 $0xFFFFC000  }
0x259: {  	[spmem:s2] =	stream.indirect.scatter.add.f32 [tilespmem:s21], [sflag:$0x4], $0x80, s24, s20, $0xb8;
	[tilespmem:$0x1CC00] =	vst v63  }
0x25a: {  	_ =	swait.ge [sflag:s28], $0x4000  }
0x25b: {  	[sflag:s28] =	ssyncset.done $0x0  }
0x25c: {  	s29 =	simm.s32 $0x780;
	[sflag:s28] =	ssyncadd.s32 $0xFFFFC000  }
0x25d: {  	[tilespmem:s21], [sflag:$0x2] =	stream.indirect.gather [hbm4b:s4+s20], $0x80, s29, s20, $0xb8;
	[tilespmem:$0x1CC00] =	vst v63  }
0x25e: {  	_ =	swait.ge [sflag:s22], $0x4000  }
0x25f: {  	[sflag:s22] =	ssyncset.done $0x0  }
0x260: {  	s30 =	simm.s32 $0xF00;
	[sflag:s22] =	ssyncadd.s32 $0xFFFFC000  }
0x261: {  	[spmem:s2] =	stream.indirect.scatter.add.f32 [tilespmem:s17], [sflag:$0x3], $0x80, s30, s20, $0xb8;
	[tilespmem:$0x1CC00] =	vst v63  }
0x262: {  	_ =	swait.ge [sflag:s25], $0x4000  }
0x263: {  	[sflag:s25] =	ssyncset.done $0x0  }
0x264: {  	s31 =	simm.s32 $0xF80;
	[sflag:s25] =	ssyncadd.s32 $0xFFFFC000  }
0x265: {  	[spmem:s2] =	stream.indirect.scatter.add.f32 [tilespmem:s21], [sflag:$0x4], $0x80, s31, s20, $0xb8;
	[tilespmem:$0x1CC00] =	vst v63  }
0x266: {  	_ =	swait.ge [sflag:s23], $0x4000  }
.Ltmp5:
0x267: {  	[sflag:s23] =	ssyncset.done $0x0;
	(pc) =	sbr.rel .LBB2_10-.Ltmp5, $4  }
0x268: {  	[sflag:s23] =	ssyncadd.s32 $0xFFFFC000  }
0x269: {  	_ =	swait.ge [sflag:s28], $0x4000  }
0x26a: {  	[sflag:s28] =	ssyncset.done $0x0;
	s7 =	rddreg [dreg:$0xa]  }
0x26b: {  	s0 =	rddreg [dreg:$0xc];
	[sflag:s28] =	ssyncadd.s32 $0xFFFFC000  }
.LBB2_7:
0x26c: {  	[tilespmem:s3], [sflag:$0x5] =	stream.linear.gather [hbm4b:s7+s3], $0x800, $0x38;
	[tilespmem:$0x1CC00] =	vst v63  }
0x26d: {  	_ =	swait.ge [sflag:s18], $0x800  }
0x26e: {  	[sflag:s18] =	ssyncset.done $0x0  }
0x26f: {  	s9 =	sadd.s32 $0x0, s15;
	[sflag:s18] =	ssyncadd.s32 $0xFFFFF800  }
0x270: {  	[tilespmem:s19], [sflag:$0x5] =	stream.linear.gather [hbm4b:s9+s3], $0x800, $0x38;
	[tilespmem:$0x1CC00] =	vst v63  }
0x271: {  	_ =	swait.ge [sflag:s18], $0x800  }
0x272: {  	[sflag:s18] =	ssyncset.done $0x0  }
0x273: {  	[sflag:s18] =	ssyncadd.s32 $0xFFFFF800  }
0x274: {  	[tilespmem:s17], [sflag:$0x1] =	stream.indirect.gather [hbm4b:s5+s20], $0x80, s3, s20, $0xb8;
	[tilespmem:$0x1CC00] =	vst v63  }
0x275: {  	_ = 	snop  }
0x276: {  	[tilespmem:s21], [sflag:$0x2] =	stream.indirect.gather [hbm4b:s5+s20], $0x80, s20, s20, $0xb8;
	[tilespmem:$0x1CC00] =	vst v63  }
0x277: {  	_ =	swait.ge [sflag:s22], $0x4000  }
0x278: {  	[sflag:s22] =	ssyncset.done $0x0  }
0x279: {  	[sflag:s22] =	ssyncadd.s32 $0xFFFFC000  }
0x27a: {  	[spmem:s2] =	stream.indirect.scatter.add.f32 [tilespmem:s17], [sflag:$0x3], $0x80, s19, s20, $0xb8;
	[tilespmem:$0x1CC00] =	vst v63  }
0x27b: {  	_ =	swait.ge [sflag:s23], $0x4000  }
0x27c: {  	[sflag:s23] =	ssyncset.done $0x0  }
0x27d: {  	[sflag:s23] =	ssyncadd.s32 $0xFFFFC000  }
0x27e: {  	[tilespmem:s17], [sflag:$0x1] =	stream.indirect.gather [hbm4b:s5+s20], $0x80, s26, s20, $0xb8;
	[tilespmem:$0x1CC00] =	vst v63  }
0x27f: {  	_ =	swait.ge [sflag:s25], $0x4000  }
0x280: {  	[sflag:s25] =	ssyncset.done $0x0  }
0x281: {  	s10 =	simm.s32 $0x880;
	[sflag:s25] =	ssyncadd.s32 $0xFFFFC000  }
0x282: {  	[spmem:s2] =	stream.indirect.scatter.add.f32 [tilespmem:s21], [sflag:$0x4], $0x80, s10, s20, $0xb8;
	[tilespmem:$0x1CC00] =	vst v63  }
0x283: {  	_ =	swait.ge [sflag:s28], $0x4000  }
0x284: {  	[sflag:s28] =	ssyncset.done $0x0  }
0x285: {  	s29 =	simm.s32 $0x180;
	[sflag:s28] =	ssyncadd.s32 $0xFFFFC000  }
0x286: {  	[tilespmem:s21], [sflag:$0x2] =	stream.indirect.gather [hbm4b:s5+s20], $0x80, s29, s20, $0xb8;
	[tilespmem:$0x1CC00] =	vst v63  }
0x287: {  	_ =	swait.ge [sflag:s22], $0x4000  }
0x288: {  	[sflag:s22] =	ssyncset.done $0x0  }
0x289: {  	s30 =	simm.s32 $0x900;
	[sflag:s22] =	ssyncadd.s32 $0xFFFFC000  }
0x28a: {  	[spmem:s2] =	stream.indirect.scatter.add.f32 [tilespmem:s17], [sflag:$0x3], $0x80, s30, s20, $0xb8;
	[tilespmem:$0x1CC00] =	vst v63  }
0x28b: {  	_ =	swait.ge [sflag:s23], $0x4000  }
0x28c: {  	[sflag:s23] =	ssyncset.done $0x0  }
0x28d: {  	s31 =	simm.s32 $0x200;
	[sflag:s23] =	ssyncadd.s32 $0xFFFFC000  }
0x28e: {  	[tilespmem:s17], [sflag:$0x1] =	stream.indirect.gather [hbm4b:s5+s20], $0x80, s31, s20, $0xb8;
	[tilespmem:$0x1CC00] =	vst v63  }
0x28f: {  	_ =	swait.ge [sflag:s25], $0x4000  }
0x290: {  	[sflag:s25] =	ssyncset.done $0x0  }
0x291: {  	s0 =	simm.s32 $0x980;
	[sflag:s25] =	ssyncadd.s32 $0xFFFFC000  }
0x292: {  	[spmem:s2] =	stream.indirect.scatter.add.f32 [tilespmem:s21], [sflag:$0x4], $0x80, s0, s20, $0xb8;
	[tilespmem:$0x1CC00] =	vst v63  }
0x293: {  	_ =	swait.ge [sflag:s28], $0x4000  }
0x294: {  	[sflag:s28] =	ssyncset.done $0x0  }
0x295: {  	s12 =	simm.s32 $0x280;
	[sflag:s28] =	ssyncadd.s32 $0xFFFFC000  }
0x296: {  	[tilespmem:s21], [sflag:$0x2] =	stream.indirect.gather [hbm4b:s5+s20], $0x80, s12, s20, $0xb8;
	[tilespmem:$0x1CC00] =	vst v63  }
0x297: {  	_ =	swait.ge [sflag:s22], $0x4000  }
0x298: {  	[sflag:s22] =	ssyncset.done $0x0  }
0x299: {  	s13 =	simm.s32 $0xA00;
	[sflag:s22] =	ssyncadd.s32 $0xFFFFC000  }
0x29a: {  	[spmem:s2] =	stream.indirect.scatter.add.f32 [tilespmem:s17], [sflag:$0x3], $0x80, s13, s20, $0xb8;
	[tilespmem:$0x1CC00] =	vst v63  }
0x29b: {  	_ =	swait.ge [sflag:s23], $0x4000  }
0x29c: {  	[sflag:s23] =	ssyncset.done $0x0  }
0x29d: {  	s1 =	simm.s32 $0x300;
	[sflag:s23] =	ssyncadd.s32 $0xFFFFC000  }
0x29e: {  	[tilespmem:s17], [sflag:$0x1] =	stream.indirect.gather [hbm4b:s5+s20], $0x80, s1, s20, $0xb8;
	[tilespmem:$0x1CC00] =	vst v63  }
0x29f: {  	_ =	swait.ge [sflag:s25], $0x4000  }
0x2a0: {  	[sflag:s25] =	ssyncset.done $0x0  }
0x2a1: {  	s6 =	simm.s32 $0xA80;
	[sflag:s25] =	ssyncadd.s32 $0xFFFFC000  }
0x2a2: {  	[spmem:s2] =	stream.indirect.scatter.add.f32 [tilespmem:s21], [sflag:$0x4], $0x80, s6, s20, $0xb8;
	[tilespmem:$0x1CC00] =	vst v63  }
0x2a3: {  	_ =	swait.ge [sflag:s28], $0x4000  }
0x2a4: {  	[sflag:s28] =	ssyncset.done $0x0  }
0x2a5: {  	s8 =	simm.s32 $0x380;
	[sflag:s28] =	ssyncadd.s32 $0xFFFFC000  }
0x2a6: {  	[tilespmem:s21], [sflag:$0x2] =	stream.indirect.gather [hbm4b:s5+s20], $0x80, s8, s20, $0xb8;
	[tilespmem:$0x1CC00] =	vst v63  }
0x2a7: {  	_ =	swait.ge [sflag:s22], $0x4000  }
0x2a8: {  	[sflag:s22] =	ssyncset.done $0x0  }
0x2a9: {  	s9 =	simm.s32 $0xB00;
	[sflag:s22] =	ssyncadd.s32 $0xFFFFC000  }
0x2aa: {  	[spmem:s2] =	stream.indirect.scatter.add.f32 [tilespmem:s17], [sflag:$0x3], $0x80, s9, s20, $0xb8;
	[tilespmem:$0x1CC00] =	vst v63  }
0x2ab: {  	_ =	swait.ge [sflag:s23], $0x4000  }
0x2ac: {  	[sflag:s23] =	ssyncset.done $0x0  }
0x2ad: {  	s10 =	simm.s32 $0x400;
	[sflag:s23] =	ssyncadd.s32 $0xFFFFC000  }
0x2ae: {  	[tilespmem:s17], [sflag:$0x1] =	stream.indirect.gather [hbm4b:s5+s20], $0x80, s10, s20, $0xb8;
	[tilespmem:$0x1CC00] =	vst v63  }
0x2af: {  	_ =	swait.ge [sflag:s25], $0x4000  }
0x2b0: {  	[sflag:s25] =	ssyncset.done $0x0  }
0x2b1: {  	s11 =	simm.s32 $0xB80;
	[sflag:s25] =	ssyncadd.s32 $0xFFFFC000  }
0x2b2: {  	[spmem:s2] =	stream.indirect.scatter.add.f32 [tilespmem:s21], [sflag:$0x4], $0x80, s11, s20, $0xb8;
	[tilespmem:$0x1CC00] =	vst v63  }
0x2b3: {  	_ =	swait.ge [sflag:s28], $0x4000  }
0x2b4: {  	[sflag:s28] =	ssyncset.done $0x0  }
0x2b5: {  	s14 =	simm.s32 $0x480;
	[sflag:s28] =	ssyncadd.s32 $0xFFFFC000  }
0x2b6: {  	[tilespmem:s21], [sflag:$0x2] =	stream.indirect.gather [hbm4b:s5+s20], $0x80, s14, s20, $0xb8;
	[tilespmem:$0x1CC00] =	vst v63  }
0x2b7: {  	_ =	swait.ge [sflag:s22], $0x4000  }
0x2b8: {  	[sflag:s22] =	ssyncset.done $0x0  }
0x2b9: {  	s24 =	simm.s32 $0xC00;
	[sflag:s22] =	ssyncadd.s32 $0xFFFFC000  }
0x2ba: {  	[spmem:s2] =	stream.indirect.scatter.add.f32 [tilespmem:s17], [sflag:$0x3], $0x80, s24, s20, $0xb8;
	[tilespmem:$0x1CC00] =	vst v63  }
0x2bb: {  	_ =	swait.ge [sflag:s23], $0x4000  }
0x2bc: {  	[sflag:s23] =	ssyncset.done $0x0  }
0x2bd: {  	s26 =	simm.s32 $0x500;
	[sflag:s23] =	ssyncadd.s32 $0xFFFFC000  }
0x2be: {  	[tilespmem:s17], [sflag:$0x1] =	stream.indirect.gather [hbm4b:s5+s20], $0x80, s26, s20, $0xb8;
	[tilespmem:$0x1CC00] =	vst v63  }
0x2bf: {  	_ =	swait.ge [sflag:s25], $0x4000  }
0x2c0: {  	[sflag:s25] =	ssyncset.done $0x0  }
0x2c1: {  	s11 =	simm.s32 $0xC80;
	[sflag:s25] =	ssyncadd.s32 $0xFFFFC000  }
0x2c2: {  	[spmem:s2] =	stream.indirect.scatter.add.f32 [tilespmem:s21], [sflag:$0x4], $0x80, s11, s20, $0xb8;
	[tilespmem:$0x1CC00] =	vst v63  }
0x2c3: {  	_ =	swait.ge [sflag:s28], $0x4000  }
0x2c4: {  	[sflag:s28] =	ssyncset.done $0x0  }
0x2c5: {  	s14 =	simm.s32 $0x580;
	[sflag:s28] =	ssyncadd.s32 $0xFFFFC000  }
0x2c6: {  	[tilespmem:s21], [sflag:$0x2] =	stream.indirect.gather [hbm4b:s5+s20], $0x80, s14, s20, $0xb8;
	[tilespmem:$0x1CC00] =	vst v63  }
0x2c7: {  	_ =	swait.ge [sflag:s22], $0x4000  }
0x2c8: {  	[sflag:s22] =	ssyncset.done $0x0  }
0x2c9: {  	s24 =	simm.s32 $0xD00;
	[sflag:s22] =	ssyncadd.s32 $0xFFFFC000  }
0x2ca: {  	[spmem:s2] =	stream.indirect.scatter.add.f32 [tilespmem:s17], [sflag:$0x3], $0x80, s24, s20, $0xb8;
	[tilespmem:$0x1CC00] =	vst v63  }
0x2cb: {  	_ =	swait.ge [sflag:s23], $0x4000  }
0x2cc: {  	[sflag:s23] =	ssyncset.done $0x0  }
0x2cd: {  	s26 =	simm.s32 $0x600;
	[sflag:s23] =	ssyncadd.s32 $0xFFFFC000  }
0x2ce: {  	[tilespmem:s17], [sflag:$0x1] =	stream.indirect.gather [hbm4b:s5+s20], $0x80, s26, s20, $0xb8;
	[tilespmem:$0x1CC00] =	vst v63  }
0x2cf: {  	_ =	swait.ge [sflag:s25], $0x4000  }
0x2d0: {  	[sflag:s25] =	ssyncset.done $0x0  }
0x2d1: {  	s11 =	simm.s32 $0xD80;
	[sflag:s25] =	ssyncadd.s32 $0xFFFFC000  }
0x2d2: {  	[spmem:s2] =	stream.indirect.scatter.add.f32 [tilespmem:s21], [sflag:$0x4], $0x80, s11, s20, $0xb8;
	[tilespmem:$0x1CC00] =	vst v63  }
0x2d3: {  	_ =	swait.ge [sflag:s28], $0x4000  }
0x2d4: {  	[sflag:s28] =	ssyncset.done $0x0  }
0x2d5: {  	s14 =	simm.s32 $0x680;
	[sflag:s28] =	ssyncadd.s32 $0xFFFFC000  }
0x2d6: {  	[tilespmem:s21], [sflag:$0x2] =	stream.indirect.gather [hbm4b:s5+s20], $0x80, s14, s20, $0xb8;
	[tilespmem:$0x1CC00] =	vst v63  }
0x2d7: {  	_ =	swait.ge [sflag:s22], $0x4000  }
0x2d8: {  	[sflag:s22] =	ssyncset.done $0x0  }
0x2d9: {  	s24 =	simm.s32 $0xE00;
	[sflag:s22] =	ssyncadd.s32 $0xFFFFC000  }
0x2da: {  	[spmem:s2] =	stream.indirect.scatter.add.f32 [tilespmem:s17], [sflag:$0x3], $0x80, s24, s20, $0xb8;
	[tilespmem:$0x1CC00] =	vst v63  }
0x2db: {  	_ =	swait.ge [sflag:s23], $0x4000  }
0x2dc: {  	[sflag:s23] =	ssyncset.done $0x0  }
0x2dd: {  	s26 =	simm.s32 $0x700;
	[sflag:s23] =	ssyncadd.s32 $0xFFFFC000  }
0x2de: {  	[tilespmem:s17], [sflag:$0x1] =	stream.indirect.gather [hbm4b:s5+s20], $0x80, s26, s20, $0xb8;
	[tilespmem:$0x1CC00] =	vst v63  }
0x2df: {  	_ =	swait.ge [sflag:s25], $0x4000  }
0x2e0: {  	[sflag:s25] =	ssyncset.done $0x0  }
0x2e1: {  	s11 =	simm.s32 $0xE80;
	[sflag:s25] =	ssyncadd.s32 $0xFFFFC000  }
0x2e2: {  	[spmem:s2] =	stream.indirect.scatter.add.f32 [tilespmem:s21], [sflag:$0x4], $0x80, s11, s20, $0xb8;
	[tilespmem:$0x1CC00] =	vst v63  }
0x2e3: {  	_ =	swait.ge [sflag:s28], $0x4000  }
0x2e4: {  	[sflag:s28] =	ssyncset.done $0x0  }
0x2e5: {  	s14 =	simm.s32 $0x780;
	[sflag:s28] =	ssyncadd.s32 $0xFFFFC000  }
0x2e6: {  	[tilespmem:s21], [sflag:$0x2] =	stream.indirect.gather [hbm4b:s5+s20], $0x80, s14, s20, $0xb8;
	[tilespmem:$0x1CC00] =	vst v63  }
0x2e7: {  	_ =	swait.ge [sflag:s22], $0x4000  }
0x2e8: {  	[sflag:s22] =	ssyncset.done $0x0  }
0x2e9: {  	s24 =	simm.s32 $0xF00;
	[sflag:s22] =	ssyncadd.s32 $0xFFFFC000  }
0x2ea: {  	[spmem:s2] =	stream.indirect.scatter.add.f32 [tilespmem:s17], [sflag:$0x3], $0x80, s24, s20, $0xb8;
	[tilespmem:$0x1CC00] =	vst v63  }
0x2eb: {  	_ =	swait.ge [sflag:s25], $0x4000  }
0x2ec: {  	[sflag:s25] =	ssyncset.done $0x0  }
0x2ed: {  	s26 =	simm.s32 $0xF80;
	[sflag:s25] =	ssyncadd.s32 $0xFFFFC000  }
0x2ee: {  	[spmem:s2] =	stream.indirect.scatter.add.f32 [tilespmem:s21], [sflag:$0x4], $0x80, s26, s20, $0xb8;
	[tilespmem:$0x1CC00] =	vst v63  }
0x2ef: {  	_ =	swait.ge [sflag:s23], $0x4000  }
0x2f0: {  	[sflag:s23] =	ssyncset.done $0x0  }
0x2f1: {  	[sflag:s23] =	ssyncadd.s32 $0xFFFFC000  }
0x2f2: {  	_ =	swait.ge [sflag:s28], $0x4000  }
0x2f3: {  	s7 =	simm.s32 $0x200;
	s11 =	simm.s32 $0x100;
	[sflag:s28] =	ssyncset.done $0x0  }
.LBB2_8:
0x2f4: {  	s24 =	sadd.s32 s11, s16  }
0x2f5: {  	[sflag:s28] =	ssyncadd.s32 $0xFFFFC000;
	s26 =	smov.u32 s7;
	s14 =	sadd.s32 $0x100, s7  }
0x2f6: {  	[tilespmem:s3], [sflag:$0x5] =	stream.linear.gather [hbm4b:s24+s3], $0x800, $0x38;
	[tilespmem:$0x1CC00] =	vst v63  }
0x2f7: {  	s24 =	simm.s32 $0x880  }
0x2f8: {  	p1 =	sne.s32 s7, $0x900;
	_ =	swait.ge [sflag:s18], $0x800  }
0x2f9: {  	s7 =	sadd.s32 s11, s15;
	[sflag:s18] =	ssyncset.done $0x0  }
0x2fa: {  	s11 =	smov.u32 s26;
	s26 =	simm.s32 $0x100;
	[sflag:s18] =	ssyncadd.s32 $0xFFFFF800  }
0x2fb: {  	[tilespmem:s19], [sflag:$0x5] =	stream.linear.gather [hbm4b:s7+s3], $0x800, $0x38;
	[tilespmem:$0x1CC00] =	vst v63  }
0x2fc: {  	_ =	swait.ge [sflag:s18], $0x800  }
0x2fd: {  	[sflag:s18] =	ssyncset.done $0x0  }
0x2fe: {  	[sflag:s18] =	ssyncadd.s32 $0xFFFFF800  }
0x2ff: {  	[tilespmem:s17], [sflag:$0x1] =	stream.indirect.gather [hbm4b:s5+s20], $0x80, s3, s20, $0xb8;
	[tilespmem:$0x1CC00] =	vst v63  }
0x300: {  	_ = 	snop  }
0x301: {  	[tilespmem:s21], [sflag:$0x2] =	stream.indirect.gather [hbm4b:s5+s20], $0x80, s20, s20, $0xb8;
	[tilespmem:$0x1CC00] =	vst v63  }
0x302: {  	_ =	swait.ge [sflag:s22], $0x4000  }
0x303: {  	[sflag:s22] =	ssyncset.done $0x0  }
0x304: {  	[sflag:s22] =	ssyncadd.s32 $0xFFFFC000  }
0x305: {  	[spmem:s2] =	stream.indirect.scatter.add.f32 [tilespmem:s17], [sflag:$0x3], $0x80, s19, s20, $0xb8;
	[tilespmem:$0x1CC00] =	vst v63  }
0x306: {  	_ =	swait.ge [sflag:s23], $0x4000  }
0x307: {  	[sflag:s23] =	ssyncset.done $0x0  }
0x308: {  	[sflag:s23] =	ssyncadd.s32 $0xFFFFC000  }
0x309: {  	[tilespmem:s17], [sflag:$0x1] =	stream.indirect.gather [hbm4b:s5+s20], $0x80, s26, s20, $0xb8;
	[tilespmem:$0x1CC00] =	vst v63  }
0x30a: {  	_ =	swait.ge [sflag:s25], $0x4000  }
0x30b: {  	[sflag:s25] =	ssyncset.done $0x0  }
0x30c: {  	[sflag:s25] =	ssyncadd.s32 $0xFFFFC000  }
0x30d: {  	[spmem:s2] =	stream.indirect.scatter.add.f32 [tilespmem:s21], [sflag:$0x4], $0x80, s24, s20, $0xb8;
	[tilespmem:$0x1CC00] =	vst v63  }
0x30e: {  	_ =	swait.ge [sflag:s28], $0x4000  }
0x30f: {  	[sflag:s28] =	ssyncset.done $0x0  }
0x310: {  	[sflag:s28] =	ssyncadd.s32 $0xFFFFC000  }
0x311: {  	[tilespmem:s21], [sflag:$0x2] =	stream.indirect.gather [hbm4b:s5+s20], $0x80, s29, s20, $0xb8;
	[tilespmem:$0x1CC00] =	vst v63  }
0x312: {  	_ =	swait.ge [sflag:s22], $0x4000  }
0x313: {  	[sflag:s22] =	ssyncset.done $0x0  }
0x314: {  	[sflag:s22] =	ssyncadd.s32 $0xFFFFC000  }
0x315: {  	[spmem:s2] =	stream.indirect.scatter.add.f32 [tilespmem:s17], [sflag:$0x3], $0x80, s30, s20, $0xb8;
	[tilespmem:$0x1CC00] =	vst v63  }
0x316: {  	_ =	swait.ge [sflag:s23], $0x4000  }
0x317: {  	[sflag:s23] =	ssyncset.done $0x0  }
0x318: {  	[sflag:s23] =	ssyncadd.s32 $0xFFFFC000  }
0x319: {  	[tilespmem:s17], [sflag:$0x1] =	stream.indirect.gather [hbm4b:s5+s20], $0x80, s31, s20, $0xb8;
	[tilespmem:$0x1CC00] =	vst v63  }
0x31a: {  	_ =	swait.ge [sflag:s25], $0x4000  }
0x31b: {  	[sflag:s25] =	ssyncset.done $0x0  }
0x31c: {  	[sflag:s25] =	ssyncadd.s32 $0xFFFFC000  }
0x31d: {  	[spmem:s2] =	stream.indirect.scatter.add.f32 [tilespmem:s21], [sflag:$0x4], $0x80, s0, s20, $0xb8;
	[tilespmem:$0x1CC00] =	vst v63  }
0x31e: {  	_ =	swait.ge [sflag:s28], $0x4000  }
0x31f: {  	[sflag:s28] =	ssyncset.done $0x0  }
0x320: {  	[sflag:s28] =	ssyncadd.s32 $0xFFFFC000  }
0x321: {  	[tilespmem:s21], [sflag:$0x2] =	stream.indirect.gather [hbm4b:s5+s20], $0x80, s12, s20, $0xb8;
	[tilespmem:$0x1CC00] =	vst v63  }
0x322: {  	_ =	swait.ge [sflag:s22], $0x4000  }
0x323: {  	[sflag:s22] =	ssyncset.done $0x0  }
0x324: {  	[sflag:s22] =	ssyncadd.s32 $0xFFFFC000  }
0x325: {  	[spmem:s2] =	stream.indirect.scatter.add.f32 [tilespmem:s17], [sflag:$0x3], $0x80, s13, s20, $0xb8;
	[tilespmem:$0x1CC00] =	vst v63  }
0x326: {  	_ =	swait.ge [sflag:s23], $0x4000  }
0x327: {  	[sflag:s23] =	ssyncset.done $0x0  }
0x328: {  	[sflag:s23] =	ssyncadd.s32 $0xFFFFC000  }
0x329: {  	[tilespmem:s17], [sflag:$0x1] =	stream.indirect.gather [hbm4b:s5+s20], $0x80, s1, s20, $0xb8;
	[tilespmem:$0x1CC00] =	vst v63  }
0x32a: {  	_ =	swait.ge [sflag:s25], $0x4000  }
0x32b: {  	[sflag:s25] =	ssyncset.done $0x0  }
0x32c: {  	[sflag:s25] =	ssyncadd.s32 $0xFFFFC000  }
0x32d: {  	[spmem:s2] =	stream.indirect.scatter.add.f32 [tilespmem:s21], [sflag:$0x4], $0x80, s6, s20, $0xb8;
	[tilespmem:$0x1CC00] =	vst v63  }
0x32e: {  	_ =	swait.ge [sflag:s28], $0x4000  }
0x32f: {  	[sflag:s28] =	ssyncset.done $0x0  }
0x330: {  	[sflag:s28] =	ssyncadd.s32 $0xFFFFC000  }
0x331: {  	[tilespmem:s21], [sflag:$0x2] =	stream.indirect.gather [hbm4b:s5+s20], $0x80, s8, s20, $0xb8;
	[tilespmem:$0x1CC00] =	vst v63  }
0x332: {  	_ =	swait.ge [sflag:s22], $0x4000  }
0x333: {  	[sflag:s22] =	ssyncset.done $0x0  }
0x334: {  	[sflag:s22] =	ssyncadd.s32 $0xFFFFC000  }
0x335: {  	[spmem:s2] =	stream.indirect.scatter.add.f32 [tilespmem:s17], [sflag:$0x3], $0x80, s9, s20, $0xb8;
	[tilespmem:$0x1CC00] =	vst v63  }
0x336: {  	_ =	swait.ge [sflag:s23], $0x4000  }
0x337: {  	[sflag:s23] =	ssyncset.done $0x0  }
0x338: {  	[sflag:s23] =	ssyncadd.s32 $0xFFFFC000  }
0x339: {  	[tilespmem:s17], [sflag:$0x1] =	stream.indirect.gather [hbm4b:s5+s20], $0x80, s10, s20, $0xb8;
	[tilespmem:$0x1CC00] =	vst v63  }
0x33a: {  	_ =	swait.ge [sflag:s25], $0x4000  }
0x33b: {  	[sflag:s25] =	ssyncset.done $0x0  }
0x33c: {  	s7 =	simm.s32 $0xB80;
	[sflag:s25] =	ssyncadd.s32 $0xFFFFC000  }
0x33d: {  	[spmem:s2] =	stream.indirect.scatter.add.f32 [tilespmem:s21], [sflag:$0x4], $0x80, s7, s20, $0xb8;
	[tilespmem:$0x1CC00] =	vst v63  }
0x33e: {  	_ =	swait.ge [sflag:s28], $0x4000  }
0x33f: {  	[sflag:s28] =	ssyncset.done $0x0  }
0x340: {  	s7 =	simm.s32 $0x480;
	[sflag:s28] =	ssyncadd.s32 $0xFFFFC000  }
0x341: {  	[tilespmem:s21], [sflag:$0x2] =	stream.indirect.gather [hbm4b:s5+s20], $0x80, s7, s20, $0xb8;
	[tilespmem:$0x1CC00] =	vst v63  }
0x342: {  	_ =	swait.ge [sflag:s22], $0x4000  }
0x343: {  	[sflag:s22] =	ssyncset.done $0x0  }
0x344: {  	s7 =	simm.s32 $0xC00;
	[sflag:s22] =	ssyncadd.s32 $0xFFFFC000  }
0x345: {  	[spmem:s2] =	stream.indirect.scatter.add.f32 [tilespmem:s17], [sflag:$0x3], $0x80, s7, s20, $0xb8;
	[tilespmem:$0x1CC00] =	vst v63  }
0x346: {  	_ =	swait.ge [sflag:s23], $0x4000  }
0x347: {  	[sflag:s23] =	ssyncset.done $0x0  }
0x348: {  	s7 =	simm.s32 $0x500;
	[sflag:s23] =	ssyncadd.s32 $0xFFFFC000  }
0x349: {  	[tilespmem:s17], [sflag:$0x1] =	stream.indirect.gather [hbm4b:s5+s20], $0x80, s7, s20, $0xb8;
	[tilespmem:$0x1CC00] =	vst v63  }
0x34a: {  	_ =	swait.ge [sflag:s25], $0x4000  }
0x34b: {  	[sflag:s25] =	ssyncset.done $0x0  }
0x34c: {  	s7 =	simm.s32 $0xC80;
	[sflag:s25] =	ssyncadd.s32 $0xFFFFC000  }
0x34d: {  	[spmem:s2] =	stream.indirect.scatter.add.f32 [tilespmem:s21], [sflag:$0x4], $0x80, s7, s20, $0xb8;
	[tilespmem:$0x1CC00] =	vst v63  }
0x34e: {  	_ =	swait.ge [sflag:s28], $0x4000  }
0x34f: {  	[sflag:s28] =	ssyncset.done $0x0  }
0x350: {  	s7 =	simm.s32 $0x580;
	[sflag:s28] =	ssyncadd.s32 $0xFFFFC000  }
0x351: {  	[tilespmem:s21], [sflag:$0x2] =	stream.indirect.gather [hbm4b:s5+s20], $0x80, s7, s20, $0xb8;
	[tilespmem:$0x1CC00] =	vst v63  }
0x352: {  	_ =	swait.ge [sflag:s22], $0x4000  }
0x353: {  	[sflag:s22] =	ssyncset.done $0x0  }
0x354: {  	s7 =	simm.s32 $0xD00;
	[sflag:s22] =	ssyncadd.s32 $0xFFFFC000  }
0x355: {  	[spmem:s2] =	stream.indirect.scatter.add.f32 [tilespmem:s17], [sflag:$0x3], $0x80, s7, s20, $0xb8;
	[tilespmem:$0x1CC00] =	vst v63  }
0x356: {  	_ =	swait.ge [sflag:s23], $0x4000  }
0x357: {  	[sflag:s23] =	ssyncset.done $0x0  }
0x358: {  	s7 =	simm.s32 $0x600;
	[sflag:s23] =	ssyncadd.s32 $0xFFFFC000  }
0x359: {  	[tilespmem:s17], [sflag:$0x1] =	stream.indirect.gather [hbm4b:s5+s20], $0x80, s7, s20, $0xb8;
	[tilespmem:$0x1CC00] =	vst v63  }
0x35a: {  	_ =	swait.ge [sflag:s25], $0x4000  }
0x35b: {  	[sflag:s25] =	ssyncset.done $0x0  }
0x35c: {  	s7 =	simm.s32 $0xD80;
	[sflag:s25] =	ssyncadd.s32 $0xFFFFC000  }
0x35d: {  	[spmem:s2] =	stream.indirect.scatter.add.f32 [tilespmem:s21], [sflag:$0x4], $0x80, s7, s20, $0xb8;
	[tilespmem:$0x1CC00] =	vst v63  }
0x35e: {  	_ =	swait.ge [sflag:s28], $0x4000  }
0x35f: {  	[sflag:s28] =	ssyncset.done $0x0  }
0x360: {  	s7 =	simm.s32 $0x680;
	[sflag:s28] =	ssyncadd.s32 $0xFFFFC000  }
0x361: {  	[tilespmem:s21], [sflag:$0x2] =	stream.indirect.gather [hbm4b:s5+s20], $0x80, s7, s20, $0xb8;
	[tilespmem:$0x1CC00] =	vst v63  }
0x362: {  	_ =	swait.ge [sflag:s22], $0x4000  }
0x363: {  	[sflag:s22] =	ssyncset.done $0x0  }
0x364: {  	s7 =	simm.s32 $0xE00;
	[sflag:s22] =	ssyncadd.s32 $0xFFFFC000  }
0x365: {  	[spmem:s2] =	stream.indirect.scatter.add.f32 [tilespmem:s17], [sflag:$0x3], $0x80, s7, s20, $0xb8;
	[tilespmem:$0x1CC00] =	vst v63  }
0x366: {  	_ =	swait.ge [sflag:s23], $0x4000  }
0x367: {  	[sflag:s23] =	ssyncset.done $0x0  }
0x368: {  	s7 =	simm.s32 $0x700;
	[sflag:s23] =	ssyncadd.s32 $0xFFFFC000  }
0x369: {  	[tilespmem:s17], [sflag:$0x1] =	stream.indirect.gather [hbm4b:s5+s20], $0x80, s7, s20, $0xb8;
	[tilespmem:$0x1CC00] =	vst v63  }
0x36a: {  	_ =	swait.ge [sflag:s25], $0x4000  }
0x36b: {  	[sflag:s25] =	ssyncset.done $0x0  }
0x36c: {  	s7 =	simm.s32 $0xE80;
	[sflag:s25] =	ssyncadd.s32 $0xFFFFC000  }
0x36d: {  	[spmem:s2] =	stream.indirect.scatter.add.f32 [tilespmem:s21], [sflag:$0x4], $0x80, s7, s20, $0xb8;
	[tilespmem:$0x1CC00] =	vst v63  }
0x36e: {  	_ =	swait.ge [sflag:s28], $0x4000  }
0x36f: {  	[sflag:s28] =	ssyncset.done $0x0  }
0x370: {  	s7 =	simm.s32 $0x780;
	[sflag:s28] =	ssyncadd.s32 $0xFFFFC000  }
0x371: {  	[tilespmem:s21], [sflag:$0x2] =	stream.indirect.gather [hbm4b:s5+s20], $0x80, s7, s20, $0xb8;
	[tilespmem:$0x1CC00] =	vst v63  }
0x372: {  	_ =	swait.ge [sflag:s22], $0x4000  }
0x373: {  	[sflag:s22] =	ssyncset.done $0x0  }
0x374: {  	s7 =	simm.s32 $0xF00;
	[sflag:s22] =	ssyncadd.s32 $0xFFFFC000  }
0x375: {  	[spmem:s2] =	stream.indirect.scatter.add.f32 [tilespmem:s17], [sflag:$0x3], $0x80, s7, s20, $0xb8;
	[tilespmem:$0x1CC00] =	vst v63  }
0x376: {  	_ =	swait.ge [sflag:s25], $0x4000  }
0x377: {  	[sflag:s25] =	ssyncset.done $0x0  }
0x378: {  	s7 =	simm.s32 $0xF80;
	[sflag:s25] =	ssyncadd.s32 $0xFFFFC000  }
0x379: {  	[spmem:s2] =	stream.indirect.scatter.add.f32 [tilespmem:s21], [sflag:$0x4], $0x80, s7, s20, $0xb8;
	[tilespmem:$0x1CC00] =	vst v63  }
.Ltmp6:
0x37a: {  	_ =	swait.ge [sflag:s23], $0x4000;
	(pc) =	sbr.rel @p1 .LBB2_8-.Ltmp6, $4  }
0x37b: {  	[sflag:s23] =	ssyncset.done $0x0  }
0x37c: {  	[sflag:s23] =	ssyncadd.s32 $0xFFFFC000  }
0x37d: {  	_ =	swait.ge [sflag:s28], $0x4000  }
0x37e: {  	s7 =	smov.u32 s14;
	[sflag:s28] =	ssyncset.done $0x0  }
.Ltmp7:
0x37f: {  	_ = 	snop;
	(pc) =	sbr.rel .LBB2_9-.Ltmp7, $1  }
0x380: {  	_ =	sdelay $0x3  }
.LBB2_11:
0x381: {  	_ =	sfence.sel $0x180000  }
0x382: {  	[bflag:$0x0] =	sbarrier.arrive $0xFFFF  }
0x383: {  	_ =	strace $0x90000050  }
0x384: {  	s0 =	stileid.u32;
	[bflag:$0x2] =	sbarrier.arrive $0xFFFF  }
0x385: {  	p0 =	sne.s32 s0, $0x0;
	s0 =	rddreg [dreg:$0x2]  }
0x386: {  	s0 =	sadd.s32 @!p0 $0x100000, s0  }
0x387: {  	[sflag:s0] =	ssyncadd.tile.s32 @!p0 $0x1;
	_ =	shalt  }
.Lfunc_end2:
_tile_overlayer_lowered:
.L_overlay_start_2:
0x388: {  	(tag) =	ssettag $0x2  }
0x389: {  	s0 =	rddreg [dreg:$0x0];
	s2 =	stileid.u32  }
0x38a: {  	s1 =	rddreg [dreg:$0x1];
	p0 =	sne.s32 s2, $0x0  }
0x38b: {  	s3 =	rddreg [dreg:$0x2];
	[bflag:$0x3] =	sbarrier.arrive $0xFFFF;
	s2 =	simm.s32 @!p0 $0x1C05  }
0x38c: {  	[timem:s3], [sflag:s2] =	dma.local @!p0 [hbm:s0], s1  }
0x38d: {  	s0 =	simm.s32 @!p0 $0x5  }
0x38e: {  	_ =	swait.ge @!p0 [sflag:s0], s1  }
0x38f: {  	s1 =	ssub.s32 @!p0 $0x0, s1;
	[sflag:s0] =	ssyncset.done @!p0 $0x0  }
0x390: {  	[sflag:s0] =	ssyncadd.s32 @!p0 s1  }
0x391: {  	[bflag:$0x3] =	sbarrier.arrive $0xFFFF  }
0x392: {  	_ =	shalt  }

// kernel: kernel.9.cloned.1.call-start
scs
__scs_entry_jumppad:
0x0: {  	(pc) =	sbr.rel $0x88, $3  }
0x1: {  	(tag) =	ssettag $0x0;
	lr =	simm.s32 $0x1  }
0x2: {  	[smem:$0x3F96] =	sst lr;
	_ =	strace $0xD0000000  }
0x3: {  	_ = 	snop  }
0x4: {  	_ = 	snop  }
0x5: {  	_ = 	snop  }
0x6: {  	_ = 	snop  }
0x7: {  	_ = 	snop  }
__scs_overlays_trampoline_lowered:
0x8: {  	[smem:$0x3FA5] =	sst s0  }
0x9: {  	[smem:$0x3FA6] =	sst s1  }
0xa: {  	[smem:$0x3FA7] =	sst s2  }
0xb: {  	[smem:$0x3FA8] =	sst s3  }
0xc: {  	[smem:$0x3FA9] =	sst s4  }
0xd: {  	[smem:$0x3FAA] =	sst s5  }
0xe: {  	[smem:$0x3FAB] =	sst s6  }
0xf: {  	[smem:$0x3FAC] =	sst s7  }
0x10: {  	[smem:$0x3FAD] =	sst s8  }
0x11: {  	[smem:$0x3FAE] =	sst s9;
	s0 =	simm.s32 @!p0 $0x0  }
0x12: {  	s1 =	sld [smem:$0x3F94];
	s0 =	simm.s32 @p0 $0x1  }
0x13: {  	[smem:$0x3FAF] =	sst s0;
	s0 =	simm.s32 @!p1 $0x0  }
0x14: {  	s2 =	sld [smem:$0x3F93];
	s0 =	simm.s32 @p1 $0x1  }
0x15: {  	[smem:$0x3FB0] =	sst s0;
	s0 =	simm.s32 @!p2 $0x0  }
0x16: {  	s3 =	sld [smem:$0x3FDB];
	s0 =	simm.s32 @p2 $0x1  }
0x17: {  	s4 =	simm.s32 $0x1BF5;
	[smem:$0x3FB2] =	sst s0  }
0x18: {  	s0 =	sld [smem:$0x3F95];
	_ =	swait.ge [sflag:s4], $0x0  }
0x19: {  	s7 =	sld [smem:$0x3F96]  }
0x1a: {  	s8 =	sadd.s32 $0xFFFFE003, lr  }
0x1b: {  	s9 =	sadd.s32 $0xFFFFFEF7, lr;
	s5 =	simm.s32 $0xFFFFFFFF;
	p2 =	slt.u32 s8, $0xFFFFF086  }
0x1c: {  	p1 =	slt.u32 s9, $0xF7A;
	s5 =	simm.s32 @!p2 $0x0  }
0x1d: {  	s5 =	simm.s32 @p1 $0x1;
	p0 =	seq.s32 s7, s2  }
0x1e: {  	s7 =	smul.u32 @!p0 $0xF7A, s2;
	p2 =	seq.s32 @!p0 s5, $0x0  }
0x1f: {  	s9 =	smul.u32 $0xF7A, s1;
	s8 =	simm.s32 @!p0 $0x1BF5;
	p2 =	por !p2, p0  }
0x20: {  	[sflag:s8] =	ssyncset.s32 @!p0 $0xFFFFF086;
	s6 =	sadd.s32 @!p0 s3, s7;
	s7 =	simm.s32 @!p0 $0x108  }
0x21: {  	s3 =	sadd.s32 s3, s9;
	s6 =	sadd.s32 @!p0 $0x88, s6;
	s7 =	simm.s32 @p2 $0x1082  }
0x22: {  	[simem:s7], [sflag:s8] =	dma.local @!p0 [hbm:s6], $0xF7A  }
0x23: {  	s9 =	sor.u32 $0xD0000000, s2;
	s6 =	simm.s32 $0x108;
	_ =	swait.ge @!p0 [sflag:s8], $0x0  }
0x24: {  	s3 =	sadd.s32 $0x88, s3;
	s6 =	simm.s32 @!p1 $0x1082;
	[sflag:s4] =	ssyncset.s32 $0xFFFFF086  }
0x25: {  	[simem:s6], [sflag:s4] =	dma.local [hbm:s3], $0xF7A  }
0x26: {  	[smem:$0x3F96] =	sst s1;
	(tag) =	ssettag s2;
	_ =	strace s9  }
0x27: {  	s1 =	sld [smem:$0x3FA6]  }
0x28: {  	s2 =	sld [smem:$0x3FA7]  }
0x29: {  	s4 =	sld [smem:$0x3FA9]  }
0x2a: {  	p0 =	seq.s32 s5, $0x0;
	s5 =	sld [smem:$0x3FAA]  }
0x2b: {  	s6 =	sld [smem:$0x3FAB]  }
0x2c: {  	s7 =	sld [smem:$0x3FAC]  }
0x2d: {  	s3 =	simm.s32 $0x108;
	s8 =	sld [smem:$0x3FAD]  }
0x2e: {  	s3 =	simm.s32 @!p0 $0x1082;
	s9 =	sld [smem:$0x3FAE]  }
0x2f: {  	lr =	sadd.s32 s0, s3;
	s0 =	sld [smem:$0x3FA5]  }
0x30: {  	s3 =	sld [smem:$0x3FA8]  }
0x31: {  	[smem:$0x3FB1] =	sst s10  }
0x32: {  	s10 =	sld [smem:$0x3FAF];
	_ =	sdelay $0x3  }
0x33: {  	p0 =	seq.s32 s10, $0x1;
	s10 =	sld [smem:$0x3FB1];
	_ =	sdelay $0x3  }
0x34: {  	[smem:$0x3FB1] =	sst s10  }
0x35: {  	s10 =	sld [smem:$0x3FB0];
	_ =	sdelay $0x3  }
0x36: {  	p1 =	seq.s32 s10, $0x1;
	s10 =	sld [smem:$0x3FB1];
	_ =	sdelay $0x3  }
0x37: {  	[smem:$0x3FB1] =	sst s10  }
0x38: {  	s10 =	sld [smem:$0x3FB2]  }
0x39: {  	_ = 	snop;
	(pc) =	sbr.ind lr, $3  }
0x3a: {  	_ = 	snop  }
0x3b: {  	_ = 	snop  }
0x3c: {  	p2 =	seq.s32 s10, $0x1;
	s10 =	sld [smem:$0x3FB1]  }
0x3d: {  	_ =	shalt  }
0x3e: {  	_ =	shalt  }
0x3f: {  	_ =	shalt  }
0x40: {  	_ =	shalt  }
0x41: {  	_ =	shalt  }
0x42: {  	_ =	shalt  }
0x43: {  	_ =	shalt  }
0x44: {  	_ =	shalt  }
0x45: {  	_ =	shalt  }
0x46: {  	_ =	shalt  }
0x47: {  	_ =	shalt  }
0x48: {  	_ =	shalt  }
0x49: {  	_ =	shalt  }
0x4a: {  	_ =	shalt  }
0x4b: {  	_ =	shalt  }
0x4c: {  	_ =	shalt  }
0x4d: {  	_ =	shalt  }
0x4e: {  	_ =	shalt  }
0x4f: {  	_ =	shalt  }
0x50: {  	_ =	shalt  }
0x51: {  	_ =	shalt  }
0x52: {  	_ =	shalt  }
0x53: {  	_ =	shalt  }
0x54: {  	_ =	shalt  }
0x55: {  	_ =	shalt  }
0x56: {  	_ =	shalt  }
0x57: {  	_ =	shalt  }
0x58: {  	_ =	shalt  }
0x59: {  	_ =	shalt  }
0x5a: {  	_ =	shalt  }
0x5b: {  	_ =	shalt  }
0x5c: {  	_ =	shalt  }
0x5d: {  	_ =	shalt  }
0x5e: {  	_ =	shalt  }
0x5f: {  	_ =	shalt  }
0x60: {  	_ =	shalt  }
0x61: {  	_ =	shalt  }
0x62: {  	_ =	shalt  }
0x63: {  	_ =	shalt  }
0x64: {  	_ =	shalt  }
0x65: {  	_ =	shalt  }
0x66: {  	_ =	shalt  }
0x67: {  	_ =	shalt  }
0x68: {  	_ =	shalt  }
0x69: {  	_ =	shalt  }
0x6a: {  	_ =	shalt  }
0x6b: {  	_ =	shalt  }
0x6c: {  	_ =	shalt  }
0x6d: {  	_ =	shalt  }
0x6e: {  	_ =	shalt  }
0x6f: {  	_ =	shalt  }
0x70: {  	_ =	shalt  }
0x71: {  	_ =	shalt  }
0x72: {  	_ =	shalt  }
0x73: {  	_ =	shalt  }
0x74: {  	_ =	shalt  }
0x75: {  	_ =	shalt  }
0x76: {  	_ =	shalt  }
0x77: {  	_ =	shalt  }
0x78: {  	_ =	shalt  }
0x79: {  	_ =	shalt  }
0x7a: {  	_ =	shalt  }
0x7b: {  	_ =	shalt  }
0x7c: {  	_ =	shalt  }
0x7d: {  	_ =	shalt  }
0x7e: {  	_ =	shalt  }
0x7f: {  	_ =	shalt  }
0x80: {  	_ =	shalt  }
0x81: {  	_ =	shalt  }
0x82: {  	_ =	shalt  }
0x83: {  	_ =	shalt  }
0x84: {  	_ =	shalt  }
0x85: {  	_ =	shalt  }
0x86: {  	_ =	shalt  }
0x87: {  	_ =	shalt  }
.Lfunc_end0:
.L_simem_size_0:
called_computation_lowered:
.L_overlay_start_0:
0x88: {  	s2 =	sld [smem:$0x3FD9]  }
0x89: {  	s3 =	sld [smem:$0x3FFE];
	_ =	sdelay $0x1  }
0x8a: {  	s1 =	srdreg.scid  }
0x8b: {  	s0 =	sand.u32 $0x1, s1  }
0x8c: {  	s16 =	sshll.u32 s0, $0xA;
	s2 =	sadd.s32 s3, s2  }
0x8d: {  	s2 =	sadd.s32 s2, s16  }
0x8e: {  	[smem:$0x3FBD] =	sst s2  }
0x8f: {  	_ = 	snop  }
0x90: {  	(tm) =	ssettm $0x1  }
0x91: {  	s17 =	sld [smem:$0x3FFB];
	_ =	sdelay $0x3  }
0x92: {  	_ =	strace s17  }
0x93: {  	s2 =	sld [smem:$0x3FFC];
	_ =	sdelay $0x3  }
0x94: {  	_ =	strace s2  }
0x95: {  	s2 =	sld [smem:$0x3FFD];
	_ =	sdelay $0x3  }
0x96: {  	_ =	strace s2  }
0x97: {  	_ =	strace $0x8FFFFFFF  }
0x98: {  	s18 =	sld [smem:$0x3FDB];
	_ =	sdelay $0x1  }
0x99: {  	s19 =	simm.s32 $_scs_section_size  }
0x9a: {  	s4 =	simm.s32 $_size__tile_overlayer_lowered;
	s5 =	simm.s32 $_tile_overlayer_lowered  }
0x9b: {  	s22 =	simm.s32 $0x1BFF;
	s21 =	sshll.u32 s5, $0x1;
	s2 =	sadd.s32 s19, s18  }
0x9c: {  	s6 =	simm.s32 $0x0;
	s20 =	sshll.u32 s4, $0x1;
	s4 =	sadd.s32 s21, s2  }
0x9d: {  	[timem:s6], [sflag:s22] =	dma.local [hbm:s4], s20  }
0x9e: {  	_ =	swait.ge [sflag:s22], s20  }
0x9f: {  	s3 =	ssub.s32 $0x0, s20;
	[sflag:s22] =	ssyncset.done $0x0  }
0xa0: {  	[sflag:s22] =	ssyncadd.s32 s3;
	_ =	sdelay $0x1  }
0xa1: {  	s23 =	simm.s32 $0x1B8B  }
0xa2: {  	_ =	swait.ge [sflag:s23], $0x1  }
0xa3: {  	[sflag:s23] =	ssyncset.done $0x0  }
0xa4: {  	s25 =	simm.s32 $0x1B8E;
	s24 =	sld [smem:$0x3FFE];
	[sflag:s23] =	ssyncadd.s32 $0xFFFFFFFF  }
0xa5: {  	s26 =	simm.s32 $execute0_lowered;
	[smem:$0x3FD2] =	sst s25  }
0xa6: {  	s4 =	sshll.u32 s26, $0x1;
	_ =	strace $0x80000046;
	[dreg:$0x1] =	wrdreg $0xFFFFFFFF  }
0xa7: {  	s28 =	simm.s32 $_size_execute0_lowered;
	s2 =	sadd.s32 s2, s4;
	[dreg:$0x0] =	wrdreg $0x0  }
0xa8: {  	s4 =	sshll.u32 s28, $0x1;
	[dreg:$0x2] =	wrdreg s2  }
0xa9: {  	[dreg:$0x3] =	wrdreg s4  }
0xaa: {  	[dreg:$0x4] =	wrdreg $0xC0  }
0xab: {  	_ =	task [dreg:s6], $0x5FFFF  }
0xac: {  	[dreg:$0x1] =	wrdreg $0xFFFFFFFF  }
0xad: {  	[dreg:$0x0] =	wrdreg $0x60  }
0xae: {  	[dreg:$0x2] =	wrdreg s24  }
0xaf: {  	[dreg:$0x3] =	wrdreg $0x48000  }
0xb0: {  	[dreg:$0x4] =	wrdreg $0x9  }
0xb1: {  	_ =	task.clear_ibuf [dreg:s6], $0x5FFFF;
	_ =	strace $0x90000046  }
0xb2: {  	s29 =	simm.s32 $0x9;
	_ =	strace $0x80000048  }
0xb3: {  	_ =	swait.ge [sflag:s29], $0x1  }
0xb4: {  	[sflag:s29] =	ssyncadd.s32 $0xFFFFFFFF  }
0xb5: {  	_ =	strace $0x90000048  }
0xb6: {  	_ =	sfence  }
0xb7: {  	s30 =	sld [smem:$0x0];
	_ =	sdelay $0x2  }
0xb8: {  	s31 =	sshll.u32 s1, $0xD;
	s1 =	sshrl.u32 s1, $0x2  }
0xb9: {  	s3 =	sand.u32 $0x4000, s31;
	s1 =	sadd.s32 s1, s30  }
0xba: {  	s0 =	sor.u32 s3, s0;
	s1 =	sshll.u32 s1, $0x11  }
0xbb: {  	s0 =	sor.u32 s1, s0  }
0xbc: {  	s0 =	sadd.s32 $0x8F2B, s0  }
0xbd: {  	[sflag:s0] =	ssyncadd.remote.s32 $0x1  }
0xbe: {  	_ =	sfence.sel $0xFFFF  }
0xbf: {  	[dreg:$0x0] =	wrdreg $0xFFFFFFFF;
	(pc) =	sbr.abs _section_cstart, $3  }
0xc0: {  	[dreg:$0x1] =	wrdreg $0xFFFFFFFF  }
0xc1: {  	_ =	task.clear_ibuf [dreg:s6], $0x2FFFF;
	_ =	strace $0x9FFFFFFF  }
0xc2: {  	(tm) =	ssettm $0x7FFFFFFF  }
0xc3: {  	_ =	shalt  }
tec
execute0_lowered:
.L_overlay_start_1:
0x0: {  	(tag) =	ssettag $0x1  }
0x1: {  	s0 =	srdreg.scid;
	s5 =	rddreg [dreg:$0x0]  }
0x2: {  	s7 =	stileid.u32;
	s2 =	rddreg [dreg:$0x1]  }
0x3: {  	s3 =	simm.s32 $0x0;
	s12 =	simm.s32 $0x800;
	s13 =	simm.s32 $0x1  }
0x4: {  	s14 =	simm.s32 $0x80;
	s15 =	simm.s32 $0x100;
	s16 =	simm.s32 $0x180  }
0x5: {  	s17 =	simm.s32 $0x200;
	s18 =	simm.s32 $0x280;
	s19 =	simm.s32 $0x300  }
0x6: {  	s20 =	simm.s32 $0x380;
	s21 =	simm.s32 $0x400;
	s22 =	simm.s32 $0x480  }
0x7: {  	s23 =	simm.s32 $0x500;
	s24 =	simm.s32 $0x580;
	s1 =	smul.u32 $0x5000, s7  }
0x8: {  	s25 =	simm.s32 $0x600;
	s28 =	simm.s32 $0x700;
	s26 =	smul.u32 $0x13C00, s7  }
0x9: {  	s29 =	simm.s32 $0x780;
	s30 =	simm.s32 $0x0;
	s6 =	smul.u32 $0x4F000, s7  }
0xa: {  	s0 =	sand.u32 $0x1, s0;
	[smem:$0x7FF] =	sst s3;
	s7 =	smul.u32 $0x2780, s7  }
0xb: {  	s4 =	smul.u32 $0x2800, s0;
	p0 =	seq.s32 s0, $0x1;
	s0 =	ssub.s32 $0x2, s0  }
0xc: {  	_ =	strace $0x80000047;
	s6 =	sshrl.u32 s6, $0x2;
	s8 =	sshrl.u32 s0, $0x1  }
0xd: {  	s1 =	sadd.s32 s4, s1;
	s4 =	sshrl.u32 s26, $0x3;
	s0 =	ssub.s32 s0, s8  }
0xe: {  	s26 =	simm.s32 $0x680;
	s1 =	sshrl.u32 s1, $0x3;
	s4 =	sadd.s32 $0x27800, s4  }
0xf: {  	s9 =	smax.u32 s0, $0x1;
	s7 =	smov.u32 @p0 s4;
	s4 =	sadd.s32 s6, s2  }
0x10: {  	s1 =	sadd.s32 s1, s5;
	s10 =	sadd.s32 s7, s5;
	s31 =	sadd.s32 $0x4000, s4  }
0x11: {  	s6 =	sadd.s32 $0x8000, s4;
	s7 =	sadd.s32 $0xC000, s4;
	s8 =	sadd.s32 $0x10000, s4  }
0x12: {  	v0 =	vimm.f32 $0.0e+00;
	v1 =	vimm.f32 $1.000000000e+00;
	s11 =	sadd.s32 $0xE200, s1;
	[dreg:$0x3] =	wrdreg s31;
	s10 =	sadd.s32 $0x18200, s10  }
.LBB2_1:
0x13: {  	s1 =	simm.s32 $0x0;
	s31 =	simm.s32 $0x200  }
.LBB2_2:
0x14: {  	p0 =	sne.s32 s31, $0xFE00;
	[tilespmem:s1+$0x870] =	vst v0  }
0x15: {  	[tilespmem:s1+$0x800] =	vst v0  }
0x16: {  	[tilespmem:s1+$0x810] =	vst v0  }
.Ltmp0:
0x17: {  	[tilespmem:s1+$0x820] =	vst v0;
	(pc) =	sbr.rel @p0 .LBB2_2-.Ltmp0, $4  }
0x18: {  	[tilespmem:s1+$0x830] =	vst v0  }
0x19: {  	[tilespmem:s1+$0x840] =	vst v0  }
0x1a: {  	[tilespmem:s1+$0x850] =	vst v0  }
0x1b: {  	[tilespmem:s1+$0x860] =	vst v0;
	s1 =	sshra.s32 s31, $0x2;
	s31 =	sadd.s32 $0x200, s31  }
0x1c: {  	[tilespmem:s1+$0x870] =	vst v0  }
0x1d: {  	[tilespmem:s1+$0x800] =	vst v0  }
0x1e: {  	[tilespmem:s1+$0x810] =	vst v0  }
0x1f: {  	[tilespmem:s1+$0x820] =	vst v0  }
0x20: {  	[tilespmem:s1+$0x830] =	vst v0  }
0x21: {  	[tilespmem:s1+$0x840] =	vst v0  }
0x22: {  	[tilespmem:s1+$0x850] =	vst v0  }
0x23: {  	[tilespmem:s1+$0x860] =	vst v0  }
0x24: {  	[spmem:s4] =	stream.linear.scatter [tilespmem:s12], [sflag:$0x1], $0x4000, $0x38;
	[tilespmem:$0x18400] =	vst v63  }
0x25: {  	_ =	swait.ge [sflag:s13], $0x4000  }
0x26: {  	[sflag:s13] =	ssyncset.done $0x0  }
0x27: {  	s0 =	rddreg [dreg:$0x3];
	[sflag:s13] =	ssyncadd.s32 $0xFFFFC000  }
0x28: {  	[spmem:s0] =	stream.linear.scatter [tilespmem:s12], [sflag:$0x1], $0x4000, $0x38;
	[tilespmem:$0x18400] =	vst v63  }
0x29: {  	_ =	swait.ge [sflag:s13], $0x4000  }
0x2a: {  	[sflag:s13] =	ssyncset.done $0x0  }
0x2b: {  	[sflag:s13] =	ssyncadd.s32 $0xFFFFC000  }
0x2c: {  	[spmem:s6] =	stream.linear.scatter [tilespmem:s12], [sflag:$0x1], $0x4000, $0x38;
	[tilespmem:$0x18400] =	vst v63  }
0x2d: {  	_ =	swait.ge [sflag:s13], $0x4000  }
0x2e: {  	[sflag:s13] =	ssyncset.done $0x0  }
0x2f: {  	[sflag:s13] =	ssyncadd.s32 $0xFFFFC000  }
0x30: {  	[spmem:s7] =	stream.linear.scatter [tilespmem:s12], [sflag:$0x1], $0x4000, $0x38;
	[tilespmem:$0x18400] =	vst v63  }
0x31: {  	_ =	swait.ge [sflag:s13], $0x4000  }
0x32: {  	[sflag:s13] =	ssyncset.done $0x0  }
0x33: {  	[sflag:s13] =	ssyncadd.s32 $0xFFFFC000  }
0x34: {  	[spmem:s8] =	stream.linear.scatter [tilespmem:s12], [sflag:$0x1], $0x3C00, $0x38;
	[tilespmem:$0x18400] =	vst v63  }
0x35: {  	_ =	swait.ge [sflag:s13], $0x3C00  }
0x36: {  	[sflag:s13] =	ssyncset.done $0x0  }
0x37: {  	s1 =	simm.s32 $0x0;
	s31 =	simm.s32 $0x200;
	[sflag:s13] =	ssyncadd.s32 $0xFFFFC400  }
.LBB2_4:
0x38: {  	p0 =	sne.s32 s31, $0xFE00;
	[tilespmem:s1+$0x870] =	vst v1  }
0x39: {  	[tilespmem:s1+$0x800] =	vst v1  }
0x3a: {  	[tilespmem:s1+$0x810] =	vst v1  }
.Ltmp1:
0x3b: {  	[tilespmem:s1+$0x820] =	vst v1;
	(pc) =	sbr.rel @p0 .LBB2_4-.Ltmp1, $4  }
0x3c: {  	[tilespmem:s1+$0x830] =	vst v1  }
0x3d: {  	[tilespmem:s1+$0x840] =	vst v1  }
0x3e: {  	[tilespmem:s1+$0x850] =	vst v1  }
0x3f: {  	[tilespmem:s1+$0x860] =	vst v1;
	s1 =	sshra.s32 s31, $0x2;
	s31 =	sadd.s32 $0x200, s31  }
0x40: {  	[tilespmem:s1+$0x870] =	vst v1  }
0x41: {  	[tilespmem:s1+$0x800] =	vst v1  }
0x42: {  	[tilespmem:s1+$0x810] =	vst v1  }
0x43: {  	[tilespmem:s1+$0x820] =	vst v1  }
0x44: {  	[tilespmem:s1+$0x830] =	vst v1  }
0x45: {  	[tilespmem:s1+$0x840] =	vst v1  }
0x46: {  	[tilespmem:s1+$0x850] =	vst v1  }
0x47: {  	[tilespmem:s1+$0x860] =	vst v1  }
0x48: {  	s0 =	sadd.s32 $0x0, s11;
	[bflag:$0x0] =	sbarrier.arrive $0xFFFF  }
0x49: {  	[tilespmem:s3], [sflag:$0x1] =	stream.linear.gather [hbm4b:s0+s3], $0x800, $0x38;
	[tilespmem:$0x18400] =	vst v63  }
0x4a: {  	_ =	swait.ge [sflag:s13], $0x800  }
0x4b: {  	[sflag:s13] =	ssyncset.done $0x0  }
0x4c: {  	[sflag:s13] =	ssyncadd.s32 $0xFFFFF800  }
0x4d: {  	[spmem:s2] =	stream.indirect.scatter.add.f32 [tilespmem:s12], [sflag:$0x1], $0x80, s3, s14, $0xb8;
	[tilespmem:$0x18400] =	vst v63  }
0x4e: {  	_ =	swait.ge [sflag:s13], $0x4000  }
0x4f: {  	[sflag:s13] =	ssyncset.done $0x0  }
0x50: {  	[sflag:s13] =	ssyncadd.s32 $0xFFFFC000  }
0x51: {  	[spmem:s2] =	stream.indirect.scatter.add.f32 [tilespmem:s12], [sflag:$0x1], $0x80, s14, s14, $0xb8;
	[tilespmem:$0x18400] =	vst v63  }
0x52: {  	_ =	swait.ge [sflag:s13], $0x4000  }
0x53: {  	[sflag:s13] =	ssyncset.done $0x0  }
0x54: {  	[sflag:s13] =	ssyncadd.s32 $0xFFFFC000  }
0x55: {  	[spmem:s2] =	stream.indirect.scatter.add.f32 [tilespmem:s12], [sflag:$0x1], $0x80, s15, s14, $0xb8;
	[tilespmem:$0x18400] =	vst v63  }
0x56: {  	_ =	swait.ge [sflag:s13], $0x4000  }
0x57: {  	[sflag:s13] =	ssyncset.done $0x0  }
0x58: {  	[sflag:s13] =	ssyncadd.s32 $0xFFFFC000  }
0x59: {  	[spmem:s2] =	stream.indirect.scatter.add.f32 [tilespmem:s12], [sflag:$0x1], $0x80, s16, s14, $0xb8;
	[tilespmem:$0x18400] =	vst v63  }
0x5a: {  	_ =	swait.ge [sflag:s13], $0x4000  }
0x5b: {  	[sflag:s13] =	ssyncset.done $0x0  }
0x5c: {  	[sflag:s13] =	ssyncadd.s32 $0xFFFFC000  }
0x5d: {  	[spmem:s2] =	stream.indirect.scatter.add.f32 [tilespmem:s12], [sflag:$0x1], $0x80, s17, s14, $0xb8;
	[tilespmem:$0x18400] =	vst v63  }
0x5e: {  	_ =	swait.ge [sflag:s13], $0x4000  }
0x5f: {  	[sflag:s13] =	ssyncset.done $0x0  }
0x60: {  	[sflag:s13] =	ssyncadd.s32 $0xFFFFC000  }
0x61: {  	[spmem:s2] =	stream.indirect.scatter.add.f32 [tilespmem:s12], [sflag:$0x1], $0x80, s18, s14, $0xb8;
	[tilespmem:$0x18400] =	vst v63  }
0x62: {  	_ =	swait.ge [sflag:s13], $0x4000  }
0x63: {  	[sflag:s13] =	ssyncset.done $0x0  }
0x64: {  	[sflag:s13] =	ssyncadd.s32 $0xFFFFC000  }
0x65: {  	[spmem:s2] =	stream.indirect.scatter.add.f32 [tilespmem:s12], [sflag:$0x1], $0x80, s19, s14, $0xb8;
	[tilespmem:$0x18400] =	vst v63  }
0x66: {  	_ =	swait.ge [sflag:s13], $0x4000  }
0x67: {  	[sflag:s13] =	ssyncset.done $0x0  }
0x68: {  	[sflag:s13] =	ssyncadd.s32 $0xFFFFC000  }
0x69: {  	[spmem:s2] =	stream.indirect.scatter.add.f32 [tilespmem:s12], [sflag:$0x1], $0x80, s20, s14, $0xb8;
	[tilespmem:$0x18400] =	vst v63  }
0x6a: {  	_ =	swait.ge [sflag:s13], $0x4000  }
0x6b: {  	[sflag:s13] =	ssyncset.done $0x0  }
0x6c: {  	[sflag:s13] =	ssyncadd.s32 $0xFFFFC000  }
0x6d: {  	[spmem:s2] =	stream.indirect.scatter.add.f32 [tilespmem:s12], [sflag:$0x1], $0x80, s21, s14, $0xb8;
	[tilespmem:$0x18400] =	vst v63  }
0x6e: {  	_ =	swait.ge [sflag:s13], $0x4000  }
0x6f: {  	[sflag:s13] =	ssyncset.done $0x0  }
0x70: {  	[sflag:s13] =	ssyncadd.s32 $0xFFFFC000  }
0x71: {  	[spmem:s2] =	stream.indirect.scatter.add.f32 [tilespmem:s12], [sflag:$0x1], $0x80, s22, s14, $0xb8;
	[tilespmem:$0x18400] =	vst v63  }
0x72: {  	_ =	swait.ge [sflag:s13], $0x4000  }
0x73: {  	[sflag:s13] =	ssyncset.done $0x0  }
0x74: {  	[sflag:s13] =	ssyncadd.s32 $0xFFFFC000  }
0x75: {  	[spmem:s2] =	stream.indirect.scatter.add.f32 [tilespmem:s12], [sflag:$0x1], $0x80, s23, s14, $0xb8;
	[tilespmem:$0x18400] =	vst v63  }
0x76: {  	_ =	swait.ge [sflag:s13], $0x4000  }
0x77: {  	[sflag:s13] =	ssyncset.done $0x0  }
0x78: {  	[sflag:s13] =	ssyncadd.s32 $0xFFFFC000  }
0x79: {  	[spmem:s2] =	stream.indirect.scatter.add.f32 [tilespmem:s12], [sflag:$0x1], $0x80, s24, s14, $0xb8;
	[tilespmem:$0x18400] =	vst v63  }
0x7a: {  	_ =	swait.ge [sflag:s13], $0x4000  }
0x7b: {  	[sflag:s13] =	ssyncset.done $0x0  }
0x7c: {  	[sflag:s13] =	ssyncadd.s32 $0xFFFFC000  }
0x7d: {  	[spmem:s2] =	stream.indirect.scatter.add.f32 [tilespmem:s12], [sflag:$0x1], $0x80, s25, s14, $0xb8;
	[tilespmem:$0x18400] =	vst v63  }
0x7e: {  	_ =	swait.ge [sflag:s13], $0x4000  }
0x7f: {  	[sflag:s13] =	ssyncset.done $0x0  }
0x80: {  	[sflag:s13] =	ssyncadd.s32 $0xFFFFC000  }
0x81: {  	[spmem:s2] =	stream.indirect.scatter.add.f32 [tilespmem:s12], [sflag:$0x1], $0x80, s26, s14, $0xb8;
	[tilespmem:$0x18400] =	vst v63  }
0x82: {  	_ =	swait.ge [sflag:s13], $0x4000  }
0x83: {  	[sflag:s13] =	ssyncset.done $0x0  }
0x84: {  	[sflag:s13] =	ssyncadd.s32 $0xFFFFC000  }
0x85: {  	[spmem:s2] =	stream.indirect.scatter.add.f32 [tilespmem:s12], [sflag:$0x1], $0x80, s28, s14, $0xb8;
	[tilespmem:$0x18400] =	vst v63  }
0x86: {  	_ =	swait.ge [sflag:s13], $0x4000  }
0x87: {  	[sflag:s13] =	ssyncset.done $0x0  }
0x88: {  	[sflag:s13] =	ssyncadd.s32 $0xFFFFC000  }
0x89: {  	[spmem:s2] =	stream.indirect.scatter.add.f32 [tilespmem:s12], [sflag:$0x1], $0x80, s29, s14, $0xb8;
	[tilespmem:$0x18400] =	vst v63  }
0x8a: {  	_ =	swait.ge [sflag:s13], $0x4000  }
0x8b: {  	s31 =	simm.s32 $0x100;
	s1 =	simm.s32 $0x200;
	[sflag:s13] =	ssyncset.done $0x0  }
.LBB2_6:
0x8c: {  	s5 =	sadd.s32 s31, s11  }
0x8d: {  	[sflag:s13] =	ssyncadd.s32 $0xFFFFC000;
	s31 =	smov.u32 s1;
	s0 =	sadd.s32 $0x100, s1  }
0x8e: {  	[tilespmem:s3], [sflag:$0x1] =	stream.linear.gather [hbm4b:s5+s3], $0x800, $0x38;
	[tilespmem:$0x18400] =	vst v63  }
0x8f: {  	p0 =	sne.s32 s1, $0x400;
	_ =	swait.ge [sflag:s13], $0x800  }
0x90: {  	[sflag:s13] =	ssyncset.done $0x0  }
0x91: {  	[sflag:s13] =	ssyncadd.s32 $0xFFFFF800  }
0x92: {  	[spmem:s2] =	stream.indirect.scatter.add.f32 [tilespmem:s12], [sflag:$0x1], $0x80, s3, s14, $0xb8;
	[tilespmem:$0x18400] =	vst v63  }
0x93: {  	_ =	swait.ge [sflag:s13], $0x4000  }
0x94: {  	[sflag:s13] =	ssyncset.done $0x0  }
0x95: {  	[sflag:s13] =	ssyncadd.s32 $0xFFFFC000  }
0x96: {  	[spmem:s2] =	stream.indirect.scatter.add.f32 [tilespmem:s12], [sflag:$0x1], $0x80, s14, s14, $0xb8;
	[tilespmem:$0x18400] =	vst v63  }
0x97: {  	_ =	swait.ge [sflag:s13], $0x4000  }
0x98: {  	[sflag:s13] =	ssyncset.done $0x0  }
0x99: {  	[sflag:s13] =	ssyncadd.s32 $0xFFFFC000  }
0x9a: {  	[spmem:s2] =	stream.indirect.scatter.add.f32 [tilespmem:s12], [sflag:$0x1], $0x80, s15, s14, $0xb8;
	[tilespmem:$0x18400] =	vst v63  }
0x9b: {  	_ =	swait.ge [sflag:s13], $0x4000  }
0x9c: {  	[sflag:s13] =	ssyncset.done $0x0  }
0x9d: {  	[sflag:s13] =	ssyncadd.s32 $0xFFFFC000  }
0x9e: {  	[spmem:s2] =	stream.indirect.scatter.add.f32 [tilespmem:s12], [sflag:$0x1], $0x80, s16, s14, $0xb8;
	[tilespmem:$0x18400] =	vst v63  }
0x9f: {  	_ =	swait.ge [sflag:s13], $0x4000  }
0xa0: {  	[sflag:s13] =	ssyncset.done $0x0  }
0xa1: {  	[sflag:s13] =	ssyncadd.s32 $0xFFFFC000  }
0xa2: {  	[spmem:s2] =	stream.indirect.scatter.add.f32 [tilespmem:s12], [sflag:$0x1], $0x80, s17, s14, $0xb8;
	[tilespmem:$0x18400] =	vst v63  }
0xa3: {  	_ =	swait.ge [sflag:s13], $0x4000  }
0xa4: {  	[sflag:s13] =	ssyncset.done $0x0  }
0xa5: {  	[sflag:s13] =	ssyncadd.s32 $0xFFFFC000  }
0xa6: {  	[spmem:s2] =	stream.indirect.scatter.add.f32 [tilespmem:s12], [sflag:$0x1], $0x80, s18, s14, $0xb8;
	[tilespmem:$0x18400] =	vst v63  }
0xa7: {  	_ =	swait.ge [sflag:s13], $0x4000  }
0xa8: {  	[sflag:s13] =	ssyncset.done $0x0  }
0xa9: {  	[sflag:s13] =	ssyncadd.s32 $0xFFFFC000  }
0xaa: {  	[spmem:s2] =	stream.indirect.scatter.add.f32 [tilespmem:s12], [sflag:$0x1], $0x80, s19, s14, $0xb8;
	[tilespmem:$0x18400] =	vst v63  }
0xab: {  	_ =	swait.ge [sflag:s13], $0x4000  }
0xac: {  	[sflag:s13] =	ssyncset.done $0x0  }
0xad: {  	[sflag:s13] =	ssyncadd.s32 $0xFFFFC000  }
0xae: {  	[spmem:s2] =	stream.indirect.scatter.add.f32 [tilespmem:s12], [sflag:$0x1], $0x80, s20, s14, $0xb8;
	[tilespmem:$0x18400] =	vst v63  }
0xaf: {  	_ =	swait.ge [sflag:s13], $0x4000  }
0xb0: {  	[sflag:s13] =	ssyncset.done $0x0  }
0xb1: {  	[sflag:s13] =	ssyncadd.s32 $0xFFFFC000  }
0xb2: {  	[spmem:s2] =	stream.indirect.scatter.add.f32 [tilespmem:s12], [sflag:$0x1], $0x80, s21, s14, $0xb8;
	[tilespmem:$0x18400] =	vst v63  }
0xb3: {  	_ =	swait.ge [sflag:s13], $0x4000  }
0xb4: {  	[sflag:s13] =	ssyncset.done $0x0  }
0xb5: {  	[sflag:s13] =	ssyncadd.s32 $0xFFFFC000  }
0xb6: {  	[spmem:s2] =	stream.indirect.scatter.add.f32 [tilespmem:s12], [sflag:$0x1], $0x80, s22, s14, $0xb8;
	[tilespmem:$0x18400] =	vst v63  }
0xb7: {  	_ =	swait.ge [sflag:s13], $0x4000  }
0xb8: {  	[sflag:s13] =	ssyncset.done $0x0  }
0xb9: {  	[sflag:s13] =	ssyncadd.s32 $0xFFFFC000  }
0xba: {  	[spmem:s2] =	stream.indirect.scatter.add.f32 [tilespmem:s12], [sflag:$0x1], $0x80, s23, s14, $0xb8;
	[tilespmem:$0x18400] =	vst v63  }
0xbb: {  	_ =	swait.ge [sflag:s13], $0x4000  }
0xbc: {  	[sflag:s13] =	ssyncset.done $0x0  }
0xbd: {  	[sflag:s13] =	ssyncadd.s32 $0xFFFFC000  }
0xbe: {  	[spmem:s2] =	stream.indirect.scatter.add.f32 [tilespmem:s12], [sflag:$0x1], $0x80, s24, s14, $0xb8;
	[tilespmem:$0x18400] =	vst v63  }
0xbf: {  	_ =	swait.ge [sflag:s13], $0x4000  }
0xc0: {  	[sflag:s13] =	ssyncset.done $0x0  }
0xc1: {  	[sflag:s13] =	ssyncadd.s32 $0xFFFFC000  }
0xc2: {  	[spmem:s2] =	stream.indirect.scatter.add.f32 [tilespmem:s12], [sflag:$0x1], $0x80, s25, s14, $0xb8;
	[tilespmem:$0x18400] =	vst v63  }
0xc3: {  	_ =	swait.ge [sflag:s13], $0x4000  }
0xc4: {  	[sflag:s13] =	ssyncset.done $0x0  }
0xc5: {  	[sflag:s13] =	ssyncadd.s32 $0xFFFFC000  }
0xc6: {  	[spmem:s2] =	stream.indirect.scatter.add.f32 [tilespmem:s12], [sflag:$0x1], $0x80, s26, s14, $0xb8;
	[tilespmem:$0x18400] =	vst v63  }
0xc7: {  	_ =	swait.ge [sflag:s13], $0x4000  }
0xc8: {  	[sflag:s13] =	ssyncset.done $0x0  }
0xc9: {  	[sflag:s13] =	ssyncadd.s32 $0xFFFFC000  }
0xca: {  	[spmem:s2] =	stream.indirect.scatter.add.f32 [tilespmem:s12], [sflag:$0x1], $0x80, s28, s14, $0xb8;
	[tilespmem:$0x18400] =	vst v63  }
0xcb: {  	_ =	swait.ge [sflag:s13], $0x4000  }
.Ltmp2:
0xcc: {  	[sflag:s13] =	ssyncset.done $0x0;
	(pc) =	sbr.rel @p0 .LBB2_6-.Ltmp2, $4  }
0xcd: {  	[sflag:s13] =	ssyncadd.s32 $0xFFFFC000  }
0xce: {  	[spmem:s2] =	stream.indirect.scatter.add.f32 [tilespmem:s12], [sflag:$0x1], $0x80, s29, s14, $0xb8;
	[tilespmem:$0x18400] =	vst v63  }
0xcf: {  	_ =	swait.ge [sflag:s13], $0x4000  }
0xd0: {  	s1 =	smov.u32 s0;
	[sflag:s13] =	ssyncset.done $0x0  }
0xd1: {  	s0 =	sadd.s32 s31, s11;
	[sflag:s13] =	ssyncadd.s32 $0xFFFFC000  }
0xd2: {  	[tilespmem:s3], [sflag:$0x1] =	stream.linear.gather [hbm4b:s0+s3], $0x800, $0x38;
	[tilespmem:$0x18400] =	vst v63  }
0xd3: {  	_ =	swait.ge [sflag:s13], $0x800  }
0xd4: {  	[sflag:s13] =	ssyncset.done $0x0  }
0xd5: {  	[sflag:s13] =	ssyncadd.s32 $0xFFFFF800  }
0xd6: {  	[spmem:s2] =	stream.indirect.scatter.add.f32 [tilespmem:s12], [sflag:$0x1], $0x80, s3, s14, $0xb8;
	[tilespmem:$0x18400] =	vst v63  }
0xd7: {  	_ =	swait.ge [sflag:s13], $0x4000  }
0xd8: {  	[sflag:s13] =	ssyncset.done $0x0  }
0xd9: {  	[sflag:s13] =	ssyncadd.s32 $0xFFFFC000  }
0xda: {  	[spmem:s2] =	stream.indirect.scatter.add.f32 [tilespmem:s12], [sflag:$0x1], $0x80, s14, s14, $0xb8;
	[tilespmem:$0x18400] =	vst v63  }
0xdb: {  	_ =	swait.ge [sflag:s13], $0x4000  }
0xdc: {  	[sflag:s13] =	ssyncset.done $0x0  }
0xdd: {  	[sflag:s13] =	ssyncadd.s32 $0xFFFFC000  }
0xde: {  	[spmem:s2] =	stream.indirect.scatter.add.f32 [tilespmem:s12], [sflag:$0x1], $0x80, s15, s14, $0xb8;
	[tilespmem:$0x18400] =	vst v63  }
0xdf: {  	_ =	swait.ge [sflag:s13], $0x4000  }
0xe0: {  	[sflag:s13] =	ssyncset.done $0x0  }
0xe1: {  	[sflag:s13] =	ssyncadd.s32 $0xFFFFC000  }
0xe2: {  	[spmem:s2] =	stream.indirect.scatter.add.f32 [tilespmem:s12], [sflag:$0x1], $0x80, s16, s14, $0xb8;
	[tilespmem:$0x18400] =	vst v63  }
0xe3: {  	_ =	swait.ge [sflag:s13], $0x4000  }
0xe4: {  	[sflag:s13] =	ssyncset.done $0x0  }
0xe5: {  	[sflag:s13] =	ssyncadd.s32 $0xFFFFC000  }
0xe6: {  	[spmem:s2] =	stream.indirect.scatter.add.f32 [tilespmem:s12], [sflag:$0x1], $0x80, s17, s14, $0xb8;
	[tilespmem:$0x18400] =	vst v63  }
0xe7: {  	_ =	swait.ge [sflag:s13], $0x4000  }
0xe8: {  	[sflag:s13] =	ssyncset.done $0x0  }
0xe9: {  	[sflag:s13] =	ssyncadd.s32 $0xFFFFC000  }
0xea: {  	[spmem:s2] =	stream.indirect.scatter.add.f32 [tilespmem:s12], [sflag:$0x1], $0x80, s18, s14, $0xb8;
	[tilespmem:$0x18400] =	vst v63  }
0xeb: {  	_ =	swait.ge [sflag:s13], $0x4000  }
0xec: {  	[sflag:s13] =	ssyncset.done $0x0  }
0xed: {  	[sflag:s13] =	ssyncadd.s32 $0xFFFFC000  }
0xee: {  	[spmem:s2] =	stream.indirect.scatter.add.f32 [tilespmem:s12], [sflag:$0x1], $0x80, s19, s14, $0xb8;
	[tilespmem:$0x18400] =	vst v63  }
0xef: {  	_ =	swait.ge [sflag:s13], $0x4000  }
0xf0: {  	[sflag:s13] =	ssyncset.done $0x0  }
0xf1: {  	[sflag:s13] =	ssyncadd.s32 $0xFFFFC000  }
0xf2: {  	[spmem:s2] =	stream.indirect.scatter.add.f32 [tilespmem:s12], [sflag:$0x1], $0x80, s20, s14, $0xb8;
	[tilespmem:$0x18400] =	vst v63  }
0xf3: {  	_ =	swait.ge [sflag:s13], $0x4000  }
0xf4: {  	[sflag:s13] =	ssyncset.done $0x0  }
0xf5: {  	[sflag:s13] =	ssyncadd.s32 $0xFFFFC000  }
0xf6: {  	[spmem:s2] =	stream.indirect.scatter.add.f32 [tilespmem:s12], [sflag:$0x1], $0x80, s21, s14, $0xb8;
	[tilespmem:$0x18400] =	vst v63  }
0xf7: {  	_ =	swait.ge [sflag:s13], $0x4000  }
0xf8: {  	[sflag:s13] =	ssyncset.done $0x0  }
0xf9: {  	[sflag:s13] =	ssyncadd.s32 $0xFFFFC000  }
0xfa: {  	[spmem:s2] =	stream.indirect.scatter.add.f32 [tilespmem:s12], [sflag:$0x1], $0x80, s22, s14, $0xb8;
	[tilespmem:$0x18400] =	vst v63  }
0xfb: {  	_ =	swait.ge [sflag:s13], $0x4000  }
0xfc: {  	[sflag:s13] =	ssyncset.done $0x0  }
0xfd: {  	[sflag:s13] =	ssyncadd.s32 $0xFFFFC000  }
0xfe: {  	[spmem:s2] =	stream.indirect.scatter.add.f32 [tilespmem:s12], [sflag:$0x1], $0x80, s23, s14, $0xb8;
	[tilespmem:$0x18400] =	vst v63  }
0xff: {  	_ =	swait.ge [sflag:s13], $0x4000  }
0x100: {  	[sflag:s13] =	ssyncset.done $0x0  }
0x101: {  	[sflag:s13] =	ssyncadd.s32 $0xFFFFC000  }
0x102: {  	[spmem:s2] =	stream.indirect.scatter.add.f32 [tilespmem:s12], [sflag:$0x1], $0x80, s24, s14, $0xb8;
	[tilespmem:$0x18400] =	vst v63  }
0x103: {  	_ =	swait.ge [sflag:s13], $0x4000  }
0x104: {  	[sflag:s13] =	ssyncset.done $0x0  }
0x105: {  	[sflag:s13] =	ssyncadd.s32 $0xFFFFC000  }
0x106: {  	[spmem:s2] =	stream.indirect.scatter.add.f32 [tilespmem:s12], [sflag:$0x1], $0x80, s25, s14, $0xb8;
	[tilespmem:$0x18400] =	vst v63  }
0x107: {  	_ =	swait.ge [sflag:s13], $0x4000  }
0x108: {  	[sflag:s13] =	ssyncset.done $0x0  }
0x109: {  	[sflag:s13] =	ssyncadd.s32 $0xFFFFC000  }
0x10a: {  	[spmem:s2] =	stream.indirect.scatter.add.f32 [tilespmem:s12], [sflag:$0x1], $0x80, s26, s14, $0xb8;
	[tilespmem:$0x18400] =	vst v63  }
0x10b: {  	_ =	swait.ge [sflag:s13], $0x4000  }
0x10c: {  	[sflag:s13] =	ssyncset.done $0x0  }
0x10d: {  	[sflag:s13] =	ssyncadd.s32 $0xFFFFC000  }
0x10e: {  	[spmem:s2] =	stream.indirect.scatter.add.f32 [tilespmem:s12], [sflag:$0x1], $0x80, s28, s14, $0xb8;
	[tilespmem:$0x18400] =	vst v63  }
0x10f: {  	_ =	swait.ge [sflag:s13], $0x4000  }
0x110: {  	[sflag:s13] =	ssyncset.done $0x0  }
0x111: {  	[sflag:s13] =	ssyncadd.s32 $0xFFFFC000  }
0x112: {  	[spmem:s2] =	stream.indirect.scatter.add.f32 [tilespmem:s12], [sflag:$0x1], $0x80, s29, s14, $0xb8;
	[tilespmem:$0x18400] =	vst v63  }
0x113: {  	s31 =	stileid.u32;
	_ =	swait.ge [sflag:s13], $0x4000  }
0x114: {  	s1 =	sshrl.u32 s4, $0x3;
	s30 =	sadd.s32 $0x1, s30;
	[sflag:s13] =	ssyncset.done $0x0  }
0x115: {  	s0 =	sshll.u32 s31, $0x6;
	p0 =	sne.s32 s30, s9;
	[sflag:s13] =	ssyncadd.s32 $0xFFFFC000  }
.Ltmp3:
0x116: {  	s0 =	sor.u32 $0x1C01, s0;
	[bflag:$0x0] =	sbarrier.arrive $0xFFFF;
	(pc) =	sbr.rel @p0 .LBB2_1-.Ltmp3, $4  }
0x117: {  	[hbm:s10], [sflag:s0] =	dma.local [spmem:s1], $0x2780  }
0x118: {  	_ =	swait.ge [sflag:s13], $0x2780  }
0x119: {  	[sflag:s13] =	ssyncset.done $0x0  }
0x11a: {  	[sflag:s13] =	ssyncadd.s32 $0xFFFFD880  }
0x11b: {  	_ =	sfence.sel $0x180000  }
0x11c: {  	[bflag:$0x0] =	sbarrier.arrive $0xFFFF  }
0x11d: {  	_ =	strace $0x90000047  }
0x11e: {  	s0 =	stileid.u32;
	[bflag:$0x2] =	sbarrier.arrive $0xFFFF  }
0x11f: {  	p0 =	sne.s32 s0, $0x0;
	s0 =	rddreg [dreg:$0x2]  }
0x120: {  	s0 =	sadd.s32 @!p0 $0x100000, s0  }
0x121: {  	[sflag:s0] =	ssyncadd.tile.s32 @!p0 $0x1;
	_ =	shalt  }
.Lfunc_end2:
_tile_overlayer_lowered:
.L_overlay_start_2:
0x122: {  	(tag) =	ssettag $0x2  }
0x123: {  	s0 =	rddreg [dreg:$0x0];
	s2 =	stileid.u32  }
0x124: {  	s1 =	rddreg [dreg:$0x1];
	p0 =	sne.s32 s2, $0x0  }
0x125: {  	s3 =	rddreg [dreg:$0x2];
	[bflag:$0x3] =	sbarrier.arrive $0xFFFF;
	s2 =	simm.s32 @!p0 $0x1C01  }
0x126: {  	[timem:s3], [sflag:s2] =	dma.local @!p0 [hbm:s0], s1  }
0x127: {  	s0 =	simm.s32 @!p0 $0x1  }
0x128: {  	_ =	swait.ge @!p0 [sflag:s0], s1  }
0x129: {  	s1 =	ssub.s32 @!p0 $0x0, s1;
	[sflag:s0] =	ssyncset.done @!p0 $0x0  }
0x12a: {  	[sflag:s0] =	ssyncadd.s32 @!p0 s1  }
0x12b: {  	[bflag:$0x3] =	sbarrier.arrive $0xFFFF  }
0x12c: {  	_ =	shalt  }

</sc_bundles>
